<compile_context>
chip_gen: v7x
topology: tpu7x:2x2x1
jax: 0.10.2.dev20260603
libtpu: 0.0.44.dev20260713+nightly
codegen_flags: <defaults>
</compile_context>

<pallas_src>
import functools

import jax
import jax.numpy as jnp
from jax import lax
from jax.experimental import pallas as pl
from jax.experimental.pallas import tpu as pltpu
from jax.experimental.pallas import tpu_sc as plsc

NC = 2
NS = 16
C = 128
NB = 16
NR = 2



def _mm1_body(x_ref, w_ref, lo_ref, hi_ref):
    m = jnp.dot(x_ref[...], w_ref[...], preferred_element_type=jnp.float32)
    h = m.shape[1] // 2
    lo_ref[...] = m[:, :h]
    hi_ref[...] = m[:, h:]


def _mm1(x, W1):
    N, K = x.shape
    H = W1.shape[1]
    BM = 1000
    return pl.pallas_call(
        _mm1_body,
        grid=(N // BM,),
        in_specs=[
            pl.BlockSpec((BM, K), lambda i: (i, 0)),
            pl.BlockSpec((K, H), lambda i: (0, 0)),
        ],
        out_specs=[
            pl.BlockSpec((BM, H // 2), lambda i: (i, 0)),
            pl.BlockSpec((BM, H // 2), lambda i: (i, 0)),
        ],
        out_shape=[jax.ShapeDtypeStruct((N, H // 2), jnp.float32)] * 2,
    )(x, W1)


def _mm2_body(alo_ref, ahi_ref, w_ref, b_ref, o_ref):
    K = w_ref.shape[0]
    h = K // 2
    a0 = alo_ref[...] + b_ref[:, :h]
    a1 = ahi_ref[...] + b_ref[:, h:]
    m = jnp.dot(a0, w_ref[:h, :], preferred_element_type=jnp.float32)
    o_ref[...] = m + jnp.dot(a1, w_ref[h:, :],
                             preferred_element_type=jnp.float32)


def _mm2(a_lo, a_hi, W2, b1_row):
    N, h = a_lo.shape
    K, OUT = W2.shape
    BM = 1000
    return pl.pallas_call(
        _mm2_body,
        grid=(N // BM,),
        in_specs=[
            pl.BlockSpec((BM, h), lambda i: (i, 0)),
            pl.BlockSpec((BM, h), lambda i: (i, 0)),
            pl.BlockSpec((K, OUT), lambda i: (0, 0)),
            pl.BlockSpec((1, K), lambda i: (0, 0)),
        ],
        out_specs=pl.BlockSpec((BM, OUT), lambda i: (i, 0)),
        out_shape=jax.ShapeDtypeStruct((N, OUT), jnp.float32),
    )(a_lo, a_hi, W2, b1_row)


def _softmax_body(p0_ref, p1_ref, b_ref, o_ref):
    z = p0_ref[...] + p1_ref[...] + b_ref[...]
    z = z - jnp.max(z, axis=1, keepdims=True)
    e = jnp.exp(z)
    o_ref[...] = e / jnp.sum(e, axis=1, keepdims=True)


def _softmax(p0, p1, b2_row):
    N, OUT = p0.shape
    BM = 1000
    return pl.pallas_call(
        _softmax_body,
        grid=(N // BM,),
        in_specs=[
            pl.BlockSpec((BM, OUT), lambda i: (i, 0)),
            pl.BlockSpec((BM, OUT), lambda i: (i, 0)),
            pl.BlockSpec((1, OUT), lambda i: (0, 0)),
        ],
        out_specs=pl.BlockSpec((BM, OUT), lambda i: (i, 0)),
        out_shape=jax.ShapeDtypeStruct((N, OUT), jnp.float32),
    )(p0, p1, b2_row)



def _acc_rows(N):
    return ((N + C + NS * 8 - 1) // (NS * 8)) * (NS * 8)


def _pipelined_chunks(m_hbm, acc, src2, dst2, row_base,
                      sidxs, didxs, rows, gsems, ssems, CH):
    def batch(bi, carry):
        boff = pl.multiple_of(row_base + bi * NB, 8)
        pltpu.sync_copy(src2.at[pl.ds(boff, NB)], sidxs)
        pltpu.sync_copy(dst2.at[pl.ds(boff, NB)], didxs)
        for j in range(min(NR - 1, NB)):
            pltpu.async_copy(m_hbm.at[sidxs.at[j]], rows[j % NR],
                             gsems[j % NR])
        for j in range(NB):
            b = j % NR
            bp = (j - 1) % NR
            pltpu.make_async_copy(m_hbm.at[sidxs.at[0]], rows[b],
                                  gsems[b]).wait()
            if j >= 1:
                pltpu.make_async_copy(rows[bp], acc.at[didxs.at[0]],
                                      ssems[bp]).wait()
            if j + NR - 1 < NB:
                pltpu.async_copy(m_hbm.at[sidxs.at[j + NR - 1]], rows[bp],
                                 gsems[bp])
            pltpu.async_copy(rows[b], acc.at[didxs.at[j]], ssems[b],
                             add=True)
        pltpu.make_async_copy(rows[(NB - 1) % NR], acc.at[didxs.at[0]],
                              ssems[(NB - 1) % NR]).wait()
        return carry

    lax.fori_loop(0, CH // NB, batch, 0)


def _scatter_scratch(npad, W):
    return ([pltpu.VMEM((NB, C), jnp.int32),
             pltpu.VMEM((NB, C), jnp.int32)]
            + [pltpu.VMEM((C, W), jnp.float32) for _ in range(NR)]
            + [pltpu.VMEM_SHARED((npad, W), jnp.float32)]
            + [pltpu.SemaphoreType.DMA] * (2 * NR))


def _make_scatter_csplit(N, W, E_pad):
    CH = E_pad // (NS * C)
    assert CH % NB == 0
    npad = _acc_rows(N)
    zrows = npad // NS
    wlast = N - (NS - 1) * zrows
    assert 0 < wlast <= zrows and wlast % 8 == 0
    mesh = plsc.VectorSubcoreMesh(core_axis_name="c", subcore_axis_name="s")

    @functools.partial(
        pl.kernel,
        out_type=[jax.ShapeDtypeStruct((N, W), jnp.float32)] * 2,
        mesh=mesh,
        scratch_types=_scatter_scratch(npad, W),
    )
    def scat(mlo, mhi, src2, dst2, zz, olo, ohi,
             sidxs, didxs, r0, r1, acc, g0, g1, s0, s1):
        cid = lax.axis_index("c")
        t = lax.axis_index("s")
        soff = pl.multiple_of(t * zrows, 8)

        pltpu.sync_copy(zz.at[pl.ds(soff, zrows)], acc.at[pl.ds(soff, zrows)])
        plsc.subcore_barrier()

        def run(m_hbm, out_hbm):
            _pipelined_chunks(m_hbm, acc, src2, dst2, t * CH, sidxs, didxs,
                              [r0, r1], [g0, g1], [s0, s1], CH)
            plsc.subcore_barrier()

            @pl.when(t < NS - 1)
            def _():
                pltpu.sync_copy(acc.at[pl.ds(soff, zrows)],
                                out_hbm.at[pl.ds(soff, zrows)])

            @pl.when(t == NS - 1)
            def _():
                loff = pl.multiple_of((NS - 1) * zrows, 8)
                pltpu.sync_copy(acc.at[pl.ds(loff, wlast)],
                                out_hbm.at[pl.ds(loff, wlast)])

        @pl.when(cid == 0)
        def _():
            run(mlo, olo)

        @pl.when(cid != 0)
        def _():
            run(mhi, ohi)

    return scat


def _make_scatter_esplit(N, W, E_pad):
    CH = E_pad // (NC * NS * C)
    assert CH % NB == 0
    npad = _acc_rows(N)
    zrows = npad // NS
    wlast = N - (NS - 1) * zrows
    assert 0 < wlast <= zrows and wlast % 8 == 0
    mesh = plsc.VectorSubcoreMesh(core_axis_name="c", subcore_axis_name="s")

    @functools.partial(
        pl.kernel,
        out_type=[jax.ShapeDtypeStruct((N, W), jnp.float32)] * 2,
        mesh=mesh,
        scratch_types=_scatter_scratch(npad, W),
    )
    def scat(m, src2, dst2, zz, o0, o1,
             sidxs, didxs, r0, r1, acc, g0, g1, s0, s1):
        cid = lax.axis_index("c")
        t = lax.axis_index("s")
        soff = pl.multiple_of(t * zrows, 8)

        pltpu.sync_copy(zz.at[pl.ds(soff, zrows)], acc.at[pl.ds(soff, zrows)])
        plsc.subcore_barrier()

        _pipelined_chunks(m, acc, src2, dst2, (cid * NS + t) * CH,
                          sidxs, didxs, [r0, r1], [g0, g1], [s0, s1], CH)
        plsc.subcore_barrier()

        @pl.when(t < NS - 1)
        def _():
            @pl.when(cid == 0)
            def _():
                pltpu.sync_copy(acc.at[pl.ds(soff, zrows)],
                                o0.at[pl.ds(soff, zrows)])

            @pl.when(cid != 0)
            def _():
                pltpu.sync_copy(acc.at[pl.ds(soff, zrows)],
                                o1.at[pl.ds(soff, zrows)])

        @pl.when(t == NS - 1)
        def _():
            loff = pl.multiple_of((NS - 1) * zrows, 8)

            @pl.when(cid == 0)
            def _():
                pltpu.sync_copy(acc.at[pl.ds(loff, wlast)],
                                o0.at[pl.ds(loff, wlast)])

            @pl.when(cid != 0)
            def _():
                pltpu.sync_copy(acc.at[pl.ds(loff, wlast)],
                                o1.at[pl.ds(loff, wlast)])

    return scat



def kernel(x, edge_index, W1, b1, W2, b2):
    N, IN = x.shape
    H = W1.shape[1]
    OUT = W2.shape[1]
    E = edge_index.shape[1]

    src = edge_index[0].astype(jnp.int32)
    dst = edge_index[1].astype(jnp.int32)

    quantum = NC * NS * C * NB
    E_pad = -(-E // quantum) * quantum
    pad = E_pad - E
    npad = _acc_rows(N)
    ar = jnp.arange(pad, dtype=jnp.int32)
    src_p = jnp.concatenate([src, ar % N]).reshape(-1, C)
    dst_p = jnp.concatenate([dst, N + ar % C]).reshape(-1, C)

    z1 = jnp.zeros((npad, H // 2), jnp.float32)
    z2 = jnp.zeros((npad, OUT), jnp.float32)

    m1lo, m1hi = _mm1(x, W1)
    a1lo, a1hi = _make_scatter_csplit(N, H // 2, E_pad)(
        m1lo, m1hi, src_p, dst_p, z1)
    m2 = _mm2(a1lo, a1hi, W2, b1.reshape(1, -1))
    p0, p1 = _make_scatter_esplit(N, OUT, E_pad)(m2, src_p, dst_p, z2)
    return _softmax(p0, p1, b2.reshape(1, -1))

# --- scband reference (transcript-rebuilt; emitter-appended) ---
"""Pipeline reference for scband-my-convolution-7541962571877 (READ-ONLY COPY).

The authoritative reference and input builder live on the scoring server;
editing this copy changes nothing except your own understanding.
"""

import jax, jax.numpy as jnp
import numpy as np

N_NODES = 10000
N_EDGES = 320000
IN_SIZE = 128
HIDDEN_SIZE = 256
OUT_SIZE = 128


def setup_inputs(seed: int = 0) -> dict:
    key = jax.random.key(seed)
    k_x, k_e, k_w1, k_b1, k_w2, k_b2 = jax.random.split(key, 6)
    x = jax.random.normal(k_x, (N_NODES, IN_SIZE), dtype=jnp.float32)
    edge_index = jax.random.randint(k_e, (2, N_EDGES), 0, N_NODES, dtype=jnp.int64)
    # GraphConv weights (glorot-like init) and biases, per etype (single 'chunk->chunk' etype here)
    W1 = jax.random.normal(k_w1, (IN_SIZE, HIDDEN_SIZE), dtype=jnp.float32) * (1.0 / np.sqrt(IN_SIZE))
    b1 = jnp.zeros((HIDDEN_SIZE,), dtype=jnp.float32)
    W2 = jax.random.normal(k_w2, (HIDDEN_SIZE, OUT_SIZE), dtype=jnp.float32) * (1.0 / np.sqrt(HIDDEN_SIZE))
    b2 = jnp.zeros((OUT_SIZE,), dtype=jnp.float32)
    return {"x": x, "edge_index": edge_index, "W1": W1, "b1": b1, "W2": W2, "b2": b2}


def _graph_conv_none(h, src, dst, n_nodes, W, b):
    # DGL GraphConv with norm='none', weight=True, bias=True:
    # out[dst] = sum_{src in N_in(dst)} (h[src] @ W) + b
    m = h @ W
    agg = jax.ops.segment_sum(m[src], dst, num_segments=n_nodes)
    return agg + b


def reference(x, edge_index, W1, b1, W2, b2):
    src = edge_index[0]
    dst = edge_index[1]
    n_nodes = x.shape[0]
    # layer1: HeteroGraphConv(mean) over a single etype == GraphConv result
    h = _graph_conv_none(x, src, dst, n_nodes, W1, b1)
    # layer2
    h2 = _graph_conv_none(h, src, dst, n_nodes, W2, b2)
    # F.softmax with implicit dim -> dim=1 for 2D input
    return jax.nn.softmax(h2, axis=-1)

if __name__ == "__main__":
    import jax
    _d = setup_inputs()
    print(jax.jit(kernel)(*tuple(_d.values())))

</pallas_src>

<mosaic_0001>
#map = affine_map<(d0, d1) -> (0, 0)>
module attributes {stable_mosaic.version = 14 : i64} {
  func.func @scat(%arg0: i32, %arg1: i32, %arg2: memref<10000x128xf32, #tpu.memory_space<hbm>>, %arg3: memref<10000x128xf32, #tpu.memory_space<hbm>>, %arg4: memref<2560x128xi32, #tpu.memory_space<hbm>>, %arg5: memref<2560x128xi32, #tpu.memory_space<hbm>>, %arg6: memref<10240x128xf32, #tpu.memory_space<hbm>>, %arg7: memref<10000x128xf32, #tpu.memory_space<hbm>>, %arg8: memref<10000x128xf32, #tpu.memory_space<hbm>>, %arg9: memref<16x128xi32, #tpu.memory_space<vmem>>, %arg10: memref<16x128xi32, #tpu.memory_space<vmem>>, %arg11: memref<128x128xf32, #tpu.memory_space<vmem>>, %arg12: memref<128x128xf32, #tpu.memory_space<vmem>>, %arg13: memref<10240x128xf32, #tpu.memory_space<vmem_shared>>, %arg14: memref<!tpu.dma_semaphore, #tpu.memory_space<semaphore_mem>>, %arg15: memref<!tpu.dma_semaphore, #tpu.memory_space<semaphore_mem>>, %arg16: memref<!tpu.dma_semaphore, #tpu.memory_space<semaphore_mem>>, %arg17: memref<!tpu.dma_semaphore, #tpu.memory_space<semaphore_mem>>) attributes {dimension_semantics = [#tpu.dimension_semantics<core_parallel>, #tpu.dimension_semantics<subcore_parallel>], iteration_bounds = array<i64: 2, 16>, scalar_prefetch = 0 : i64, scratch_operands = 9 : i64, tpu.core_type = #tpu.core_type<sc_vector_subcore>, window_params = [{transform_indices = #map}, {transform_indices = #map}, {transform_indices = #map}, {transform_indices = #map}, {transform_indices = #map}, {transform_indices = #map}, {transform_indices = #map}]} {
    %mul3A = arith.constant 640 : i32
    %mul3A_0 = arith.muli %arg1, %mul3A : i32
    %multiple_of3A = tpu.assume_multiple %mul3A_0, 8 : i32
    "tpu.region"() ({
      %run_scoped3A = tpu.sem_alloc : memref<!tpu.dma_semaphore, #tpu.memory_space<semaphore_mem>>
      %dma_start3A = arith.constant 0 : i32
      %dma_start3A_7 = tpu.memref_slice %arg13[%multiple_of3A, %dma_start3A] : memref<10240x128xf32, #tpu.memory_space<vmem_shared>> -> memref<640x128xf32, #tpu.memory_space<vmem_shared>>
      %dma_start3A_8 = arith.constant 0 : i32
      %dma_start3A_9 = tpu.memref_slice %arg6[%multiple_of3A, %dma_start3A_8] : memref<10240x128xf32, #tpu.memory_space<hbm>> -> memref<640x128xf32, #tpu.memory_space<hbm>>
      tpu.enqueue_dma source(%dma_start3A_9 : memref<640x128xf32, #tpu.memory_space<hbm>>) target(%dma_start3A_7 : memref<640x128xf32, #tpu.memory_space<vmem_shared>>) target_semaphore(%run_scoped3A : memref<!tpu.dma_semaphore, #tpu.memory_space<semaphore_mem>>)
      %dma_wait3A = arith.constant 0 : i32
      %dma_wait3A_10 = tpu.memref_slice %arg13[%multiple_of3A, %dma_wait3A] : memref<10240x128xf32, #tpu.memory_space<vmem_shared>> -> memref<640x128xf32, #tpu.memory_space<vmem_shared>>
      %dma_wait3A_11 = arith.constant 0 : i32
      %dma_wait3A_12 = tpu.memref_slice %arg6[%multiple_of3A, %dma_wait3A_11] : memref<10240x128xf32, #tpu.memory_space<hbm>> -> memref<640x128xf32, #tpu.memory_space<hbm>>
      tpu.wait_dma2 semaphore(%run_scoped3A : memref<!tpu.dma_semaphore, #tpu.memory_space<semaphore_mem>>) src(%dma_wait3A_12 : memref<640x128xf32, #tpu.memory_space<hbm>>) dst(%dma_wait3A_10 : memref<640x128xf32, #tpu.memory_space<vmem_shared>>)
      tpu.yield
    }) : () -> ()
    %barrier3A = arith.constant 0 : index
    tpu.barrier barrier_id(%barrier3A)
    %eq3A = arith.constant 0 : i32
    %eq3A_1 = arith.cmpi eq, %arg0, %eq3A : i32
    %convert_element_type3A = arith.extui %eq3A_1 : i1 to i32
    %cond3A = arith.constant 0 : i32
    %cond3A_2 = arith.cmpi ne, %convert_element_type3A, %cond3A : i32
    scf.if %cond3A_2 {
      %mul3A_7 = arith.constant 160 : i32
      %mul3A_8 = arith.muli %arg1, %mul3A_7 : i32
      %scan3A = arith.constant 0 : i32
      %scan3A_9 = arith.constant 0 : i32
      %scan3A_10 = arith.constant 10 : i32
      %scan3A_11 = arith.addi %scan3A_9, %scan3A_10 : i32
      %scan3A_12 = arith.constant 1 : i32
      scf.for %scan3A_24 = %scan3A_9 to %scan3A_11 step %scan3A_12  : i32 {
        %mul3A_25 = arith.constant 16 : i32
        %mul3A_26 = arith.muli %scan3A_24, %mul3A_25 : i32
        %add3A = arith.addi %mul3A_8, %mul3A_26 : i32
        %multiple_of3A_27 = tpu.assume_multiple %add3A, 8 : i32
        "tpu.region"() ({
          %run_scoped3A = tpu.sem_alloc : memref<!tpu.dma_semaphore, #tpu.memory_space<semaphore_mem>>
          %dma_start3A_474 = arith.constant 0 : i32
          %dma_start3A_475 = tpu.memref_slice %arg4[%multiple_of3A_27, %dma_start3A_474] : memref<2560x128xi32, #tpu.memory_space<hbm>> -> memref<16x128xi32, #tpu.memory_space<hbm>>
          %dma_start3A_476 = arith.constant 0 : i32
          %dma_start3A_477 = tpu.memref_slice %arg4[%multiple_of3A_27, %dma_start3A_476] : memref<2560x128xi32, #tpu.memory_space<hbm>> -> memref<16x128xi32, #tpu.memory_space<hbm>>
          tpu.enqueue_dma source(%dma_start3A_477 : memref<16x128xi32, #tpu.memory_space<hbm>>) target(%arg9 : memref<16x128xi32, #tpu.memory_space<vmem>>) target_semaphore(%run_scoped3A : memref<!tpu.dma_semaphore, #tpu.memory_space<semaphore_mem>>)
          %dma_wait3A_478 = arith.constant 0 : i32
          %dma_wait3A_479 = tpu.memref_slice %arg4[%multiple_of3A_27, %dma_wait3A_478] : memref<2560x128xi32, #tpu.memory_space<hbm>> -> memref<16x128xi32, #tpu.memory_space<hbm>>
          %dma_wait3A_480 = arith.constant 0 : i32
          %dma_wait3A_481 = tpu.memref_slice %arg4[%multiple_of3A_27, %dma_wait3A_480] : memref<2560x128xi32, #tpu.memory_space<hbm>> -> memref<16x128xi32, #tpu.memory_space<hbm>>
          tpu.wait_dma2 semaphore(%run_scoped3A : memref<!tpu.dma_semaphore, #tpu.memory_space<semaphore_mem>>) src(%dma_wait3A_481 : memref<16x128xi32, #tpu.memory_space<hbm>>) dst(%arg9 : memref<16x128xi32, #tpu.memory_space<vmem>>)
          tpu.yield
        }) : () -> ()
        "tpu.region"() ({
          %run_scoped3A = tpu.sem_alloc : memref<!tpu.dma_semaphore, #tpu.memory_space<semaphore_mem>>
          %dma_start3A_474 = arith.constant 0 : i32
          %dma_start3A_475 = tpu.memref_slice %arg5[%multiple_of3A_27, %dma_start3A_474] : memref<2560x128xi32, #tpu.memory_space<hbm>> -> memref<16x128xi32, #tpu.memory_space<hbm>>
          %dma_start3A_476 = arith.constant 0 : i32
          %dma_start3A_477 = tpu.memref_slice %arg5[%multiple_of3A_27, %dma_start3A_476] : memref<2560x128xi32, #tpu.memory_space<hbm>> -> memref<16x128xi32, #tpu.memory_space<hbm>>
          tpu.enqueue_dma source(%dma_start3A_477 : memref<16x128xi32, #tpu.memory_space<hbm>>) target(%arg10 : memref<16x128xi32, #tpu.memory_space<vmem>>) target_semaphore(%run_scoped3A : memref<!tpu.dma_semaphore, #tpu.memory_space<semaphore_mem>>)
          %dma_wait3A_478 = arith.constant 0 : i32
          %dma_wait3A_479 = tpu.memref_slice %arg5[%multiple_of3A_27, %dma_wait3A_478] : memref<2560x128xi32, #tpu.memory_space<hbm>> -> memref<16x128xi32, #tpu.memory_space<hbm>>
          %dma_wait3A_480 = arith.constant 0 : i32
          %dma_wait3A_481 = tpu.memref_slice %arg5[%multiple_of3A_27, %dma_wait3A_480] : memref<2560x128xi32, #tpu.memory_space<hbm>> -> memref<16x128xi32, #tpu.memory_space<hbm>>
          tpu.wait_dma2 semaphore(%run_scoped3A : memref<!tpu.dma_semaphore, #tpu.memory_space<semaphore_mem>>) src(%dma_wait3A_481 : memref<16x128xi32, #tpu.memory_space<hbm>>) dst(%arg10 : memref<16x128xi32, #tpu.memory_space<vmem>>)
          tpu.yield
        }) : () -> ()
        %dma_start3A = arith.constant 0 : i32
        %dma_start3A_28 = arith.constant 0 : i32
        %dma_start3A_29 = tpu.memref_slice %arg9[%dma_start3A, %dma_start3A_28] : memref<16x128xi32, #tpu.memory_space<vmem>> -> memref<1x128xi32, #tpu.memory_space<vmem>>
        %dma_start3A_30 = tpu.memref_squeeze %dma_start3A_29 : memref<1x128xi32, #tpu.memory_space<vmem>> -> memref<128xi32, #tpu.memory_space<vmem>>
        %dma_start3A_31 = arith.constant 0 : i32
        %dma_start3A_32 = arith.constant 0 : i32
        %dma_start3A_33 = tpu.memref_slice %arg2[%dma_start3A_31, %dma_start3A_32] : memref<10000x128xf32, #tpu.memory_space<hbm>> -> memref<10000x128xf32, #tpu.memory_space<hbm>>
        tpu.enqueue_indirect_dma source(%dma_start3A_33 : memref<10000x128xf32, #tpu.memory_space<hbm>>) target(%arg11 : memref<128x128xf32, #tpu.memory_space<vmem>>) offsets(%dma_start3A_30 : memref<128xi32, #tpu.memory_space<vmem>>) semaphore(%arg14 : memref<!tpu.dma_semaphore, #tpu.memory_space<semaphore_mem>>)
        %dma_wait3A = arith.constant 0 : i32
        %dma_wait3A_34 = arith.constant 0 : i32
        %dma_wait3A_35 = tpu.memref_slice %arg9[%dma_wait3A, %dma_wait3A_34] : memref<16x128xi32, #tpu.memory_space<vmem>> -> memref<1x128xi32, #tpu.memory_space<vmem>>
        %dma_wait3A_36 = tpu.memref_squeeze %dma_wait3A_35 : memref<1x128xi32, #tpu.memory_space<vmem>> -> memref<128xi32, #tpu.memory_space<vmem>>
        %dma_wait3A_37 = arith.constant 0 : i32
        %dma_wait3A_38 = arith.constant 0 : i32
        %dma_wait3A_39 = tpu.memref_slice %arg2[%dma_wait3A_37, %dma_wait3A_38] : memref<10000x128xf32, #tpu.memory_space<hbm>> -> memref<10000x128xf32, #tpu.memory_space<hbm>>
        tpu.wait_indirect_dma semaphore(%arg14 : memref<!tpu.dma_semaphore, #tpu.memory_space<semaphore_mem>>) src(%dma_wait3A_39 : memref<10000x128xf32, #tpu.memory_space<hbm>>) dst(%arg11 : memref<128x128xf32, #tpu.memory_space<vmem>>)
        %dma_start3A_40 = arith.constant 1 : i32
        %dma_start3A_41 = arith.constant 0 : i32
        %dma_start3A_42 = tpu.memref_slice %arg9[%dma_start3A_40, %dma_start3A_41] : memref<16x128xi32, #tpu.memory_space<vmem>> -> memref<1x128xi32, #tpu.memory_space<vmem>>
        %dma_start3A_43 = tpu.memref_squeeze %dma_start3A_42 : memref<1x128xi32, #tpu.memory_space<vmem>> -> memref<128xi32, #tpu.memory_space<vmem>>
        %dma_start3A_44 = arith.constant 0 : i32
        %dma_start3A_45 = arith.constant 0 : i32
        %dma_start3A_46 = tpu.memref_slice %arg2[%dma_start3A_44, %dma_start3A_45] : memref<10000x128xf32, #tpu.memory_space<hbm>> -> memref<10000x128xf32, #tpu.memory_space<hbm>>
        tpu.enqueue_indirect_dma source(%dma_start3A_46 : memref<10000x128xf32, #tpu.memory_space<hbm>>) target(%arg12 : memref<128x128xf32, #tpu.memory_space<vmem>>) offsets(%dma_start3A_43 : memref<128xi32, #tpu.memory_space<vmem>>) semaphore(%arg15 : memref<!tpu.dma_semaphore, #tpu.memory_space<semaphore_mem>>)
        %dma_start3A_47 = arith.constant 0 : i32
        %dma_start3A_48 = arith.constant 0 : i32
        %dma_start3A_49 = tpu.memref_slice %arg10[%dma_start3A_47, %dma_start3A_48] : memref<16x128xi32, #tpu.memory_space<vmem>> -> memref<1x128xi32, #tpu.memory_space<vmem>>
        %dma_start3A_50 = tpu.memref_squeeze %dma_start3A_49 : memref<1x128xi32, #tpu.memory_space<vmem>> -> memref<128xi32, #tpu.memory_space<vmem>>
        %dma_start3A_51 = arith.constant 0 : i32
        %dma_start3A_52 = arith.constant 0 : i32
        %dma_start3A_53 = tpu.memref_slice %arg13[%dma_start3A_51, %dma_start3A_52] : memref<10240x128xf32, #tpu.memory_space<vmem_shared>> -> memref<10240x128xf32, #tpu.memory_space<vmem_shared>>
        tpu.enqueue_indirect_dma source(%arg11 : memref<128x128xf32, #tpu.memory_space<vmem>>) target(%dma_start3A_53 : memref<10240x128xf32, #tpu.memory_space<vmem_shared>>) offsets(%dma_start3A_50 : memref<128xi32, #tpu.memory_space<vmem>>) semaphore(%arg16 : memref<!tpu.dma_semaphore, #tpu.memory_space<semaphore_mem>>) {add = true}
        %dma_wait3A_54 = arith.constant 0 : i32
        %dma_wait3A_55 = arith.constant 0 : i32
        %dma_wait3A_56 = tpu.memref_slice %arg9[%dma_wait3A_54, %dma_wait3A_55] : memref<16x128xi32, #tpu.memory_space<vmem>> -> memref<1x128xi32, #tpu.memory_space<vmem>>
        %dma_wait3A_57 = tpu.memref_squeeze %dma_wait3A_56 : memref<1x128xi32, #tpu.memory_space<vmem>> -> memref<128xi32, #tpu.memory_space<vmem>>
        %dma_wait3A_58 = arith.constant 0 : i32
        %dma_wait3A_59 = arith.constant 0 : i32
        %dma_wait3A_60 = tpu.memref_slice %arg2[%dma_wait3A_58, %dma_wait3A_59] : memref<10000x128xf32, #tpu.memory_space<hbm>> -> memref<10000x128xf32, #tpu.memory_space<hbm>>
        tpu.wait_indirect_dma semaphore(%arg15 : memref<!tpu.dma_semaphore, #tpu.memory_space<semaphore_mem>>) src(%dma_wait3A_60 : memref<10000x128xf32, #tpu.memory_space<hbm>>) dst(%arg12 : memref<128x128xf32, #tpu.memory_space<vmem>>)
        %dma_wait3A_61 = arith.constant 0 : i32
        %dma_wait3A_62 = arith.constant 0 : i32
        %dma_wait3A_63 = tpu.memref_slice %arg10[%dma_wait3A_61, %dma_wait3A_62] : memref<16x128xi32, #tpu.memory_space<vmem>> -> memref<1x128xi32, #tpu.memory_space<vmem>>
        %dma_wait3A_64 = tpu.memref_squeeze %dma_wait3A_63 : memref<1x128xi32, #tpu.memory_space<vmem>> -> memref<128xi32, #tpu.memory_space<vmem>>
        %dma_wait3A_65 = arith.constant 0 : i32
        %dma_wait3A_66 = arith.constant 0 : i32
        %dma_wait3A_67 = tpu.memref_slice %arg13[%dma_wait3A_65, %dma_wait3A_66] : memref<10240x128xf32, #tpu.memory_space<vmem_shared>> -> memref<10240x128xf32, #tpu.memory_space<vmem_shared>>
        tpu.wait_indirect_dma semaphore(%arg16 : memref<!tpu.dma_semaphore, #tpu.memory_space<semaphore_mem>>) src(%arg11 : memref<128x128xf32, #tpu.memory_space<vmem>>) dst(%dma_wait3A_67 : memref<10240x128xf32, #tpu.memory_space<vmem_shared>>)
        %dma_start3A_68 = arith.constant 2 : i32
        %dma_start3A_69 = arith.constant 0 : i32
        %dma_start3A_70 = tpu.memref_slice %arg9[%dma_start3A_68, %dma_start3A_69] : memref<16x128xi32, #tpu.memory_space<vmem>> -> memref<1x128xi32, #tpu.memory_space<vmem>>
        %dma_start3A_71 = tpu.memref_squeeze %dma_start3A_70 : memref<1x128xi32, #tpu.memory_space<vmem>> -> memref<128xi32, #tpu.memory_space<vmem>>
        %dma_start3A_72 = arith.constant 0 : i32
        %dma_start3A_73 = arith.constant 0 : i32
        %dma_start3A_74 = tpu.memref_slice %arg2[%dma_start3A_72, %dma_start3A_73] : memref<10000x128xf32, #tpu.memory_space<hbm>> -> memref<10000x128xf32, #tpu.memory_space<hbm>>
        tpu.enqueue_indirect_dma source(%dma_start3A_74 : memref<10000x128xf32, #tpu.memory_space<hbm>>) target(%arg11 : memref<128x128xf32, #tpu.memory_space<vmem>>) offsets(%dma_start3A_71 : memref<128xi32, #tpu.memory_space<vmem>>) semaphore(%arg14 : memref<!tpu.dma_semaphore, #tpu.memory_space<semaphore_mem>>)
        %dma_start3A_75 = arith.constant 1 : i32
        %dma_start3A_76 = arith.constant 0 : i32
        %dma_start3A_77 = tpu.memref_slice %arg10[%dma_start3A_75, %dma_start3A_76] : memref<16x128xi32, #tpu.memory_space<vmem>> -> memref<1x128xi32, #tpu.memory_space<vmem>>
        %dma_start3A_78 = tpu.memref_squeeze %dma_start3A_77 : memref<1x128xi32, #tpu.memory_space<vmem>> -> memref<128xi32, #tpu.memory_space<vmem>>
        %dma_start3A_79 = arith.constant 0 : i32
        %dma_start3A_80 = arith.constant 0 : i32
        %dma_start3A_81 = tpu.memref_slice %arg13[%dma_start3A_79, %dma_start3A_80] : memref<10240x128xf32, #tpu.memory_space<vmem_shared>> -> memref<10240x128xf32, #tpu.memory_space<vmem_shared>>
        tpu.enqueue_indirect_dma source(%arg12 : memref<128x128xf32, #tpu.memory_space<vmem>>) target(%dma_start3A_81 : memref<10240x128xf32, #tpu.memory_space<vmem_shared>>) offsets(%dma_start3A_78 : memref<128xi32, #tpu.memory_space<vmem>>) semaphore(%arg17 : memref<!tpu.dma_semaphore, #tpu.memory_space<semaphore_mem>>) {add = true}
        %dma_wait3A_82 = arith.constant 0 : i32
        %dma_wait3A_83 = arith.constant 0 : i32
        %dma_wait3A_84 = tpu.memref_slice %arg9[%dma_wait3A_82, %dma_wait3A_83] : memref<16x128xi32, #tpu.memory_space<vmem>> -> memref<1x128xi32, #tpu.memory_space<vmem>>
        %dma_wait3A_85 = tpu.memref_squeeze %dma_wait3A_84 : memref<1x128xi32, #tpu.memory_space<vmem>> -> memref<128xi32, #tpu.memory_space<vmem>>
        %dma_wait3A_86 = arith.constant 0 : i32
        %dma_wait3A_87 = arith.constant 0 : i32
        %dma_wait3A_88 = tpu.memref_slice %arg2[%dma_wait3A_86, %dma_wait3A_87] : memref<10000x128xf32, #tpu.memory_space<hbm>> -> memref<10000x128xf32, #tpu.memory_space<hbm>>
        tpu.wait_indirect_dma semaphore(%arg14 : memref<!tpu.dma_semaphore, #tpu.memory_space<semaphore_mem>>) src(%dma_wait3A_88 : memref<10000x128xf32, #tpu.memory_space<hbm>>) dst(%arg11 : memref<128x128xf32, #tpu.memory_space<vmem>>)
        %dma_wait3A_89 = arith.constant 0 : i32
        %dma_wait3A_90 = arith.constant 0 : i32
        %dma_wait3A_91 = tpu.memref_slice %arg10[%dma_wait3A_89, %dma_wait3A_90] : memref<16x128xi32, #tpu.memory_space<vmem>> -> memref<1x128xi32, #tpu.memory_space<vmem>>
        %dma_wait3A_92 = tpu.memref_squeeze %dma_wait3A_91 : memref<1x128xi32, #tpu.memory_space<vmem>> -> memref<128xi32, #tpu.memory_space<vmem>>
        %dma_wait3A_93 = arith.constant 0 : i32
        %dma_wait3A_94 = arith.constant 0 : i32
        %dma_wait3A_95 = tpu.memref_slice %arg13[%dma_wait3A_93, %dma_wait3A_94] : memref<10240x128xf32, #tpu.memory_space<vmem_shared>> -> memref<10240x128xf32, #tpu.memory_space<vmem_shared>>
        tpu.wait_indirect_dma semaphore(%arg17 : memref<!tpu.dma_semaphore, #tpu.memory_space<semaphore_mem>>) src(%arg12 : memref<128x128xf32, #tpu.memory_space<vmem>>) dst(%dma_wait3A_95 : memref<10240x128xf32, #tpu.memory_space<vmem_shared>>)
        %dma_start3A_96 = arith.constant 3 : i32
        %dma_start3A_97 = arith.constant 0 : i32
        %dma_start3A_98 = tpu.memref_slice %arg9[%dma_start3A_96, %dma_start3A_97] : memref<16x128xi32, #tpu.memory_space<vmem>> -> memref<1x128xi32, #tpu.memory_space<vmem>>
        %dma_start3A_99 = tpu.memref_squeeze %dma_start3A_98 : memref<1x128xi32, #tpu.memory_space<vmem>> -> memref<128xi32, #tpu.memory_space<vmem>>
        %dma_start3A_100 = arith.constant 0 : i32
        %dma_start3A_101 = arith.constant 0 : i32
        %dma_start3A_102 = tpu.memref_slice %arg2[%dma_start3A_100, %dma_start3A_101] : memref<10000x128xf32, #tpu.memory_space<hbm>> -> memref<10000x128xf32, #tpu.memory_space<hbm>>
        tpu.enqueue_indirect_dma source(%dma_start3A_102 : memref<10000x128xf32, #tpu.memory_space<hbm>>) target(%arg12 : memref<128x128xf32, #tpu.memory_space<vmem>>) offsets(%dma_start3A_99 : memref<128xi32, #tpu.memory_space<vmem>>) semaphore(%arg15 : memref<!tpu.dma_semaphore, #tpu.memory_space<semaphore_mem>>)
        %dma_start3A_103 = arith.constant 2 : i32
        %dma_start3A_104 = arith.constant 0 : i32
        %dma_start3A_105 = tpu.memref_slice %arg10[%dma_start3A_103, %dma_start3A_104] : memref<16x128xi32, #tpu.memory_space<vmem>> -> memref<1x128xi32, #tpu.memory_space<vmem>>
        %dma_start3A_106 = tpu.memref_squeeze %dma_start3A_105 : memref<1x128xi32, #tpu.memory_space<vmem>> -> memref<128xi32, #tpu.memory_space<vmem>>
        %dma_start3A_107 = arith.constant 0 : i32
        %dma_start3A_108 = arith.constant 0 : i32
        %dma_start3A_109 = tpu.memref_slice %arg13[%dma_start3A_107, %dma_start3A_108] : memref<10240x128xf32, #tpu.memory_space<vmem_shared>> -> memref<10240x128xf32, #tpu.memory_space<vmem_shared>>
        tpu.enqueue_indirect_dma source(%arg11 : memref<128x128xf32, #tpu.memory_space<vmem>>) target(%dma_start3A_109 : memref<10240x128xf32, #tpu.memory_space<vmem_shared>>) offsets(%dma_start3A_106 : memref<128xi32, #tpu.memory_space<vmem>>) semaphore(%arg16 : memref<!tpu.dma_semaphore, #tpu.memory_space<semaphore_mem>>) {add = true}
        %dma_wait3A_110 = arith.constant 0 : i32
        %dma_wait3A_111 = arith.constant 0 : i32
        %dma_wait3A_112 = tpu.memref_slice %arg9[%dma_wait3A_110, %dma_wait3A_111] : memref<16x128xi32, #tpu.memory_space<vmem>> -> memref<1x128xi32, #tpu.memory_space<vmem>>
        %dma_wait3A_113 = tpu.memref_squeeze %dma_wait3A_112 : memref<1x128xi32, #tpu.memory_space<vmem>> -> memref<128xi32, #tpu.memory_space<vmem>>
        %dma_wait3A_114 = arith.constant 0 : i32
        %dma_wait3A_115 = arith.constant 0 : i32
        %dma_wait3A_116 = tpu.memref_slice %arg2[%dma_wait3A_114, %dma_wait3A_115] : memref<10000x128xf32, #tpu.memory_space<hbm>> -> memref<10000x128xf32, #tpu.memory_space<hbm>>
        tpu.wait_indirect_dma semaphore(%arg15 : memref<!tpu.dma_semaphore, #tpu.memory_space<semaphore_mem>>) src(%dma_wait3A_116 : memref<10000x128xf32, #tpu.memory_space<hbm>>) dst(%arg12 : memref<128x128xf32, #tpu.memory_space<vmem>>)
        %dma_wait3A_117 = arith.constant 0 : i32
        %dma_wait3A_118 = arith.constant 0 : i32
        %dma_wait3A_119 = tpu.memref_slice %arg10[%dma_wait3A_117, %dma_wait3A_118] : memref<16x128xi32, #tpu.memory_space<vmem>> -> memref<1x128xi32, #tpu.memory_space<vmem>>
        %dma_wait3A_120 = tpu.memref_squeeze %dma_wait3A_119 : memref<1x128xi32, #tpu.memory_space<vmem>> -> memref<128xi32, #tpu.memory_space<vmem>>
        %dma_wait3A_121 = arith.constant 0 : i32
        %dma_wait3A_122 = arith.constant 0 : i32
        %dma_wait3A_123 = tpu.memref_slice %arg13[%dma_wait3A_121, %dma_wait3A_122] : memref<10240x128xf32, #tpu.memory_space<vmem_shared>> -> memref<10240x128xf32, #tpu.memory_space<vmem_shared>>
        tpu.wait_indirect_dma semaphore(%arg16 : memref<!tpu.dma_semaphore, #tpu.memory_space<semaphore_mem>>) src(%arg11 : memref<128x128xf32, #tpu.memory_space<vmem>>) dst(%dma_wait3A_123 : memref<10240x128xf32, #tpu.memory_space<vmem_shared>>)
        %dma_start3A_124 = arith.constant 4 : i32
        %dma_start3A_125 = arith.constant 0 : i32
        %dma_start3A_126 = tpu.memref_slice %arg9[%dma_start3A_124, %dma_start3A_125] : memref<16x128xi32, #tpu.memory_space<vmem>> -> memref<1x128xi32, #tpu.memory_space<vmem>>
        %dma_start3A_127 = tpu.memref_squeeze %dma_start3A_126 : memref<1x128xi32, #tpu.memory_space<vmem>> -> memref<128xi32, #tpu.memory_space<vmem>>
        %dma_start3A_128 = arith.constant 0 : i32
        %dma_start3A_129 = arith.constant 0 : i32
        %dma_start3A_130 = tpu.memref_slice %arg2[%dma_start3A_128, %dma_start3A_129] : memref<10000x128xf32, #tpu.memory_space<hbm>> -> memref<10000x128xf32, #tpu.memory_space<hbm>>
        tpu.enqueue_indirect_dma source(%dma_start3A_130 : memref<10000x128xf32, #tpu.memory_space<hbm>>) target(%arg11 : memref<128x128xf32, #tpu.memory_space<vmem>>) offsets(%dma_start3A_127 : memref<128xi32, #tpu.memory_space<vmem>>) semaphore(%arg14 : memref<!tpu.dma_semaphore, #tpu.memory_space<semaphore_mem>>)
        %dma_start3A_131 = arith.constant 3 : i32
        %dma_start3A_132 = arith.constant 0 : i32
        %dma_start3A_133 = tpu.memref_slice %arg10[%dma_start3A_131, %dma_start3A_132] : memref<16x128xi32, #tpu.memory_space<vmem>> -> memref<1x128xi32, #tpu.memory_space<vmem>>
        %dma_start3A_134 = tpu.memref_squeeze %dma_start3A_133 : memref<1x128xi32, #tpu.memory_space<vmem>> -> memref<128xi32, #tpu.memory_space<vmem>>
        %dma_start3A_135 = arith.constant 0 : i32
        %dma_start3A_136 = arith.constant 0 : i32
        %dma_start3A_137 = tpu.memref_slice %arg13[%dma_start3A_135, %dma_start3A_136] : memref<10240x128xf32, #tpu.memory_space<vmem_shared>> -> memref<10240x128xf32, #tpu.memory_space<vmem_shared>>
        tpu.enqueue_indirect_dma source(%arg12 : memref<128x128xf32, #tpu.memory_space<vmem>>) target(%dma_start3A_137 : memref<10240x128xf32, #tpu.memory_space<vmem_shared>>) offsets(%dma_start3A_134 : memref<128xi32, #tpu.memory_space<vmem>>) semaphore(%arg17 : memref<!tpu.dma_semaphore, #tpu.memory_space<semaphore_mem>>) {add = true}
        %dma_wait3A_138 = arith.constant 0 : i32
        %dma_wait3A_139 = arith.constant 0 : i32
        %dma_wait3A_140 = tpu.memref_slice %arg9[%dma_wait3A_138, %dma_wait3A_139] : memref<16x128xi32, #tpu.memory_space<vmem>> -> memref<1x128xi32, #tpu.memory_space<vmem>>
        %dma_wait3A_141 = tpu.memref_squeeze %dma_wait3A_140 : memref<1x128xi32, #tpu.memory_space<vmem>> -> memref<128xi32, #tpu.memory_space<vmem>>
        %dma_wait3A_142 = arith.constant 0 : i32
        %dma_wait3A_143 = arith.constant 0 : i32
        %dma_wait3A_144 = tpu.memref_slice %arg2[%dma_wait3A_142, %dma_wait3A_143] : memref<10000x128xf32, #tpu.memory_space<hbm>> -> memref<10000x128xf32, #tpu.memory_space<hbm>>
        tpu.wait_indirect_dma semaphore(%arg14 : memref<!tpu.dma_semaphore, #tpu.memory_space<semaphore_mem>>) src(%dma_wait3A_144 : memref<10000x128xf32, #tpu.memory_space<hbm>>) dst(%arg11 : memref<128x128xf32, #tpu.memory_space<vmem>>)
        %dma_wait3A_145 = arith.constant 0 : i32
        %dma_wait3A_146 = arith.constant 0 : i32
        %dma_wait3A_147 = tpu.memref_slice %arg10[%dma_wait3A_145, %dma_wait3A_146] : memref<16x128xi32, #tpu.memory_space<vmem>> -> memref<1x128xi32, #tpu.memory_space<vmem>>
        %dma_wait3A_148 = tpu.memref_squeeze %dma_wait3A_147 : memref<1x128xi32, #tpu.memory_space<vmem>> -> memref<128xi32, #tpu.memory_space<vmem>>
        %dma_wait3A_149 = arith.constant 0 : i32
        %dma_wait3A_150 = arith.constant 0 : i32
        %dma_wait3A_151 = tpu.memref_slice %arg13[%dma_wait3A_149, %dma_wait3A_150] : memref<10240x128xf32, #tpu.memory_space<vmem_shared>> -> memref<10240x128xf32, #tpu.memory_space<vmem_shared>>
        tpu.wait_indirect_dma semaphore(%arg17 : memref<!tpu.dma_semaphore, #tpu.memory_space<semaphore_mem>>) src(%arg12 : memref<128x128xf32, #tpu.memory_space<vmem>>) dst(%dma_wait3A_151 : memref<10240x128xf32, #tpu.memory_space<vmem_shared>>)
        %dma_start3A_152 = arith.constant 5 : i32
        %dma_start3A_153 = arith.constant 0 : i32
        %dma_start3A_154 = tpu.memref_slice %arg9[%dma_start3A_152, %dma_start3A_153] : memref<16x128xi32, #tpu.memory_space<vmem>> -> memref<1x128xi32, #tpu.memory_space<vmem>>
        %dma_start3A_155 = tpu.memref_squeeze %dma_start3A_154 : memref<1x128xi32, #tpu.memory_space<vmem>> -> memref<128xi32, #tpu.memory_space<vmem>>
        %dma_start3A_156 = arith.constant 0 : i32
        %dma_start3A_157 = arith.constant 0 : i32
        %dma_start3A_158 = tpu.memref_slice %arg2[%dma_start3A_156, %dma_start3A_157] : memref<10000x128xf32, #tpu.memory_space<hbm>> -> memref<10000x128xf32, #tpu.memory_space<hbm>>
        tpu.enqueue_indirect_dma source(%dma_start3A_158 : memref<10000x128xf32, #tpu.memory_space<hbm>>) target(%arg12 : memref<128x128xf32, #tpu.memory_space<vmem>>) offsets(%dma_start3A_155 : memref<128xi32, #tpu.memory_space<vmem>>) semaphore(%arg15 : memref<!tpu.dma_semaphore, #tpu.memory_space<semaphore_mem>>)
        %dma_start3A_159 = arith.constant 4 : i32
        %dma_start3A_160 = arith.constant 0 : i32
        %dma_start3A_161 = tpu.memref_slice %arg10[%dma_start3A_159, %dma_start3A_160] : memref<16x128xi32, #tpu.memory_space<vmem>> -> memref<1x128xi32, #tpu.memory_space<vmem>>
        %dma_start3A_162 = tpu.memref_squeeze %dma_start3A_161 : memref<1x128xi32, #tpu.memory_space<vmem>> -> memref<128xi32, #tpu.memory_space<vmem>>
        %dma_start3A_163 = arith.constant 0 : i32
        %dma_start3A_164 = arith.constant 0 : i32
        %dma_start3A_165 = tpu.memref_slice %arg13[%dma_start3A_163, %dma_start3A_164] : memref<10240x128xf32, #tpu.memory_space<vmem_shared>> -> memref<10240x128xf32, #tpu.memory_space<vmem_shared>>
        tpu.enqueue_indirect_dma source(%arg11 : memref<128x128xf32, #tpu.memory_space<vmem>>) target(%dma_start3A_165 : memref<10240x128xf32, #tpu.memory_space<vmem_shared>>) offsets(%dma_start3A_162 : memref<128xi32, #tpu.memory_space<vmem>>) semaphore(%arg16 : memref<!tpu.dma_semaphore, #tpu.memory_space<semaphore_mem>>) {add = true}
        %dma_wait3A_166 = arith.constant 0 : i32
        %dma_wait3A_167 = arith.constant 0 : i32
        %dma_wait3A_168 = tpu.memref_slice %arg9[%dma_wait3A_166, %dma_wait3A_167] : memref<16x128xi32, #tpu.memory_space<vmem>> -> memref<1x128xi32, #tpu.memory_space<vmem>>
        %dma_wait3A_169 = tpu.memref_squeeze %dma_wait3A_168 : memref<1x128xi32, #tpu.memory_space<vmem>> -> memref<128xi32, #tpu.memory_space<vmem>>
        %dma_wait3A_170 = arith.constant 0 : i32
        %dma_wait3A_171 = arith.constant 0 : i32
        %dma_wait3A_172 = tpu.memref_slice %arg2[%dma_wait3A_170, %dma_wait3A_171] : memref<10000x128xf32, #tpu.memory_space<hbm>> -> memref<10000x128xf32, #tpu.memory_space<hbm>>
        tpu.wait_indirect_dma semaphore(%arg15 : memref<!tpu.dma_semaphore, #tpu.memory_space<semaphore_mem>>) src(%dma_wait3A_172 : memref<10000x128xf32, #tpu.memory_space<hbm>>) dst(%arg12 : memref<128x128xf32, #tpu.memory_space<vmem>>)
        %dma_wait3A_173 = arith.constant 0 : i32
        %dma_wait3A_174 = arith.constant 0 : i32
        %dma_wait3A_175 = tpu.memref_slice %arg10[%dma_wait3A_173, %dma_wait3A_174] : memref<16x128xi32, #tpu.memory_space<vmem>> -> memref<1x128xi32, #tpu.memory_space<vmem>>
        %dma_wait3A_176 = tpu.memref_squeeze %dma_wait3A_175 : memref<1x128xi32, #tpu.memory_space<vmem>> -> memref<128xi32, #tpu.memory_space<vmem>>
        %dma_wait3A_177 = arith.constant 0 : i32
        %dma_wait3A_178 = arith.constant 0 : i32
        %dma_wait3A_179 = tpu.memref_slice %arg13[%dma_wait3A_177, %dma_wait3A_178] : memref<10240x128xf32, #tpu.memory_space<vmem_shared>> -> memref<10240x128xf32, #tpu.memory_space<vmem_shared>>
        tpu.wait_indirect_dma semaphore(%arg16 : memref<!tpu.dma_semaphore, #tpu.memory_space<semaphore_mem>>) src(%arg11 : memref<128x128xf32, #tpu.memory_space<vmem>>) dst(%dma_wait3A_179 : memref<10240x128xf32, #tpu.memory_space<vmem_shared>>)
        %dma_start3A_180 = arith.constant 6 : i32
        %dma_start3A_181 = arith.constant 0 : i32
        %dma_start3A_182 = tpu.memref_slice %arg9[%dma_start3A_180, %dma_start3A_181] : memref<16x128xi32, #tpu.memory_space<vmem>> -> memref<1x128xi32, #tpu.memory_space<vmem>>
        %dma_start3A_183 = tpu.memref_squeeze %dma_start3A_182 : memref<1x128xi32, #tpu.memory_space<vmem>> -> memref<128xi32, #tpu.memory_space<vmem>>
        %dma_start3A_184 = arith.constant 0 : i32
        %dma_start3A_185 = arith.constant 0 : i32
        %dma_start3A_186 = tpu.memref_slice %arg2[%dma_start3A_184, %dma_start3A_185] : memref<10000x128xf32, #tpu.memory_space<hbm>> -> memref<10000x128xf32, #tpu.memory_space<hbm>>
        tpu.enqueue_indirect_dma source(%dma_start3A_186 : memref<10000x128xf32, #tpu.memory_space<hbm>>) target(%arg11 : memref<128x128xf32, #tpu.memory_space<vmem>>) offsets(%dma_start3A_183 : memref<128xi32, #tpu.memory_space<vmem>>) semaphore(%arg14 : memref<!tpu.dma_semaphore, #tpu.memory_space<semaphore_mem>>)
        %dma_start3A_187 = arith.constant 5 : i32
        %dma_start3A_188 = arith.constant 0 : i32
        %dma_start3A_189 = tpu.memref_slice %arg10[%dma_start3A_187, %dma_start3A_188] : memref<16x128xi32, #tpu.memory_space<vmem>> -> memref<1x128xi32, #tpu.memory_space<vmem>>
        %dma_start3A_190 = tpu.memref_squeeze %dma_start3A_189 : memref<1x128xi32, #tpu.memory_space<vmem>> -> memref<128xi32, #tpu.memory_space<vmem>>
        %dma_start3A_191 = arith.constant 0 : i32
        %dma_start3A_192 = arith.constant 0 : i32
        %dma_start3A_193 = tpu.memref_slice %arg13[%dma_start3A_191, %dma_start3A_192] : memref<10240x128xf32, #tpu.memory_space<vmem_shared>> -> memref<10240x128xf32, #tpu.memory_space<vmem_shared>>
        tpu.enqueue_indirect_dma source(%arg12 : memref<128x128xf32, #tpu.memory_space<vmem>>) target(%dma_start3A_193 : memref<10240x128xf32, #tpu.memory_space<vmem_shared>>) offsets(%dma_start3A_190 : memref<128xi32, #tpu.memory_space<vmem>>) semaphore(%arg17 : memref<!tpu.dma_semaphore, #tpu.memory_space<semaphore_mem>>) {add = true}
        %dma_wait3A_194 = arith.constant 0 : i32
        %dma_wait3A_195 = arith.constant 0 : i32
        %dma_wait3A_196 = tpu.memref_slice %arg9[%dma_wait3A_194, %dma_wait3A_195] : memref<16x128xi32, #tpu.memory_space<vmem>> -> memref<1x128xi32, #tpu.memory_space<vmem>>
        %dma_wait3A_197 = tpu.memref_squeeze %dma_wait3A_196 : memref<1x128xi32, #tpu.memory_space<vmem>> -> memref<128xi32, #tpu.memory_space<vmem>>
        %dma_wait3A_198 = arith.constant 0 : i32
        %dma_wait3A_199 = arith.constant 0 : i32
        %dma_wait3A_200 = tpu.memref_slice %arg2[%dma_wait3A_198, %dma_wait3A_199] : memref<10000x128xf32, #tpu.memory_space<hbm>> -> memref<10000x128xf32, #tpu.memory_space<hbm>>
        tpu.wait_indirect_dma semaphore(%arg14 : memref<!tpu.dma_semaphore, #tpu.memory_space<semaphore_mem>>) src(%dma_wait3A_200 : memref<10000x128xf32, #tpu.memory_space<hbm>>) dst(%arg11 : memref<128x128xf32, #tpu.memory_space<vmem>>)
        %dma_wait3A_201 = arith.constant 0 : i32
        %dma_wait3A_202 = arith.constant 0 : i32
        %dma_wait3A_203 = tpu.memref_slice %arg10[%dma_wait3A_201, %dma_wait3A_202] : memref<16x128xi32, #tpu.memory_space<vmem>> -> memref<1x128xi32, #tpu.memory_space<vmem>>
        %dma_wait3A_204 = tpu.memref_squeeze %dma_wait3A_203 : memref<1x128xi32, #tpu.memory_space<vmem>> -> memref<128xi32, #tpu.memory_space<vmem>>
        %dma_wait3A_205 = arith.constant 0 : i32
        %dma_wait3A_206 = arith.constant 0 : i32
        %dma_wait3A_207 = tpu.memref_slice %arg13[%dma_wait3A_205, %dma_wait3A_206] : memref<10240x128xf32, #tpu.memory_space<vmem_shared>> -> memref<10240x128xf32, #tpu.memory_space<vmem_shared>>
        tpu.wait_indirect_dma semaphore(%arg17 : memref<!tpu.dma_semaphore, #tpu.memory_space<semaphore_mem>>) src(%arg12 : memref<128x128xf32, #tpu.memory_space<vmem>>) dst(%dma_wait3A_207 : memref<10240x128xf32, #tpu.memory_space<vmem_shared>>)
        %dma_start3A_208 = arith.constant 7 : i32
        %dma_start3A_209 = arith.constant 0 : i32
        %dma_start3A_210 = tpu.memref_slice %arg9[%dma_start3A_208, %dma_start3A_209] : memref<16x128xi32, #tpu.memory_space<vmem>> -> memref<1x128xi32, #tpu.memory_space<vmem>>
        %dma_start3A_211 = tpu.memref_squeeze %dma_start3A_210 : memref<1x128xi32, #tpu.memory_space<vmem>> -> memref<128xi32, #tpu.memory_space<vmem>>
        %dma_start3A_212 = arith.constant 0 : i32
        %dma_start3A_213 = arith.constant 0 : i32
        %dma_start3A_214 = tpu.memref_slice %arg2[%dma_start3A_212, %dma_start3A_213] : memref<10000x128xf32, #tpu.memory_space<hbm>> -> memref<10000x128xf32, #tpu.memory_space<hbm>>
        tpu.enqueue_indirect_dma source(%dma_start3A_214 : memref<10000x128xf32, #tpu.memory_space<hbm>>) target(%arg12 : memref<128x128xf32, #tpu.memory_space<vmem>>) offsets(%dma_start3A_211 : memref<128xi32, #tpu.memory_space<vmem>>) semaphore(%arg15 : memref<!tpu.dma_semaphore, #tpu.memory_space<semaphore_mem>>)
        %dma_start3A_215 = arith.constant 6 : i32
        %dma_start3A_216 = arith.constant 0 : i32
        %dma_start3A_217 = tpu.memref_slice %arg10[%dma_start3A_215, %dma_start3A_216] : memref<16x128xi32, #tpu.memory_space<vmem>> -> memref<1x128xi32, #tpu.memory_space<vmem>>
        %dma_start3A_218 = tpu.memref_squeeze %dma_start3A_217 : memref<1x128xi32, #tpu.memory_space<vmem>> -> memref<128xi32, #tpu.memory_space<vmem>>
        %dma_start3A_219 = arith.constant 0 : i32
        %dma_start3A_220 = arith.constant 0 : i32
        %dma_start3A_221 = tpu.memref_slice %arg13[%dma_start3A_219, %dma_start3A_220] : memref<10240x128xf32, #tpu.memory_space<vmem_shared>> -> memref<10240x128xf32, #tpu.memory_space<vmem_shared>>
        tpu.enqueue_indirect_dma source(%arg11 : memref<128x128xf32, #tpu.memory_space<vmem>>) target(%dma_start3A_221 : memref<10240x128xf32, #tpu.memory_space<vmem_shared>>) offsets(%dma_start3A_218 : memref<128xi32, #tpu.memory_space<vmem>>) semaphore(%arg16 : memref<!tpu.dma_semaphore, #tpu.memory_space<semaphore_mem>>) {add = true}
        %dma_wait3A_222 = arith.constant 0 : i32
        %dma_wait3A_223 = arith.constant 0 : i32
        %dma_wait3A_224 = tpu.memref_slice %arg9[%dma_wait3A_222, %dma_wait3A_223] : memref<16x128xi32, #tpu.memory_space<vmem>> -> memref<1x128xi32, #tpu.memory_space<vmem>>
        %dma_wait3A_225 = tpu.memref_squeeze %dma_wait3A_224 : memref<1x128xi32, #tpu.memory_space<vmem>> -> memref<128xi32, #tpu.memory_space<vmem>>
        %dma_wait3A_226 = arith.constant 0 : i32
        %dma_wait3A_227 = arith.constant 0 : i32
        %dma_wait3A_228 = tpu.memref_slice %arg2[%dma_wait3A_226, %dma_wait3A_227] : memref<10000x128xf32, #tpu.memory_space<hbm>> -> memref<10000x128xf32, #tpu.memory_space<hbm>>
        tpu.wait_indirect_dma semaphore(%arg15 : memref<!tpu.dma_semaphore, #tpu.memory_space<semaphore_mem>>) src(%dma_wait3A_228 : memref<10000x128xf32, #tpu.memory_space<hbm>>) dst(%arg12 : memref<128x128xf32, #tpu.memory_space<vmem>>)
        %dma_wait3A_229 = arith.constant 0 : i32
        %dma_wait3A_230 = arith.constant 0 : i32
        %dma_wait3A_231 = tpu.memref_slice %arg10[%dma_wait3A_229, %dma_wait3A_230] : memref<16x128xi32, #tpu.memory_space<vmem>> -> memref<1x128xi32, #tpu.memory_space<vmem>>
        %dma_wait3A_232 = tpu.memref_squeeze %dma_wait3A_231 : memref<1x128xi32, #tpu.memory_space<vmem>> -> memref<128xi32, #tpu.memory_space<vmem>>
        %dma_wait3A_233 = arith.constant 0 : i32
        %dma_wait3A_234 = arith.constant 0 : i32
        %dma_wait3A_235 = tpu.memref_slice %arg13[%dma_wait3A_233, %dma_wait3A_234] : memref<10240x128xf32, #tpu.memory_space<vmem_shared>> -> memref<10240x128xf32, #tpu.memory_space<vmem_shared>>
        tpu.wait_indirect_dma semaphore(%arg16 : memref<!tpu.dma_semaphore, #tpu.memory_space<semaphore_mem>>) src(%arg11 : memref<128x128xf32, #tpu.memory_space<vmem>>) dst(%dma_wait3A_235 : memref<10240x128xf32, #tpu.memory_space<vmem_shared>>)
        %dma_start3A_236 = arith.constant 8 : i32
        %dma_start3A_237 = arith.constant 0 : i32
        %dma_start3A_238 = tpu.memref_slice %arg9[%dma_start3A_236, %dma_start3A_237] : memref<16x128xi32, #tpu.memory_space<vmem>> -> memref<1x128xi32, #tpu.memory_space<vmem>>
        %dma_start3A_239 = tpu.memref_squeeze %dma_start3A_238 : memref<1x128xi32, #tpu.memory_space<vmem>> -> memref<128xi32, #tpu.memory_space<vmem>>
        %dma_start3A_240 = arith.constant 0 : i32
        %dma_start3A_241 = arith.constant 0 : i32
        %dma_start3A_242 = tpu.memref_slice %arg2[%dma_start3A_240, %dma_start3A_241] : memref<10000x128xf32, #tpu.memory_space<hbm>> -> memref<10000x128xf32, #tpu.memory_space<hbm>>
        tpu.enqueue_indirect_dma source(%dma_start3A_242 : memref<10000x128xf32, #tpu.memory_space<hbm>>) target(%arg11 : memref<128x128xf32, #tpu.memory_space<vmem>>) offsets(%dma_start3A_239 : memref<128xi32, #tpu.memory_space<vmem>>) semaphore(%arg14 : memref<!tpu.dma_semaphore, #tpu.memory_space<semaphore_mem>>)
        %dma_start3A_243 = arith.constant 7 : i32
        %dma_start3A_244 = arith.constant 0 : i32
        %dma_start3A_245 = tpu.memref_slice %arg10[%dma_start3A_243, %dma_start3A_244] : memref<16x128xi32, #tpu.memory_space<vmem>> -> memref<1x128xi32, #tpu.memory_space<vmem>>
        %dma_start3A_246 = tpu.memref_squeeze %dma_start3A_245 : memref<1x128xi32, #tpu.memory_space<vmem>> -> memref<128xi32, #tpu.memory_space<vmem>>
        %dma_start3A_247 = arith.constant 0 : i32
        %dma_start3A_248 = arith.constant 0 : i32
        %dma_start3A_249 = tpu.memref_slice %arg13[%dma_start3A_247, %dma_start3A_248] : memref<10240x128xf32, #tpu.memory_space<vmem_shared>> -> memref<10240x128xf32, #tpu.memory_space<vmem_shared>>
        tpu.enqueue_indirect_dma source(%arg12 : memref<128x128xf32, #tpu.memory_space<vmem>>) target(%dma_start3A_249 : memref<10240x128xf32, #tpu.memory_space<vmem_shared>>) offsets(%dma_start3A_246 : memref<128xi32, #tpu.memory_space<vmem>>) semaphore(%arg17 : memref<!tpu.dma_semaphore, #tpu.memory_space<semaphore_mem>>) {add = true}
        %dma_wait3A_250 = arith.constant 0 : i32
        %dma_wait3A_251 = arith.constant 0 : i32
        %dma_wait3A_252 = tpu.memref_slice %arg9[%dma_wait3A_250, %dma_wait3A_251] : memref<16x128xi32, #tpu.memory_space<vmem>> -> memref<1x128xi32, #tpu.memory_space<vmem>>
        %dma_wait3A_253 = tpu.memref_squeeze %dma_wait3A_252 : memref<1x128xi32, #tpu.memory_space<vmem>> -> memref<128xi32, #tpu.memory_space<vmem>>
        %dma_wait3A_254 = arith.constant 0 : i32
        %dma_wait3A_255 = arith.constant 0 : i32
        %dma_wait3A_256 = tpu.memref_slice %arg2[%dma_wait3A_254, %dma_wait3A_255] : memref<10000x128xf32, #tpu.memory_space<hbm>> -> memref<10000x128xf32, #tpu.memory_space<hbm>>
        tpu.wait_indirect_dma semaphore(%arg14 : memref<!tpu.dma_semaphore, #tpu.memory_space<semaphore_mem>>) src(%dma_wait3A_256 : memref<10000x128xf32, #tpu.memory_space<hbm>>) dst(%arg11 : memref<128x128xf32, #tpu.memory_space<vmem>>)
        %dma_wait3A_257 = arith.constant 0 : i32
        %dma_wait3A_258 = arith.constant 0 : i32
        %dma_wait3A_259 = tpu.memref_slice %arg10[%dma_wait3A_257, %dma_wait3A_258] : memref<16x128xi32, #tpu.memory_space<vmem>> -> memref<1x128xi32, #tpu.memory_space<vmem>>
        %dma_wait3A_260 = tpu.memref_squeeze %dma_wait3A_259 : memref<1x128xi32, #tpu.memory_space<vmem>> -> memref<128xi32, #tpu.memory_space<vmem>>
        %dma_wait3A_261 = arith.constant 0 : i32
        %dma_wait3A_262 = arith.constant 0 : i32
        %dma_wait3A_263 = tpu.memref_slice %arg13[%dma_wait3A_261, %dma_wait3A_262] : memref<10240x128xf32, #tpu.memory_space<vmem_shared>> -> memref<10240x128xf32, #tpu.memory_space<vmem_shared>>
        tpu.wait_indirect_dma semaphore(%arg17 : memref<!tpu.dma_semaphore, #tpu.memory_space<semaphore_mem>>) src(%arg12 : memref<128x128xf32, #tpu.memory_space<vmem>>) dst(%dma_wait3A_263 : memref<10240x128xf32, #tpu.memory_space<vmem_shared>>)
        %dma_start3A_264 = arith.constant 9 : i32
        %dma_start3A_265 = arith.constant 0 : i32
        %dma_start3A_266 = tpu.memref_slice %arg9[%dma_start3A_264, %dma_start3A_265] : memref<16x128xi32, #tpu.memory_space<vmem>> -> memref<1x128xi32, #tpu.memory_space<vmem>>
        %dma_start3A_267 = tpu.memref_squeeze %dma_start3A_266 : memref<1x128xi32, #tpu.memory_space<vmem>> -> memref<128xi32, #tpu.memory_space<vmem>>
        %dma_start3A_268 = arith.constant 0 : i32
        %dma_start3A_269 = arith.constant 0 : i32
        %dma_start3A_270 = tpu.memref_slice %arg2[%dma_start3A_268, %dma_start3A_269] : memref<10000x128xf32, #tpu.memory_space<hbm>> -> memref<10000x128xf32, #tpu.memory_space<hbm>>
        tpu.enqueue_indirect_dma source(%dma_start3A_270 : memref<10000x128xf32, #tpu.memory_space<hbm>>) target(%arg12 : memref<128x128xf32, #tpu.memory_space<vmem>>) offsets(%dma_start3A_267 : memref<128xi32, #tpu.memory_space<vmem>>) semaphore(%arg15 : memref<!tpu.dma_semaphore, #tpu.memory_space<semaphore_mem>>)
        %dma_start3A_271 = arith.constant 8 : i32
        %dma_start3A_272 = arith.constant 0 : i32
        %dma_start3A_273 = tpu.memref_slice %arg10[%dma_start3A_271, %dma_start3A_272] : memref<16x128xi32, #tpu.memory_space<vmem>> -> memref<1x128xi32, #tpu.memory_space<vmem>>
        %dma_start3A_274 = tpu.memref_squeeze %dma_start3A_273 : memref<1x128xi32, #tpu.memory_space<vmem>> -> memref<128xi32, #tpu.memory_space<vmem>>
        %dma_start3A_275 = arith.constant 0 : i32
        %dma_start3A_276 = arith.constant 0 : i32
        %dma_start3A_277 = tpu.memref_slice %arg13[%dma_start3A_275, %dma_start3A_276] : memref<10240x128xf32, #tpu.memory_space<vmem_shared>> -> memref<10240x128xf32, #tpu.memory_space<vmem_shared>>
        tpu.enqueue_indirect_dma source(%arg11 : memref<128x128xf32, #tpu.memory_space<vmem>>) target(%dma_start3A_277 : memref<10240x128xf32, #tpu.memory_space<vmem_shared>>) offsets(%dma_start3A_274 : memref<128xi32, #tpu.memory_space<vmem>>) semaphore(%arg16 : memref<!tpu.dma_semaphore, #tpu.memory_space<semaphore_mem>>) {add = true}
        %dma_wait3A_278 = arith.constant 0 : i32
        %dma_wait3A_279 = arith.constant 0 : i32
        %dma_wait3A_280 = tpu.memref_slice %arg9[%dma_wait3A_278, %dma_wait3A_279] : memref<16x128xi32, #tpu.memory_space<vmem>> -> memref<1x128xi32, #tpu.memory_space<vmem>>
        %dma_wait3A_281 = tpu.memref_squeeze %dma_wait3A_280 : memref<1x128xi32, #tpu.memory_space<vmem>> -> memref<128xi32, #tpu.memory_space<vmem>>
        %dma_wait3A_282 = arith.constant 0 : i32
        %dma_wait3A_283 = arith.constant 0 : i32
        %dma_wait3A_284 = tpu.memref_slice %arg2[%dma_wait3A_282, %dma_wait3A_283] : memref<10000x128xf32, #tpu.memory_space<hbm>> -> memref<10000x128xf32, #tpu.memory_space<hbm>>
        tpu.wait_indirect_dma semaphore(%arg15 : memref<!tpu.dma_semaphore, #tpu.memory_space<semaphore_mem>>) src(%dma_wait3A_284 : memref<10000x128xf32, #tpu.memory_space<hbm>>) dst(%arg12 : memref<128x128xf32, #tpu.memory_space<vmem>>)
        %dma_wait3A_285 = arith.constant 0 : i32
        %dma_wait3A_286 = arith.constant 0 : i32
        %dma_wait3A_287 = tpu.memref_slice %arg10[%dma_wait3A_285, %dma_wait3A_286] : memref<16x128xi32, #tpu.memory_space<vmem>> -> memref<1x128xi32, #tpu.memory_space<vmem>>
        %dma_wait3A_288 = tpu.memref_squeeze %dma_wait3A_287 : memref<1x128xi32, #tpu.memory_space<vmem>> -> memref<128xi32, #tpu.memory_space<vmem>>
        %dma_wait3A_289 = arith.constant 0 : i32
        %dma_wait3A_290 = arith.constant 0 : i32
        %dma_wait3A_291 = tpu.memref_slice %arg13[%dma_wait3A_289, %dma_wait3A_290] : memref<10240x128xf32, #tpu.memory_space<vmem_shared>> -> memref<10240x128xf32, #tpu.memory_space<vmem_shared>>
        tpu.wait_indirect_dma semaphore(%arg16 : memref<!tpu.dma_semaphore, #tpu.memory_space<semaphore_mem>>) src(%arg11 : memref<128x128xf32, #tpu.memory_space<vmem>>) dst(%dma_wait3A_291 : memref<10240x128xf32, #tpu.memory_space<vmem_shared>>)
        %dma_start3A_292 = arith.constant 10 : i32
        %dma_start3A_293 = arith.constant 0 : i32
        %dma_start3A_294 = tpu.memref_slice %arg9[%dma_start3A_292, %dma_start3A_293] : memref<16x128xi32, #tpu.memory_space<vmem>> -> memref<1x128xi32, #tpu.memory_space<vmem>>
        %dma_start3A_295 = tpu.memref_squeeze %dma_start3A_294 : memref<1x128xi32, #tpu.memory_space<vmem>> -> memref<128xi32, #tpu.memory_space<vmem>>
        %dma_start3A_296 = arith.constant 0 : i32
        %dma_start3A_297 = arith.constant 0 : i32
        %dma_start3A_298 = tpu.memref_slice %arg2[%dma_start3A_296, %dma_start3A_297] : memref<10000x128xf32, #tpu.memory_space<hbm>> -> memref<10000x128xf32, #tpu.memory_space<hbm>>
        tpu.enqueue_indirect_dma source(%dma_start3A_298 : memref<10000x128xf32, #tpu.memory_space<hbm>>) target(%arg11 : memref<128x128xf32, #tpu.memory_space<vmem>>) offsets(%dma_start3A_295 : memref<128xi32, #tpu.memory_space<vmem>>) semaphore(%arg14 : memref<!tpu.dma_semaphore, #tpu.memory_space<semaphore_mem>>)
        %dma_start3A_299 = arith.constant 9 : i32
        %dma_start3A_300 = arith.constant 0 : i32
        %dma_start3A_301 = tpu.memref_slice %arg10[%dma_start3A_299, %dma_start3A_300] : memref<16x128xi32, #tpu.memory_space<vmem>> -> memref<1x128xi32, #tpu.memory_space<vmem>>
        %dma_start3A_302 = tpu.memref_squeeze %dma_start3A_301 : memref<1x128xi32, #tpu.memory_space<vmem>> -> memref<128xi32, #tpu.memory_space<vmem>>
        %dma_start3A_303 = arith.constant 0 : i32
        %dma_start3A_304 = arith.constant 0 : i32
        %dma_start3A_305 = tpu.memref_slice %arg13[%dma_start3A_303, %dma_start3A_304] : memref<10240x128xf32, #tpu.memory_space<vmem_shared>> -> memref<10240x128xf32, #tpu.memory_space<vmem_shared>>
        tpu.enqueue_indirect_dma source(%arg12 : memref<128x128xf32, #tpu.memory_space<vmem>>) target(%dma_start3A_305 : memref<10240x128xf32, #tpu.memory_space<vmem_shared>>) offsets(%dma_start3A_302 : memref<128xi32, #tpu.memory_space<vmem>>) semaphore(%arg17 : memref<!tpu.dma_semaphore, #tpu.memory_space<semaphore_mem>>) {add = true}
        %dma_wait3A_306 = arith.constant 0 : i32
        %dma_wait3A_307 = arith.constant 0 : i32
        %dma_wait3A_308 = tpu.memref_slice %arg9[%dma_wait3A_306, %dma_wait3A_307] : memref<16x128xi32, #tpu.memory_space<vmem>> -> memref<1x128xi32, #tpu.memory_space<vmem>>
        %dma_wait3A_309 = tpu.memref_squeeze %dma_wait3A_308 : memref<1x128xi32, #tpu.memory_space<vmem>> -> memref<128xi32, #tpu.memory_space<vmem>>
        %dma_wait3A_310 = arith.constant 0 : i32
        %dma_wait3A_311 = arith.constant 0 : i32
        %dma_wait3A_312 = tpu.memref_slice %arg2[%dma_wait3A_310, %dma_wait3A_311] : memref<10000x128xf32, #tpu.memory_space<hbm>> -> memref<10000x128xf32, #tpu.memory_space<hbm>>
        tpu.wait_indirect_dma semaphore(%arg14 : memref<!tpu.dma_semaphore, #tpu.memory_space<semaphore_mem>>) src(%dma_wait3A_312 : memref<10000x128xf32, #tpu.memory_space<hbm>>) dst(%arg11 : memref<128x128xf32, #tpu.memory_space<vmem>>)
        %dma_wait3A_313 = arith.constant 0 : i32
        %dma_wait3A_314 = arith.constant 0 : i32
        %dma_wait3A_315 = tpu.memref_slice %arg10[%dma_wait3A_313, %dma_wait3A_314] : memref<16x128xi32, #tpu.memory_space<vmem>> -> memref<1x128xi32, #tpu.memory_space<vmem>>
        %dma_wait3A_316 = tpu.memref_squeeze %dma_wait3A_315 : memref<1x128xi32, #tpu.memory_space<vmem>> -> memref<128xi32, #tpu.memory_space<vmem>>
        %dma_wait3A_317 = arith.constant 0 : i32
        %dma_wait3A_318 = arith.constant 0 : i32
        %dma_wait3A_319 = tpu.memref_slice %arg13[%dma_wait3A_317, %dma_wait3A_318] : memref<10240x128xf32, #tpu.memory_space<vmem_shared>> -> memref<10240x128xf32, #tpu.memory_space<vmem_shared>>
        tpu.wait_indirect_dma semaphore(%arg17 : memref<!tpu.dma_semaphore, #tpu.memory_space<semaphore_mem>>) src(%arg12 : memref<128x128xf32, #tpu.memory_space<vmem>>) dst(%dma_wait3A_319 : memref<10240x128xf32, #tpu.memory_space<vmem_shared>>)
        %dma_start3A_320 = arith.constant 11 : i32
        %dma_start3A_321 = arith.constant 0 : i32
        %dma_start3A_322 = tpu.memref_slice %arg9[%dma_start3A_320, %dma_start3A_321] : memref<16x128xi32, #tpu.memory_space<vmem>> -> memref<1x128xi32, #tpu.memory_space<vmem>>
        %dma_start3A_323 = tpu.memref_squeeze %dma_start3A_322 : memref<1x128xi32, #tpu.memory_space<vmem>> -> memref<128xi32, #tpu.memory_space<vmem>>
        %dma_start3A_324 = arith.constant 0 : i32
        %dma_start3A_325 = arith.constant 0 : i32
        %dma_start3A_326 = tpu.memref_slice %arg2[%dma_start3A_324, %dma_start3A_325] : memref<10000x128xf32, #tpu.memory_space<hbm>> -> memref<10000x128xf32, #tpu.memory_space<hbm>>
        tpu.enqueue_indirect_dma source(%dma_start3A_326 : memref<10000x128xf32, #tpu.memory_space<hbm>>) target(%arg12 : memref<128x128xf32, #tpu.memory_space<vmem>>) offsets(%dma_start3A_323 : memref<128xi32, #tpu.memory_space<vmem>>) semaphore(%arg15 : memref<!tpu.dma_semaphore, #tpu.memory_space<semaphore_mem>>)
        %dma_start3A_327 = arith.constant 10 : i32
        %dma_start3A_328 = arith.constant 0 : i32
        %dma_start3A_329 = tpu.memref_slice %arg10[%dma_start3A_327, %dma_start3A_328] : memref<16x128xi32, #tpu.memory_space<vmem>> -> memref<1x128xi32, #tpu.memory_space<vmem>>
        %dma_start3A_330 = tpu.memref_squeeze %dma_start3A_329 : memref<1x128xi32, #tpu.memory_space<vmem>> -> memref<128xi32, #tpu.memory_space<vmem>>
        %dma_start3A_331 = arith.constant 0 : i32
        %dma_start3A_332 = arith.constant 0 : i32
        %dma_start3A_333 = tpu.memref_slice %arg13[%dma_start3A_331, %dma_start3A_332] : memref<10240x128xf32, #tpu.memory_space<vmem_shared>> -> memref<10240x128xf32, #tpu.memory_space<vmem_shared>>
        tpu.enqueue_indirect_dma source(%arg11 : memref<128x128xf32, #tpu.memory_space<vmem>>) target(%dma_start3A_333 : memref<10240x128xf32, #tpu.memory_space<vmem_shared>>) offsets(%dma_start3A_330 : memref<128xi32, #tpu.memory_space<vmem>>) semaphore(%arg16 : memref<!tpu.dma_semaphore, #tpu.memory_space<semaphore_mem>>) {add = true}
        %dma_wait3A_334 = arith.constant 0 : i32
        %dma_wait3A_335 = arith.constant 0 : i32
        %dma_wait3A_336 = tpu.memref_slice %arg9[%dma_wait3A_334, %dma_wait3A_335] : memref<16x128xi32, #tpu.memory_space<vmem>> -> memref<1x128xi32, #tpu.memory_space<vmem>>
        %dma_wait3A_337 = tpu.memref_squeeze %dma_wait3A_336 : memref<1x128xi32, #tpu.memory_space<vmem>> -> memref<128xi32, #tpu.memory_space<vmem>>
        %dma_wait3A_338 = arith.constant 0 : i32
        %dma_wait3A_339 = arith.constant 0 : i32
        %dma_wait3A_340 = tpu.memref_slice %arg2[%dma_wait3A_338, %dma_wait3A_339] : memref<10000x128xf32, #tpu.memory_space<hbm>> -> memref<10000x128xf32, #tpu.memory_space<hbm>>
        tpu.wait_indirect_dma semaphore(%arg15 : memref<!tpu.dma_semaphore, #tpu.memory_space<semaphore_mem>>) src(%dma_wait3A_340 : memref<10000x128xf32, #tpu.memory_space<hbm>>) dst(%arg12 : memref<128x128xf32, #tpu.memory_space<vmem>>)
        %dma_wait3A_341 = arith.constant 0 : i32
        %dma_wait3A_342 = arith.constant 0 : i32
        %dma_wait3A_343 = tpu.memref_slice %arg10[%dma_wait3A_341, %dma_wait3A_342] : memref<16x128xi32, #tpu.memory_space<vmem>> -> memref<1x128xi32, #tpu.memory_space<vmem>>
        %dma_wait3A_344 = tpu.memref_squeeze %dma_wait3A_343 : memref<1x128xi32, #tpu.memory_space<vmem>> -> memref<128xi32, #tpu.memory_space<vmem>>
        %dma_wait3A_345 = arith.constant 0 : i32
        %dma_wait3A_346 = arith.constant 0 : i32
        %dma_wait3A_347 = tpu.memref_slice %arg13[%dma_wait3A_345, %dma_wait3A_346] : memref<10240x128xf32, #tpu.memory_space<vmem_shared>> -> memref<10240x128xf32, #tpu.memory_space<vmem_shared>>
        tpu.wait_indirect_dma semaphore(%arg16 : memref<!tpu.dma_semaphore, #tpu.memory_space<semaphore_mem>>) src(%arg11 : memref<128x128xf32, #tpu.memory_space<vmem>>) dst(%dma_wait3A_347 : memref<10240x128xf32, #tpu.memory_space<vmem_shared>>)
        %dma_start3A_348 = arith.constant 12 : i32
        %dma_start3A_349 = arith.constant 0 : i32
        %dma_start3A_350 = tpu.memref_slice %arg9[%dma_start3A_348, %dma_start3A_349] : memref<16x128xi32, #tpu.memory_space<vmem>> -> memref<1x128xi32, #tpu.memory_space<vmem>>
        %dma_start3A_351 = tpu.memref_squeeze %dma_start3A_350 : memref<1x128xi32, #tpu.memory_space<vmem>> -> memref<128xi32, #tpu.memory_space<vmem>>
        %dma_start3A_352 = arith.constant 0 : i32
        %dma_start3A_353 = arith.constant 0 : i32
        %dma_start3A_354 = tpu.memref_slice %arg2[%dma_start3A_352, %dma_start3A_353] : memref<10000x128xf32, #tpu.memory_space<hbm>> -> memref<10000x128xf32, #tpu.memory_space<hbm>>
        tpu.enqueue_indirect_dma source(%dma_start3A_354 : memref<10000x128xf32, #tpu.memory_space<hbm>>) target(%arg11 : memref<128x128xf32, #tpu.memory_space<vmem>>) offsets(%dma_start3A_351 : memref<128xi32, #tpu.memory_space<vmem>>) semaphore(%arg14 : memref<!tpu.dma_semaphore, #tpu.memory_space<semaphore_mem>>)
        %dma_start3A_355 = arith.constant 11 : i32
        %dma_start3A_356 = arith.constant 0 : i32
        %dma_start3A_357 = tpu.memref_slice %arg10[%dma_start3A_355, %dma_start3A_356] : memref<16x128xi32, #tpu.memory_space<vmem>> -> memref<1x128xi32, #tpu.memory_space<vmem>>
        %dma_start3A_358 = tpu.memref_squeeze %dma_start3A_357 : memref<1x128xi32, #tpu.memory_space<vmem>> -> memref<128xi32, #tpu.memory_space<vmem>>
        %dma_start3A_359 = arith.constant 0 : i32
        %dma_start3A_360 = arith.constant 0 : i32
        %dma_start3A_361 = tpu.memref_slice %arg13[%dma_start3A_359, %dma_start3A_360] : memref<10240x128xf32, #tpu.memory_space<vmem_shared>> -> memref<10240x128xf32, #tpu.memory_space<vmem_shared>>
        tpu.enqueue_indirect_dma source(%arg12 : memref<128x128xf32, #tpu.memory_space<vmem>>) target(%dma_start3A_361 : memref<10240x128xf32, #tpu.memory_space<vmem_shared>>) offsets(%dma_start3A_358 : memref<128xi32, #tpu.memory_space<vmem>>) semaphore(%arg17 : memref<!tpu.dma_semaphore, #tpu.memory_space<semaphore_mem>>) {add = true}
        %dma_wait3A_362 = arith.constant 0 : i32
        %dma_wait3A_363 = arith.constant 0 : i32
        %dma_wait3A_364 = tpu.memref_slice %arg9[%dma_wait3A_362, %dma_wait3A_363] : memref<16x128xi32, #tpu.memory_space<vmem>> -> memref<1x128xi32, #tpu.memory_space<vmem>>
        %dma_wait3A_365 = tpu.memref_squeeze %dma_wait3A_364 : memref<1x128xi32, #tpu.memory_space<vmem>> -> memref<128xi32, #tpu.memory_space<vmem>>
        %dma_wait3A_366 = arith.constant 0 : i32
        %dma_wait3A_367 = arith.constant 0 : i32
        %dma_wait3A_368 = tpu.memref_slice %arg2[%dma_wait3A_366, %dma_wait3A_367] : memref<10000x128xf32, #tpu.memory_space<hbm>> -> memref<10000x128xf32, #tpu.memory_space<hbm>>
        tpu.wait_indirect_dma semaphore(%arg14 : memref<!tpu.dma_semaphore, #tpu.memory_space<semaphore_mem>>) src(%dma_wait3A_368 : memref<10000x128xf32, #tpu.memory_space<hbm>>) dst(%arg11 : memref<128x128xf32, #tpu.memory_space<vmem>>)
        %dma_wait3A_369 = arith.constant 0 : i32
        %dma_wait3A_370 = arith.constant 0 : i32
        %dma_wait3A_371 = tpu.memref_slice %arg10[%dma_wait3A_369, %dma_wait3A_370] : memref<16x128xi32, #tpu.memory_space<vmem>> -> memref<1x128xi32, #tpu.memory_space<vmem>>
        %dma_wait3A_372 = tpu.memref_squeeze %dma_wait3A_371 : memref<1x128xi32, #tpu.memory_space<vmem>> -> memref<128xi32, #tpu.memory_space<vmem>>
        %dma_wait3A_373 = arith.constant 0 : i32
        %dma_wait3A_374 = arith.constant 0 : i32
        %dma_wait3A_375 = tpu.memref_slice %arg13[%dma_wait3A_373, %dma_wait3A_374] : memref<10240x128xf32, #tpu.memory_space<vmem_shared>> -> memref<10240x128xf32, #tpu.memory_space<vmem_shared>>
        tpu.wait_indirect_dma semaphore(%arg17 : memref<!tpu.dma_semaphore, #tpu.memory_space<semaphore_mem>>) src(%arg12 : memref<128x128xf32, #tpu.memory_space<vmem>>) dst(%dma_wait3A_375 : memref<10240x128xf32, #tpu.memory_space<vmem_shared>>)
        %dma_start3A_376 = arith.constant 13 : i32
        %dma_start3A_377 = arith.constant 0 : i32
        %dma_start3A_378 = tpu.memref_slice %arg9[%dma_start3A_376, %dma_start3A_377] : memref<16x128xi32, #tpu.memory_space<vmem>> -> memref<1x128xi32, #tpu.memory_space<vmem>>
        %dma_start3A_379 = tpu.memref_squeeze %dma_start3A_378 : memref<1x128xi32, #tpu.memory_space<vmem>> -> memref<128xi32, #tpu.memory_space<vmem>>
        %dma_start3A_380 = arith.constant 0 : i32
        %dma_start3A_381 = arith.constant 0 : i32
        %dma_start3A_382 = tpu.memref_slice %arg2[%dma_start3A_380, %dma_start3A_381] : memref<10000x128xf32, #tpu.memory_space<hbm>> -> memref<10000x128xf32, #tpu.memory_space<hbm>>
        tpu.enqueue_indirect_dma source(%dma_start3A_382 : memref<10000x128xf32, #tpu.memory_space<hbm>>) target(%arg12 : memref<128x128xf32, #tpu.memory_space<vmem>>) offsets(%dma_start3A_379 : memref<128xi32, #tpu.memory_space<vmem>>) semaphore(%arg15 : memref<!tpu.dma_semaphore, #tpu.memory_space<semaphore_mem>>)
        %dma_start3A_383 = arith.constant 12 : i32
        %dma_start3A_384 = arith.constant 0 : i32
        %dma_start3A_385 = tpu.memref_slice %arg10[%dma_start3A_383, %dma_start3A_384] : memref<16x128xi32, #tpu.memory_space<vmem>> -> memref<1x128xi32, #tpu.memory_space<vmem>>
        %dma_start3A_386 = tpu.memref_squeeze %dma_start3A_385 : memref<1x128xi32, #tpu.memory_space<vmem>> -> memref<128xi32, #tpu.memory_space<vmem>>
        %dma_start3A_387 = arith.constant 0 : i32
        %dma_start3A_388 = arith.constant 0 : i32
        %dma_start3A_389 = tpu.memref_slice %arg13[%dma_start3A_387, %dma_start3A_388] : memref<10240x128xf32, #tpu.memory_space<vmem_shared>> -> memref<10240x128xf32, #tpu.memory_space<vmem_shared>>
        tpu.enqueue_indirect_dma source(%arg11 : memref<128x128xf32, #tpu.memory_space<vmem>>) target(%dma_start3A_389 : memref<10240x128xf32, #tpu.memory_space<vmem_shared>>) offsets(%dma_start3A_386 : memref<128xi32, #tpu.memory_space<vmem>>) semaphore(%arg16 : memref<!tpu.dma_semaphore, #tpu.memory_space<semaphore_mem>>) {add = true}
        %dma_wait3A_390 = arith.constant 0 : i32
        %dma_wait3A_391 = arith.constant 0 : i32
        %dma_wait3A_392 = tpu.memref_slice %arg9[%dma_wait3A_390, %dma_wait3A_391] : memref<16x128xi32, #tpu.memory_space<vmem>> -> memref<1x128xi32, #tpu.memory_space<vmem>>
        %dma_wait3A_393 = tpu.memref_squeeze %dma_wait3A_392 : memref<1x128xi32, #tpu.memory_space<vmem>> -> memref<128xi32, #tpu.memory_space<vmem>>
        %dma_wait3A_394 = arith.constant 0 : i32
        %dma_wait3A_395 = arith.constant 0 : i32
        %dma_wait3A_396 = tpu.memref_slice %arg2[%dma_wait3A_394, %dma_wait3A_395] : memref<10000x128xf32, #tpu.memory_space<hbm>> -> memref<10000x128xf32, #tpu.memory_space<hbm>>
        tpu.wait_indirect_dma semaphore(%arg15 : memref<!tpu.dma_semaphore, #tpu.memory_space<semaphore_mem>>) src(%dma_wait3A_396 : memref<10000x128xf32, #tpu.memory_space<hbm>>) dst(%arg12 : memref<128x128xf32, #tpu.memory_space<vmem>>)
        %dma_wait3A_397 = arith.constant 0 : i32
        %dma_wait3A_398 = arith.constant 0 : i32
        %dma_wait3A_399 = tpu.memref_slice %arg10[%dma_wait3A_397, %dma_wait3A_398] : memref<16x128xi32, #tpu.memory_space<vmem>> -> memref<1x128xi32, #tpu.memory_space<vmem>>
        %dma_wait3A_400 = tpu.memref_squeeze %dma_wait3A_399 : memref<1x128xi32, #tpu.memory_space<vmem>> -> memref<128xi32, #tpu.memory_space<vmem>>
        %dma_wait3A_401 = arith.constant 0 : i32
        %dma_wait3A_402 = arith.constant 0 : i32
        %dma_wait3A_403 = tpu.memref_slice %arg13[%dma_wait3A_401, %dma_wait3A_402] : memref<10240x128xf32, #tpu.memory_space<vmem_shared>> -> memref<10240x128xf32, #tpu.memory_space<vmem_shared>>
        tpu.wait_indirect_dma semaphore(%arg16 : memref<!tpu.dma_semaphore, #tpu.memory_space<semaphore_mem>>) src(%arg11 : memref<128x128xf32, #tpu.memory_space<vmem>>) dst(%dma_wait3A_403 : memref<10240x128xf32, #tpu.memory_space<vmem_shared>>)
        %dma_start3A_404 = arith.constant 14 : i32
        %dma_start3A_405 = arith.constant 0 : i32
        %dma_start3A_406 = tpu.memref_slice %arg9[%dma_start3A_404, %dma_start3A_405] : memref<16x128xi32, #tpu.memory_space<vmem>> -> memref<1x128xi32, #tpu.memory_space<vmem>>
        %dma_start3A_407 = tpu.memref_squeeze %dma_start3A_406 : memref<1x128xi32, #tpu.memory_space<vmem>> -> memref<128xi32, #tpu.memory_space<vmem>>
        %dma_start3A_408 = arith.constant 0 : i32
        %dma_start3A_409 = arith.constant 0 : i32
        %dma_start3A_410 = tpu.memref_slice %arg2[%dma_start3A_408, %dma_start3A_409] : memref<10000x128xf32, #tpu.memory_space<hbm>> -> memref<10000x128xf32, #tpu.memory_space<hbm>>
        tpu.enqueue_indirect_dma source(%dma_start3A_410 : memref<10000x128xf32, #tpu.memory_space<hbm>>) target(%arg11 : memref<128x128xf32, #tpu.memory_space<vmem>>) offsets(%dma_start3A_407 : memref<128xi32, #tpu.memory_space<vmem>>) semaphore(%arg14 : memref<!tpu.dma_semaphore, #tpu.memory_space<semaphore_mem>>)
        %dma_start3A_411 = arith.constant 13 : i32
        %dma_start3A_412 = arith.constant 0 : i32
        %dma_start3A_413 = tpu.memref_slice %arg10[%dma_start3A_411, %dma_start3A_412] : memref<16x128xi32, #tpu.memory_space<vmem>> -> memref<1x128xi32, #tpu.memory_space<vmem>>
        %dma_start3A_414 = tpu.memref_squeeze %dma_start3A_413 : memref<1x128xi32, #tpu.memory_space<vmem>> -> memref<128xi32, #tpu.memory_space<vmem>>
        %dma_start3A_415 = arith.constant 0 : i32
        %dma_start3A_416 = arith.constant 0 : i32
        %dma_start3A_417 = tpu.memref_slice %arg13[%dma_start3A_415, %dma_start3A_416] : memref<10240x128xf32, #tpu.memory_space<vmem_shared>> -> memref<10240x128xf32, #tpu.memory_space<vmem_shared>>
        tpu.enqueue_indirect_dma source(%arg12 : memref<128x128xf32, #tpu.memory_space<vmem>>) target(%dma_start3A_417 : memref<10240x128xf32, #tpu.memory_space<vmem_shared>>) offsets(%dma_start3A_414 : memref<128xi32, #tpu.memory_space<vmem>>) semaphore(%arg17 : memref<!tpu.dma_semaphore, #tpu.memory_space<semaphore_mem>>) {add = true}
        %dma_wait3A_418 = arith.constant 0 : i32
        %dma_wait3A_419 = arith.constant 0 : i32
        %dma_wait3A_420 = tpu.memref_slice %arg9[%dma_wait3A_418, %dma_wait3A_419] : memref<16x128xi32, #tpu.memory_space<vmem>> -> memref<1x128xi32, #tpu.memory_space<vmem>>
        %dma_wait3A_421 = tpu.memref_squeeze %dma_wait3A_420 : memref<1x128xi32, #tpu.memory_space<vmem>> -> memref<128xi32, #tpu.memory_space<vmem>>
        %dma_wait3A_422 = arith.constant 0 : i32
        %dma_wait3A_423 = arith.constant 0 : i32
        %dma_wait3A_424 = tpu.memref_slice %arg2[%dma_wait3A_422, %dma_wait3A_423] : memref<10000x128xf32, #tpu.memory_space<hbm>> -> memref<10000x128xf32, #tpu.memory_space<hbm>>
        tpu.wait_indirect_dma semaphore(%arg14 : memref<!tpu.dma_semaphore, #tpu.memory_space<semaphore_mem>>) src(%dma_wait3A_424 : memref<10000x128xf32, #tpu.memory_space<hbm>>) dst(%arg11 : memref<128x128xf32, #tpu.memory_space<vmem>>)
        %dma_wait3A_425 = arith.constant 0 : i32
        %dma_wait3A_426 = arith.constant 0 : i32
        %dma_wait3A_427 = tpu.memref_slice %arg10[%dma_wait3A_425, %dma_wait3A_426] : memref<16x128xi32, #tpu.memory_space<vmem>> -> memref<1x128xi32, #tpu.memory_space<vmem>>
        %dma_wait3A_428 = tpu.memref_squeeze %dma_wait3A_427 : memref<1x128xi32, #tpu.memory_space<vmem>> -> memref<128xi32, #tpu.memory_space<vmem>>
        %dma_wait3A_429 = arith.constant 0 : i32
        %dma_wait3A_430 = arith.constant 0 : i32
        %dma_wait3A_431 = tpu.memref_slice %arg13[%dma_wait3A_429, %dma_wait3A_430] : memref<10240x128xf32, #tpu.memory_space<vmem_shared>> -> memref<10240x128xf32, #tpu.memory_space<vmem_shared>>
        tpu.wait_indirect_dma semaphore(%arg17 : memref<!tpu.dma_semaphore, #tpu.memory_space<semaphore_mem>>) src(%arg12 : memref<128x128xf32, #tpu.memory_space<vmem>>) dst(%dma_wait3A_431 : memref<10240x128xf32, #tpu.memory_space<vmem_shared>>)
        %dma_start3A_432 = arith.constant 15 : i32
        %dma_start3A_433 = arith.constant 0 : i32
        %dma_start3A_434 = tpu.memref_slice %arg9[%dma_start3A_432, %dma_start3A_433] : memref<16x128xi32, #tpu.memory_space<vmem>> -> memref<1x128xi32, #tpu.memory_space<vmem>>
        %dma_start3A_435 = tpu.memref_squeeze %dma_start3A_434 : memref<1x128xi32, #tpu.memory_space<vmem>> -> memref<128xi32, #tpu.memory_space<vmem>>
        %dma_start3A_436 = arith.constant 0 : i32
        %dma_start3A_437 = arith.constant 0 : i32
        %dma_start3A_438 = tpu.memref_slice %arg2[%dma_start3A_436, %dma_start3A_437] : memref<10000x128xf32, #tpu.memory_space<hbm>> -> memref<10000x128xf32, #tpu.memory_space<hbm>>
        tpu.enqueue_indirect_dma source(%dma_start3A_438 : memref<10000x128xf32, #tpu.memory_space<hbm>>) target(%arg12 : memref<128x128xf32, #tpu.memory_space<vmem>>) offsets(%dma_start3A_435 : memref<128xi32, #tpu.memory_space<vmem>>) semaphore(%arg15 : memref<!tpu.dma_semaphore, #tpu.memory_space<semaphore_mem>>)
        %dma_start3A_439 = arith.constant 14 : i32
        %dma_start3A_440 = arith.constant 0 : i32
        %dma_start3A_441 = tpu.memref_slice %arg10[%dma_start3A_439, %dma_start3A_440] : memref<16x128xi32, #tpu.memory_space<vmem>> -> memref<1x128xi32, #tpu.memory_space<vmem>>
        %dma_start3A_442 = tpu.memref_squeeze %dma_start3A_441 : memref<1x128xi32, #tpu.memory_space<vmem>> -> memref<128xi32, #tpu.memory_space<vmem>>
        %dma_start3A_443 = arith.constant 0 : i32
        %dma_start3A_444 = arith.constant 0 : i32
        %dma_start3A_445 = tpu.memref_slice %arg13[%dma_start3A_443, %dma_start3A_444] : memref<10240x128xf32, #tpu.memory_space<vmem_shared>> -> memref<10240x128xf32, #tpu.memory_space<vmem_shared>>
        tpu.enqueue_indirect_dma source(%arg11 : memref<128x128xf32, #tpu.memory_space<vmem>>) target(%dma_start3A_445 : memref<10240x128xf32, #tpu.memory_space<vmem_shared>>) offsets(%dma_start3A_442 : memref<128xi32, #tpu.memory_space<vmem>>) semaphore(%arg16 : memref<!tpu.dma_semaphore, #tpu.memory_space<semaphore_mem>>) {add = true}
        %dma_wait3A_446 = arith.constant 0 : i32
        %dma_wait3A_447 = arith.constant 0 : i32
        %dma_wait3A_448 = tpu.memref_slice %arg9[%dma_wait3A_446, %dma_wait3A_447] : memref<16x128xi32, #tpu.memory_space<vmem>> -> memref<1x128xi32, #tpu.memory_space<vmem>>
        %dma_wait3A_449 = tpu.memref_squeeze %dma_wait3A_448 : memref<1x128xi32, #tpu.memory_space<vmem>> -> memref<128xi32, #tpu.memory_space<vmem>>
        %dma_wait3A_450 = arith.constant 0 : i32
        %dma_wait3A_451 = arith.constant 0 : i32
        %dma_wait3A_452 = tpu.memref_slice %arg2[%dma_wait3A_450, %dma_wait3A_451] : memref<10000x128xf32, #tpu.memory_space<hbm>> -> memref<10000x128xf32, #tpu.memory_space<hbm>>
        tpu.wait_indirect_dma semaphore(%arg15 : memref<!tpu.dma_semaphore, #tpu.memory_space<semaphore_mem>>) src(%dma_wait3A_452 : memref<10000x128xf32, #tpu.memory_space<hbm>>) dst(%arg12 : memref<128x128xf32, #tpu.memory_space<vmem>>)
        %dma_wait3A_453 = arith.constant 0 : i32
        %dma_wait3A_454 = arith.constant 0 : i32
        %dma_wait3A_455 = tpu.memref_slice %arg10[%dma_wait3A_453, %dma_wait3A_454] : memref<16x128xi32, #tpu.memory_space<vmem>> -> memref<1x128xi32, #tpu.memory_space<vmem>>
        %dma_wait3A_456 = tpu.memref_squeeze %dma_wait3A_455 : memref<1x128xi32, #tpu.memory_space<vmem>> -> memref<128xi32, #tpu.memory_space<vmem>>
        %dma_wait3A_457 = arith.constant 0 : i32
        %dma_wait3A_458 = arith.constant 0 : i32
        %dma_wait3A_459 = tpu.memref_slice %arg13[%dma_wait3A_457, %dma_wait3A_458] : memref<10240x128xf32, #tpu.memory_space<vmem_shared>> -> memref<10240x128xf32, #tpu.memory_space<vmem_shared>>
        tpu.wait_indirect_dma semaphore(%arg16 : memref<!tpu.dma_semaphore, #tpu.memory_space<semaphore_mem>>) src(%arg11 : memref<128x128xf32, #tpu.memory_space<vmem>>) dst(%dma_wait3A_459 : memref<10240x128xf32, #tpu.memory_space<vmem_shared>>)
        %dma_start3A_460 = arith.constant 15 : i32
        %dma_start3A_461 = arith.constant 0 : i32
        %dma_start3A_462 = tpu.memref_slice %arg10[%dma_start3A_460, %dma_start3A_461] : memref<16x128xi32, #tpu.memory_space<vmem>> -> memref<1x128xi32, #tpu.memory_space<vmem>>
        %dma_start3A_463 = tpu.memref_squeeze %dma_start3A_462 : memref<1x128xi32, #tpu.memory_space<vmem>> -> memref<128xi32, #tpu.memory_space<vmem>>
        %dma_start3A_464 = arith.constant 0 : i32
        %dma_start3A_465 = arith.constant 0 : i32
        %dma_start3A_466 = tpu.memref_slice %arg13[%dma_start3A_464, %dma_start3A_465] : memref<10240x128xf32, #tpu.memory_space<vmem_shared>> -> memref<10240x128xf32, #tpu.memory_space<vmem_shared>>
        tpu.enqueue_indirect_dma source(%arg12 : memref<128x128xf32, #tpu.memory_space<vmem>>) target(%dma_start3A_466 : memref<10240x128xf32, #tpu.memory_space<vmem_shared>>) offsets(%dma_start3A_463 : memref<128xi32, #tpu.memory_space<vmem>>) semaphore(%arg17 : memref<!tpu.dma_semaphore, #tpu.memory_space<semaphore_mem>>) {add = true}
        %dma_wait3A_467 = arith.constant 0 : i32
        %dma_wait3A_468 = arith.constant 0 : i32
        %dma_wait3A_469 = tpu.memref_slice %arg10[%dma_wait3A_467, %dma_wait3A_468] : memref<16x128xi32, #tpu.memory_space<vmem>> -> memref<1x128xi32, #tpu.memory_space<vmem>>
        %dma_wait3A_470 = tpu.memref_squeeze %dma_wait3A_469 : memref<1x128xi32, #tpu.memory_space<vmem>> -> memref<128xi32, #tpu.memory_space<vmem>>
        %dma_wait3A_471 = arith.constant 0 : i32
        %dma_wait3A_472 = arith.constant 0 : i32
        %dma_wait3A_473 = tpu.memref_slice %arg13[%dma_wait3A_471, %dma_wait3A_472] : memref<10240x128xf32, #tpu.memory_space<vmem_shared>> -> memref<10240x128xf32, #tpu.memory_space<vmem_shared>>
        tpu.wait_indirect_dma semaphore(%arg17 : memref<!tpu.dma_semaphore, #tpu.memory_space<semaphore_mem>>) src(%arg12 : memref<128x128xf32, #tpu.memory_space<vmem>>) dst(%dma_wait3A_473 : memref<10240x128xf32, #tpu.memory_space<vmem_shared>>)
      }
      %scan3A_13 = arith.constant 10 : i32
      %barrier3A_14 = arith.constant 0 : index
      tpu.barrier barrier_id(%barrier3A_14)
      %lt3A = arith.constant 15 : i32
      %lt3A_15 = arith.cmpi slt, %arg1, %lt3A : i32
      %convert_element_type3A_16 = arith.extui %lt3A_15 : i1 to i32
      %cond3A_17 = arith.constant 0 : i32
      %cond3A_18 = arith.cmpi ne, %convert_element_type3A_16, %cond3A_17 : i32
      scf.if %cond3A_18 {
        "tpu.region"() ({
          %run_scoped3A = tpu.sem_alloc : memref<!tpu.dma_semaphore, #tpu.memory_space<semaphore_mem>>
          %dma_start3A = arith.constant 0 : i32
          %dma_start3A_24 = tpu.memref_slice %arg7[%multiple_of3A, %dma_start3A] : memref<10000x128xf32, #tpu.memory_space<hbm>> -> memref<640x128xf32, #tpu.memory_space<hbm>>
          %dma_start3A_25 = arith.constant 0 : i32
          %dma_start3A_26 = tpu.memref_slice %arg13[%multiple_of3A, %dma_start3A_25] : memref<10240x128xf32, #tpu.memory_space<vmem_shared>> -> memref<640x128xf32, #tpu.memory_space<vmem_shared>>
          tpu.enqueue_dma source(%dma_start3A_26 : memref<640x128xf32, #tpu.memory_space<vmem_shared>>) target(%dma_start3A_24 : memref<640x128xf32, #tpu.memory_space<hbm>>) target_semaphore(%run_scoped3A : memref<!tpu.dma_semaphore, #tpu.memory_space<semaphore_mem>>)
          %dma_wait3A = arith.constant 0 : i32
          %dma_wait3A_27 = tpu.memref_slice %arg7[%multiple_of3A, %dma_wait3A] : memref<10000x128xf32, #tpu.memory_space<hbm>> -> memref<640x128xf32, #tpu.memory_space<hbm>>
          %dma_wait3A_28 = arith.constant 0 : i32
          %dma_wait3A_29 = tpu.memref_slice %arg13[%multiple_of3A, %dma_wait3A_28] : memref<10240x128xf32, #tpu.memory_space<vmem_shared>> -> memref<640x128xf32, #tpu.memory_space<vmem_shared>>
          tpu.wait_dma2 semaphore(%run_scoped3A : memref<!tpu.dma_semaphore, #tpu.memory_space<semaphore_mem>>) src(%dma_wait3A_29 : memref<640x128xf32, #tpu.memory_space<vmem_shared>>) dst(%dma_wait3A_27 : memref<640x128xf32, #tpu.memory_space<hbm>>)
          tpu.yield
        }) : () -> ()
      } else {
      }
      %eq3A_19 = arith.constant 15 : i32
      %eq3A_20 = arith.cmpi eq, %arg1, %eq3A_19 : i32
      %convert_element_type3A_21 = arith.extui %eq3A_20 : i1 to i32
      %cond3A_22 = arith.constant 0 : i32
      %cond3A_23 = arith.cmpi ne, %convert_element_type3A_21, %cond3A_22 : i32
      scf.if %cond3A_23 {
        %multiple_of3A_24 = arith.constant 9600 : i32
        %multiple_of3A_25 = tpu.assume_multiple %multiple_of3A_24, 8 : i32
        "tpu.region"() ({
          %run_scoped3A = tpu.sem_alloc : memref<!tpu.dma_semaphore, #tpu.memory_space<semaphore_mem>>
          %dma_start3A = arith.constant 0 : i32
          %dma_start3A_26 = tpu.memref_slice %arg7[%multiple_of3A_25, %dma_start3A] : memref<10000x128xf32, #tpu.memory_space<hbm>> -> memref<400x128xf32, #tpu.memory_space<hbm>>
          %dma_start3A_27 = arith.constant 0 : i32
          %dma_start3A_28 = tpu.memref_slice %arg13[%multiple_of3A_25, %dma_start3A_27] : memref<10240x128xf32, #tpu.memory_space<vmem_shared>> -> memref<400x128xf32, #tpu.memory_space<vmem_shared>>
          tpu.enqueue_dma source(%dma_start3A_28 : memref<400x128xf32, #tpu.memory_space<vmem_shared>>) target(%dma_start3A_26 : memref<400x128xf32, #tpu.memory_space<hbm>>) target_semaphore(%run_scoped3A : memref<!tpu.dma_semaphore, #tpu.memory_space<semaphore_mem>>)
          %dma_wait3A = arith.constant 0 : i32
          %dma_wait3A_29 = tpu.memref_slice %arg7[%multiple_of3A_25, %dma_wait3A] : memref<10000x128xf32, #tpu.memory_space<hbm>> -> memref<400x128xf32, #tpu.memory_space<hbm>>
          %dma_wait3A_30 = arith.constant 0 : i32
          %dma_wait3A_31 = tpu.memref_slice %arg13[%multiple_of3A_25, %dma_wait3A_30] : memref<10240x128xf32, #tpu.memory_space<vmem_shared>> -> memref<400x128xf32, #tpu.memory_space<vmem_shared>>
          tpu.wait_dma2 semaphore(%run_scoped3A : memref<!tpu.dma_semaphore, #tpu.memory_space<semaphore_mem>>) src(%dma_wait3A_31 : memref<400x128xf32, #tpu.memory_space<vmem_shared>>) dst(%dma_wait3A_29 : memref<400x128xf32, #tpu.memory_space<hbm>>)
          tpu.yield
        }) : () -> ()
      } else {
      }
    } else {
    }
    %ne3A = arith.constant 0 : i32
    %ne3A_3 = arith.cmpi ne, %arg0, %ne3A : i32
    %convert_element_type3A_4 = arith.extui %ne3A_3 : i1 to i32
    %cond3A_5 = arith.constant 0 : i32
    %cond3A_6 = arith.cmpi ne, %convert_element_type3A_4, %cond3A_5 : i32
    scf.if %cond3A_6 {
      %mul3A_7 = arith.constant 160 : i32
      %mul3A_8 = arith.muli %arg1, %mul3A_7 : i32
      %scan3A = arith.constant 0 : i32
      %scan3A_9 = arith.constant 0 : i32
      %scan3A_10 = arith.constant 10 : i32
      %scan3A_11 = arith.addi %scan3A_9, %scan3A_10 : i32
      %scan3A_12 = arith.constant 1 : i32
      scf.for %scan3A_24 = %scan3A_9 to %scan3A_11 step %scan3A_12  : i32 {
        %mul3A_25 = arith.constant 16 : i32
        %mul3A_26 = arith.muli %scan3A_24, %mul3A_25 : i32
        %add3A = arith.addi %mul3A_8, %mul3A_26 : i32
        %multiple_of3A_27 = tpu.assume_multiple %add3A, 8 : i32
        "tpu.region"() ({
          %run_scoped3A = tpu.sem_alloc : memref<!tpu.dma_semaphore, #tpu.memory_space<semaphore_mem>>
          %dma_start3A_474 = arith.constant 0 : i32
          %dma_start3A_475 = tpu.memref_slice %arg4[%multiple_of3A_27, %dma_start3A_474] : memref<2560x128xi32, #tpu.memory_space<hbm>> -> memref<16x128xi32, #tpu.memory_space<hbm>>
          %dma_start3A_476 = arith.constant 0 : i32
          %dma_start3A_477 = tpu.memref_slice %arg4[%multiple_of3A_27, %dma_start3A_476] : memref<2560x128xi32, #tpu.memory_space<hbm>> -> memref<16x128xi32, #tpu.memory_space<hbm>>
          tpu.enqueue_dma source(%dma_start3A_477 : memref<16x128xi32, #tpu.memory_space<hbm>>) target(%arg9 : memref<16x128xi32, #tpu.memory_space<vmem>>) target_semaphore(%run_scoped3A : memref<!tpu.dma_semaphore, #tpu.memory_space<semaphore_mem>>)
          %dma_wait3A_478 = arith.constant 0 : i32
          %dma_wait3A_479 = tpu.memref_slice %arg4[%multiple_of3A_27, %dma_wait3A_478] : memref<2560x128xi32, #tpu.memory_space<hbm>> -> memref<16x128xi32, #tpu.memory_space<hbm>>
          %dma_wait3A_480 = arith.constant 0 : i32
          %dma_wait3A_481 = tpu.memref_slice %arg4[%multiple_of3A_27, %dma_wait3A_480] : memref<2560x128xi32, #tpu.memory_space<hbm>> -> memref<16x128xi32, #tpu.memory_space<hbm>>
          tpu.wait_dma2 semaphore(%run_scoped3A : memref<!tpu.dma_semaphore, #tpu.memory_space<semaphore_mem>>) src(%dma_wait3A_481 : memref<16x128xi32, #tpu.memory_space<hbm>>) dst(%arg9 : memref<16x128xi32, #tpu.memory_space<vmem>>)
          tpu.yield
        }) : () -> ()
        "tpu.region"() ({
          %run_scoped3A = tpu.sem_alloc : memref<!tpu.dma_semaphore, #tpu.memory_space<semaphore_mem>>
          %dma_start3A_474 = arith.constant 0 : i32
          %dma_start3A_475 = tpu.memref_slice %arg5[%multiple_of3A_27, %dma_start3A_474] : memref<2560x128xi32, #tpu.memory_space<hbm>> -> memref<16x128xi32, #tpu.memory_space<hbm>>
          %dma_start3A_476 = arith.constant 0 : i32
          %dma_start3A_477 = tpu.memref_slice %arg5[%multiple_of3A_27, %dma_start3A_476] : memref<2560x128xi32, #tpu.memory_space<hbm>> -> memref<16x128xi32, #tpu.memory_space<hbm>>
          tpu.enqueue_dma source(%dma_start3A_477 : memref<16x128xi32, #tpu.memory_space<hbm>>) target(%arg10 : memref<16x128xi32, #tpu.memory_space<vmem>>) target_semaphore(%run_scoped3A : memref<!tpu.dma_semaphore, #tpu.memory_space<semaphore_mem>>)
          %dma_wait3A_478 = arith.constant 0 : i32
          %dma_wait3A_479 = tpu.memref_slice %arg5[%multiple_of3A_27, %dma_wait3A_478] : memref<2560x128xi32, #tpu.memory_space<hbm>> -> memref<16x128xi32, #tpu.memory_space<hbm>>
          %dma_wait3A_480 = arith.constant 0 : i32
          %dma_wait3A_481 = tpu.memref_slice %arg5[%multiple_of3A_27, %dma_wait3A_480] : memref<2560x128xi32, #tpu.memory_space<hbm>> -> memref<16x128xi32, #tpu.memory_space<hbm>>
          tpu.wait_dma2 semaphore(%run_scoped3A : memref<!tpu.dma_semaphore, #tpu.memory_space<semaphore_mem>>) src(%dma_wait3A_481 : memref<16x128xi32, #tpu.memory_space<hbm>>) dst(%arg10 : memref<16x128xi32, #tpu.memory_space<vmem>>)
          tpu.yield
        }) : () -> ()
        %dma_start3A = arith.constant 0 : i32
        %dma_start3A_28 = arith.constant 0 : i32
        %dma_start3A_29 = tpu.memref_slice %arg9[%dma_start3A, %dma_start3A_28] : memref<16x128xi32, #tpu.memory_space<vmem>> -> memref<1x128xi32, #tpu.memory_space<vmem>>
        %dma_start3A_30 = tpu.memref_squeeze %dma_start3A_29 : memref<1x128xi32, #tpu.memory_space<vmem>> -> memref<128xi32, #tpu.memory_space<vmem>>
        %dma_start3A_31 = arith.constant 0 : i32
        %dma_start3A_32 = arith.constant 0 : i32
        %dma_start3A_33 = tpu.memref_slice %arg3[%dma_start3A_31, %dma_start3A_32] : memref<10000x128xf32, #tpu.memory_space<hbm>> -> memref<10000x128xf32, #tpu.memory_space<hbm>>
        tpu.enqueue_indirect_dma source(%dma_start3A_33 : memref<10000x128xf32, #tpu.memory_space<hbm>>) target(%arg11 : memref<128x128xf32, #tpu.memory_space<vmem>>) offsets(%dma_start3A_30 : memref<128xi32, #tpu.memory_space<vmem>>) semaphore(%arg14 : memref<!tpu.dma_semaphore, #tpu.memory_space<semaphore_mem>>)
        %dma_wait3A = arith.constant 0 : i32
        %dma_wait3A_34 = arith.constant 0 : i32
        %dma_wait3A_35 = tpu.memref_slice %arg9[%dma_wait3A, %dma_wait3A_34] : memref<16x128xi32, #tpu.memory_space<vmem>> -> memref<1x128xi32, #tpu.memory_space<vmem>>
        %dma_wait3A_36 = tpu.memref_squeeze %dma_wait3A_35 : memref<1x128xi32, #tpu.memory_space<vmem>> -> memref<128xi32, #tpu.memory_space<vmem>>
        %dma_wait3A_37 = arith.constant 0 : i32
        %dma_wait3A_38 = arith.constant 0 : i32
        %dma_wait3A_39 = tpu.memref_slice %arg3[%dma_wait3A_37, %dma_wait3A_38] : memref<10000x128xf32, #tpu.memory_space<hbm>> -> memref<10000x128xf32, #tpu.memory_space<hbm>>
        tpu.wait_indirect_dma semaphore(%arg14 : memref<!tpu.dma_semaphore, #tpu.memory_space<semaphore_mem>>) src(%dma_wait3A_39 : memref<10000x128xf32, #tpu.memory_space<hbm>>) dst(%arg11 : memref<128x128xf32, #tpu.memory_space<vmem>>)
        %dma_start3A_40 = arith.constant 1 : i32
        %dma_start3A_41 = arith.constant 0 : i32
        %dma_start3A_42 = tpu.memref_slice %arg9[%dma_start3A_40, %dma_start3A_41] : memref<16x128xi32, #tpu.memory_space<vmem>> -> memref<1x128xi32, #tpu.memory_space<vmem>>
        %dma_start3A_43 = tpu.memref_squeeze %dma_start3A_42 : memref<1x128xi32, #tpu.memory_space<vmem>> -> memref<128xi32, #tpu.memory_space<vmem>>
        %dma_start3A_44 = arith.constant 0 : i32
        %dma_start3A_45 = arith.constant 0 : i32
        %dma_start3A_46 = tpu.memref_slice %arg3[%dma_start3A_44, %dma_start3A_45] : memref<10000x128xf32, #tpu.memory_space<hbm>> -> memref<10000x128xf32, #tpu.memory_space<hbm>>
        tpu.enqueue_indirect_dma source(%dma_start3A_46 : memref<10000x128xf32, #tpu.memory_space<hbm>>) target(%arg12 : memref<128x128xf32, #tpu.memory_space<vmem>>) offsets(%dma_start3A_43 : memref<128xi32, #tpu.memory_space<vmem>>) semaphore(%arg15 : memref<!tpu.dma_semaphore, #tpu.memory_space<semaphore_mem>>)
        %dma_start3A_47 = arith.constant 0 : i32
        %dma_start3A_48 = arith.constant 0 : i32
        %dma_start3A_49 = tpu.memref_slice %arg10[%dma_start3A_47, %dma_start3A_48] : memref<16x128xi32, #tpu.memory_space<vmem>> -> memref<1x128xi32, #tpu.memory_space<vmem>>
        %dma_start3A_50 = tpu.memref_squeeze %dma_start3A_49 : memref<1x128xi32, #tpu.memory_space<vmem>> -> memref<128xi32, #tpu.memory_space<vmem>>
        %dma_start3A_51 = arith.constant 0 : i32
        %dma_start3A_52 = arith.constant 0 : i32
        %dma_start3A_53 = tpu.memref_slice %arg13[%dma_start3A_51, %dma_start3A_52] : memref<10240x128xf32, #tpu.memory_space<vmem_shared>> -> memref<10240x128xf32, #tpu.memory_space<vmem_shared>>
        tpu.enqueue_indirect_dma source(%arg11 : memref<128x128xf32, #tpu.memory_space<vmem>>) target(%dma_start3A_53 : memref<10240x128xf32, #tpu.memory_space<vmem_shared>>) offsets(%dma_start3A_50 : memref<128xi32, #tpu.memory_space<vmem>>) semaphore(%arg16 : memref<!tpu.dma_semaphore, #tpu.memory_space<semaphore_mem>>) {add = true}
        %dma_wait3A_54 = arith.constant 0 : i32
        %dma_wait3A_55 = arith.constant 0 : i32
        %dma_wait3A_56 = tpu.memref_slice %arg9[%dma_wait3A_54, %dma_wait3A_55] : memref<16x128xi32, #tpu.memory_space<vmem>> -> memref<1x128xi32, #tpu.memory_space<vmem>>
        %dma_wait3A_57 = tpu.memref_squeeze %dma_wait3A_56 : memref<1x128xi32, #tpu.memory_space<vmem>> -> memref<128xi32, #tpu.memory_space<vmem>>
        %dma_wait3A_58 = arith.constant 0 : i32
        %dma_wait3A_59 = arith.constant 0 : i32
        %dma_wait3A_60 = tpu.memref_slice %arg3[%dma_wait3A_58, %dma_wait3A_59] : memref<10000x128xf32, #tpu.memory_space<hbm>> -> memref<10000x128xf32, #tpu.memory_space<hbm>>
        tpu.wait_indirect_dma semaphore(%arg15 : memref<!tpu.dma_semaphore, #tpu.memory_space<semaphore_mem>>) src(%dma_wait3A_60 : memref<10000x128xf32, #tpu.memory_space<hbm>>) dst(%arg12 : memref<128x128xf32, #tpu.memory_space<vmem>>)
        %dma_wait3A_61 = arith.constant 0 : i32
        %dma_wait3A_62 = arith.constant 0 : i32
        %dma_wait3A_63 = tpu.memref_slice %arg10[%dma_wait3A_61, %dma_wait3A_62] : memref<16x128xi32, #tpu.memory_space<vmem>> -> memref<1x128xi32, #tpu.memory_space<vmem>>
        %dma_wait3A_64 = tpu.memref_squeeze %dma_wait3A_63 : memref<1x128xi32, #tpu.memory_space<vmem>> -> memref<128xi32, #tpu.memory_space<vmem>>
        %dma_wait3A_65 = arith.constant 0 : i32
        %dma_wait3A_66 = arith.constant 0 : i32
        %dma_wait3A_67 = tpu.memref_slice %arg13[%dma_wait3A_65, %dma_wait3A_66] : memref<10240x128xf32, #tpu.memory_space<vmem_shared>> -> memref<10240x128xf32, #tpu.memory_space<vmem_shared>>
        tpu.wait_indirect_dma semaphore(%arg16 : memref<!tpu.dma_semaphore, #tpu.memory_space<semaphore_mem>>) src(%arg11 : memref<128x128xf32, #tpu.memory_space<vmem>>) dst(%dma_wait3A_67 : memref<10240x128xf32, #tpu.memory_space<vmem_shared>>)
        %dma_start3A_68 = arith.constant 2 : i32
        %dma_start3A_69 = arith.constant 0 : i32
        %dma_start3A_70 = tpu.memref_slice %arg9[%dma_start3A_68, %dma_start3A_69] : memref<16x128xi32, #tpu.memory_space<vmem>> -> memref<1x128xi32, #tpu.memory_space<vmem>>
        %dma_start3A_71 = tpu.memref_squeeze %dma_start3A_70 : memref<1x128xi32, #tpu.memory_space<vmem>> -> memref<128xi32, #tpu.memory_space<vmem>>
        %dma_start3A_72 = arith.constant 0 : i32
        %dma_start3A_73 = arith.constant 0 : i32
        %dma_start3A_74 = tpu.memref_slice %arg3[%dma_start3A_72, %dma_start3A_73] : memref<10000x128xf32, #tpu.memory_space<hbm>> -> memref<10000x128xf32, #tpu.memory_space<hbm>>
        tpu.enqueue_indirect_dma source(%dma_start3A_74 : memref<10000x128xf32, #tpu.memory_space<hbm>>) target(%arg11 : memref<128x128xf32, #tpu.memory_space<vmem>>) offsets(%dma_start3A_71 : memref<128xi32, #tpu.memory_space<vmem>>) semaphore(%arg14 : memref<!tpu.dma_semaphore, #tpu.memory_space<semaphore_mem>>)
        %dma_start3A_75 = arith.constant 1 : i32
        %dma_start3A_76 = arith.constant 0 : i32
        %dma_start3A_77 = tpu.memref_slice %arg10[%dma_start3A_75, %dma_start3A_76] : memref<16x128xi32, #tpu.memory_space<vmem>> -> memref<1x128xi32, #tpu.memory_space<vmem>>
        %dma_start3A_78 = tpu.memref_squeeze %dma_start3A_77 : memref<1x128xi32, #tpu.memory_space<vmem>> -> memref<128xi32, #tpu.memory_space<vmem>>
        %dma_start3A_79 = arith.constant 0 : i32
        %dma_start3A_80 = arith.constant 0 : i32
        %dma_start3A_81 = tpu.memref_slice %arg13[%dma_start3A_79, %dma_start3A_80] : memref<10240x128xf32, #tpu.memory_space<vmem_shared>> -> memref<10240x128xf32, #tpu.memory_space<vmem_shared>>
        tpu.enqueue_indirect_dma source(%arg12 : memref<128x128xf32, #tpu.memory_space<vmem>>) target(%dma_start3A_81 : memref<10240x128xf32, #tpu.memory_space<vmem_shared>>) offsets(%dma_start3A_78 : memref<128xi32, #tpu.memory_space<vmem>>) semaphore(%arg17 : memref<!tpu.dma_semaphore, #tpu.memory_space<semaphore_mem>>) {add = true}
        %dma_wait3A_82 = arith.constant 0 : i32
        %dma_wait3A_83 = arith.constant 0 : i32
        %dma_wait3A_84 = tpu.memref_slice %arg9[%dma_wait3A_82, %dma_wait3A_83] : memref<16x128xi32, #tpu.memory_space<vmem>> -> memref<1x128xi32, #tpu.memory_space<vmem>>
        %dma_wait3A_85 = tpu.memref_squeeze %dma_wait3A_84 : memref<1x128xi32, #tpu.memory_space<vmem>> -> memref<128xi32, #tpu.memory_space<vmem>>
        %dma_wait3A_86 = arith.constant 0 : i32
        %dma_wait3A_87 = arith.constant 0 : i32
        %dma_wait3A_88 = tpu.memref_slice %arg3[%dma_wait3A_86, %dma_wait3A_87] : memref<10000x128xf32, #tpu.memory_space<hbm>> -> memref<10000x128xf32, #tpu.memory_space<hbm>>
        tpu.wait_indirect_dma semaphore(%arg14 : memref<!tpu.dma_semaphore, #tpu.memory_space<semaphore_mem>>) src(%dma_wait3A_88 : memref<10000x128xf32, #tpu.memory_space<hbm>>) dst(%arg11 : memref<128x128xf32, #tpu.memory_space<vmem>>)
        %dma_wait3A_89 = arith.constant 0 : i32
        %dma_wait3A_90 = arith.constant 0 : i32
        %dma_wait3A_91 = tpu.memref_slice %arg10[%dma_wait3A_89, %dma_wait3A_90] : memref<16x128xi32, #tpu.memory_space<vmem>> -> memref<1x128xi32, #tpu.memory_space<vmem>>
        %dma_wait3A_92 = tpu.memref_squeeze %dma_wait3A_91 : memref<1x128xi32, #tpu.memory_space<vmem>> -> memref<128xi32, #tpu.memory_space<vmem>>
        %dma_wait3A_93 = arith.constant 0 : i32
        %dma_wait3A_94 = arith.constant 0 : i32
        %dma_wait3A_95 = tpu.memref_slice %arg13[%dma_wait3A_93, %dma_wait3A_94] : memref<10240x128xf32, #tpu.memory_space<vmem_shared>> -> memref<10240x128xf32, #tpu.memory_space<vmem_shared>>
        tpu.wait_indirect_dma semaphore(%arg17 : memref<!tpu.dma_semaphore, #tpu.memory_space<semaphore_mem>>) src(%arg12 : memref<128x128xf32, #tpu.memory_space<vmem>>) dst(%dma_wait3A_95 : memref<10240x128xf32, #tpu.memory_space<vmem_shared>>)
        %dma_start3A_96 = arith.constant 3 : i32
        %dma_start3A_97 = arith.constant 0 : i32
        %dma_start3A_98 = tpu.memref_slice %arg9[%dma_start3A_96, %dma_start3A_97] : memref<16x128xi32, #tpu.memory_space<vmem>> -> memref<1x128xi32, #tpu.memory_space<vmem>>
        %dma_start3A_99 = tpu.memref_squeeze %dma_start3A_98 : memref<1x128xi32, #tpu.memory_space<vmem>> -> memref<128xi32, #tpu.memory_space<vmem>>
        %dma_start3A_100 = arith.constant 0 : i32
        %dma_start3A_101 = arith.constant 0 : i32
        %dma_start3A_102 = tpu.memref_slice %arg3[%dma_start3A_100, %dma_start3A_101] : memref<10000x128xf32, #tpu.memory_space<hbm>> -> memref<10000x128xf32, #tpu.memory_space<hbm>>
        tpu.enqueue_indirect_dma source(%dma_start3A_102 : memref<10000x128xf32, #tpu.memory_space<hbm>>) target(%arg12 : memref<128x128xf32, #tpu.memory_space<vmem>>) offsets(%dma_start3A_99 : memref<128xi32, #tpu.memory_space<vmem>>) semaphore(%arg15 : memref<!tpu.dma_semaphore, #tpu.memory_space<semaphore_mem>>)
        %dma_start3A_103 = arith.constant 2 : i32
        %dma_start3A_104 = arith.constant 0 : i32
        %dma_start3A_105 = tpu.memref_slice %arg10[%dma_start3A_103, %dma_start3A_104] : memref<16x128xi32, #tpu.memory_space<vmem>> -> memref<1x128xi32, #tpu.memory_space<vmem>>
        %dma_start3A_106 = tpu.memref_squeeze %dma_start3A_105 : memref<1x128xi32, #tpu.memory_space<vmem>> -> memref<128xi32, #tpu.memory_space<vmem>>
        %dma_start3A_107 = arith.constant 0 : i32
        %dma_start3A_108 = arith.constant 0 : i32
        %dma_start3A_109 = tpu.memref_slice %arg13[%dma_start3A_107, %dma_start3A_108] : memref<10240x128xf32, #tpu.memory_space<vmem_shared>> -> memref<10240x128xf32, #tpu.memory_space<vmem_shared>>
        tpu.enqueue_indirect_dma source(%arg11 : memref<128x128xf32, #tpu.memory_space<vmem>>) target(%dma_start3A_109 : memref<10240x128xf32, #tpu.memory_space<vmem_shared>>) offsets(%dma_start3A_106 : memref<128xi32, #tpu.memory_space<vmem>>) semaphore(%arg16 : memref<!tpu.dma_semaphore, #tpu.memory_space<semaphore_mem>>) {add = true}
        %dma_wait3A_110 = arith.constant 0 : i32
        %dma_wait3A_111 = arith.constant 0 : i32
        %dma_wait3A_112 = tpu.memref_slice %arg9[%dma_wait3A_110, %dma_wait3A_111] : memref<16x128xi32, #tpu.memory_space<vmem>> -> memref<1x128xi32, #tpu.memory_space<vmem>>
        %dma_wait3A_113 = tpu.memref_squeeze %dma_wait3A_112 : memref<1x128xi32, #tpu.memory_space<vmem>> -> memref<128xi32, #tpu.memory_space<vmem>>
        %dma_wait3A_114 = arith.constant 0 : i32
        %dma_wait3A_115 = arith.constant 0 : i32
        %dma_wait3A_116 = tpu.memref_slice %arg3[%dma_wait3A_114, %dma_wait3A_115] : memref<10000x128xf32, #tpu.memory_space<hbm>> -> memref<10000x128xf32, #tpu.memory_space<hbm>>
        tpu.wait_indirect_dma semaphore(%arg15 : memref<!tpu.dma_semaphore, #tpu.memory_space<semaphore_mem>>) src(%dma_wait3A_116 : memref<10000x128xf32, #tpu.memory_space<hbm>>) dst(%arg12 : memref<128x128xf32, #tpu.memory_space<vmem>>)
        %dma_wait3A_117 = arith.constant 0 : i32
        %dma_wait3A_118 = arith.constant 0 : i32
        %dma_wait3A_119 = tpu.memref_slice %arg10[%dma_wait3A_117, %dma_wait3A_118] : memref<16x128xi32, #tpu.memory_space<vmem>> -> memref<1x128xi32, #tpu.memory_space<vmem>>
        %dma_wait3A_120 = tpu.memref_squeeze %dma_wait3A_119 : memref<1x128xi32, #tpu.memory_space<vmem>> -> memref<128xi32, #tpu.memory_space<vmem>>
        %dma_wait3A_121 = arith.constant 0 : i32
        %dma_wait3A_122 = arith.constant 0 : i32
        %dma_wait3A_123 = tpu.memref_slice %arg13[%dma_wait3A_121, %dma_wait3A_122] : memref<10240x128xf32, #tpu.memory_space<vmem_shared>> -> memref<10240x128xf32, #tpu.memory_space<vmem_shared>>
        tpu.wait_indirect_dma semaphore(%arg16 : memref<!tpu.dma_semaphore, #tpu.memory_space<semaphore_mem>>) src(%arg11 : memref<128x128xf32, #tpu.memory_space<vmem>>) dst(%dma_wait3A_123 : memref<10240x128xf32, #tpu.memory_space<vmem_shared>>)
        %dma_start3A_124 = arith.constant 4 : i32
        %dma_start3A_125 = arith.constant 0 : i32
        %dma_start3A_126 = tpu.memref_slice %arg9[%dma_start3A_124, %dma_start3A_125] : memref<16x128xi32, #tpu.memory_space<vmem>> -> memref<1x128xi32, #tpu.memory_space<vmem>>
        %dma_start3A_127 = tpu.memref_squeeze %dma_start3A_126 : memref<1x128xi32, #tpu.memory_space<vmem>> -> memref<128xi32, #tpu.memory_space<vmem>>
        %dma_start3A_128 = arith.constant 0 : i32
        %dma_start3A_129 = arith.constant 0 : i32
        %dma_start3A_130 = tpu.memref_slice %arg3[%dma_start3A_128, %dma_start3A_129] : memref<10000x128xf32, #tpu.memory_space<hbm>> -> memref<10000x128xf32, #tpu.memory_space<hbm>>
        tpu.enqueue_indirect_dma source(%dma_start3A_130 : memref<10000x128xf32, #tpu.memory_space<hbm>>) target(%arg11 : memref<128x128xf32, #tpu.memory_space<vmem>>) offsets(%dma_start3A_127 : memref<128xi32, #tpu.memory_space<vmem>>) semaphore(%arg14 : memref<!tpu.dma_semaphore, #tpu.memory_space<semaphore_mem>>)
        %dma_start3A_131 = arith.constant 3 : i32
        %dma_start3A_132 = arith.constant 0 : i32
        %dma_start3A_133 = tpu.memref_slice %arg10[%dma_start3A_131, %dma_start3A_132] : memref<16x128xi32, #tpu.memory_space<vmem>> -> memref<1x128xi32, #tpu.memory_space<vmem>>
        %dma_start3A_134 = tpu.memref_squeeze %dma_start3A_133 : memref<1x128xi32, #tpu.memory_space<vmem>> -> memref<128xi32, #tpu.memory_space<vmem>>
        %dma_start3A_135 = arith.constant 0 : i32
        %dma_start3A_136 = arith.constant 0 : i32
        %dma_start3A_137 = tpu.memref_slice %arg13[%dma_start3A_135, %dma_start3A_136] : memref<10240x128xf32, #tpu.memory_space<vmem_shared>> -> memref<10240x128xf32, #tpu.memory_space<vmem_shared>>
        tpu.enqueue_indirect_dma source(%arg12 : memref<128x128xf32, #tpu.memory_space<vmem>>) target(%dma_start3A_137 : memref<10240x128xf32, #tpu.memory_space<vmem_shared>>) offsets(%dma_start3A_134 : memref<128xi32, #tpu.memory_space<vmem>>) semaphore(%arg17 : memref<!tpu.dma_semaphore, #tpu.memory_space<semaphore_mem>>) {add = true}
        %dma_wait3A_138 = arith.constant 0 : i32
        %dma_wait3A_139 = arith.constant 0 : i32
        %dma_wait3A_140 = tpu.memref_slice %arg9[%dma_wait3A_138, %dma_wait3A_139] : memref<16x128xi32, #tpu.memory_space<vmem>> -> memref<1x128xi32, #tpu.memory_space<vmem>>
        %dma_wait3A_141 = tpu.memref_squeeze %dma_wait3A_140 : memref<1x128xi32, #tpu.memory_space<vmem>> -> memref<128xi32, #tpu.memory_space<vmem>>
        %dma_wait3A_142 = arith.constant 0 : i32
        %dma_wait3A_143 = arith.constant 0 : i32
        %dma_wait3A_144 = tpu.memref_slice %arg3[%dma_wait3A_142, %dma_wait3A_143] : memref<10000x128xf32, #tpu.memory_space<hbm>> -> memref<10000x128xf32, #tpu.memory_space<hbm>>
        tpu.wait_indirect_dma semaphore(%arg14 : memref<!tpu.dma_semaphore, #tpu.memory_space<semaphore_mem>>) src(%dma_wait3A_144 : memref<10000x128xf32, #tpu.memory_space<hbm>>) dst(%arg11 : memref<128x128xf32, #tpu.memory_space<vmem>>)
        %dma_wait3A_145 = arith.constant 0 : i32
        %dma_wait3A_146 = arith.constant 0 : i32
        %dma_wait3A_147 = tpu.memref_slice %arg10[%dma_wait3A_145, %dma_wait3A_146] : memref<16x128xi32, #tpu.memory_space<vmem>> -> memref<1x128xi32, #tpu.memory_space<vmem>>
        %dma_wait3A_148 = tpu.memref_squeeze %dma_wait3A_147 : memref<1x128xi32, #tpu.memory_space<vmem>> -> memref<128xi32, #tpu.memory_space<vmem>>
        %dma_wait3A_149 = arith.constant 0 : i32
        %dma_wait3A_150 = arith.constant 0 : i32
        %dma_wait3A_151 = tpu.memref_slice %arg13[%dma_wait3A_149, %dma_wait3A_150] : memref<10240x128xf32, #tpu.memory_space<vmem_shared>> -> memref<10240x128xf32, #tpu.memory_space<vmem_shared>>
        tpu.wait_indirect_dma semaphore(%arg17 : memref<!tpu.dma_semaphore, #tpu.memory_space<semaphore_mem>>) src(%arg12 : memref<128x128xf32, #tpu.memory_space<vmem>>) dst(%dma_wait3A_151 : memref<10240x128xf32, #tpu.memory_space<vmem_shared>>)
        %dma_start3A_152 = arith.constant 5 : i32
        %dma_start3A_153 = arith.constant 0 : i32
        %dma_start3A_154 = tpu.memref_slice %arg9[%dma_start3A_152, %dma_start3A_153] : memref<16x128xi32, #tpu.memory_space<vmem>> -> memref<1x128xi32, #tpu.memory_space<vmem>>
        %dma_start3A_155 = tpu.memref_squeeze %dma_start3A_154 : memref<1x128xi32, #tpu.memory_space<vmem>> -> memref<128xi32, #tpu.memory_space<vmem>>
        %dma_start3A_156 = arith.constant 0 : i32
        %dma_start3A_157 = arith.constant 0 : i32
        %dma_start3A_158 = tpu.memref_slice %arg3[%dma_start3A_156, %dma_start3A_157] : memref<10000x128xf32, #tpu.memory_space<hbm>> -> memref<10000x128xf32, #tpu.memory_space<hbm>>
        tpu.enqueue_indirect_dma source(%dma_start3A_158 : memref<10000x128xf32, #tpu.memory_space<hbm>>) target(%arg12 : memref<128x128xf32, #tpu.memory_space<vmem>>) offsets(%dma_start3A_155 : memref<128xi32, #tpu.memory_space<vmem>>) semaphore(%arg15 : memref<!tpu.dma_semaphore, #tpu.memory_space<semaphore_mem>>)
        %dma_start3A_159 = arith.constant 4 : i32
        %dma_start3A_160 = arith.constant 0 : i32
        %dma_start3A_161 = tpu.memref_slice %arg10[%dma_start3A_159, %dma_start3A_160] : memref<16x128xi32, #tpu.memory_space<vmem>> -> memref<1x128xi32, #tpu.memory_space<vmem>>
        %dma_start3A_162 = tpu.memref_squeeze %dma_start3A_161 : memref<1x128xi32, #tpu.memory_space<vmem>> -> memref<128xi32, #tpu.memory_space<vmem>>
        %dma_start3A_163 = arith.constant 0 : i32
        %dma_start3A_164 = arith.constant 0 : i32
        %dma_start3A_165 = tpu.memref_slice %arg13[%dma_start3A_163, %dma_start3A_164] : memref<10240x128xf32, #tpu.memory_space<vmem_shared>> -> memref<10240x128xf32, #tpu.memory_space<vmem_shared>>
        tpu.enqueue_indirect_dma source(%arg11 : memref<128x128xf32, #tpu.memory_space<vmem>>) target(%dma_start3A_165 : memref<10240x128xf32, #tpu.memory_space<vmem_shared>>) offsets(%dma_start3A_162 : memref<128xi32, #tpu.memory_space<vmem>>) semaphore(%arg16 : memref<!tpu.dma_semaphore, #tpu.memory_space<semaphore_mem>>) {add = true}
        %dma_wait3A_166 = arith.constant 0 : i32
        %dma_wait3A_167 = arith.constant 0 : i32
        %dma_wait3A_168 = tpu.memref_slice %arg9[%dma_wait3A_166, %dma_wait3A_167] : memref<16x128xi32, #tpu.memory_space<vmem>> -> memref<1x128xi32, #tpu.memory_space<vmem>>
        %dma_wait3A_169 = tpu.memref_squeeze %dma_wait3A_168 : memref<1x128xi32, #tpu.memory_space<vmem>> -> memref<128xi32, #tpu.memory_space<vmem>>
        %dma_wait3A_170 = arith.constant 0 : i32
        %dma_wait3A_171 = arith.constant 0 : i32
        %dma_wait3A_172 = tpu.memref_slice %arg3[%dma_wait3A_170, %dma_wait3A_171] : memref<10000x128xf32, #tpu.memory_space<hbm>> -> memref<10000x128xf32, #tpu.memory_space<hbm>>
        tpu.wait_indirect_dma semaphore(%arg15 : memref<!tpu.dma_semaphore, #tpu.memory_space<semaphore_mem>>) src(%dma_wait3A_172 : memref<10000x128xf32, #tpu.memory_space<hbm>>) dst(%arg12 : memref<128x128xf32, #tpu.memory_space<vmem>>)
        %dma_wait3A_173 = arith.constant 0 : i32
        %dma_wait3A_174 = arith.constant 0 : i32
        %dma_wait3A_175 = tpu.memref_slice %arg10[%dma_wait3A_173, %dma_wait3A_174] : memref<16x128xi32, #tpu.memory_space<vmem>> -> memref<1x128xi32, #tpu.memory_space<vmem>>
        %dma_wait3A_176 = tpu.memref_squeeze %dma_wait3A_175 : memref<1x128xi32, #tpu.memory_space<vmem>> -> memref<128xi32, #tpu.memory_space<vmem>>
        %dma_wait3A_177 = arith.constant 0 : i32
        %dma_wait3A_178 = arith.constant 0 : i32
        %dma_wait3A_179 = tpu.memref_slice %arg13[%dma_wait3A_177, %dma_wait3A_178] : memref<10240x128xf32, #tpu.memory_space<vmem_shared>> -> memref<10240x128xf32, #tpu.memory_space<vmem_shared>>
        tpu.wait_indirect_dma semaphore(%arg16 : memref<!tpu.dma_semaphore, #tpu.memory_space<semaphore_mem>>) src(%arg11 : memref<128x128xf32, #tpu.memory_space<vmem>>) dst(%dma_wait3A_179 : memref<10240x128xf32, #tpu.memory_space<vmem_shared>>)
        %dma_start3A_180 = arith.constant 6 : i32
        %dma_start3A_181 = arith.constant 0 : i32
        %dma_start3A_182 = tpu.memref_slice %arg9[%dma_start3A_180, %dma_start3A_181] : memref<16x128xi32, #tpu.memory_space<vmem>> -> memref<1x128xi32, #tpu.memory_space<vmem>>
        %dma_start3A_183 = tpu.memref_squeeze %dma_start3A_182 : memref<1x128xi32, #tpu.memory_space<vmem>> -> memref<128xi32, #tpu.memory_space<vmem>>
        %dma_start3A_184 = arith.constant 0 : i32
        %dma_start3A_185 = arith.constant 0 : i32
        %dma_start3A_186 = tpu.memref_slice %arg3[%dma_start3A_184, %dma_start3A_185] : memref<10000x128xf32, #tpu.memory_space<hbm>> -> memref<10000x128xf32, #tpu.memory_space<hbm>>
        tpu.enqueue_indirect_dma source(%dma_start3A_186 : memref<10000x128xf32, #tpu.memory_space<hbm>>) target(%arg11 : memref<128x128xf32, #tpu.memory_space<vmem>>) offsets(%dma_start3A_183 : memref<128xi32, #tpu.memory_space<vmem>>) semaphore(%arg14 : memref<!tpu.dma_semaphore, #tpu.memory_space<semaphore_mem>>)
        %dma_start3A_187 = arith.constant 5 : i32
        %dma_start3A_188 = arith.constant 0 : i32
        %dma_start3A_189 = tpu.memref_slice %arg10[%dma_start3A_187, %dma_start3A_188] : memref<16x128xi32, #tpu.memory_space<vmem>> -> memref<1x128xi32, #tpu.memory_space<vmem>>
        %dma_start3A_190 = tpu.memref_squeeze %dma_start3A_189 : memref<1x128xi32, #tpu.memory_space<vmem>> -> memref<128xi32, #tpu.memory_space<vmem>>
        %dma_start3A_191 = arith.constant 0 : i32
        %dma_start3A_192 = arith.constant 0 : i32
        %dma_start3A_193 = tpu.memref_slice %arg13[%dma_start3A_191, %dma_start3A_192] : memref<10240x128xf32, #tpu.memory_space<vmem_shared>> -> memref<10240x128xf32, #tpu.memory_space<vmem_shared>>
        tpu.enqueue_indirect_dma source(%arg12 : memref<128x128xf32, #tpu.memory_space<vmem>>) target(%dma_start3A_193 : memref<10240x128xf32, #tpu.memory_space<vmem_shared>>) offsets(%dma_start3A_190 : memref<128xi32, #tpu.memory_space<vmem>>) semaphore(%arg17 : memref<!tpu.dma_semaphore, #tpu.memory_space<semaphore_mem>>) {add = true}
        %dma_wait3A_194 = arith.constant 0 : i32
        %dma_wait3A_195 = arith.constant 0 : i32
        %dma_wait3A_196 = tpu.memref_slice %arg9[%dma_wait3A_194, %dma_wait3A_195] : memref<16x128xi32, #tpu.memory_space<vmem>> -> memref<1x128xi32, #tpu.memory_space<vmem>>
        %dma_wait3A_197 = tpu.memref_squeeze %dma_wait3A_196 : memref<1x128xi32, #tpu.memory_space<vmem>> -> memref<128xi32, #tpu.memory_space<vmem>>
        %dma_wait3A_198 = arith.constant 0 : i32
        %dma_wait3A_199 = arith.constant 0 : i32
        %dma_wait3A_200 = tpu.memref_slice %arg3[%dma_wait3A_198, %dma_wait3A_199] : memref<10000x128xf32, #tpu.memory_space<hbm>> -> memref<10000x128xf32, #tpu.memory_space<hbm>>
        tpu.wait_indirect_dma semaphore(%arg14 : memref<!tpu.dma_semaphore, #tpu.memory_space<semaphore_mem>>) src(%dma_wait3A_200 : memref<10000x128xf32, #tpu.memory_space<hbm>>) dst(%arg11 : memref<128x128xf32, #tpu.memory_space<vmem>>)
        %dma_wait3A_201 = arith.constant 0 : i32
        %dma_wait3A_202 = arith.constant 0 : i32
        %dma_wait3A_203 = tpu.memref_slice %arg10[%dma_wait3A_201, %dma_wait3A_202] : memref<16x128xi32, #tpu.memory_space<vmem>> -> memref<1x128xi32, #tpu.memory_space<vmem>>
        %dma_wait3A_204 = tpu.memref_squeeze %dma_wait3A_203 : memref<1x128xi32, #tpu.memory_space<vmem>> -> memref<128xi32, #tpu.memory_space<vmem>>
        %dma_wait3A_205 = arith.constant 0 : i32
        %dma_wait3A_206 = arith.constant 0 : i32
        %dma_wait3A_207 = tpu.memref_slice %arg13[%dma_wait3A_205, %dma_wait3A_206] : memref<10240x128xf32, #tpu.memory_space<vmem_shared>> -> memref<10240x128xf32, #tpu.memory_space<vmem_shared>>
        tpu.wait_indirect_dma semaphore(%arg17 : memref<!tpu.dma_semaphore, #tpu.memory_space<semaphore_mem>>) src(%arg12 : memref<128x128xf32, #tpu.memory_space<vmem>>) dst(%dma_wait3A_207 : memref<10240x128xf32, #tpu.memory_space<vmem_shared>>)
        %dma_start3A_208 = arith.constant 7 : i32
        %dma_start3A_209 = arith.constant 0 : i32
        %dma_start3A_210 = tpu.memref_slice %arg9[%dma_start3A_208, %dma_start3A_209] : memref<16x128xi32, #tpu.memory_space<vmem>> -> memref<1x128xi32, #tpu.memory_space<vmem>>
        %dma_start3A_211 = tpu.memref_squeeze %dma_start3A_210 : memref<1x128xi32, #tpu.memory_space<vmem>> -> memref<128xi32, #tpu.memory_space<vmem>>
        %dma_start3A_212 = arith.constant 0 : i32
        %dma_start3A_213 = arith.constant 0 : i32
        %dma_start3A_214 = tpu.memref_slice %arg3[%dma_start3A_212, %dma_start3A_213] : memref<10000x128xf32, #tpu.memory_space<hbm>> -> memref<10000x128xf32, #tpu.memory_space<hbm>>
        tpu.enqueue_indirect_dma source(%dma_start3A_214 : memref<10000x128xf32, #tpu.memory_space<hbm>>) target(%arg12 : memref<128x128xf32, #tpu.memory_space<vmem>>) offsets(%dma_start3A_211 : memref<128xi32, #tpu.memory_space<vmem>>) semaphore(%arg15 : memref<!tpu.dma_semaphore, #tpu.memory_space<semaphore_mem>>)
        %dma_start3A_215 = arith.constant 6 : i32
        %dma_start3A_216 = arith.constant 0 : i32
        %dma_start3A_217 = tpu.memref_slice %arg10[%dma_start3A_215, %dma_start3A_216] : memref<16x128xi32, #tpu.memory_space<vmem>> -> memref<1x128xi32, #tpu.memory_space<vmem>>
        %dma_start3A_218 = tpu.memref_squeeze %dma_start3A_217 : memref<1x128xi32, #tpu.memory_space<vmem>> -> memref<128xi32, #tpu.memory_space<vmem>>
        %dma_start3A_219 = arith.constant 0 : i32
        %dma_start3A_220 = arith.constant 0 : i32
        %dma_start3A_221 = tpu.memref_slice %arg13[%dma_start3A_219, %dma_start3A_220] : memref<10240x128xf32, #tpu.memory_space<vmem_shared>> -> memref<10240x128xf32, #tpu.memory_space<vmem_shared>>
        tpu.enqueue_indirect_dma source(%arg11 : memref<128x128xf32, #tpu.memory_space<vmem>>) target(%dma_start3A_221 : memref<10240x128xf32, #tpu.memory_space<vmem_shared>>) offsets(%dma_start3A_218 : memref<128xi32, #tpu.memory_space<vmem>>) semaphore(%arg16 : memref<!tpu.dma_semaphore, #tpu.memory_space<semaphore_mem>>) {add = true}
        %dma_wait3A_222 = arith.constant 0 : i32
        %dma_wait3A_223 = arith.constant 0 : i32
        %dma_wait3A_224 = tpu.memref_slice %arg9[%dma_wait3A_222, %dma_wait3A_223] : memref<16x128xi32, #tpu.memory_space<vmem>> -> memref<1x128xi32, #tpu.memory_space<vmem>>
        %dma_wait3A_225 = tpu.memref_squeeze %dma_wait3A_224 : memref<1x128xi32, #tpu.memory_space<vmem>> -> memref<128xi32, #tpu.memory_space<vmem>>
        %dma_wait3A_226 = arith.constant 0 : i32
        %dma_wait3A_227 = arith.constant 0 : i32
        %dma_wait3A_228 = tpu.memref_slice %arg3[%dma_wait3A_226, %dma_wait3A_227] : memref<10000x128xf32, #tpu.memory_space<hbm>> -> memref<10000x128xf32, #tpu.memory_space<hbm>>
        tpu.wait_indirect_dma semaphore(%arg15 : memref<!tpu.dma_semaphore, #tpu.memory_space<semaphore_mem>>) src(%dma_wait3A_228 : memref<10000x128xf32, #tpu.memory_space<hbm>>) dst(%arg12 : memref<128x128xf32, #tpu.memory_space<vmem>>)
        %dma_wait3A_229 = arith.constant 0 : i32
        %dma_wait3A_230 = arith.constant 0 : i32
        %dma_wait3A_231 = tpu.memref_slice %arg10[%dma_wait3A_229, %dma_wait3A_230] : memref<16x128xi32, #tpu.memory_space<vmem>> -> memref<1x128xi32, #tpu.memory_space<vmem>>
        %dma_wait3A_232 = tpu.memref_squeeze %dma_wait3A_231 : memref<1x128xi32, #tpu.memory_space<vmem>> -> memref<128xi32, #tpu.memory_space<vmem>>
        %dma_wait3A_233 = arith.constant 0 : i32
        %dma_wait3A_234 = arith.constant 0 : i32
        %dma_wait3A_235 = tpu.memref_slice %arg13[%dma_wait3A_233, %dma_wait3A_234] : memref<10240x128xf32, #tpu.memory_space<vmem_shared>> -> memref<10240x128xf32, #tpu.memory_space<vmem_shared>>
        tpu.wait_indirect_dma semaphore(%arg16 : memref<!tpu.dma_semaphore, #tpu.memory_space<semaphore_mem>>) src(%arg11 : memref<128x128xf32, #tpu.memory_space<vmem>>) dst(%dma_wait3A_235 : memref<10240x128xf32, #tpu.memory_space<vmem_shared>>)
        %dma_start3A_236 = arith.constant 8 : i32
        %dma_start3A_237 = arith.constant 0 : i32
        %dma_start3A_238 = tpu.memref_slice %arg9[%dma_start3A_236, %dma_start3A_237] : memref<16x128xi32, #tpu.memory_space<vmem>> -> memref<1x128xi32, #tpu.memory_space<vmem>>
        %dma_start3A_239 = tpu.memref_squeeze %dma_start3A_238 : memref<1x128xi32, #tpu.memory_space<vmem>> -> memref<128xi32, #tpu.memory_space<vmem>>
        %dma_start3A_240 = arith.constant 0 : i32
        %dma_start3A_241 = arith.constant 0 : i32
        %dma_start3A_242 = tpu.memref_slice %arg3[%dma_start3A_240, %dma_start3A_241] : memref<10000x128xf32, #tpu.memory_space<hbm>> -> memref<10000x128xf32, #tpu.memory_space<hbm>>
        tpu.enqueue_indirect_dma source(%dma_start3A_242 : memref<10000x128xf32, #tpu.memory_space<hbm>>) target(%arg11 : memref<128x128xf32, #tpu.memory_space<vmem>>) offsets(%dma_start3A_239 : memref<128xi32, #tpu.memory_space<vmem>>) semaphore(%arg14 : memref<!tpu.dma_semaphore, #tpu.memory_space<semaphore_mem>>)
        %dma_start3A_243 = arith.constant 7 : i32
        %dma_start3A_244 = arith.constant 0 : i32
        %dma_start3A_245 = tpu.memref_slice %arg10[%dma_start3A_243, %dma_start3A_244] : memref<16x128xi32, #tpu.memory_space<vmem>> -> memref<1x128xi32, #tpu.memory_space<vmem>>
        %dma_start3A_246 = tpu.memref_squeeze %dma_start3A_245 : memref<1x128xi32, #tpu.memory_space<vmem>> -> memref<128xi32, #tpu.memory_space<vmem>>
        %dma_start3A_247 = arith.constant 0 : i32
        %dma_start3A_248 = arith.constant 0 : i32
        %dma_start3A_249 = tpu.memref_slice %arg13[%dma_start3A_247, %dma_start3A_248] : memref<10240x128xf32, #tpu.memory_space<vmem_shared>> -> memref<10240x128xf32, #tpu.memory_space<vmem_shared>>
        tpu.enqueue_indirect_dma source(%arg12 : memref<128x128xf32, #tpu.memory_space<vmem>>) target(%dma_start3A_249 : memref<10240x128xf32, #tpu.memory_space<vmem_shared>>) offsets(%dma_start3A_246 : memref<128xi32, #tpu.memory_space<vmem>>) semaphore(%arg17 : memref<!tpu.dma_semaphore, #tpu.memory_space<semaphore_mem>>) {add = true}
        %dma_wait3A_250 = arith.constant 0 : i32
        %dma_wait3A_251 = arith.constant 0 : i32
        %dma_wait3A_252 = tpu.memref_slice %arg9[%dma_wait3A_250, %dma_wait3A_251] : memref<16x128xi32, #tpu.memory_space<vmem>> -> memref<1x128xi32, #tpu.memory_space<vmem>>
        %dma_wait3A_253 = tpu.memref_squeeze %dma_wait3A_252 : memref<1x128xi32, #tpu.memory_space<vmem>> -> memref<128xi32, #tpu.memory_space<vmem>>
        %dma_wait3A_254 = arith.constant 0 : i32
        %dma_wait3A_255 = arith.constant 0 : i32
        %dma_wait3A_256 = tpu.memref_slice %arg3[%dma_wait3A_254, %dma_wait3A_255] : memref<10000x128xf32, #tpu.memory_space<hbm>> -> memref<10000x128xf32, #tpu.memory_space<hbm>>
        tpu.wait_indirect_dma semaphore(%arg14 : memref<!tpu.dma_semaphore, #tpu.memory_space<semaphore_mem>>) src(%dma_wait3A_256 : memref<10000x128xf32, #tpu.memory_space<hbm>>) dst(%arg11 : memref<128x128xf32, #tpu.memory_space<vmem>>)
        %dma_wait3A_257 = arith.constant 0 : i32
        %dma_wait3A_258 = arith.constant 0 : i32
        %dma_wait3A_259 = tpu.memref_slice %arg10[%dma_wait3A_257, %dma_wait3A_258] : memref<16x128xi32, #tpu.memory_space<vmem>> -> memref<1x128xi32, #tpu.memory_space<vmem>>
        %dma_wait3A_260 = tpu.memref_squeeze %dma_wait3A_259 : memref<1x128xi32, #tpu.memory_space<vmem>> -> memref<128xi32, #tpu.memory_space<vmem>>
        %dma_wait3A_261 = arith.constant 0 : i32
        %dma_wait3A_262 = arith.constant 0 : i32
        %dma_wait3A_263 = tpu.memref_slice %arg13[%dma_wait3A_261, %dma_wait3A_262] : memref<10240x128xf32, #tpu.memory_space<vmem_shared>> -> memref<10240x128xf32, #tpu.memory_space<vmem_shared>>
        tpu.wait_indirect_dma semaphore(%arg17 : memref<!tpu.dma_semaphore, #tpu.memory_space<semaphore_mem>>) src(%arg12 : memref<128x128xf32, #tpu.memory_space<vmem>>) dst(%dma_wait3A_263 : memref<10240x128xf32, #tpu.memory_space<vmem_shared>>)
        %dma_start3A_264 = arith.constant 9 : i32
        %dma_start3A_265 = arith.constant 0 : i32
        %dma_start3A_266 = tpu.memref_slice %arg9[%dma_start3A_264, %dma_start3A_265] : memref<16x128xi32, #tpu.memory_space<vmem>> -> memref<1x128xi32, #tpu.memory_space<vmem>>
        %dma_start3A_267 = tpu.memref_squeeze %dma_start3A_266 : memref<1x128xi32, #tpu.memory_space<vmem>> -> memref<128xi32, #tpu.memory_space<vmem>>
        %dma_start3A_268 = arith.constant 0 : i32
        %dma_start3A_269 = arith.constant 0 : i32
        %dma_start3A_270 = tpu.memref_slice %arg3[%dma_start3A_268, %dma_start3A_269] : memref<10000x128xf32, #tpu.memory_space<hbm>> -> memref<10000x128xf32, #tpu.memory_space<hbm>>
        tpu.enqueue_indirect_dma source(%dma_start3A_270 : memref<10000x128xf32, #tpu.memory_space<hbm>>) target(%arg12 : memref<128x128xf32, #tpu.memory_space<vmem>>) offsets(%dma_start3A_267 : memref<128xi32, #tpu.memory_space<vmem>>) semaphore(%arg15 : memref<!tpu.dma_semaphore, #tpu.memory_space<semaphore_mem>>)
        %dma_start3A_271 = arith.constant 8 : i32
        %dma_start3A_272 = arith.constant 0 : i32
        %dma_start3A_273 = tpu.memref_slice %arg10[%dma_start3A_271, %dma_start3A_272] : memref<16x128xi32, #tpu.memory_space<vmem>> -> memref<1x128xi32, #tpu.memory_space<vmem>>
        %dma_start3A_274 = tpu.memref_squeeze %dma_start3A_273 : memref<1x128xi32, #tpu.memory_space<vmem>> -> memref<128xi32, #tpu.memory_space<vmem>>
        %dma_start3A_275 = arith.constant 0 : i32
        %dma_start3A_276 = arith.constant 0 : i32
        %dma_start3A_277 = tpu.memref_slice %arg13[%dma_start3A_275, %dma_start3A_276] : memref<10240x128xf32, #tpu.memory_space<vmem_shared>> -> memref<10240x128xf32, #tpu.memory_space<vmem_shared>>
        tpu.enqueue_indirect_dma source(%arg11 : memref<128x128xf32, #tpu.memory_space<vmem>>) target(%dma_start3A_277 : memref<10240x128xf32, #tpu.memory_space<vmem_shared>>) offsets(%dma_start3A_274 : memref<128xi32, #tpu.memory_space<vmem>>) semaphore(%arg16 : memref<!tpu.dma_semaphore, #tpu.memory_space<semaphore_mem>>) {add = true}
        %dma_wait3A_278 = arith.constant 0 : i32
        %dma_wait3A_279 = arith.constant 0 : i32
        %dma_wait3A_280 = tpu.memref_slice %arg9[%dma_wait3A_278, %dma_wait3A_279] : memref<16x128xi32, #tpu.memory_space<vmem>> -> memref<1x128xi32, #tpu.memory_space<vmem>>
        %dma_wait3A_281 = tpu.memref_squeeze %dma_wait3A_280 : memref<1x128xi32, #tpu.memory_space<vmem>> -> memref<128xi32, #tpu.memory_space<vmem>>
        %dma_wait3A_282 = arith.constant 0 : i32
        %dma_wait3A_283 = arith.constant 0 : i32
        %dma_wait3A_284 = tpu.memref_slice %arg3[%dma_wait3A_282, %dma_wait3A_283] : memref<10000x128xf32, #tpu.memory_space<hbm>> -> memref<10000x128xf32, #tpu.memory_space<hbm>>
        tpu.wait_indirect_dma semaphore(%arg15 : memref<!tpu.dma_semaphore, #tpu.memory_space<semaphore_mem>>) src(%dma_wait3A_284 : memref<10000x128xf32, #tpu.memory_space<hbm>>) dst(%arg12 : memref<128x128xf32, #tpu.memory_space<vmem>>)
        %dma_wait3A_285 = arith.constant 0 : i32
        %dma_wait3A_286 = arith.constant 0 : i32
        %dma_wait3A_287 = tpu.memref_slice %arg10[%dma_wait3A_285, %dma_wait3A_286] : memref<16x128xi32, #tpu.memory_space<vmem>> -> memref<1x128xi32, #tpu.memory_space<vmem>>
        %dma_wait3A_288 = tpu.memref_squeeze %dma_wait3A_287 : memref<1x128xi32, #tpu.memory_space<vmem>> -> memref<128xi32, #tpu.memory_space<vmem>>
        %dma_wait3A_289 = arith.constant 0 : i32
        %dma_wait3A_290 = arith.constant 0 : i32
        %dma_wait3A_291 = tpu.memref_slice %arg13[%dma_wait3A_289, %dma_wait3A_290] : memref<10240x128xf32, #tpu.memory_space<vmem_shared>> -> memref<10240x128xf32, #tpu.memory_space<vmem_shared>>
        tpu.wait_indirect_dma semaphore(%arg16 : memref<!tpu.dma_semaphore, #tpu.memory_space<semaphore_mem>>) src(%arg11 : memref<128x128xf32, #tpu.memory_space<vmem>>) dst(%dma_wait3A_291 : memref<10240x128xf32, #tpu.memory_space<vmem_shared>>)
        %dma_start3A_292 = arith.constant 10 : i32
        %dma_start3A_293 = arith.constant 0 : i32
        %dma_start3A_294 = tpu.memref_slice %arg9[%dma_start3A_292, %dma_start3A_293] : memref<16x128xi32, #tpu.memory_space<vmem>> -> memref<1x128xi32, #tpu.memory_space<vmem>>
        %dma_start3A_295 = tpu.memref_squeeze %dma_start3A_294 : memref<1x128xi32, #tpu.memory_space<vmem>> -> memref<128xi32, #tpu.memory_space<vmem>>
        %dma_start3A_296 = arith.constant 0 : i32
        %dma_start3A_297 = arith.constant 0 : i32
        %dma_start3A_298 = tpu.memref_slice %arg3[%dma_start3A_296, %dma_start3A_297] : memref<10000x128xf32, #tpu.memory_space<hbm>> -> memref<10000x128xf32, #tpu.memory_space<hbm>>
        tpu.enqueue_indirect_dma source(%dma_start3A_298 : memref<10000x128xf32, #tpu.memory_space<hbm>>) target(%arg11 : memref<128x128xf32, #tpu.memory_space<vmem>>) offsets(%dma_start3A_295 : memref<128xi32, #tpu.memory_space<vmem>>) semaphore(%arg14 : memref<!tpu.dma_semaphore, #tpu.memory_space<semaphore_mem>>)
        %dma_start3A_299 = arith.constant 9 : i32
        %dma_start3A_300 = arith.constant 0 : i32
        %dma_start3A_301 = tpu.memref_slice %arg10[%dma_start3A_299, %dma_start3A_300] : memref<16x128xi32, #tpu.memory_space<vmem>> -> memref<1x128xi32, #tpu.memory_space<vmem>>
        %dma_start3A_302 = tpu.memref_squeeze %dma_start3A_301 : memref<1x128xi32, #tpu.memory_space<vmem>> -> memref<128xi32, #tpu.memory_space<vmem>>
        %dma_start3A_303 = arith.constant 0 : i32
        %dma_start3A_304 = arith.constant 0 : i32
        %dma_start3A_305 = tpu.memref_slice %arg13[%dma_start3A_303, %dma_start3A_304] : memref<10240x128xf32, #tpu.memory_space<vmem_shared>> -> memref<10240x128xf32, #tpu.memory_space<vmem_shared>>
        tpu.enqueue_indirect_dma source(%arg12 : memref<128x128xf32, #tpu.memory_space<vmem>>) target(%dma_start3A_305 : memref<10240x128xf32, #tpu.memory_space<vmem_shared>>) offsets(%dma_start3A_302 : memref<128xi32, #tpu.memory_space<vmem>>) semaphore(%arg17 : memref<!tpu.dma_semaphore, #tpu.memory_space<semaphore_mem>>) {add = true}
        %dma_wait3A_306 = arith.constant 0 : i32
        %dma_wait3A_307 = arith.constant 0 : i32
        %dma_wait3A_308 = tpu.memref_slice %arg9[%dma_wait3A_306, %dma_wait3A_307] : memref<16x128xi32, #tpu.memory_space<vmem>> -> memref<1x128xi32, #tpu.memory_space<vmem>>
        %dma_wait3A_309 = tpu.memref_squeeze %dma_wait3A_308 : memref<1x128xi32, #tpu.memory_space<vmem>> -> memref<128xi32, #tpu.memory_space<vmem>>
        %dma_wait3A_310 = arith.constant 0 : i32
        %dma_wait3A_311 = arith.constant 0 : i32
        %dma_wait3A_312 = tpu.memref_slice %arg3[%dma_wait3A_310, %dma_wait3A_311] : memref<10000x128xf32, #tpu.memory_space<hbm>> -> memref<10000x128xf32, #tpu.memory_space<hbm>>
        tpu.wait_indirect_dma semaphore(%arg14 : memref<!tpu.dma_semaphore, #tpu.memory_space<semaphore_mem>>) src(%dma_wait3A_312 : memref<10000x128xf32, #tpu.memory_space<hbm>>) dst(%arg11 : memref<128x128xf32, #tpu.memory_space<vmem>>)
        %dma_wait3A_313 = arith.constant 0 : i32
        %dma_wait3A_314 = arith.constant 0 : i32
        %dma_wait3A_315 = tpu.memref_slice %arg10[%dma_wait3A_313, %dma_wait3A_314] : memref<16x128xi32, #tpu.memory_space<vmem>> -> memref<1x128xi32, #tpu.memory_space<vmem>>
        %dma_wait3A_316 = tpu.memref_squeeze %dma_wait3A_315 : memref<1x128xi32, #tpu.memory_space<vmem>> -> memref<128xi32, #tpu.memory_space<vmem>>
        %dma_wait3A_317 = arith.constant 0 : i32
        %dma_wait3A_318 = arith.constant 0 : i32
        %dma_wait3A_319 = tpu.memref_slice %arg13[%dma_wait3A_317, %dma_wait3A_318] : memref<10240x128xf32, #tpu.memory_space<vmem_shared>> -> memref<10240x128xf32, #tpu.memory_space<vmem_shared>>
        tpu.wait_indirect_dma semaphore(%arg17 : memref<!tpu.dma_semaphore, #tpu.memory_space<semaphore_mem>>) src(%arg12 : memref<128x128xf32, #tpu.memory_space<vmem>>) dst(%dma_wait3A_319 : memref<10240x128xf32, #tpu.memory_space<vmem_shared>>)
        %dma_start3A_320 = arith.constant 11 : i32
        %dma_start3A_321 = arith.constant 0 : i32
        %dma_start3A_322 = tpu.memref_slice %arg9[%dma_start3A_320, %dma_start3A_321] : memref<16x128xi32, #tpu.memory_space<vmem>> -> memref<1x128xi32, #tpu.memory_space<vmem>>
        %dma_start3A_323 = tpu.memref_squeeze %dma_start3A_322 : memref<1x128xi32, #tpu.memory_space<vmem>> -> memref<128xi32, #tpu.memory_space<vmem>>
        %dma_start3A_324 = arith.constant 0 : i32
        %dma_start3A_325 = arith.constant 0 : i32
        %dma_start3A_326 = tpu.memref_slice %arg3[%dma_start3A_324, %dma_start3A_325] : memref<10000x128xf32, #tpu.memory_space<hbm>> -> memref<10000x128xf32, #tpu.memory_space<hbm>>
        tpu.enqueue_indirect_dma source(%dma_start3A_326 : memref<10000x128xf32, #tpu.memory_space<hbm>>) target(%arg12 : memref<128x128xf32, #tpu.memory_space<vmem>>) offsets(%dma_start3A_323 : memref<128xi32, #tpu.memory_space<vmem>>) semaphore(%arg15 : memref<!tpu.dma_semaphore, #tpu.memory_space<semaphore_mem>>)
        %dma_start3A_327 = arith.constant 10 : i32
        %dma_start3A_328 = arith.constant 0 : i32
        %dma_start3A_329 = tpu.memref_slice %arg10[%dma_start3A_327, %dma_start3A_328] : memref<16x128xi32, #tpu.memory_space<vmem>> -> memref<1x128xi32, #tpu.memory_space<vmem>>
        %dma_start3A_330 = tpu.memref_squeeze %dma_start3A_329 : memref<1x128xi32, #tpu.memory_space<vmem>> -> memref<128xi32, #tpu.memory_space<vmem>>
        %dma_start3A_331 = arith.constant 0 : i32
        %dma_start3A_332 = arith.constant 0 : i32
        %dma_start3A_333 = tpu.memref_slice %arg13[%dma_start3A_331, %dma_start3A_332] : memref<10240x128xf32, #tpu.memory_space<vmem_shared>> -> memref<10240x128xf32, #tpu.memory_space<vmem_shared>>
        tpu.enqueue_indirect_dma source(%arg11 : memref<128x128xf32, #tpu.memory_space<vmem>>) target(%dma_start3A_333 : memref<10240x128xf32, #tpu.memory_space<vmem_shared>>) offsets(%dma_start3A_330 : memref<128xi32, #tpu.memory_space<vmem>>) semaphore(%arg16 : memref<!tpu.dma_semaphore, #tpu.memory_space<semaphore_mem>>) {add = true}
        %dma_wait3A_334 = arith.constant 0 : i32
        %dma_wait3A_335 = arith.constant 0 : i32
        %dma_wait3A_336 = tpu.memref_slice %arg9[%dma_wait3A_334, %dma_wait3A_335] : memref<16x128xi32, #tpu.memory_space<vmem>> -> memref<1x128xi32, #tpu.memory_space<vmem>>
        %dma_wait3A_337 = tpu.memref_squeeze %dma_wait3A_336 : memref<1x128xi32, #tpu.memory_space<vmem>> -> memref<128xi32, #tpu.memory_space<vmem>>
        %dma_wait3A_338 = arith.constant 0 : i32
        %dma_wait3A_339 = arith.constant 0 : i32
        %dma_wait3A_340 = tpu.memref_slice %arg3[%dma_wait3A_338, %dma_wait3A_339] : memref<10000x128xf32, #tpu.memory_space<hbm>> -> memref<10000x128xf32, #tpu.memory_space<hbm>>
        tpu.wait_indirect_dma semaphore(%arg15 : memref<!tpu.dma_semaphore, #tpu.memory_space<semaphore_mem>>) src(%dma_wait3A_340 : memref<10000x128xf32, #tpu.memory_space<hbm>>) dst(%arg12 : memref<128x128xf32, #tpu.memory_space<vmem>>)
        %dma_wait3A_341 = arith.constant 0 : i32
        %dma_wait3A_342 = arith.constant 0 : i32
        %dma_wait3A_343 = tpu.memref_slice %arg10[%dma_wait3A_341, %dma_wait3A_342] : memref<16x128xi32, #tpu.memory_space<vmem>> -> memref<1x128xi32, #tpu.memory_space<vmem>>
        %dma_wait3A_344 = tpu.memref_squeeze %dma_wait3A_343 : memref<1x128xi32, #tpu.memory_space<vmem>> -> memref<128xi32, #tpu.memory_space<vmem>>
        %dma_wait3A_345 = arith.constant 0 : i32
        %dma_wait3A_346 = arith.constant 0 : i32
        %dma_wait3A_347 = tpu.memref_slice %arg13[%dma_wait3A_345, %dma_wait3A_346] : memref<10240x128xf32, #tpu.memory_space<vmem_shared>> -> memref<10240x128xf32, #tpu.memory_space<vmem_shared>>
        tpu.wait_indirect_dma semaphore(%arg16 : memref<!tpu.dma_semaphore, #tpu.memory_space<semaphore_mem>>) src(%arg11 : memref<128x128xf32, #tpu.memory_space<vmem>>) dst(%dma_wait3A_347 : memref<10240x128xf32, #tpu.memory_space<vmem_shared>>)
        %dma_start3A_348 = arith.constant 12 : i32
        %dma_start3A_349 = arith.constant 0 : i32
        %dma_start3A_350 = tpu.memref_slice %arg9[%dma_start3A_348, %dma_start3A_349] : memref<16x128xi32, #tpu.memory_space<vmem>> -> memref<1x128xi32, #tpu.memory_space<vmem>>
        %dma_start3A_351 = tpu.memref_squeeze %dma_start3A_350 : memref<1x128xi32, #tpu.memory_space<vmem>> -> memref<128xi32, #tpu.memory_space<vmem>>
        %dma_start3A_352 = arith.constant 0 : i32
        %dma_start3A_353 = arith.constant 0 : i32
        %dma_start3A_354 = tpu.memref_slice %arg3[%dma_start3A_352, %dma_start3A_353] : memref<10000x128xf32, #tpu.memory_space<hbm>> -> memref<10000x128xf32, #tpu.memory_space<hbm>>
        tpu.enqueue_indirect_dma source(%dma_start3A_354 : memref<10000x128xf32, #tpu.memory_space<hbm>>) target(%arg11 : memref<128x128xf32, #tpu.memory_space<vmem>>) offsets(%dma_start3A_351 : memref<128xi32, #tpu.memory_space<vmem>>) semaphore(%arg14 : memref<!tpu.dma_semaphore, #tpu.memory_space<semaphore_mem>>)
        %dma_start3A_355 = arith.constant 11 : i32
        %dma_start3A_356 = arith.constant 0 : i32
        %dma_start3A_357 = tpu.memref_slice %arg10[%dma_start3A_355, %dma_start3A_356] : memref<16x128xi32, #tpu.memory_space<vmem>> -> memref<1x128xi32, #tpu.memory_space<vmem>>
        %dma_start3A_358 = tpu.memref_squeeze %dma_start3A_357 : memref<1x128xi32, #tpu.memory_space<vmem>> -> memref<128xi32, #tpu.memory_space<vmem>>
        %dma_start3A_359 = arith.constant 0 : i32
        %dma_start3A_360 = arith.constant 0 : i32
        %dma_start3A_361 = tpu.memref_slice %arg13[%dma_start3A_359, %dma_start3A_360] : memref<10240x128xf32, #tpu.memory_space<vmem_shared>> -> memref<10240x128xf32, #tpu.memory_space<vmem_shared>>
        tpu.enqueue_indirect_dma source(%arg12 : memref<128x128xf32, #tpu.memory_space<vmem>>) target(%dma_start3A_361 : memref<10240x128xf32, #tpu.memory_space<vmem_shared>>) offsets(%dma_start3A_358 : memref<128xi32, #tpu.memory_space<vmem>>) semaphore(%arg17 : memref<!tpu.dma_semaphore, #tpu.memory_space<semaphore_mem>>) {add = true}
        %dma_wait3A_362 = arith.constant 0 : i32
        %dma_wait3A_363 = arith.constant 0 : i32
        %dma_wait3A_364 = tpu.memref_slice %arg9[%dma_wait3A_362, %dma_wait3A_363] : memref<16x128xi32, #tpu.memory_space<vmem>> -> memref<1x128xi32, #tpu.memory_space<vmem>>
        %dma_wait3A_365 = tpu.memref_squeeze %dma_wait3A_364 : memref<1x128xi32, #tpu.memory_space<vmem>> -> memref<128xi32, #tpu.memory_space<vmem>>
        %dma_wait3A_366 = arith.constant 0 : i32
        %dma_wait3A_367 = arith.constant 0 : i32
        %dma_wait3A_368 = tpu.memref_slice %arg3[%dma_wait3A_366, %dma_wait3A_367] : memref<10000x128xf32, #tpu.memory_space<hbm>> -> memref<10000x128xf32, #tpu.memory_space<hbm>>
        tpu.wait_indirect_dma semaphore(%arg14 : memref<!tpu.dma_semaphore, #tpu.memory_space<semaphore_mem>>) src(%dma_wait3A_368 : memref<10000x128xf32, #tpu.memory_space<hbm>>) dst(%arg11 : memref<128x128xf32, #tpu.memory_space<vmem>>)
        %dma_wait3A_369 = arith.constant 0 : i32
        %dma_wait3A_370 = arith.constant 0 : i32
        %dma_wait3A_371 = tpu.memref_slice %arg10[%dma_wait3A_369, %dma_wait3A_370] : memref<16x128xi32, #tpu.memory_space<vmem>> -> memref<1x128xi32, #tpu.memory_space<vmem>>
        %dma_wait3A_372 = tpu.memref_squeeze %dma_wait3A_371 : memref<1x128xi32, #tpu.memory_space<vmem>> -> memref<128xi32, #tpu.memory_space<vmem>>
        %dma_wait3A_373 = arith.constant 0 : i32
        %dma_wait3A_374 = arith.constant 0 : i32
        %dma_wait3A_375 = tpu.memref_slice %arg13[%dma_wait3A_373, %dma_wait3A_374] : memref<10240x128xf32, #tpu.memory_space<vmem_shared>> -> memref<10240x128xf32, #tpu.memory_space<vmem_shared>>
        tpu.wait_indirect_dma semaphore(%arg17 : memref<!tpu.dma_semaphore, #tpu.memory_space<semaphore_mem>>) src(%arg12 : memref<128x128xf32, #tpu.memory_space<vmem>>) dst(%dma_wait3A_375 : memref<10240x128xf32, #tpu.memory_space<vmem_shared>>)
        %dma_start3A_376 = arith.constant 13 : i32
        %dma_start3A_377 = arith.constant 0 : i32
        %dma_start3A_378 = tpu.memref_slice %arg9[%dma_start3A_376, %dma_start3A_377] : memref<16x128xi32, #tpu.memory_space<vmem>> -> memref<1x128xi32, #tpu.memory_space<vmem>>
        %dma_start3A_379 = tpu.memref_squeeze %dma_start3A_378 : memref<1x128xi32, #tpu.memory_space<vmem>> -> memref<128xi32, #tpu.memory_space<vmem>>
        %dma_start3A_380 = arith.constant 0 : i32
        %dma_start3A_381 = arith.constant 0 : i32
        %dma_start3A_382 = tpu.memref_slice %arg3[%dma_start3A_380, %dma_start3A_381] : memref<10000x128xf32, #tpu.memory_space<hbm>> -> memref<10000x128xf32, #tpu.memory_space<hbm>>
        tpu.enqueue_indirect_dma source(%dma_start3A_382 : memref<10000x128xf32, #tpu.memory_space<hbm>>) target(%arg12 : memref<128x128xf32, #tpu.memory_space<vmem>>) offsets(%dma_start3A_379 : memref<128xi32, #tpu.memory_space<vmem>>) semaphore(%arg15 : memref<!tpu.dma_semaphore, #tpu.memory_space<semaphore_mem>>)
        %dma_start3A_383 = arith.constant 12 : i32
        %dma_start3A_384 = arith.constant 0 : i32
        %dma_start3A_385 = tpu.memref_slice %arg10[%dma_start3A_383, %dma_start3A_384] : memref<16x128xi32, #tpu.memory_space<vmem>> -> memref<1x128xi32, #tpu.memory_space<vmem>>
        %dma_start3A_386 = tpu.memref_squeeze %dma_start3A_385 : memref<1x128xi32, #tpu.memory_space<vmem>> -> memref<128xi32, #tpu.memory_space<vmem>>
        %dma_start3A_387 = arith.constant 0 : i32
        %dma_start3A_388 = arith.constant 0 : i32
        %dma_start3A_389 = tpu.memref_slice %arg13[%dma_start3A_387, %dma_start3A_388] : memref<10240x128xf32, #tpu.memory_space<vmem_shared>> -> memref<10240x128xf32, #tpu.memory_space<vmem_shared>>
        tpu.enqueue_indirect_dma source(%arg11 : memref<128x128xf32, #tpu.memory_space<vmem>>) target(%dma_start3A_389 : memref<10240x128xf32, #tpu.memory_space<vmem_shared>>) offsets(%dma_start3A_386 : memref<128xi32, #tpu.memory_space<vmem>>) semaphore(%arg16 : memref<!tpu.dma_semaphore, #tpu.memory_space<semaphore_mem>>) {add = true}
        %dma_wait3A_390 = arith.constant 0 : i32
        %dma_wait3A_391 = arith.constant 0 : i32
        %dma_wait3A_392 = tpu.memref_slice %arg9[%dma_wait3A_390, %dma_wait3A_391] : memref<16x128xi32, #tpu.memory_space<vmem>> -> memref<1x128xi32, #tpu.memory_space<vmem>>
        %dma_wait3A_393 = tpu.memref_squeeze %dma_wait3A_392 : memref<1x128xi32, #tpu.memory_space<vmem>> -> memref<128xi32, #tpu.memory_space<vmem>>
        %dma_wait3A_394 = arith.constant 0 : i32
        %dma_wait3A_395 = arith.constant 0 : i32
        %dma_wait3A_396 = tpu.memref_slice %arg3[%dma_wait3A_394, %dma_wait3A_395] : memref<10000x128xf32, #tpu.memory_space<hbm>> -> memref<10000x128xf32, #tpu.memory_space<hbm>>
        tpu.wait_indirect_dma semaphore(%arg15 : memref<!tpu.dma_semaphore, #tpu.memory_space<semaphore_mem>>) src(%dma_wait3A_396 : memref<10000x128xf32, #tpu.memory_space<hbm>>) dst(%arg12 : memref<128x128xf32, #tpu.memory_space<vmem>>)
        %dma_wait3A_397 = arith.constant 0 : i32
        %dma_wait3A_398 = arith.constant 0 : i32
        %dma_wait3A_399 = tpu.memref_slice %arg10[%dma_wait3A_397, %dma_wait3A_398] : memref<16x128xi32, #tpu.memory_space<vmem>> -> memref<1x128xi32, #tpu.memory_space<vmem>>
        %dma_wait3A_400 = tpu.memref_squeeze %dma_wait3A_399 : memref<1x128xi32, #tpu.memory_space<vmem>> -> memref<128xi32, #tpu.memory_space<vmem>>
        %dma_wait3A_401 = arith.constant 0 : i32
        %dma_wait3A_402 = arith.constant 0 : i32
        %dma_wait3A_403 = tpu.memref_slice %arg13[%dma_wait3A_401, %dma_wait3A_402] : memref<10240x128xf32, #tpu.memory_space<vmem_shared>> -> memref<10240x128xf32, #tpu.memory_space<vmem_shared>>
        tpu.wait_indirect_dma semaphore(%arg16 : memref<!tpu.dma_semaphore, #tpu.memory_space<semaphore_mem>>) src(%arg11 : memref<128x128xf32, #tpu.memory_space<vmem>>) dst(%dma_wait3A_403 : memref<10240x128xf32, #tpu.memory_space<vmem_shared>>)
        %dma_start3A_404 = arith.constant 14 : i32
        %dma_start3A_405 = arith.constant 0 : i32
        %dma_start3A_406 = tpu.memref_slice %arg9[%dma_start3A_404, %dma_start3A_405] : memref<16x128xi32, #tpu.memory_space<vmem>> -> memref<1x128xi32, #tpu.memory_space<vmem>>
        %dma_start3A_407 = tpu.memref_squeeze %dma_start3A_406 : memref<1x128xi32, #tpu.memory_space<vmem>> -> memref<128xi32, #tpu.memory_space<vmem>>
        %dma_start3A_408 = arith.constant 0 : i32
        %dma_start3A_409 = arith.constant 0 : i32
        %dma_start3A_410 = tpu.memref_slice %arg3[%dma_start3A_408, %dma_start3A_409] : memref<10000x128xf32, #tpu.memory_space<hbm>> -> memref<10000x128xf32, #tpu.memory_space<hbm>>
        tpu.enqueue_indirect_dma source(%dma_start3A_410 : memref<10000x128xf32, #tpu.memory_space<hbm>>) target(%arg11 : memref<128x128xf32, #tpu.memory_space<vmem>>) offsets(%dma_start3A_407 : memref<128xi32, #tpu.memory_space<vmem>>) semaphore(%arg14 : memref<!tpu.dma_semaphore, #tpu.memory_space<semaphore_mem>>)
        %dma_start3A_411 = arith.constant 13 : i32
        %dma_start3A_412 = arith.constant 0 : i32
        %dma_start3A_413 = tpu.memref_slice %arg10[%dma_start3A_411, %dma_start3A_412] : memref<16x128xi32, #tpu.memory_space<vmem>> -> memref<1x128xi32, #tpu.memory_space<vmem>>
        %dma_start3A_414 = tpu.memref_squeeze %dma_start3A_413 : memref<1x128xi32, #tpu.memory_space<vmem>> -> memref<128xi32, #tpu.memory_space<vmem>>
        %dma_start3A_415 = arith.constant 0 : i32
        %dma_start3A_416 = arith.constant 0 : i32
        %dma_start3A_417 = tpu.memref_slice %arg13[%dma_start3A_415, %dma_start3A_416] : memref<10240x128xf32, #tpu.memory_space<vmem_shared>> -> memref<10240x128xf32, #tpu.memory_space<vmem_shared>>
        tpu.enqueue_indirect_dma source(%arg12 : memref<128x128xf32, #tpu.memory_space<vmem>>) target(%dma_start3A_417 : memref<10240x128xf32, #tpu.memory_space<vmem_shared>>) offsets(%dma_start3A_414 : memref<128xi32, #tpu.memory_space<vmem>>) semaphore(%arg17 : memref<!tpu.dma_semaphore, #tpu.memory_space<semaphore_mem>>) {add = true}
        %dma_wait3A_418 = arith.constant 0 : i32
        %dma_wait3A_419 = arith.constant 0 : i32
        %dma_wait3A_420 = tpu.memref_slice %arg9[%dma_wait3A_418, %dma_wait3A_419] : memref<16x128xi32, #tpu.memory_space<vmem>> -> memref<1x128xi32, #tpu.memory_space<vmem>>
        %dma_wait3A_421 = tpu.memref_squeeze %dma_wait3A_420 : memref<1x128xi32, #tpu.memory_space<vmem>> -> memref<128xi32, #tpu.memory_space<vmem>>
        %dma_wait3A_422 = arith.constant 0 : i32
        %dma_wait3A_423 = arith.constant 0 : i32
        %dma_wait3A_424 = tpu.memref_slice %arg3[%dma_wait3A_422, %dma_wait3A_423] : memref<10000x128xf32, #tpu.memory_space<hbm>> -> memref<10000x128xf32, #tpu.memory_space<hbm>>
        tpu.wait_indirect_dma semaphore(%arg14 : memref<!tpu.dma_semaphore, #tpu.memory_space<semaphore_mem>>) src(%dma_wait3A_424 : memref<10000x128xf32, #tpu.memory_space<hbm>>) dst(%arg11 : memref<128x128xf32, #tpu.memory_space<vmem>>)
        %dma_wait3A_425 = arith.constant 0 : i32
        %dma_wait3A_426 = arith.constant 0 : i32
        %dma_wait3A_427 = tpu.memref_slice %arg10[%dma_wait3A_425, %dma_wait3A_426] : memref<16x128xi32, #tpu.memory_space<vmem>> -> memref<1x128xi32, #tpu.memory_space<vmem>>
        %dma_wait3A_428 = tpu.memref_squeeze %dma_wait3A_427 : memref<1x128xi32, #tpu.memory_space<vmem>> -> memref<128xi32, #tpu.memory_space<vmem>>
        %dma_wait3A_429 = arith.constant 0 : i32
        %dma_wait3A_430 = arith.constant 0 : i32
        %dma_wait3A_431 = tpu.memref_slice %arg13[%dma_wait3A_429, %dma_wait3A_430] : memref<10240x128xf32, #tpu.memory_space<vmem_shared>> -> memref<10240x128xf32, #tpu.memory_space<vmem_shared>>
        tpu.wait_indirect_dma semaphore(%arg17 : memref<!tpu.dma_semaphore, #tpu.memory_space<semaphore_mem>>) src(%arg12 : memref<128x128xf32, #tpu.memory_space<vmem>>) dst(%dma_wait3A_431 : memref<10240x128xf32, #tpu.memory_space<vmem_shared>>)
        %dma_start3A_432 = arith.constant 15 : i32
        %dma_start3A_433 = arith.constant 0 : i32
        %dma_start3A_434 = tpu.memref_slice %arg9[%dma_start3A_432, %dma_start3A_433] : memref<16x128xi32, #tpu.memory_space<vmem>> -> memref<1x128xi32, #tpu.memory_space<vmem>>
        %dma_start3A_435 = tpu.memref_squeeze %dma_start3A_434 : memref<1x128xi32, #tpu.memory_space<vmem>> -> memref<128xi32, #tpu.memory_space<vmem>>
        %dma_start3A_436 = arith.constant 0 : i32
        %dma_start3A_437 = arith.constant 0 : i32
        %dma_start3A_438 = tpu.memref_slice %arg3[%dma_start3A_436, %dma_start3A_437] : memref<10000x128xf32, #tpu.memory_space<hbm>> -> memref<10000x128xf32, #tpu.memory_space<hbm>>
        tpu.enqueue_indirect_dma source(%dma_start3A_438 : memref<10000x128xf32, #tpu.memory_space<hbm>>) target(%arg12 : memref<128x128xf32, #tpu.memory_space<vmem>>) offsets(%dma_start3A_435 : memref<128xi32, #tpu.memory_space<vmem>>) semaphore(%arg15 : memref<!tpu.dma_semaphore, #tpu.memory_space<semaphore_mem>>)
        %dma_start3A_439 = arith.constant 14 : i32
        %dma_start3A_440 = arith.constant 0 : i32
        %dma_start3A_441 = tpu.memref_slice %arg10[%dma_start3A_439, %dma_start3A_440] : memref<16x128xi32, #tpu.memory_space<vmem>> -> memref<1x128xi32, #tpu.memory_space<vmem>>
        %dma_start3A_442 = tpu.memref_squeeze %dma_start3A_441 : memref<1x128xi32, #tpu.memory_space<vmem>> -> memref<128xi32, #tpu.memory_space<vmem>>
        %dma_start3A_443 = arith.constant 0 : i32
        %dma_start3A_444 = arith.constant 0 : i32
        %dma_start3A_445 = tpu.memref_slice %arg13[%dma_start3A_443, %dma_start3A_444] : memref<10240x128xf32, #tpu.memory_space<vmem_shared>> -> memref<10240x128xf32, #tpu.memory_space<vmem_shared>>
        tpu.enqueue_indirect_dma source(%arg11 : memref<128x128xf32, #tpu.memory_space<vmem>>) target(%dma_start3A_445 : memref<10240x128xf32, #tpu.memory_space<vmem_shared>>) offsets(%dma_start3A_442 : memref<128xi32, #tpu.memory_space<vmem>>) semaphore(%arg16 : memref<!tpu.dma_semaphore, #tpu.memory_space<semaphore_mem>>) {add = true}
        %dma_wait3A_446 = arith.constant 0 : i32
        %dma_wait3A_447 = arith.constant 0 : i32
        %dma_wait3A_448 = tpu.memref_slice %arg9[%dma_wait3A_446, %dma_wait3A_447] : memref<16x128xi32, #tpu.memory_space<vmem>> -> memref<1x128xi32, #tpu.memory_space<vmem>>
        %dma_wait3A_449 = tpu.memref_squeeze %dma_wait3A_448 : memref<1x128xi32, #tpu.memory_space<vmem>> -> memref<128xi32, #tpu.memory_space<vmem>>
        %dma_wait3A_450 = arith.constant 0 : i32
        %dma_wait3A_451 = arith.constant 0 : i32
        %dma_wait3A_452 = tpu.memref_slice %arg3[%dma_wait3A_450, %dma_wait3A_451] : memref<10000x128xf32, #tpu.memory_space<hbm>> -> memref<10000x128xf32, #tpu.memory_space<hbm>>
        tpu.wait_indirect_dma semaphore(%arg15 : memref<!tpu.dma_semaphore, #tpu.memory_space<semaphore_mem>>) src(%dma_wait3A_452 : memref<10000x128xf32, #tpu.memory_space<hbm>>) dst(%arg12 : memref<128x128xf32, #tpu.memory_space<vmem>>)
        %dma_wait3A_453 = arith.constant 0 : i32
        %dma_wait3A_454 = arith.constant 0 : i32
        %dma_wait3A_455 = tpu.memref_slice %arg10[%dma_wait3A_453, %dma_wait3A_454] : memref<16x128xi32, #tpu.memory_space<vmem>> -> memref<1x128xi32, #tpu.memory_space<vmem>>
        %dma_wait3A_456 = tpu.memref_squeeze %dma_wait3A_455 : memref<1x128xi32, #tpu.memory_space<vmem>> -> memref<128xi32, #tpu.memory_space<vmem>>
        %dma_wait3A_457 = arith.constant 0 : i32
        %dma_wait3A_458 = arith.constant 0 : i32
        %dma_wait3A_459 = tpu.memref_slice %arg13[%dma_wait3A_457, %dma_wait3A_458] : memref<10240x128xf32, #tpu.memory_space<vmem_shared>> -> memref<10240x128xf32, #tpu.memory_space<vmem_shared>>
        tpu.wait_indirect_dma semaphore(%arg16 : memref<!tpu.dma_semaphore, #tpu.memory_space<semaphore_mem>>) src(%arg11 : memref<128x128xf32, #tpu.memory_space<vmem>>) dst(%dma_wait3A_459 : memref<10240x128xf32, #tpu.memory_space<vmem_shared>>)
        %dma_start3A_460 = arith.constant 15 : i32
        %dma_start3A_461 = arith.constant 0 : i32
        %dma_start3A_462 = tpu.memref_slice %arg10[%dma_start3A_460, %dma_start3A_461] : memref<16x128xi32, #tpu.memory_space<vmem>> -> memref<1x128xi32, #tpu.memory_space<vmem>>
        %dma_start3A_463 = tpu.memref_squeeze %dma_start3A_462 : memref<1x128xi32, #tpu.memory_space<vmem>> -> memref<128xi32, #tpu.memory_space<vmem>>
        %dma_start3A_464 = arith.constant 0 : i32
        %dma_start3A_465 = arith.constant 0 : i32
        %dma_start3A_466 = tpu.memref_slice %arg13[%dma_start3A_464, %dma_start3A_465] : memref<10240x128xf32, #tpu.memory_space<vmem_shared>> -> memref<10240x128xf32, #tpu.memory_space<vmem_shared>>
        tpu.enqueue_indirect_dma source(%arg12 : memref<128x128xf32, #tpu.memory_space<vmem>>) target(%dma_start3A_466 : memref<10240x128xf32, #tpu.memory_space<vmem_shared>>) offsets(%dma_start3A_463 : memref<128xi32, #tpu.memory_space<vmem>>) semaphore(%arg17 : memref<!tpu.dma_semaphore, #tpu.memory_space<semaphore_mem>>) {add = true}
        %dma_wait3A_467 = arith.constant 0 : i32
        %dma_wait3A_468 = arith.constant 0 : i32
        %dma_wait3A_469 = tpu.memref_slice %arg10[%dma_wait3A_467, %dma_wait3A_468] : memref<16x128xi32, #tpu.memory_space<vmem>> -> memref<1x128xi32, #tpu.memory_space<vmem>>
        %dma_wait3A_470 = tpu.memref_squeeze %dma_wait3A_469 : memref<1x128xi32, #tpu.memory_space<vmem>> -> memref<128xi32, #tpu.memory_space<vmem>>
        %dma_wait3A_471 = arith.constant 0 : i32
        %dma_wait3A_472 = arith.constant 0 : i32
        %dma_wait3A_473 = tpu.memref_slice %arg13[%dma_wait3A_471, %dma_wait3A_472] : memref<10240x128xf32, #tpu.memory_space<vmem_shared>> -> memref<10240x128xf32, #tpu.memory_space<vmem_shared>>
        tpu.wait_indirect_dma semaphore(%arg17 : memref<!tpu.dma_semaphore, #tpu.memory_space<semaphore_mem>>) src(%arg12 : memref<128x128xf32, #tpu.memory_space<vmem>>) dst(%dma_wait3A_473 : memref<10240x128xf32, #tpu.memory_space<vmem_shared>>)
      }
      %scan3A_13 = arith.constant 10 : i32
      %barrier3A_14 = arith.constant 0 : index
      tpu.barrier barrier_id(%barrier3A_14)
      %lt3A = arith.constant 15 : i32
      %lt3A_15 = arith.cmpi slt, %arg1, %lt3A : i32
      %convert_element_type3A_16 = arith.extui %lt3A_15 : i1 to i32
      %cond3A_17 = arith.constant 0 : i32
      %cond3A_18 = arith.cmpi ne, %convert_element_type3A_16, %cond3A_17 : i32
      scf.if %cond3A_18 {
        "tpu.region"() ({
          %run_scoped3A = tpu.sem_alloc : memref<!tpu.dma_semaphore, #tpu.memory_space<semaphore_mem>>
          %dma_start3A = arith.constant 0 : i32
          %dma_start3A_24 = tpu.memref_slice %arg8[%multiple_of3A, %dma_start3A] : memref<10000x128xf32, #tpu.memory_space<hbm>> -> memref<640x128xf32, #tpu.memory_space<hbm>>
          %dma_start3A_25 = arith.constant 0 : i32
          %dma_start3A_26 = tpu.memref_slice %arg13[%multiple_of3A, %dma_start3A_25] : memref<10240x128xf32, #tpu.memory_space<vmem_shared>> -> memref<640x128xf32, #tpu.memory_space<vmem_shared>>
          tpu.enqueue_dma source(%dma_start3A_26 : memref<640x128xf32, #tpu.memory_space<vmem_shared>>) target(%dma_start3A_24 : memref<640x128xf32, #tpu.memory_space<hbm>>) target_semaphore(%run_scoped3A : memref<!tpu.dma_semaphore, #tpu.memory_space<semaphore_mem>>)
          %dma_wait3A = arith.constant 0 : i32
          %dma_wait3A_27 = tpu.memref_slice %arg8[%multiple_of3A, %dma_wait3A] : memref<10000x128xf32, #tpu.memory_space<hbm>> -> memref<640x128xf32, #tpu.memory_space<hbm>>
          %dma_wait3A_28 = arith.constant 0 : i32
          %dma_wait3A_29 = tpu.memref_slice %arg13[%multiple_of3A, %dma_wait3A_28] : memref<10240x128xf32, #tpu.memory_space<vmem_shared>> -> memref<640x128xf32, #tpu.memory_space<vmem_shared>>
          tpu.wait_dma2 semaphore(%run_scoped3A : memref<!tpu.dma_semaphore, #tpu.memory_space<semaphore_mem>>) src(%dma_wait3A_29 : memref<640x128xf32, #tpu.memory_space<vmem_shared>>) dst(%dma_wait3A_27 : memref<640x128xf32, #tpu.memory_space<hbm>>)
          tpu.yield
        }) : () -> ()
      } else {
      }
      %eq3A_19 = arith.constant 15 : i32
      %eq3A_20 = arith.cmpi eq, %arg1, %eq3A_19 : i32
      %convert_element_type3A_21 = arith.extui %eq3A_20 : i1 to i32
      %cond3A_22 = arith.constant 0 : i32
      %cond3A_23 = arith.cmpi ne, %convert_element_type3A_21, %cond3A_22 : i32
      scf.if %cond3A_23 {
        %multiple_of3A_24 = arith.constant 9600 : i32
        %multiple_of3A_25 = tpu.assume_multiple %multiple_of3A_24, 8 : i32
        "tpu.region"() ({
          %run_scoped3A = tpu.sem_alloc : memref<!tpu.dma_semaphore, #tpu.memory_space<semaphore_mem>>
          %dma_start3A = arith.constant 0 : i32
          %dma_start3A_26 = tpu.memref_slice %arg8[%multiple_of3A_25, %dma_start3A] : memref<10000x128xf32, #tpu.memory_space<hbm>> -> memref<400x128xf32, #tpu.memory_space<hbm>>
          %dma_start3A_27 = arith.constant 0 : i32
          %dma_start3A_28 = tpu.memref_slice %arg13[%multiple_of3A_25, %dma_start3A_27] : memref<10240x128xf32, #tpu.memory_space<vmem_shared>> -> memref<400x128xf32, #tpu.memory_space<vmem_shared>>
          tpu.enqueue_dma source(%dma_start3A_28 : memref<400x128xf32, #tpu.memory_space<vmem_shared>>) target(%dma_start3A_26 : memref<400x128xf32, #tpu.memory_space<hbm>>) target_semaphore(%run_scoped3A : memref<!tpu.dma_semaphore, #tpu.memory_space<semaphore_mem>>)
          %dma_wait3A = arith.constant 0 : i32
          %dma_wait3A_29 = tpu.memref_slice %arg8[%multiple_of3A_25, %dma_wait3A] : memref<10000x128xf32, #tpu.memory_space<hbm>> -> memref<400x128xf32, #tpu.memory_space<hbm>>
          %dma_wait3A_30 = arith.constant 0 : i32
          %dma_wait3A_31 = tpu.memref_slice %arg13[%multiple_of3A_25, %dma_wait3A_30] : memref<10240x128xf32, #tpu.memory_space<vmem_shared>> -> memref<400x128xf32, #tpu.memory_space<vmem_shared>>
          tpu.wait_dma2 semaphore(%run_scoped3A : memref<!tpu.dma_semaphore, #tpu.memory_space<semaphore_mem>>) src(%dma_wait3A_31 : memref<400x128xf32, #tpu.memory_space<vmem_shared>>) dst(%dma_wait3A_29 : memref<400x128xf32, #tpu.memory_space<hbm>>)
          tpu.yield
        }) : () -> ()
      } else {
      }
    } else {
    }
    return
  }
}

#map = affine_map<(d0, d1) -> (0, 0)>
module attributes {stable_mosaic.version = 14 : i64} {
  func.func @scat(%arg0: i32, %arg1: i32, %arg2: memref<10000x128xf32, #tpu.memory_space<hbm>>, %arg3: memref<2560x128xi32, #tpu.memory_space<hbm>>, %arg4: memref<2560x128xi32, #tpu.memory_space<hbm>>, %arg5: memref<10240x128xf32, #tpu.memory_space<hbm>>, %arg6: memref<10000x128xf32, #tpu.memory_space<hbm>>, %arg7: memref<10000x128xf32, #tpu.memory_space<hbm>>, %arg8: memref<16x128xi32, #tpu.memory_space<vmem>>, %arg9: memref<16x128xi32, #tpu.memory_space<vmem>>, %arg10: memref<128x128xf32, #tpu.memory_space<vmem>>, %arg11: memref<128x128xf32, #tpu.memory_space<vmem>>, %arg12: memref<10240x128xf32, #tpu.memory_space<vmem_shared>>, %arg13: memref<!tpu.dma_semaphore, #tpu.memory_space<semaphore_mem>>, %arg14: memref<!tpu.dma_semaphore, #tpu.memory_space<semaphore_mem>>, %arg15: memref<!tpu.dma_semaphore, #tpu.memory_space<semaphore_mem>>, %arg16: memref<!tpu.dma_semaphore, #tpu.memory_space<semaphore_mem>>) attributes {dimension_semantics = [#tpu.dimension_semantics<core_parallel>, #tpu.dimension_semantics<subcore_parallel>], iteration_bounds = array<i64: 2, 16>, scalar_prefetch = 0 : i64, scratch_operands = 9 : i64, tpu.core_type = #tpu.core_type<sc_vector_subcore>, window_params = [{transform_indices = #map}, {transform_indices = #map}, {transform_indices = #map}, {transform_indices = #map}, {transform_indices = #map}, {transform_indices = #map}]} {
    %mul3A = arith.constant 640 : i32
    %mul3A_0 = arith.muli %arg1, %mul3A : i32
    %multiple_of3A = tpu.assume_multiple %mul3A_0, 8 : i32
    "tpu.region"() ({
      %run_scoped3A = tpu.sem_alloc : memref<!tpu.dma_semaphore, #tpu.memory_space<semaphore_mem>>
      %dma_start3A = arith.constant 0 : i32
      %dma_start3A_17 = tpu.memref_slice %arg12[%multiple_of3A, %dma_start3A] : memref<10240x128xf32, #tpu.memory_space<vmem_shared>> -> memref<640x128xf32, #tpu.memory_space<vmem_shared>>
      %dma_start3A_18 = arith.constant 0 : i32
      %dma_start3A_19 = tpu.memref_slice %arg5[%multiple_of3A, %dma_start3A_18] : memref<10240x128xf32, #tpu.memory_space<hbm>> -> memref<640x128xf32, #tpu.memory_space<hbm>>
      tpu.enqueue_dma source(%dma_start3A_19 : memref<640x128xf32, #tpu.memory_space<hbm>>) target(%dma_start3A_17 : memref<640x128xf32, #tpu.memory_space<vmem_shared>>) target_semaphore(%run_scoped3A : memref<!tpu.dma_semaphore, #tpu.memory_space<semaphore_mem>>)
      %dma_wait3A = arith.constant 0 : i32
      %dma_wait3A_20 = tpu.memref_slice %arg12[%multiple_of3A, %dma_wait3A] : memref<10240x128xf32, #tpu.memory_space<vmem_shared>> -> memref<640x128xf32, #tpu.memory_space<vmem_shared>>
      %dma_wait3A_21 = arith.constant 0 : i32
      %dma_wait3A_22 = tpu.memref_slice %arg5[%multiple_of3A, %dma_wait3A_21] : memref<10240x128xf32, #tpu.memory_space<hbm>> -> memref<640x128xf32, #tpu.memory_space<hbm>>
      tpu.wait_dma2 semaphore(%run_scoped3A : memref<!tpu.dma_semaphore, #tpu.memory_space<semaphore_mem>>) src(%dma_wait3A_22 : memref<640x128xf32, #tpu.memory_space<hbm>>) dst(%dma_wait3A_20 : memref<640x128xf32, #tpu.memory_space<vmem_shared>>)
      tpu.yield
    }) : () -> ()
    %barrier3A = arith.constant 0 : index
    tpu.barrier barrier_id(%barrier3A)
    %mul3A_1 = arith.constant 16 : i32
    %mul3A_2 = arith.muli %arg0, %mul3A_1 : i32
    %add3A = arith.addi %mul3A_2, %arg1 : i32
    %mul3A_3 = arith.constant 80 : i32
    %mul3A_4 = arith.muli %add3A, %mul3A_3 : i32
    %scan3A = arith.constant 0 : i32
    %scan3A_5 = arith.constant 0 : i32
    %scan3A_6 = arith.constant 5 : i32
    %scan3A_7 = arith.addi %scan3A_5, %scan3A_6 : i32
    %scan3A_8 = arith.constant 1 : i32
    scf.for %scan3A_17 = %scan3A_5 to %scan3A_7 step %scan3A_8  : i32 {
      %mul3A_18 = arith.constant 16 : i32
      %mul3A_19 = arith.muli %scan3A_17, %mul3A_18 : i32
      %add3A_20 = arith.addi %mul3A_4, %mul3A_19 : i32
      %multiple_of3A_21 = tpu.assume_multiple %add3A_20, 8 : i32
      "tpu.region"() ({
        %run_scoped3A = tpu.sem_alloc : memref<!tpu.dma_semaphore, #tpu.memory_space<semaphore_mem>>
        %dma_start3A_468 = arith.constant 0 : i32
        %dma_start3A_469 = tpu.memref_slice %arg3[%multiple_of3A_21, %dma_start3A_468] : memref<2560x128xi32, #tpu.memory_space<hbm>> -> memref<16x128xi32, #tpu.memory_space<hbm>>
        %dma_start3A_470 = arith.constant 0 : i32
        %dma_start3A_471 = tpu.memref_slice %arg3[%multiple_of3A_21, %dma_start3A_470] : memref<2560x128xi32, #tpu.memory_space<hbm>> -> memref<16x128xi32, #tpu.memory_space<hbm>>
        tpu.enqueue_dma source(%dma_start3A_471 : memref<16x128xi32, #tpu.memory_space<hbm>>) target(%arg8 : memref<16x128xi32, #tpu.memory_space<vmem>>) target_semaphore(%run_scoped3A : memref<!tpu.dma_semaphore, #tpu.memory_space<semaphore_mem>>)
        %dma_wait3A_472 = arith.constant 0 : i32
        %dma_wait3A_473 = tpu.memref_slice %arg3[%multiple_of3A_21, %dma_wait3A_472] : memref<2560x128xi32, #tpu.memory_space<hbm>> -> memref<16x128xi32, #tpu.memory_space<hbm>>
        %dma_wait3A_474 = arith.constant 0 : i32
        %dma_wait3A_475 = tpu.memref_slice %arg3[%multiple_of3A_21, %dma_wait3A_474] : memref<2560x128xi32, #tpu.memory_space<hbm>> -> memref<16x128xi32, #tpu.memory_space<hbm>>
        tpu.wait_dma2 semaphore(%run_scoped3A : memref<!tpu.dma_semaphore, #tpu.memory_space<semaphore_mem>>) src(%dma_wait3A_475 : memref<16x128xi32, #tpu.memory_space<hbm>>) dst(%arg8 : memref<16x128xi32, #tpu.memory_space<vmem>>)
        tpu.yield
      }) : () -> ()
      "tpu.region"() ({
        %run_scoped3A = tpu.sem_alloc : memref<!tpu.dma_semaphore, #tpu.memory_space<semaphore_mem>>
        %dma_start3A_468 = arith.constant 0 : i32
        %dma_start3A_469 = tpu.memref_slice %arg4[%multiple_of3A_21, %dma_start3A_468] : memref<2560x128xi32, #tpu.memory_space<hbm>> -> memref<16x128xi32, #tpu.memory_space<hbm>>
        %dma_start3A_470 = arith.constant 0 : i32
        %dma_start3A_471 = tpu.memref_slice %arg4[%multiple_of3A_21, %dma_start3A_470] : memref<2560x128xi32, #tpu.memory_space<hbm>> -> memref<16x128xi32, #tpu.memory_space<hbm>>
        tpu.enqueue_dma source(%dma_start3A_471 : memref<16x128xi32, #tpu.memory_space<hbm>>) target(%arg9 : memref<16x128xi32, #tpu.memory_space<vmem>>) target_semaphore(%run_scoped3A : memref<!tpu.dma_semaphore, #tpu.memory_space<semaphore_mem>>)
        %dma_wait3A_472 = arith.constant 0 : i32
        %dma_wait3A_473 = tpu.memref_slice %arg4[%multiple_of3A_21, %dma_wait3A_472] : memref<2560x128xi32, #tpu.memory_space<hbm>> -> memref<16x128xi32, #tpu.memory_space<hbm>>
        %dma_wait3A_474 = arith.constant 0 : i32
        %dma_wait3A_475 = tpu.memref_slice %arg4[%multiple_of3A_21, %dma_wait3A_474] : memref<2560x128xi32, #tpu.memory_space<hbm>> -> memref<16x128xi32, #tpu.memory_space<hbm>>
        tpu.wait_dma2 semaphore(%run_scoped3A : memref<!tpu.dma_semaphore, #tpu.memory_space<semaphore_mem>>) src(%dma_wait3A_475 : memref<16x128xi32, #tpu.memory_space<hbm>>) dst(%arg9 : memref<16x128xi32, #tpu.memory_space<vmem>>)
        tpu.yield
      }) : () -> ()
      %dma_start3A = arith.constant 0 : i32
      %dma_start3A_22 = arith.constant 0 : i32
      %dma_start3A_23 = tpu.memref_slice %arg8[%dma_start3A, %dma_start3A_22] : memref<16x128xi32, #tpu.memory_space<vmem>> -> memref<1x128xi32, #tpu.memory_space<vmem>>
      %dma_start3A_24 = tpu.memref_squeeze %dma_start3A_23 : memref<1x128xi32, #tpu.memory_space<vmem>> -> memref<128xi32, #tpu.memory_space<vmem>>
      %dma_start3A_25 = arith.constant 0 : i32
      %dma_start3A_26 = arith.constant 0 : i32
      %dma_start3A_27 = tpu.memref_slice %arg2[%dma_start3A_25, %dma_start3A_26] : memref<10000x128xf32, #tpu.memory_space<hbm>> -> memref<10000x128xf32, #tpu.memory_space<hbm>>
      tpu.enqueue_indirect_dma source(%dma_start3A_27 : memref<10000x128xf32, #tpu.memory_space<hbm>>) target(%arg10 : memref<128x128xf32, #tpu.memory_space<vmem>>) offsets(%dma_start3A_24 : memref<128xi32, #tpu.memory_space<vmem>>) semaphore(%arg13 : memref<!tpu.dma_semaphore, #tpu.memory_space<semaphore_mem>>)
      %dma_wait3A = arith.constant 0 : i32
      %dma_wait3A_28 = arith.constant 0 : i32
      %dma_wait3A_29 = tpu.memref_slice %arg8[%dma_wait3A, %dma_wait3A_28] : memref<16x128xi32, #tpu.memory_space<vmem>> -> memref<1x128xi32, #tpu.memory_space<vmem>>
      %dma_wait3A_30 = tpu.memref_squeeze %dma_wait3A_29 : memref<1x128xi32, #tpu.memory_space<vmem>> -> memref<128xi32, #tpu.memory_space<vmem>>
      %dma_wait3A_31 = arith.constant 0 : i32
      %dma_wait3A_32 = arith.constant 0 : i32
      %dma_wait3A_33 = tpu.memref_slice %arg2[%dma_wait3A_31, %dma_wait3A_32] : memref<10000x128xf32, #tpu.memory_space<hbm>> -> memref<10000x128xf32, #tpu.memory_space<hbm>>
      tpu.wait_indirect_dma semaphore(%arg13 : memref<!tpu.dma_semaphore, #tpu.memory_space<semaphore_mem>>) src(%dma_wait3A_33 : memref<10000x128xf32, #tpu.memory_space<hbm>>) dst(%arg10 : memref<128x128xf32, #tpu.memory_space<vmem>>)
      %dma_start3A_34 = arith.constant 1 : i32
      %dma_start3A_35 = arith.constant 0 : i32
      %dma_start3A_36 = tpu.memref_slice %arg8[%dma_start3A_34, %dma_start3A_35] : memref<16x128xi32, #tpu.memory_space<vmem>> -> memref<1x128xi32, #tpu.memory_space<vmem>>
      %dma_start3A_37 = tpu.memref_squeeze %dma_start3A_36 : memref<1x128xi32, #tpu.memory_space<vmem>> -> memref<128xi32, #tpu.memory_space<vmem>>
      %dma_start3A_38 = arith.constant 0 : i32
      %dma_start3A_39 = arith.constant 0 : i32
      %dma_start3A_40 = tpu.memref_slice %arg2[%dma_start3A_38, %dma_start3A_39] : memref<10000x128xf32, #tpu.memory_space<hbm>> -> memref<10000x128xf32, #tpu.memory_space<hbm>>
      tpu.enqueue_indirect_dma source(%dma_start3A_40 : memref<10000x128xf32, #tpu.memory_space<hbm>>) target(%arg11 : memref<128x128xf32, #tpu.memory_space<vmem>>) offsets(%dma_start3A_37 : memref<128xi32, #tpu.memory_space<vmem>>) semaphore(%arg14 : memref<!tpu.dma_semaphore, #tpu.memory_space<semaphore_mem>>)
      %dma_start3A_41 = arith.constant 0 : i32
      %dma_start3A_42 = arith.constant 0 : i32
      %dma_start3A_43 = tpu.memref_slice %arg9[%dma_start3A_41, %dma_start3A_42] : memref<16x128xi32, #tpu.memory_space<vmem>> -> memref<1x128xi32, #tpu.memory_space<vmem>>
      %dma_start3A_44 = tpu.memref_squeeze %dma_start3A_43 : memref<1x128xi32, #tpu.memory_space<vmem>> -> memref<128xi32, #tpu.memory_space<vmem>>
      %dma_start3A_45 = arith.constant 0 : i32
      %dma_start3A_46 = arith.constant 0 : i32
      %dma_start3A_47 = tpu.memref_slice %arg12[%dma_start3A_45, %dma_start3A_46] : memref<10240x128xf32, #tpu.memory_space<vmem_shared>> -> memref<10240x128xf32, #tpu.memory_space<vmem_shared>>
      tpu.enqueue_indirect_dma source(%arg10 : memref<128x128xf32, #tpu.memory_space<vmem>>) target(%dma_start3A_47 : memref<10240x128xf32, #tpu.memory_space<vmem_shared>>) offsets(%dma_start3A_44 : memref<128xi32, #tpu.memory_space<vmem>>) semaphore(%arg15 : memref<!tpu.dma_semaphore, #tpu.memory_space<semaphore_mem>>) {add = true}
      %dma_wait3A_48 = arith.constant 0 : i32
      %dma_wait3A_49 = arith.constant 0 : i32
      %dma_wait3A_50 = tpu.memref_slice %arg8[%dma_wait3A_48, %dma_wait3A_49] : memref<16x128xi32, #tpu.memory_space<vmem>> -> memref<1x128xi32, #tpu.memory_space<vmem>>
      %dma_wait3A_51 = tpu.memref_squeeze %dma_wait3A_50 : memref<1x128xi32, #tpu.memory_space<vmem>> -> memref<128xi32, #tpu.memory_space<vmem>>
      %dma_wait3A_52 = arith.constant 0 : i32
      %dma_wait3A_53 = arith.constant 0 : i32
      %dma_wait3A_54 = tpu.memref_slice %arg2[%dma_wait3A_52, %dma_wait3A_53] : memref<10000x128xf32, #tpu.memory_space<hbm>> -> memref<10000x128xf32, #tpu.memory_space<hbm>>
      tpu.wait_indirect_dma semaphore(%arg14 : memref<!tpu.dma_semaphore, #tpu.memory_space<semaphore_mem>>) src(%dma_wait3A_54 : memref<10000x128xf32, #tpu.memory_space<hbm>>) dst(%arg11 : memref<128x128xf32, #tpu.memory_space<vmem>>)
      %dma_wait3A_55 = arith.constant 0 : i32
      %dma_wait3A_56 = arith.constant 0 : i32
      %dma_wait3A_57 = tpu.memref_slice %arg9[%dma_wait3A_55, %dma_wait3A_56] : memref<16x128xi32, #tpu.memory_space<vmem>> -> memref<1x128xi32, #tpu.memory_space<vmem>>
      %dma_wait3A_58 = tpu.memref_squeeze %dma_wait3A_57 : memref<1x128xi32, #tpu.memory_space<vmem>> -> memref<128xi32, #tpu.memory_space<vmem>>
      %dma_wait3A_59 = arith.constant 0 : i32
      %dma_wait3A_60 = arith.constant 0 : i32
      %dma_wait3A_61 = tpu.memref_slice %arg12[%dma_wait3A_59, %dma_wait3A_60] : memref<10240x128xf32, #tpu.memory_space<vmem_shared>> -> memref<10240x128xf32, #tpu.memory_space<vmem_shared>>
      tpu.wait_indirect_dma semaphore(%arg15 : memref<!tpu.dma_semaphore, #tpu.memory_space<semaphore_mem>>) src(%arg10 : memref<128x128xf32, #tpu.memory_space<vmem>>) dst(%dma_wait3A_61 : memref<10240x128xf32, #tpu.memory_space<vmem_shared>>)
      %dma_start3A_62 = arith.constant 2 : i32
      %dma_start3A_63 = arith.constant 0 : i32
      %dma_start3A_64 = tpu.memref_slice %arg8[%dma_start3A_62, %dma_start3A_63] : memref<16x128xi32, #tpu.memory_space<vmem>> -> memref<1x128xi32, #tpu.memory_space<vmem>>
      %dma_start3A_65 = tpu.memref_squeeze %dma_start3A_64 : memref<1x128xi32, #tpu.memory_space<vmem>> -> memref<128xi32, #tpu.memory_space<vmem>>
      %dma_start3A_66 = arith.constant 0 : i32
      %dma_start3A_67 = arith.constant 0 : i32
      %dma_start3A_68 = tpu.memref_slice %arg2[%dma_start3A_66, %dma_start3A_67] : memref<10000x128xf32, #tpu.memory_space<hbm>> -> memref<10000x128xf32, #tpu.memory_space<hbm>>
      tpu.enqueue_indirect_dma source(%dma_start3A_68 : memref<10000x128xf32, #tpu.memory_space<hbm>>) target(%arg10 : memref<128x128xf32, #tpu.memory_space<vmem>>) offsets(%dma_start3A_65 : memref<128xi32, #tpu.memory_space<vmem>>) semaphore(%arg13 : memref<!tpu.dma_semaphore, #tpu.memory_space<semaphore_mem>>)
      %dma_start3A_69 = arith.constant 1 : i32
      %dma_start3A_70 = arith.constant 0 : i32
      %dma_start3A_71 = tpu.memref_slice %arg9[%dma_start3A_69, %dma_start3A_70] : memref<16x128xi32, #tpu.memory_space<vmem>> -> memref<1x128xi32, #tpu.memory_space<vmem>>
      %dma_start3A_72 = tpu.memref_squeeze %dma_start3A_71 : memref<1x128xi32, #tpu.memory_space<vmem>> -> memref<128xi32, #tpu.memory_space<vmem>>
      %dma_start3A_73 = arith.constant 0 : i32
      %dma_start3A_74 = arith.constant 0 : i32
      %dma_start3A_75 = tpu.memref_slice %arg12[%dma_start3A_73, %dma_start3A_74] : memref<10240x128xf32, #tpu.memory_space<vmem_shared>> -> memref<10240x128xf32, #tpu.memory_space<vmem_shared>>
      tpu.enqueue_indirect_dma source(%arg11 : memref<128x128xf32, #tpu.memory_space<vmem>>) target(%dma_start3A_75 : memref<10240x128xf32, #tpu.memory_space<vmem_shared>>) offsets(%dma_start3A_72 : memref<128xi32, #tpu.memory_space<vmem>>) semaphore(%arg16 : memref<!tpu.dma_semaphore, #tpu.memory_space<semaphore_mem>>) {add = true}
      %dma_wait3A_76 = arith.constant 0 : i32
      %dma_wait3A_77 = arith.constant 0 : i32
      %dma_wait3A_78 = tpu.memref_slice %arg8[%dma_wait3A_76, %dma_wait3A_77] : memref<16x128xi32, #tpu.memory_space<vmem>> -> memref<1x128xi32, #tpu.memory_space<vmem>>
      %dma_wait3A_79 = tpu.memref_squeeze %dma_wait3A_78 : memref<1x128xi32, #tpu.memory_space<vmem>> -> memref<128xi32, #tpu.memory_space<vmem>>
      %dma_wait3A_80 = arith.constant 0 : i32
      %dma_wait3A_81 = arith.constant 0 : i32
      %dma_wait3A_82 = tpu.memref_slice %arg2[%dma_wait3A_80, %dma_wait3A_81] : memref<10000x128xf32, #tpu.memory_space<hbm>> -> memref<10000x128xf32, #tpu.memory_space<hbm>>
      tpu.wait_indirect_dma semaphore(%arg13 : memref<!tpu.dma_semaphore, #tpu.memory_space<semaphore_mem>>) src(%dma_wait3A_82 : memref<10000x128xf32, #tpu.memory_space<hbm>>) dst(%arg10 : memref<128x128xf32, #tpu.memory_space<vmem>>)
      %dma_wait3A_83 = arith.constant 0 : i32
      %dma_wait3A_84 = arith.constant 0 : i32
      %dma_wait3A_85 = tpu.memref_slice %arg9[%dma_wait3A_83, %dma_wait3A_84] : memref<16x128xi32, #tpu.memory_space<vmem>> -> memref<1x128xi32, #tpu.memory_space<vmem>>
      %dma_wait3A_86 = tpu.memref_squeeze %dma_wait3A_85 : memref<1x128xi32, #tpu.memory_space<vmem>> -> memref<128xi32, #tpu.memory_space<vmem>>
      %dma_wait3A_87 = arith.constant 0 : i32
      %dma_wait3A_88 = arith.constant 0 : i32
      %dma_wait3A_89 = tpu.memref_slice %arg12[%dma_wait3A_87, %dma_wait3A_88] : memref<10240x128xf32, #tpu.memory_space<vmem_shared>> -> memref<10240x128xf32, #tpu.memory_space<vmem_shared>>
      tpu.wait_indirect_dma semaphore(%arg16 : memref<!tpu.dma_semaphore, #tpu.memory_space<semaphore_mem>>) src(%arg11 : memref<128x128xf32, #tpu.memory_space<vmem>>) dst(%dma_wait3A_89 : memref<10240x128xf32, #tpu.memory_space<vmem_shared>>)
      %dma_start3A_90 = arith.constant 3 : i32
      %dma_start3A_91 = arith.constant 0 : i32
      %dma_start3A_92 = tpu.memref_slice %arg8[%dma_start3A_90, %dma_start3A_91] : memref<16x128xi32, #tpu.memory_space<vmem>> -> memref<1x128xi32, #tpu.memory_space<vmem>>
      %dma_start3A_93 = tpu.memref_squeeze %dma_start3A_92 : memref<1x128xi32, #tpu.memory_space<vmem>> -> memref<128xi32, #tpu.memory_space<vmem>>
      %dma_start3A_94 = arith.constant 0 : i32
      %dma_start3A_95 = arith.constant 0 : i32
      %dma_start3A_96 = tpu.memref_slice %arg2[%dma_start3A_94, %dma_start3A_95] : memref<10000x128xf32, #tpu.memory_space<hbm>> -> memref<10000x128xf32, #tpu.memory_space<hbm>>
      tpu.enqueue_indirect_dma source(%dma_start3A_96 : memref<10000x128xf32, #tpu.memory_space<hbm>>) target(%arg11 : memref<128x128xf32, #tpu.memory_space<vmem>>) offsets(%dma_start3A_93 : memref<128xi32, #tpu.memory_space<vmem>>) semaphore(%arg14 : memref<!tpu.dma_semaphore, #tpu.memory_space<semaphore_mem>>)
      %dma_start3A_97 = arith.constant 2 : i32
      %dma_start3A_98 = arith.constant 0 : i32
      %dma_start3A_99 = tpu.memref_slice %arg9[%dma_start3A_97, %dma_start3A_98] : memref<16x128xi32, #tpu.memory_space<vmem>> -> memref<1x128xi32, #tpu.memory_space<vmem>>
      %dma_start3A_100 = tpu.memref_squeeze %dma_start3A_99 : memref<1x128xi32, #tpu.memory_space<vmem>> -> memref<128xi32, #tpu.memory_space<vmem>>
      %dma_start3A_101 = arith.constant 0 : i32
      %dma_start3A_102 = arith.constant 0 : i32
      %dma_start3A_103 = tpu.memref_slice %arg12[%dma_start3A_101, %dma_start3A_102] : memref<10240x128xf32, #tpu.memory_space<vmem_shared>> -> memref<10240x128xf32, #tpu.memory_space<vmem_shared>>
      tpu.enqueue_indirect_dma source(%arg10 : memref<128x128xf32, #tpu.memory_space<vmem>>) target(%dma_start3A_103 : memref<10240x128xf32, #tpu.memory_space<vmem_shared>>) offsets(%dma_start3A_100 : memref<128xi32, #tpu.memory_space<vmem>>) semaphore(%arg15 : memref<!tpu.dma_semaphore, #tpu.memory_space<semaphore_mem>>) {add = true}
      %dma_wait3A_104 = arith.constant 0 : i32
      %dma_wait3A_105 = arith.constant 0 : i32
      %dma_wait3A_106 = tpu.memref_slice %arg8[%dma_wait3A_104, %dma_wait3A_105] : memref<16x128xi32, #tpu.memory_space<vmem>> -> memref<1x128xi32, #tpu.memory_space<vmem>>
      %dma_wait3A_107 = tpu.memref_squeeze %dma_wait3A_106 : memref<1x128xi32, #tpu.memory_space<vmem>> -> memref<128xi32, #tpu.memory_space<vmem>>
      %dma_wait3A_108 = arith.constant 0 : i32
      %dma_wait3A_109 = arith.constant 0 : i32
      %dma_wait3A_110 = tpu.memref_slice %arg2[%dma_wait3A_108, %dma_wait3A_109] : memref<10000x128xf32, #tpu.memory_space<hbm>> -> memref<10000x128xf32, #tpu.memory_space<hbm>>
      tpu.wait_indirect_dma semaphore(%arg14 : memref<!tpu.dma_semaphore, #tpu.memory_space<semaphore_mem>>) src(%dma_wait3A_110 : memref<10000x128xf32, #tpu.memory_space<hbm>>) dst(%arg11 : memref<128x128xf32, #tpu.memory_space<vmem>>)
      %dma_wait3A_111 = arith.constant 0 : i32
      %dma_wait3A_112 = arith.constant 0 : i32
      %dma_wait3A_113 = tpu.memref_slice %arg9[%dma_wait3A_111, %dma_wait3A_112] : memref<16x128xi32, #tpu.memory_space<vmem>> -> memref<1x128xi32, #tpu.memory_space<vmem>>
      %dma_wait3A_114 = tpu.memref_squeeze %dma_wait3A_113 : memref<1x128xi32, #tpu.memory_space<vmem>> -> memref<128xi32, #tpu.memory_space<vmem>>
      %dma_wait3A_115 = arith.constant 0 : i32
      %dma_wait3A_116 = arith.constant 0 : i32
      %dma_wait3A_117 = tpu.memref_slice %arg12[%dma_wait3A_115, %dma_wait3A_116] : memref<10240x128xf32, #tpu.memory_space<vmem_shared>> -> memref<10240x128xf32, #tpu.memory_space<vmem_shared>>
      tpu.wait_indirect_dma semaphore(%arg15 : memref<!tpu.dma_semaphore, #tpu.memory_space<semaphore_mem>>) src(%arg10 : memref<128x128xf32, #tpu.memory_space<vmem>>) dst(%dma_wait3A_117 : memref<10240x128xf32, #tpu.memory_space<vmem_shared>>)
      %dma_start3A_118 = arith.constant 4 : i32
      %dma_start3A_119 = arith.constant 0 : i32
      %dma_start3A_120 = tpu.memref_slice %arg8[%dma_start3A_118, %dma_start3A_119] : memref<16x128xi32, #tpu.memory_space<vmem>> -> memref<1x128xi32, #tpu.memory_space<vmem>>
      %dma_start3A_121 = tpu.memref_squeeze %dma_start3A_120 : memref<1x128xi32, #tpu.memory_space<vmem>> -> memref<128xi32, #tpu.memory_space<vmem>>
      %dma_start3A_122 = arith.constant 0 : i32
      %dma_start3A_123 = arith.constant 0 : i32
      %dma_start3A_124 = tpu.memref_slice %arg2[%dma_start3A_122, %dma_start3A_123] : memref<10000x128xf32, #tpu.memory_space<hbm>> -> memref<10000x128xf32, #tpu.memory_space<hbm>>
      tpu.enqueue_indirect_dma source(%dma_start3A_124 : memref<10000x128xf32, #tpu.memory_space<hbm>>) target(%arg10 : memref<128x128xf32, #tpu.memory_space<vmem>>) offsets(%dma_start3A_121 : memref<128xi32, #tpu.memory_space<vmem>>) semaphore(%arg13 : memref<!tpu.dma_semaphore, #tpu.memory_space<semaphore_mem>>)
      %dma_start3A_125 = arith.constant 3 : i32
      %dma_start3A_126 = arith.constant 0 : i32
      %dma_start3A_127 = tpu.memref_slice %arg9[%dma_start3A_125, %dma_start3A_126] : memref<16x128xi32, #tpu.memory_space<vmem>> -> memref<1x128xi32, #tpu.memory_space<vmem>>
      %dma_start3A_128 = tpu.memref_squeeze %dma_start3A_127 : memref<1x128xi32, #tpu.memory_space<vmem>> -> memref<128xi32, #tpu.memory_space<vmem>>
      %dma_start3A_129 = arith.constant 0 : i32
      %dma_start3A_130 = arith.constant 0 : i32
      %dma_start3A_131 = tpu.memref_slice %arg12[%dma_start3A_129, %dma_start3A_130] : memref<10240x128xf32, #tpu.memory_space<vmem_shared>> -> memref<10240x128xf32, #tpu.memory_space<vmem_shared>>
      tpu.enqueue_indirect_dma source(%arg11 : memref<128x128xf32, #tpu.memory_space<vmem>>) target(%dma_start3A_131 : memref<10240x128xf32, #tpu.memory_space<vmem_shared>>) offsets(%dma_start3A_128 : memref<128xi32, #tpu.memory_space<vmem>>) semaphore(%arg16 : memref<!tpu.dma_semaphore, #tpu.memory_space<semaphore_mem>>) {add = true}
      %dma_wait3A_132 = arith.constant 0 : i32
      %dma_wait3A_133 = arith.constant 0 : i32
      %dma_wait3A_134 = tpu.memref_slice %arg8[%dma_wait3A_132, %dma_wait3A_133] : memref<16x128xi32, #tpu.memory_space<vmem>> -> memref<1x128xi32, #tpu.memory_space<vmem>>
      %dma_wait3A_135 = tpu.memref_squeeze %dma_wait3A_134 : memref<1x128xi32, #tpu.memory_space<vmem>> -> memref<128xi32, #tpu.memory_space<vmem>>
      %dma_wait3A_136 = arith.constant 0 : i32
      %dma_wait3A_137 = arith.constant 0 : i32
      %dma_wait3A_138 = tpu.memref_slice %arg2[%dma_wait3A_136, %dma_wait3A_137] : memref<10000x128xf32, #tpu.memory_space<hbm>> -> memref<10000x128xf32, #tpu.memory_space<hbm>>
      tpu.wait_indirect_dma semaphore(%arg13 : memref<!tpu.dma_semaphore, #tpu.memory_space<semaphore_mem>>) src(%dma_wait3A_138 : memref<10000x128xf32, #tpu.memory_space<hbm>>) dst(%arg10 : memref<128x128xf32, #tpu.memory_space<vmem>>)
      %dma_wait3A_139 = arith.constant 0 : i32
      %dma_wait3A_140 = arith.constant 0 : i32
      %dma_wait3A_141 = tpu.memref_slice %arg9[%dma_wait3A_139, %dma_wait3A_140] : memref<16x128xi32, #tpu.memory_space<vmem>> -> memref<1x128xi32, #tpu.memory_space<vmem>>
      %dma_wait3A_142 = tpu.memref_squeeze %dma_wait3A_141 : memref<1x128xi32, #tpu.memory_space<vmem>> -> memref<128xi32, #tpu.memory_space<vmem>>
      %dma_wait3A_143 = arith.constant 0 : i32
      %dma_wait3A_144 = arith.constant 0 : i32
      %dma_wait3A_145 = tpu.memref_slice %arg12[%dma_wait3A_143, %dma_wait3A_144] : memref<10240x128xf32, #tpu.memory_space<vmem_shared>> -> memref<10240x128xf32, #tpu.memory_space<vmem_shared>>
      tpu.wait_indirect_dma semaphore(%arg16 : memref<!tpu.dma_semaphore, #tpu.memory_space<semaphore_mem>>) src(%arg11 : memref<128x128xf32, #tpu.memory_space<vmem>>) dst(%dma_wait3A_145 : memref<10240x128xf32, #tpu.memory_space<vmem_shared>>)
      %dma_start3A_146 = arith.constant 5 : i32
      %dma_start3A_147 = arith.constant 0 : i32
      %dma_start3A_148 = tpu.memref_slice %arg8[%dma_start3A_146, %dma_start3A_147] : memref<16x128xi32, #tpu.memory_space<vmem>> -> memref<1x128xi32, #tpu.memory_space<vmem>>
      %dma_start3A_149 = tpu.memref_squeeze %dma_start3A_148 : memref<1x128xi32, #tpu.memory_space<vmem>> -> memref<128xi32, #tpu.memory_space<vmem>>
      %dma_start3A_150 = arith.constant 0 : i32
      %dma_start3A_151 = arith.constant 0 : i32
      %dma_start3A_152 = tpu.memref_slice %arg2[%dma_start3A_150, %dma_start3A_151] : memref<10000x128xf32, #tpu.memory_space<hbm>> -> memref<10000x128xf32, #tpu.memory_space<hbm>>
      tpu.enqueue_indirect_dma source(%dma_start3A_152 : memref<10000x128xf32, #tpu.memory_space<hbm>>) target(%arg11 : memref<128x128xf32, #tpu.memory_space<vmem>>) offsets(%dma_start3A_149 : memref<128xi32, #tpu.memory_space<vmem>>) semaphore(%arg14 : memref<!tpu.dma_semaphore, #tpu.memory_space<semaphore_mem>>)
      %dma_start3A_153 = arith.constant 4 : i32
      %dma_start3A_154 = arith.constant 0 : i32
      %dma_start3A_155 = tpu.memref_slice %arg9[%dma_start3A_153, %dma_start3A_154] : memref<16x128xi32, #tpu.memory_space<vmem>> -> memref<1x128xi32, #tpu.memory_space<vmem>>
      %dma_start3A_156 = tpu.memref_squeeze %dma_start3A_155 : memref<1x128xi32, #tpu.memory_space<vmem>> -> memref<128xi32, #tpu.memory_space<vmem>>
      %dma_start3A_157 = arith.constant 0 : i32
      %dma_start3A_158 = arith.constant 0 : i32
      %dma_start3A_159 = tpu.memref_slice %arg12[%dma_start3A_157, %dma_start3A_158] : memref<10240x128xf32, #tpu.memory_space<vmem_shared>> -> memref<10240x128xf32, #tpu.memory_space<vmem_shared>>
      tpu.enqueue_indirect_dma source(%arg10 : memref<128x128xf32, #tpu.memory_space<vmem>>) target(%dma_start3A_159 : memref<10240x128xf32, #tpu.memory_space<vmem_shared>>) offsets(%dma_start3A_156 : memref<128xi32, #tpu.memory_space<vmem>>) semaphore(%arg15 : memref<!tpu.dma_semaphore, #tpu.memory_space<semaphore_mem>>) {add = true}
      %dma_wait3A_160 = arith.constant 0 : i32
      %dma_wait3A_161 = arith.constant 0 : i32
      %dma_wait3A_162 = tpu.memref_slice %arg8[%dma_wait3A_160, %dma_wait3A_161] : memref<16x128xi32, #tpu.memory_space<vmem>> -> memref<1x128xi32, #tpu.memory_space<vmem>>
      %dma_wait3A_163 = tpu.memref_squeeze %dma_wait3A_162 : memref<1x128xi32, #tpu.memory_space<vmem>> -> memref<128xi32, #tpu.memory_space<vmem>>
      %dma_wait3A_164 = arith.constant 0 : i32
      %dma_wait3A_165 = arith.constant 0 : i32
      %dma_wait3A_166 = tpu.memref_slice %arg2[%dma_wait3A_164, %dma_wait3A_165] : memref<10000x128xf32, #tpu.memory_space<hbm>> -> memref<10000x128xf32, #tpu.memory_space<hbm>>
      tpu.wait_indirect_dma semaphore(%arg14 : memref<!tpu.dma_semaphore, #tpu.memory_space<semaphore_mem>>) src(%dma_wait3A_166 : memref<10000x128xf32, #tpu.memory_space<hbm>>) dst(%arg11 : memref<128x128xf32, #tpu.memory_space<vmem>>)
      %dma_wait3A_167 = arith.constant 0 : i32
      %dma_wait3A_168 = arith.constant 0 : i32
      %dma_wait3A_169 = tpu.memref_slice %arg9[%dma_wait3A_167, %dma_wait3A_168] : memref<16x128xi32, #tpu.memory_space<vmem>> -> memref<1x128xi32, #tpu.memory_space<vmem>>
      %dma_wait3A_170 = tpu.memref_squeeze %dma_wait3A_169 : memref<1x128xi32, #tpu.memory_space<vmem>> -> memref<128xi32, #tpu.memory_space<vmem>>
      %dma_wait3A_171 = arith.constant 0 : i32
      %dma_wait3A_172 = arith.constant 0 : i32
      %dma_wait3A_173 = tpu.memref_slice %arg12[%dma_wait3A_171, %dma_wait3A_172] : memref<10240x128xf32, #tpu.memory_space<vmem_shared>> -> memref<10240x128xf32, #tpu.memory_space<vmem_shared>>
      tpu.wait_indirect_dma semaphore(%arg15 : memref<!tpu.dma_semaphore, #tpu.memory_space<semaphore_mem>>) src(%arg10 : memref<128x128xf32, #tpu.memory_space<vmem>>) dst(%dma_wait3A_173 : memref<10240x128xf32, #tpu.memory_space<vmem_shared>>)
      %dma_start3A_174 = arith.constant 6 : i32
      %dma_start3A_175 = arith.constant 0 : i32
      %dma_start3A_176 = tpu.memref_slice %arg8[%dma_start3A_174, %dma_start3A_175] : memref<16x128xi32, #tpu.memory_space<vmem>> -> memref<1x128xi32, #tpu.memory_space<vmem>>
      %dma_start3A_177 = tpu.memref_squeeze %dma_start3A_176 : memref<1x128xi32, #tpu.memory_space<vmem>> -> memref<128xi32, #tpu.memory_space<vmem>>
      %dma_start3A_178 = arith.constant 0 : i32
      %dma_start3A_179 = arith.constant 0 : i32
      %dma_start3A_180 = tpu.memref_slice %arg2[%dma_start3A_178, %dma_start3A_179] : memref<10000x128xf32, #tpu.memory_space<hbm>> -> memref<10000x128xf32, #tpu.memory_space<hbm>>
      tpu.enqueue_indirect_dma source(%dma_start3A_180 : memref<10000x128xf32, #tpu.memory_space<hbm>>) target(%arg10 : memref<128x128xf32, #tpu.memory_space<vmem>>) offsets(%dma_start3A_177 : memref<128xi32, #tpu.memory_space<vmem>>) semaphore(%arg13 : memref<!tpu.dma_semaphore, #tpu.memory_space<semaphore_mem>>)
      %dma_start3A_181 = arith.constant 5 : i32
      %dma_start3A_182 = arith.constant 0 : i32
      %dma_start3A_183 = tpu.memref_slice %arg9[%dma_start3A_181, %dma_start3A_182] : memref<16x128xi32, #tpu.memory_space<vmem>> -> memref<1x128xi32, #tpu.memory_space<vmem>>
      %dma_start3A_184 = tpu.memref_squeeze %dma_start3A_183 : memref<1x128xi32, #tpu.memory_space<vmem>> -> memref<128xi32, #tpu.memory_space<vmem>>
      %dma_start3A_185 = arith.constant 0 : i32
      %dma_start3A_186 = arith.constant 0 : i32
      %dma_start3A_187 = tpu.memref_slice %arg12[%dma_start3A_185, %dma_start3A_186] : memref<10240x128xf32, #tpu.memory_space<vmem_shared>> -> memref<10240x128xf32, #tpu.memory_space<vmem_shared>>
      tpu.enqueue_indirect_dma source(%arg11 : memref<128x128xf32, #tpu.memory_space<vmem>>) target(%dma_start3A_187 : memref<10240x128xf32, #tpu.memory_space<vmem_shared>>) offsets(%dma_start3A_184 : memref<128xi32, #tpu.memory_space<vmem>>) semaphore(%arg16 : memref<!tpu.dma_semaphore, #tpu.memory_space<semaphore_mem>>) {add = true}
      %dma_wait3A_188 = arith.constant 0 : i32
      %dma_wait3A_189 = arith.constant 0 : i32
      %dma_wait3A_190 = tpu.memref_slice %arg8[%dma_wait3A_188, %dma_wait3A_189] : memref<16x128xi32, #tpu.memory_space<vmem>> -> memref<1x128xi32, #tpu.memory_space<vmem>>
      %dma_wait3A_191 = tpu.memref_squeeze %dma_wait3A_190 : memref<1x128xi32, #tpu.memory_space<vmem>> -> memref<128xi32, #tpu.memory_space<vmem>>
      %dma_wait3A_192 = arith.constant 0 : i32
      %dma_wait3A_193 = arith.constant 0 : i32
      %dma_wait3A_194 = tpu.memref_slice %arg2[%dma_wait3A_192, %dma_wait3A_193] : memref<10000x128xf32, #tpu.memory_space<hbm>> -> memref<10000x128xf32, #tpu.memory_space<hbm>>
      tpu.wait_indirect_dma semaphore(%arg13 : memref<!tpu.dma_semaphore, #tpu.memory_space<semaphore_mem>>) src(%dma_wait3A_194 : memref<10000x128xf32, #tpu.memory_space<hbm>>) dst(%arg10 : memref<128x128xf32, #tpu.memory_space<vmem>>)
      %dma_wait3A_195 = arith.constant 0 : i32
      %dma_wait3A_196 = arith.constant 0 : i32
      %dma_wait3A_197 = tpu.memref_slice %arg9[%dma_wait3A_195, %dma_wait3A_196] : memref<16x128xi32, #tpu.memory_space<vmem>> -> memref<1x128xi32, #tpu.memory_space<vmem>>
      %dma_wait3A_198 = tpu.memref_squeeze %dma_wait3A_197 : memref<1x128xi32, #tpu.memory_space<vmem>> -> memref<128xi32, #tpu.memory_space<vmem>>
      %dma_wait3A_199 = arith.constant 0 : i32
      %dma_wait3A_200 = arith.constant 0 : i32
      %dma_wait3A_201 = tpu.memref_slice %arg12[%dma_wait3A_199, %dma_wait3A_200] : memref<10240x128xf32, #tpu.memory_space<vmem_shared>> -> memref<10240x128xf32, #tpu.memory_space<vmem_shared>>
      tpu.wait_indirect_dma semaphore(%arg16 : memref<!tpu.dma_semaphore, #tpu.memory_space<semaphore_mem>>) src(%arg11 : memref<128x128xf32, #tpu.memory_space<vmem>>) dst(%dma_wait3A_201 : memref<10240x128xf32, #tpu.memory_space<vmem_shared>>)
      %dma_start3A_202 = arith.constant 7 : i32
      %dma_start3A_203 = arith.constant 0 : i32
      %dma_start3A_204 = tpu.memref_slice %arg8[%dma_start3A_202, %dma_start3A_203] : memref<16x128xi32, #tpu.memory_space<vmem>> -> memref<1x128xi32, #tpu.memory_space<vmem>>
      %dma_start3A_205 = tpu.memref_squeeze %dma_start3A_204 : memref<1x128xi32, #tpu.memory_space<vmem>> -> memref<128xi32, #tpu.memory_space<vmem>>
      %dma_start3A_206 = arith.constant 0 : i32
      %dma_start3A_207 = arith.constant 0 : i32
      %dma_start3A_208 = tpu.memref_slice %arg2[%dma_start3A_206, %dma_start3A_207] : memref<10000x128xf32, #tpu.memory_space<hbm>> -> memref<10000x128xf32, #tpu.memory_space<hbm>>
      tpu.enqueue_indirect_dma source(%dma_start3A_208 : memref<10000x128xf32, #tpu.memory_space<hbm>>) target(%arg11 : memref<128x128xf32, #tpu.memory_space<vmem>>) offsets(%dma_start3A_205 : memref<128xi32, #tpu.memory_space<vmem>>) semaphore(%arg14 : memref<!tpu.dma_semaphore, #tpu.memory_space<semaphore_mem>>)
      %dma_start3A_209 = arith.constant 6 : i32
      %dma_start3A_210 = arith.constant 0 : i32
      %dma_start3A_211 = tpu.memref_slice %arg9[%dma_start3A_209, %dma_start3A_210] : memref<16x128xi32, #tpu.memory_space<vmem>> -> memref<1x128xi32, #tpu.memory_space<vmem>>
      %dma_start3A_212 = tpu.memref_squeeze %dma_start3A_211 : memref<1x128xi32, #tpu.memory_space<vmem>> -> memref<128xi32, #tpu.memory_space<vmem>>
      %dma_start3A_213 = arith.constant 0 : i32
      %dma_start3A_214 = arith.constant 0 : i32
      %dma_start3A_215 = tpu.memref_slice %arg12[%dma_start3A_213, %dma_start3A_214] : memref<10240x128xf32, #tpu.memory_space<vmem_shared>> -> memref<10240x128xf32, #tpu.memory_space<vmem_shared>>
      tpu.enqueue_indirect_dma source(%arg10 : memref<128x128xf32, #tpu.memory_space<vmem>>) target(%dma_start3A_215 : memref<10240x128xf32, #tpu.memory_space<vmem_shared>>) offsets(%dma_start3A_212 : memref<128xi32, #tpu.memory_space<vmem>>) semaphore(%arg15 : memref<!tpu.dma_semaphore, #tpu.memory_space<semaphore_mem>>) {add = true}
      %dma_wait3A_216 = arith.constant 0 : i32
      %dma_wait3A_217 = arith.constant 0 : i32
      %dma_wait3A_218 = tpu.memref_slice %arg8[%dma_wait3A_216, %dma_wait3A_217] : memref<16x128xi32, #tpu.memory_space<vmem>> -> memref<1x128xi32, #tpu.memory_space<vmem>>
      %dma_wait3A_219 = tpu.memref_squeeze %dma_wait3A_218 : memref<1x128xi32, #tpu.memory_space<vmem>> -> memref<128xi32, #tpu.memory_space<vmem>>
      %dma_wait3A_220 = arith.constant 0 : i32
      %dma_wait3A_221 = arith.constant 0 : i32
      %dma_wait3A_222 = tpu.memref_slice %arg2[%dma_wait3A_220, %dma_wait3A_221] : memref<10000x128xf32, #tpu.memory_space<hbm>> -> memref<10000x128xf32, #tpu.memory_space<hbm>>
      tpu.wait_indirect_dma semaphore(%arg14 : memref<!tpu.dma_semaphore, #tpu.memory_space<semaphore_mem>>) src(%dma_wait3A_222 : memref<10000x128xf32, #tpu.memory_space<hbm>>) dst(%arg11 : memref<128x128xf32, #tpu.memory_space<vmem>>)
      %dma_wait3A_223 = arith.constant 0 : i32
      %dma_wait3A_224 = arith.constant 0 : i32
      %dma_wait3A_225 = tpu.memref_slice %arg9[%dma_wait3A_223, %dma_wait3A_224] : memref<16x128xi32, #tpu.memory_space<vmem>> -> memref<1x128xi32, #tpu.memory_space<vmem>>
      %dma_wait3A_226 = tpu.memref_squeeze %dma_wait3A_225 : memref<1x128xi32, #tpu.memory_space<vmem>> -> memref<128xi32, #tpu.memory_space<vmem>>
      %dma_wait3A_227 = arith.constant 0 : i32
      %dma_wait3A_228 = arith.constant 0 : i32
      %dma_wait3A_229 = tpu.memref_slice %arg12[%dma_wait3A_227, %dma_wait3A_228] : memref<10240x128xf32, #tpu.memory_space<vmem_shared>> -> memref<10240x128xf32, #tpu.memory_space<vmem_shared>>
      tpu.wait_indirect_dma semaphore(%arg15 : memref<!tpu.dma_semaphore, #tpu.memory_space<semaphore_mem>>) src(%arg10 : memref<128x128xf32, #tpu.memory_space<vmem>>) dst(%dma_wait3A_229 : memref<10240x128xf32, #tpu.memory_space<vmem_shared>>)
      %dma_start3A_230 = arith.constant 8 : i32
      %dma_start3A_231 = arith.constant 0 : i32
      %dma_start3A_232 = tpu.memref_slice %arg8[%dma_start3A_230, %dma_start3A_231] : memref<16x128xi32, #tpu.memory_space<vmem>> -> memref<1x128xi32, #tpu.memory_space<vmem>>
      %dma_start3A_233 = tpu.memref_squeeze %dma_start3A_232 : memref<1x128xi32, #tpu.memory_space<vmem>> -> memref<128xi32, #tpu.memory_space<vmem>>
      %dma_start3A_234 = arith.constant 0 : i32
      %dma_start3A_235 = arith.constant 0 : i32
      %dma_start3A_236 = tpu.memref_slice %arg2[%dma_start3A_234, %dma_start3A_235] : memref<10000x128xf32, #tpu.memory_space<hbm>> -> memref<10000x128xf32, #tpu.memory_space<hbm>>
      tpu.enqueue_indirect_dma source(%dma_start3A_236 : memref<10000x128xf32, #tpu.memory_space<hbm>>) target(%arg10 : memref<128x128xf32, #tpu.memory_space<vmem>>) offsets(%dma_start3A_233 : memref<128xi32, #tpu.memory_space<vmem>>) semaphore(%arg13 : memref<!tpu.dma_semaphore, #tpu.memory_space<semaphore_mem>>)
      %dma_start3A_237 = arith.constant 7 : i32
      %dma_start3A_238 = arith.constant 0 : i32
      %dma_start3A_239 = tpu.memref_slice %arg9[%dma_start3A_237, %dma_start3A_238] : memref<16x128xi32, #tpu.memory_space<vmem>> -> memref<1x128xi32, #tpu.memory_space<vmem>>
      %dma_start3A_240 = tpu.memref_squeeze %dma_start3A_239 : memref<1x128xi32, #tpu.memory_space<vmem>> -> memref<128xi32, #tpu.memory_space<vmem>>
      %dma_start3A_241 = arith.constant 0 : i32
      %dma_start3A_242 = arith.constant 0 : i32
      %dma_start3A_243 = tpu.memref_slice %arg12[%dma_start3A_241, %dma_start3A_242] : memref<10240x128xf32, #tpu.memory_space<vmem_shared>> -> memref<10240x128xf32, #tpu.memory_space<vmem_shared>>
      tpu.enqueue_indirect_dma source(%arg11 : memref<128x128xf32, #tpu.memory_space<vmem>>) target(%dma_start3A_243 : memref<10240x128xf32, #tpu.memory_space<vmem_shared>>) offsets(%dma_start3A_240 : memref<128xi32, #tpu.memory_space<vmem>>) semaphore(%arg16 : memref<!tpu.dma_semaphore, #tpu.memory_space<semaphore_mem>>) {add = true}
      %dma_wait3A_244 = arith.constant 0 : i32
      %dma_wait3A_245 = arith.constant 0 : i32
      %dma_wait3A_246 = tpu.memref_slice %arg8[%dma_wait3A_244, %dma_wait3A_245] : memref<16x128xi32, #tpu.memory_space<vmem>> -> memref<1x128xi32, #tpu.memory_space<vmem>>
      %dma_wait3A_247 = tpu.memref_squeeze %dma_wait3A_246 : memref<1x128xi32, #tpu.memory_space<vmem>> -> memref<128xi32, #tpu.memory_space<vmem>>
      %dma_wait3A_248 = arith.constant 0 : i32
      %dma_wait3A_249 = arith.constant 0 : i32
      %dma_wait3A_250 = tpu.memref_slice %arg2[%dma_wait3A_248, %dma_wait3A_249] : memref<10000x128xf32, #tpu.memory_space<hbm>> -> memref<10000x128xf32, #tpu.memory_space<hbm>>
      tpu.wait_indirect_dma semaphore(%arg13 : memref<!tpu.dma_semaphore, #tpu.memory_space<semaphore_mem>>) src(%dma_wait3A_250 : memref<10000x128xf32, #tpu.memory_space<hbm>>) dst(%arg10 : memref<128x128xf32, #tpu.memory_space<vmem>>)
      %dma_wait3A_251 = arith.constant 0 : i32
      %dma_wait3A_252 = arith.constant 0 : i32
      %dma_wait3A_253 = tpu.memref_slice %arg9[%dma_wait3A_251, %dma_wait3A_252] : memref<16x128xi32, #tpu.memory_space<vmem>> -> memref<1x128xi32, #tpu.memory_space<vmem>>
      %dma_wait3A_254 = tpu.memref_squeeze %dma_wait3A_253 : memref<1x128xi32, #tpu.memory_space<vmem>> -> memref<128xi32, #tpu.memory_space<vmem>>
      %dma_wait3A_255 = arith.constant 0 : i32
      %dma_wait3A_256 = arith.constant 0 : i32
      %dma_wait3A_257 = tpu.memref_slice %arg12[%dma_wait3A_255, %dma_wait3A_256] : memref<10240x128xf32, #tpu.memory_space<vmem_shared>> -> memref<10240x128xf32, #tpu.memory_space<vmem_shared>>
      tpu.wait_indirect_dma semaphore(%arg16 : memref<!tpu.dma_semaphore, #tpu.memory_space<semaphore_mem>>) src(%arg11 : memref<128x128xf32, #tpu.memory_space<vmem>>) dst(%dma_wait3A_257 : memref<10240x128xf32, #tpu.memory_space<vmem_shared>>)
      %dma_start3A_258 = arith.constant 9 : i32
      %dma_start3A_259 = arith.constant 0 : i32
      %dma_start3A_260 = tpu.memref_slice %arg8[%dma_start3A_258, %dma_start3A_259] : memref<16x128xi32, #tpu.memory_space<vmem>> -> memref<1x128xi32, #tpu.memory_space<vmem>>
      %dma_start3A_261 = tpu.memref_squeeze %dma_start3A_260 : memref<1x128xi32, #tpu.memory_space<vmem>> -> memref<128xi32, #tpu.memory_space<vmem>>
      %dma_start3A_262 = arith.constant 0 : i32
      %dma_start3A_263 = arith.constant 0 : i32
      %dma_start3A_264 = tpu.memref_slice %arg2[%dma_start3A_262, %dma_start3A_263] : memref<10000x128xf32, #tpu.memory_space<hbm>> -> memref<10000x128xf32, #tpu.memory_space<hbm>>
      tpu.enqueue_indirect_dma source(%dma_start3A_264 : memref<10000x128xf32, #tpu.memory_space<hbm>>) target(%arg11 : memref<128x128xf32, #tpu.memory_space<vmem>>) offsets(%dma_start3A_261 : memref<128xi32, #tpu.memory_space<vmem>>) semaphore(%arg14 : memref<!tpu.dma_semaphore, #tpu.memory_space<semaphore_mem>>)
      %dma_start3A_265 = arith.constant 8 : i32
      %dma_start3A_266 = arith.constant 0 : i32
      %dma_start3A_267 = tpu.memref_slice %arg9[%dma_start3A_265, %dma_start3A_266] : memref<16x128xi32, #tpu.memory_space<vmem>> -> memref<1x128xi32, #tpu.memory_space<vmem>>
      %dma_start3A_268 = tpu.memref_squeeze %dma_start3A_267 : memref<1x128xi32, #tpu.memory_space<vmem>> -> memref<128xi32, #tpu.memory_space<vmem>>
      %dma_start3A_269 = arith.constant 0 : i32
      %dma_start3A_270 = arith.constant 0 : i32
      %dma_start3A_271 = tpu.memref_slice %arg12[%dma_start3A_269, %dma_start3A_270] : memref<10240x128xf32, #tpu.memory_space<vmem_shared>> -> memref<10240x128xf32, #tpu.memory_space<vmem_shared>>
      tpu.enqueue_indirect_dma source(%arg10 : memref<128x128xf32, #tpu.memory_space<vmem>>) target(%dma_start3A_271 : memref<10240x128xf32, #tpu.memory_space<vmem_shared>>) offsets(%dma_start3A_268 : memref<128xi32, #tpu.memory_space<vmem>>) semaphore(%arg15 : memref<!tpu.dma_semaphore, #tpu.memory_space<semaphore_mem>>) {add = true}
      %dma_wait3A_272 = arith.constant 0 : i32
      %dma_wait3A_273 = arith.constant 0 : i32
      %dma_wait3A_274 = tpu.memref_slice %arg8[%dma_wait3A_272, %dma_wait3A_273] : memref<16x128xi32, #tpu.memory_space<vmem>> -> memref<1x128xi32, #tpu.memory_space<vmem>>
      %dma_wait3A_275 = tpu.memref_squeeze %dma_wait3A_274 : memref<1x128xi32, #tpu.memory_space<vmem>> -> memref<128xi32, #tpu.memory_space<vmem>>
      %dma_wait3A_276 = arith.constant 0 : i32
      %dma_wait3A_277 = arith.constant 0 : i32
      %dma_wait3A_278 = tpu.memref_slice %arg2[%dma_wait3A_276, %dma_wait3A_277] : memref<10000x128xf32, #tpu.memory_space<hbm>> -> memref<10000x128xf32, #tpu.memory_space<hbm>>
      tpu.wait_indirect_dma semaphore(%arg14 : memref<!tpu.dma_semaphore, #tpu.memory_space<semaphore_mem>>) src(%dma_wait3A_278 : memref<10000x128xf32, #tpu.memory_space<hbm>>) dst(%arg11 : memref<128x128xf32, #tpu.memory_space<vmem>>)
      %dma_wait3A_279 = arith.constant 0 : i32
      %dma_wait3A_280 = arith.constant 0 : i32
      %dma_wait3A_281 = tpu.memref_slice %arg9[%dma_wait3A_279, %dma_wait3A_280] : memref<16x128xi32, #tpu.memory_space<vmem>> -> memref<1x128xi32, #tpu.memory_space<vmem>>
      %dma_wait3A_282 = tpu.memref_squeeze %dma_wait3A_281 : memref<1x128xi32, #tpu.memory_space<vmem>> -> memref<128xi32, #tpu.memory_space<vmem>>
      %dma_wait3A_283 = arith.constant 0 : i32
      %dma_wait3A_284 = arith.constant 0 : i32
      %dma_wait3A_285 = tpu.memref_slice %arg12[%dma_wait3A_283, %dma_wait3A_284] : memref<10240x128xf32, #tpu.memory_space<vmem_shared>> -> memref<10240x128xf32, #tpu.memory_space<vmem_shared>>
      tpu.wait_indirect_dma semaphore(%arg15 : memref<!tpu.dma_semaphore, #tpu.memory_space<semaphore_mem>>) src(%arg10 : memref<128x128xf32, #tpu.memory_space<vmem>>) dst(%dma_wait3A_285 : memref<10240x128xf32, #tpu.memory_space<vmem_shared>>)
      %dma_start3A_286 = arith.constant 10 : i32
      %dma_start3A_287 = arith.constant 0 : i32
      %dma_start3A_288 = tpu.memref_slice %arg8[%dma_start3A_286, %dma_start3A_287] : memref<16x128xi32, #tpu.memory_space<vmem>> -> memref<1x128xi32, #tpu.memory_space<vmem>>
      %dma_start3A_289 = tpu.memref_squeeze %dma_start3A_288 : memref<1x128xi32, #tpu.memory_space<vmem>> -> memref<128xi32, #tpu.memory_space<vmem>>
      %dma_start3A_290 = arith.constant 0 : i32
      %dma_start3A_291 = arith.constant 0 : i32
      %dma_start3A_292 = tpu.memref_slice %arg2[%dma_start3A_290, %dma_start3A_291] : memref<10000x128xf32, #tpu.memory_space<hbm>> -> memref<10000x128xf32, #tpu.memory_space<hbm>>
      tpu.enqueue_indirect_dma source(%dma_start3A_292 : memref<10000x128xf32, #tpu.memory_space<hbm>>) target(%arg10 : memref<128x128xf32, #tpu.memory_space<vmem>>) offsets(%dma_start3A_289 : memref<128xi32, #tpu.memory_space<vmem>>) semaphore(%arg13 : memref<!tpu.dma_semaphore, #tpu.memory_space<semaphore_mem>>)
      %dma_start3A_293 = arith.constant 9 : i32
      %dma_start3A_294 = arith.constant 0 : i32
      %dma_start3A_295 = tpu.memref_slice %arg9[%dma_start3A_293, %dma_start3A_294] : memref<16x128xi32, #tpu.memory_space<vmem>> -> memref<1x128xi32, #tpu.memory_space<vmem>>
      %dma_start3A_296 = tpu.memref_squeeze %dma_start3A_295 : memref<1x128xi32, #tpu.memory_space<vmem>> -> memref<128xi32, #tpu.memory_space<vmem>>
      %dma_start3A_297 = arith.constant 0 : i32
      %dma_start3A_298 = arith.constant 0 : i32
      %dma_start3A_299 = tpu.memref_slice %arg12[%dma_start3A_297, %dma_start3A_298] : memref<10240x128xf32, #tpu.memory_space<vmem_shared>> -> memref<10240x128xf32, #tpu.memory_space<vmem_shared>>
      tpu.enqueue_indirect_dma source(%arg11 : memref<128x128xf32, #tpu.memory_space<vmem>>) target(%dma_start3A_299 : memref<10240x128xf32, #tpu.memory_space<vmem_shared>>) offsets(%dma_start3A_296 : memref<128xi32, #tpu.memory_space<vmem>>) semaphore(%arg16 : memref<!tpu.dma_semaphore, #tpu.memory_space<semaphore_mem>>) {add = true}
      %dma_wait3A_300 = arith.constant 0 : i32
      %dma_wait3A_301 = arith.constant 0 : i32
      %dma_wait3A_302 = tpu.memref_slice %arg8[%dma_wait3A_300, %dma_wait3A_301] : memref<16x128xi32, #tpu.memory_space<vmem>> -> memref<1x128xi32, #tpu.memory_space<vmem>>
      %dma_wait3A_303 = tpu.memref_squeeze %dma_wait3A_302 : memref<1x128xi32, #tpu.memory_space<vmem>> -> memref<128xi32, #tpu.memory_space<vmem>>
      %dma_wait3A_304 = arith.constant 0 : i32
      %dma_wait3A_305 = arith.constant 0 : i32
      %dma_wait3A_306 = tpu.memref_slice %arg2[%dma_wait3A_304, %dma_wait3A_305] : memref<10000x128xf32, #tpu.memory_space<hbm>> -> memref<10000x128xf32, #tpu.memory_space<hbm>>
      tpu.wait_indirect_dma semaphore(%arg13 : memref<!tpu.dma_semaphore, #tpu.memory_space<semaphore_mem>>) src(%dma_wait3A_306 : memref<10000x128xf32, #tpu.memory_space<hbm>>) dst(%arg10 : memref<128x128xf32, #tpu.memory_space<vmem>>)
      %dma_wait3A_307 = arith.constant 0 : i32
      %dma_wait3A_308 = arith.constant 0 : i32
      %dma_wait3A_309 = tpu.memref_slice %arg9[%dma_wait3A_307, %dma_wait3A_308] : memref<16x128xi32, #tpu.memory_space<vmem>> -> memref<1x128xi32, #tpu.memory_space<vmem>>
      %dma_wait3A_310 = tpu.memref_squeeze %dma_wait3A_309 : memref<1x128xi32, #tpu.memory_space<vmem>> -> memref<128xi32, #tpu.memory_space<vmem>>
      %dma_wait3A_311 = arith.constant 0 : i32
      %dma_wait3A_312 = arith.constant 0 : i32
      %dma_wait3A_313 = tpu.memref_slice %arg12[%dma_wait3A_311, %dma_wait3A_312] : memref<10240x128xf32, #tpu.memory_space<vmem_shared>> -> memref<10240x128xf32, #tpu.memory_space<vmem_shared>>
      tpu.wait_indirect_dma semaphore(%arg16 : memref<!tpu.dma_semaphore, #tpu.memory_space<semaphore_mem>>) src(%arg11 : memref<128x128xf32, #tpu.memory_space<vmem>>) dst(%dma_wait3A_313 : memref<10240x128xf32, #tpu.memory_space<vmem_shared>>)
      %dma_start3A_314 = arith.constant 11 : i32
      %dma_start3A_315 = arith.constant 0 : i32
      %dma_start3A_316 = tpu.memref_slice %arg8[%dma_start3A_314, %dma_start3A_315] : memref<16x128xi32, #tpu.memory_space<vmem>> -> memref<1x128xi32, #tpu.memory_space<vmem>>
      %dma_start3A_317 = tpu.memref_squeeze %dma_start3A_316 : memref<1x128xi32, #tpu.memory_space<vmem>> -> memref<128xi32, #tpu.memory_space<vmem>>
      %dma_start3A_318 = arith.constant 0 : i32
      %dma_start3A_319 = arith.constant 0 : i32
      %dma_start3A_320 = tpu.memref_slice %arg2[%dma_start3A_318, %dma_start3A_319] : memref<10000x128xf32, #tpu.memory_space<hbm>> -> memref<10000x128xf32, #tpu.memory_space<hbm>>
      tpu.enqueue_indirect_dma source(%dma_start3A_320 : memref<10000x128xf32, #tpu.memory_space<hbm>>) target(%arg11 : memref<128x128xf32, #tpu.memory_space<vmem>>) offsets(%dma_start3A_317 : memref<128xi32, #tpu.memory_space<vmem>>) semaphore(%arg14 : memref<!tpu.dma_semaphore, #tpu.memory_space<semaphore_mem>>)
      %dma_start3A_321 = arith.constant 10 : i32
      %dma_start3A_322 = arith.constant 0 : i32
      %dma_start3A_323 = tpu.memref_slice %arg9[%dma_start3A_321, %dma_start3A_322] : memref<16x128xi32, #tpu.memory_space<vmem>> -> memref<1x128xi32, #tpu.memory_space<vmem>>
      %dma_start3A_324 = tpu.memref_squeeze %dma_start3A_323 : memref<1x128xi32, #tpu.memory_space<vmem>> -> memref<128xi32, #tpu.memory_space<vmem>>
      %dma_start3A_325 = arith.constant 0 : i32
      %dma_start3A_326 = arith.constant 0 : i32
      %dma_start3A_327 = tpu.memref_slice %arg12[%dma_start3A_325, %dma_start3A_326] : memref<10240x128xf32, #tpu.memory_space<vmem_shared>> -> memref<10240x128xf32, #tpu.memory_space<vmem_shared>>
      tpu.enqueue_indirect_dma source(%arg10 : memref<128x128xf32, #tpu.memory_space<vmem>>) target(%dma_start3A_327 : memref<10240x128xf32, #tpu.memory_space<vmem_shared>>) offsets(%dma_start3A_324 : memref<128xi32, #tpu.memory_space<vmem>>) semaphore(%arg15 : memref<!tpu.dma_semaphore, #tpu.memory_space<semaphore_mem>>) {add = true}
      %dma_wait3A_328 = arith.constant 0 : i32
      %dma_wait3A_329 = arith.constant 0 : i32
      %dma_wait3A_330 = tpu.memref_slice %arg8[%dma_wait3A_328, %dma_wait3A_329] : memref<16x128xi32, #tpu.memory_space<vmem>> -> memref<1x128xi32, #tpu.memory_space<vmem>>
      %dma_wait3A_331 = tpu.memref_squeeze %dma_wait3A_330 : memref<1x128xi32, #tpu.memory_space<vmem>> -> memref<128xi32, #tpu.memory_space<vmem>>
      %dma_wait3A_332 = arith.constant 0 : i32
      %dma_wait3A_333 = arith.constant 0 : i32
      %dma_wait3A_334 = tpu.memref_slice %arg2[%dma_wait3A_332, %dma_wait3A_333] : memref<10000x128xf32, #tpu.memory_space<hbm>> -> memref<10000x128xf32, #tpu.memory_space<hbm>>
      tpu.wait_indirect_dma semaphore(%arg14 : memref<!tpu.dma_semaphore, #tpu.memory_space<semaphore_mem>>) src(%dma_wait3A_334 : memref<10000x128xf32, #tpu.memory_space<hbm>>) dst(%arg11 : memref<128x128xf32, #tpu.memory_space<vmem>>)
      %dma_wait3A_335 = arith.constant 0 : i32
      %dma_wait3A_336 = arith.constant 0 : i32
      %dma_wait3A_337 = tpu.memref_slice %arg9[%dma_wait3A_335, %dma_wait3A_336] : memref<16x128xi32, #tpu.memory_space<vmem>> -> memref<1x128xi32, #tpu.memory_space<vmem>>
      %dma_wait3A_338 = tpu.memref_squeeze %dma_wait3A_337 : memref<1x128xi32, #tpu.memory_space<vmem>> -> memref<128xi32, #tpu.memory_space<vmem>>
      %dma_wait3A_339 = arith.constant 0 : i32
      %dma_wait3A_340 = arith.constant 0 : i32
      %dma_wait3A_341 = tpu.memref_slice %arg12[%dma_wait3A_339, %dma_wait3A_340] : memref<10240x128xf32, #tpu.memory_space<vmem_shared>> -> memref<10240x128xf32, #tpu.memory_space<vmem_shared>>
      tpu.wait_indirect_dma semaphore(%arg15 : memref<!tpu.dma_semaphore, #tpu.memory_space<semaphore_mem>>) src(%arg10 : memref<128x128xf32, #tpu.memory_space<vmem>>) dst(%dma_wait3A_341 : memref<10240x128xf32, #tpu.memory_space<vmem_shared>>)
      %dma_start3A_342 = arith.constant 12 : i32
      %dma_start3A_343 = arith.constant 0 : i32
      %dma_start3A_344 = tpu.memref_slice %arg8[%dma_start3A_342, %dma_start3A_343] : memref<16x128xi32, #tpu.memory_space<vmem>> -> memref<1x128xi32, #tpu.memory_space<vmem>>
      %dma_start3A_345 = tpu.memref_squeeze %dma_start3A_344 : memref<1x128xi32, #tpu.memory_space<vmem>> -> memref<128xi32, #tpu.memory_space<vmem>>
      %dma_start3A_346 = arith.constant 0 : i32
      %dma_start3A_347 = arith.constant 0 : i32
      %dma_start3A_348 = tpu.memref_slice %arg2[%dma_start3A_346, %dma_start3A_347] : memref<10000x128xf32, #tpu.memory_space<hbm>> -> memref<10000x128xf32, #tpu.memory_space<hbm>>
      tpu.enqueue_indirect_dma source(%dma_start3A_348 : memref<10000x128xf32, #tpu.memory_space<hbm>>) target(%arg10 : memref<128x128xf32, #tpu.memory_space<vmem>>) offsets(%dma_start3A_345 : memref<128xi32, #tpu.memory_space<vmem>>) semaphore(%arg13 : memref<!tpu.dma_semaphore, #tpu.memory_space<semaphore_mem>>)
      %dma_start3A_349 = arith.constant 11 : i32
      %dma_start3A_350 = arith.constant 0 : i32
      %dma_start3A_351 = tpu.memref_slice %arg9[%dma_start3A_349, %dma_start3A_350] : memref<16x128xi32, #tpu.memory_space<vmem>> -> memref<1x128xi32, #tpu.memory_space<vmem>>
      %dma_start3A_352 = tpu.memref_squeeze %dma_start3A_351 : memref<1x128xi32, #tpu.memory_space<vmem>> -> memref<128xi32, #tpu.memory_space<vmem>>
      %dma_start3A_353 = arith.constant 0 : i32
      %dma_start3A_354 = arith.constant 0 : i32
      %dma_start3A_355 = tpu.memref_slice %arg12[%dma_start3A_353, %dma_start3A_354] : memref<10240x128xf32, #tpu.memory_space<vmem_shared>> -> memref<10240x128xf32, #tpu.memory_space<vmem_shared>>
      tpu.enqueue_indirect_dma source(%arg11 : memref<128x128xf32, #tpu.memory_space<vmem>>) target(%dma_start3A_355 : memref<10240x128xf32, #tpu.memory_space<vmem_shared>>) offsets(%dma_start3A_352 : memref<128xi32, #tpu.memory_space<vmem>>) semaphore(%arg16 : memref<!tpu.dma_semaphore, #tpu.memory_space<semaphore_mem>>) {add = true}
      %dma_wait3A_356 = arith.constant 0 : i32
      %dma_wait3A_357 = arith.constant 0 : i32
      %dma_wait3A_358 = tpu.memref_slice %arg8[%dma_wait3A_356, %dma_wait3A_357] : memref<16x128xi32, #tpu.memory_space<vmem>> -> memref<1x128xi32, #tpu.memory_space<vmem>>
      %dma_wait3A_359 = tpu.memref_squeeze %dma_wait3A_358 : memref<1x128xi32, #tpu.memory_space<vmem>> -> memref<128xi32, #tpu.memory_space<vmem>>
      %dma_wait3A_360 = arith.constant 0 : i32
      %dma_wait3A_361 = arith.constant 0 : i32
      %dma_wait3A_362 = tpu.memref_slice %arg2[%dma_wait3A_360, %dma_wait3A_361] : memref<10000x128xf32, #tpu.memory_space<hbm>> -> memref<10000x128xf32, #tpu.memory_space<hbm>>
      tpu.wait_indirect_dma semaphore(%arg13 : memref<!tpu.dma_semaphore, #tpu.memory_space<semaphore_mem>>) src(%dma_wait3A_362 : memref<10000x128xf32, #tpu.memory_space<hbm>>) dst(%arg10 : memref<128x128xf32, #tpu.memory_space<vmem>>)
      %dma_wait3A_363 = arith.constant 0 : i32
      %dma_wait3A_364 = arith.constant 0 : i32
      %dma_wait3A_365 = tpu.memref_slice %arg9[%dma_wait3A_363, %dma_wait3A_364] : memref<16x128xi32, #tpu.memory_space<vmem>> -> memref<1x128xi32, #tpu.memory_space<vmem>>
      %dma_wait3A_366 = tpu.memref_squeeze %dma_wait3A_365 : memref<1x128xi32, #tpu.memory_space<vmem>> -> memref<128xi32, #tpu.memory_space<vmem>>
      %dma_wait3A_367 = arith.constant 0 : i32
      %dma_wait3A_368 = arith.constant 0 : i32
      %dma_wait3A_369 = tpu.memref_slice %arg12[%dma_wait3A_367, %dma_wait3A_368] : memref<10240x128xf32, #tpu.memory_space<vmem_shared>> -> memref<10240x128xf32, #tpu.memory_space<vmem_shared>>
      tpu.wait_indirect_dma semaphore(%arg16 : memref<!tpu.dma_semaphore, #tpu.memory_space<semaphore_mem>>) src(%arg11 : memref<128x128xf32, #tpu.memory_space<vmem>>) dst(%dma_wait3A_369 : memref<10240x128xf32, #tpu.memory_space<vmem_shared>>)
      %dma_start3A_370 = arith.constant 13 : i32
      %dma_start3A_371 = arith.constant 0 : i32
      %dma_start3A_372 = tpu.memref_slice %arg8[%dma_start3A_370, %dma_start3A_371] : memref<16x128xi32, #tpu.memory_space<vmem>> -> memref<1x128xi32, #tpu.memory_space<vmem>>
      %dma_start3A_373 = tpu.memref_squeeze %dma_start3A_372 : memref<1x128xi32, #tpu.memory_space<vmem>> -> memref<128xi32, #tpu.memory_space<vmem>>
      %dma_start3A_374 = arith.constant 0 : i32
      %dma_start3A_375 = arith.constant 0 : i32
      %dma_start3A_376 = tpu.memref_slice %arg2[%dma_start3A_374, %dma_start3A_375] : memref<10000x128xf32, #tpu.memory_space<hbm>> -> memref<10000x128xf32, #tpu.memory_space<hbm>>
      tpu.enqueue_indirect_dma source(%dma_start3A_376 : memref<10000x128xf32, #tpu.memory_space<hbm>>) target(%arg11 : memref<128x128xf32, #tpu.memory_space<vmem>>) offsets(%dma_start3A_373 : memref<128xi32, #tpu.memory_space<vmem>>) semaphore(%arg14 : memref<!tpu.dma_semaphore, #tpu.memory_space<semaphore_mem>>)
      %dma_start3A_377 = arith.constant 12 : i32
      %dma_start3A_378 = arith.constant 0 : i32
      %dma_start3A_379 = tpu.memref_slice %arg9[%dma_start3A_377, %dma_start3A_378] : memref<16x128xi32, #tpu.memory_space<vmem>> -> memref<1x128xi32, #tpu.memory_space<vmem>>
      %dma_start3A_380 = tpu.memref_squeeze %dma_start3A_379 : memref<1x128xi32, #tpu.memory_space<vmem>> -> memref<128xi32, #tpu.memory_space<vmem>>
      %dma_start3A_381 = arith.constant 0 : i32
      %dma_start3A_382 = arith.constant 0 : i32
      %dma_start3A_383 = tpu.memref_slice %arg12[%dma_start3A_381, %dma_start3A_382] : memref<10240x128xf32, #tpu.memory_space<vmem_shared>> -> memref<10240x128xf32, #tpu.memory_space<vmem_shared>>
      tpu.enqueue_indirect_dma source(%arg10 : memref<128x128xf32, #tpu.memory_space<vmem>>) target(%dma_start3A_383 : memref<10240x128xf32, #tpu.memory_space<vmem_shared>>) offsets(%dma_start3A_380 : memref<128xi32, #tpu.memory_space<vmem>>) semaphore(%arg15 : memref<!tpu.dma_semaphore, #tpu.memory_space<semaphore_mem>>) {add = true}
      %dma_wait3A_384 = arith.constant 0 : i32
      %dma_wait3A_385 = arith.constant 0 : i32
      %dma_wait3A_386 = tpu.memref_slice %arg8[%dma_wait3A_384, %dma_wait3A_385] : memref<16x128xi32, #tpu.memory_space<vmem>> -> memref<1x128xi32, #tpu.memory_space<vmem>>
      %dma_wait3A_387 = tpu.memref_squeeze %dma_wait3A_386 : memref<1x128xi32, #tpu.memory_space<vmem>> -> memref<128xi32, #tpu.memory_space<vmem>>
      %dma_wait3A_388 = arith.constant 0 : i32
      %dma_wait3A_389 = arith.constant 0 : i32
      %dma_wait3A_390 = tpu.memref_slice %arg2[%dma_wait3A_388, %dma_wait3A_389] : memref<10000x128xf32, #tpu.memory_space<hbm>> -> memref<10000x128xf32, #tpu.memory_space<hbm>>
      tpu.wait_indirect_dma semaphore(%arg14 : memref<!tpu.dma_semaphore, #tpu.memory_space<semaphore_mem>>) src(%dma_wait3A_390 : memref<10000x128xf32, #tpu.memory_space<hbm>>) dst(%arg11 : memref<128x128xf32, #tpu.memory_space<vmem>>)
      %dma_wait3A_391 = arith.constant 0 : i32
      %dma_wait3A_392 = arith.constant 0 : i32
      %dma_wait3A_393 = tpu.memref_slice %arg9[%dma_wait3A_391, %dma_wait3A_392] : memref<16x128xi32, #tpu.memory_space<vmem>> -> memref<1x128xi32, #tpu.memory_space<vmem>>
      %dma_wait3A_394 = tpu.memref_squeeze %dma_wait3A_393 : memref<1x128xi32, #tpu.memory_space<vmem>> -> memref<128xi32, #tpu.memory_space<vmem>>
      %dma_wait3A_395 = arith.constant 0 : i32
      %dma_wait3A_396 = arith.constant 0 : i32
      %dma_wait3A_397 = tpu.memref_slice %arg12[%dma_wait3A_395, %dma_wait3A_396] : memref<10240x128xf32, #tpu.memory_space<vmem_shared>> -> memref<10240x128xf32, #tpu.memory_space<vmem_shared>>
      tpu.wait_indirect_dma semaphore(%arg15 : memref<!tpu.dma_semaphore, #tpu.memory_space<semaphore_mem>>) src(%arg10 : memref<128x128xf32, #tpu.memory_space<vmem>>) dst(%dma_wait3A_397 : memref<10240x128xf32, #tpu.memory_space<vmem_shared>>)
      %dma_start3A_398 = arith.constant 14 : i32
      %dma_start3A_399 = arith.constant 0 : i32
      %dma_start3A_400 = tpu.memref_slice %arg8[%dma_start3A_398, %dma_start3A_399] : memref<16x128xi32, #tpu.memory_space<vmem>> -> memref<1x128xi32, #tpu.memory_space<vmem>>
      %dma_start3A_401 = tpu.memref_squeeze %dma_start3A_400 : memref<1x128xi32, #tpu.memory_space<vmem>> -> memref<128xi32, #tpu.memory_space<vmem>>
      %dma_start3A_402 = arith.constant 0 : i32
      %dma_start3A_403 = arith.constant 0 : i32
      %dma_start3A_404 = tpu.memref_slice %arg2[%dma_start3A_402, %dma_start3A_403] : memref<10000x128xf32, #tpu.memory_space<hbm>> -> memref<10000x128xf32, #tpu.memory_space<hbm>>
      tpu.enqueue_indirect_dma source(%dma_start3A_404 : memref<10000x128xf32, #tpu.memory_space<hbm>>) target(%arg10 : memref<128x128xf32, #tpu.memory_space<vmem>>) offsets(%dma_start3A_401 : memref<128xi32, #tpu.memory_space<vmem>>) semaphore(%arg13 : memref<!tpu.dma_semaphore, #tpu.memory_space<semaphore_mem>>)
      %dma_start3A_405 = arith.constant 13 : i32
      %dma_start3A_406 = arith.constant 0 : i32
      %dma_start3A_407 = tpu.memref_slice %arg9[%dma_start3A_405, %dma_start3A_406] : memref<16x128xi32, #tpu.memory_space<vmem>> -> memref<1x128xi32, #tpu.memory_space<vmem>>
      %dma_start3A_408 = tpu.memref_squeeze %dma_start3A_407 : memref<1x128xi32, #tpu.memory_space<vmem>> -> memref<128xi32, #tpu.memory_space<vmem>>
      %dma_start3A_409 = arith.constant 0 : i32
      %dma_start3A_410 = arith.constant 0 : i32
      %dma_start3A_411 = tpu.memref_slice %arg12[%dma_start3A_409, %dma_start3A_410] : memref<10240x128xf32, #tpu.memory_space<vmem_shared>> -> memref<10240x128xf32, #tpu.memory_space<vmem_shared>>
      tpu.enqueue_indirect_dma source(%arg11 : memref<128x128xf32, #tpu.memory_space<vmem>>) target(%dma_start3A_411 : memref<10240x128xf32, #tpu.memory_space<vmem_shared>>) offsets(%dma_start3A_408 : memref<128xi32, #tpu.memory_space<vmem>>) semaphore(%arg16 : memref<!tpu.dma_semaphore, #tpu.memory_space<semaphore_mem>>) {add = true}
      %dma_wait3A_412 = arith.constant 0 : i32
      %dma_wait3A_413 = arith.constant 0 : i32
      %dma_wait3A_414 = tpu.memref_slice %arg8[%dma_wait3A_412, %dma_wait3A_413] : memref<16x128xi32, #tpu.memory_space<vmem>> -> memref<1x128xi32, #tpu.memory_space<vmem>>
      %dma_wait3A_415 = tpu.memref_squeeze %dma_wait3A_414 : memref<1x128xi32, #tpu.memory_space<vmem>> -> memref<128xi32, #tpu.memory_space<vmem>>
      %dma_wait3A_416 = arith.constant 0 : i32
      %dma_wait3A_417 = arith.constant 0 : i32
      %dma_wait3A_418 = tpu.memref_slice %arg2[%dma_wait3A_416, %dma_wait3A_417] : memref<10000x128xf32, #tpu.memory_space<hbm>> -> memref<10000x128xf32, #tpu.memory_space<hbm>>
      tpu.wait_indirect_dma semaphore(%arg13 : memref<!tpu.dma_semaphore, #tpu.memory_space<semaphore_mem>>) src(%dma_wait3A_418 : memref<10000x128xf32, #tpu.memory_space<hbm>>) dst(%arg10 : memref<128x128xf32, #tpu.memory_space<vmem>>)
      %dma_wait3A_419 = arith.constant 0 : i32
      %dma_wait3A_420 = arith.constant 0 : i32
      %dma_wait3A_421 = tpu.memref_slice %arg9[%dma_wait3A_419, %dma_wait3A_420] : memref<16x128xi32, #tpu.memory_space<vmem>> -> memref<1x128xi32, #tpu.memory_space<vmem>>
      %dma_wait3A_422 = tpu.memref_squeeze %dma_wait3A_421 : memref<1x128xi32, #tpu.memory_space<vmem>> -> memref<128xi32, #tpu.memory_space<vmem>>
      %dma_wait3A_423 = arith.constant 0 : i32
      %dma_wait3A_424 = arith.constant 0 : i32
      %dma_wait3A_425 = tpu.memref_slice %arg12[%dma_wait3A_423, %dma_wait3A_424] : memref<10240x128xf32, #tpu.memory_space<vmem_shared>> -> memref<10240x128xf32, #tpu.memory_space<vmem_shared>>
      tpu.wait_indirect_dma semaphore(%arg16 : memref<!tpu.dma_semaphore, #tpu.memory_space<semaphore_mem>>) src(%arg11 : memref<128x128xf32, #tpu.memory_space<vmem>>) dst(%dma_wait3A_425 : memref<10240x128xf32, #tpu.memory_space<vmem_shared>>)
      %dma_start3A_426 = arith.constant 15 : i32
      %dma_start3A_427 = arith.constant 0 : i32
      %dma_start3A_428 = tpu.memref_slice %arg8[%dma_start3A_426, %dma_start3A_427] : memref<16x128xi32, #tpu.memory_space<vmem>> -> memref<1x128xi32, #tpu.memory_space<vmem>>
      %dma_start3A_429 = tpu.memref_squeeze %dma_start3A_428 : memref<1x128xi32, #tpu.memory_space<vmem>> -> memref<128xi32, #tpu.memory_space<vmem>>
      %dma_start3A_430 = arith.constant 0 : i32
      %dma_start3A_431 = arith.constant 0 : i32
      %dma_start3A_432 = tpu.memref_slice %arg2[%dma_start3A_430, %dma_start3A_431] : memref<10000x128xf32, #tpu.memory_space<hbm>> -> memref<10000x128xf32, #tpu.memory_space<hbm>>
      tpu.enqueue_indirect_dma source(%dma_start3A_432 : memref<10000x128xf32, #tpu.memory_space<hbm>>) target(%arg11 : memref<128x128xf32, #tpu.memory_space<vmem>>) offsets(%dma_start3A_429 : memref<128xi32, #tpu.memory_space<vmem>>) semaphore(%arg14 : memref<!tpu.dma_semaphore, #tpu.memory_space<semaphore_mem>>)
      %dma_start3A_433 = arith.constant 14 : i32
      %dma_start3A_434 = arith.constant 0 : i32
      %dma_start3A_435 = tpu.memref_slice %arg9[%dma_start3A_433, %dma_start3A_434] : memref<16x128xi32, #tpu.memory_space<vmem>> -> memref<1x128xi32, #tpu.memory_space<vmem>>
      %dma_start3A_436 = tpu.memref_squeeze %dma_start3A_435 : memref<1x128xi32, #tpu.memory_space<vmem>> -> memref<128xi32, #tpu.memory_space<vmem>>
      %dma_start3A_437 = arith.constant 0 : i32
      %dma_start3A_438 = arith.constant 0 : i32
      %dma_start3A_439 = tpu.memref_slice %arg12[%dma_start3A_437, %dma_start3A_438] : memref<10240x128xf32, #tpu.memory_space<vmem_shared>> -> memref<10240x128xf32, #tpu.memory_space<vmem_shared>>
      tpu.enqueue_indirect_dma source(%arg10 : memref<128x128xf32, #tpu.memory_space<vmem>>) target(%dma_start3A_439 : memref<10240x128xf32, #tpu.memory_space<vmem_shared>>) offsets(%dma_start3A_436 : memref<128xi32, #tpu.memory_space<vmem>>) semaphore(%arg15 : memref<!tpu.dma_semaphore, #tpu.memory_space<semaphore_mem>>) {add = true}
      %dma_wait3A_440 = arith.constant 0 : i32
      %dma_wait3A_441 = arith.constant 0 : i32
      %dma_wait3A_442 = tpu.memref_slice %arg8[%dma_wait3A_440, %dma_wait3A_441] : memref<16x128xi32, #tpu.memory_space<vmem>> -> memref<1x128xi32, #tpu.memory_space<vmem>>
      %dma_wait3A_443 = tpu.memref_squeeze %dma_wait3A_442 : memref<1x128xi32, #tpu.memory_space<vmem>> -> memref<128xi32, #tpu.memory_space<vmem>>
      %dma_wait3A_444 = arith.constant 0 : i32
      %dma_wait3A_445 = arith.constant 0 : i32
      %dma_wait3A_446 = tpu.memref_slice %arg2[%dma_wait3A_444, %dma_wait3A_445] : memref<10000x128xf32, #tpu.memory_space<hbm>> -> memref<10000x128xf32, #tpu.memory_space<hbm>>
      tpu.wait_indirect_dma semaphore(%arg14 : memref<!tpu.dma_semaphore, #tpu.memory_space<semaphore_mem>>) src(%dma_wait3A_446 : memref<10000x128xf32, #tpu.memory_space<hbm>>) dst(%arg11 : memref<128x128xf32, #tpu.memory_space<vmem>>)
      %dma_wait3A_447 = arith.constant 0 : i32
      %dma_wait3A_448 = arith.constant 0 : i32
      %dma_wait3A_449 = tpu.memref_slice %arg9[%dma_wait3A_447, %dma_wait3A_448] : memref<16x128xi32, #tpu.memory_space<vmem>> -> memref<1x128xi32, #tpu.memory_space<vmem>>
      %dma_wait3A_450 = tpu.memref_squeeze %dma_wait3A_449 : memref<1x128xi32, #tpu.memory_space<vmem>> -> memref<128xi32, #tpu.memory_space<vmem>>
      %dma_wait3A_451 = arith.constant 0 : i32
      %dma_wait3A_452 = arith.constant 0 : i32
      %dma_wait3A_453 = tpu.memref_slice %arg12[%dma_wait3A_451, %dma_wait3A_452] : memref<10240x128xf32, #tpu.memory_space<vmem_shared>> -> memref<10240x128xf32, #tpu.memory_space<vmem_shared>>
      tpu.wait_indirect_dma semaphore(%arg15 : memref<!tpu.dma_semaphore, #tpu.memory_space<semaphore_mem>>) src(%arg10 : memref<128x128xf32, #tpu.memory_space<vmem>>) dst(%dma_wait3A_453 : memref<10240x128xf32, #tpu.memory_space<vmem_shared>>)
      %dma_start3A_454 = arith.constant 15 : i32
      %dma_start3A_455 = arith.constant 0 : i32
      %dma_start3A_456 = tpu.memref_slice %arg9[%dma_start3A_454, %dma_start3A_455] : memref<16x128xi32, #tpu.memory_space<vmem>> -> memref<1x128xi32, #tpu.memory_space<vmem>>
      %dma_start3A_457 = tpu.memref_squeeze %dma_start3A_456 : memref<1x128xi32, #tpu.memory_space<vmem>> -> memref<128xi32, #tpu.memory_space<vmem>>
      %dma_start3A_458 = arith.constant 0 : i32
      %dma_start3A_459 = arith.constant 0 : i32
      %dma_start3A_460 = tpu.memref_slice %arg12[%dma_start3A_458, %dma_start3A_459] : memref<10240x128xf32, #tpu.memory_space<vmem_shared>> -> memref<10240x128xf32, #tpu.memory_space<vmem_shared>>
      tpu.enqueue_indirect_dma source(%arg11 : memref<128x128xf32, #tpu.memory_space<vmem>>) target(%dma_start3A_460 : memref<10240x128xf32, #tpu.memory_space<vmem_shared>>) offsets(%dma_start3A_457 : memref<128xi32, #tpu.memory_space<vmem>>) semaphore(%arg16 : memref<!tpu.dma_semaphore, #tpu.memory_space<semaphore_mem>>) {add = true}
      %dma_wait3A_461 = arith.constant 0 : i32
      %dma_wait3A_462 = arith.constant 0 : i32
      %dma_wait3A_463 = tpu.memref_slice %arg9[%dma_wait3A_461, %dma_wait3A_462] : memref<16x128xi32, #tpu.memory_space<vmem>> -> memref<1x128xi32, #tpu.memory_space<vmem>>
      %dma_wait3A_464 = tpu.memref_squeeze %dma_wait3A_463 : memref<1x128xi32, #tpu.memory_space<vmem>> -> memref<128xi32, #tpu.memory_space<vmem>>
      %dma_wait3A_465 = arith.constant 0 : i32
      %dma_wait3A_466 = arith.constant 0 : i32
      %dma_wait3A_467 = tpu.memref_slice %arg12[%dma_wait3A_465, %dma_wait3A_466] : memref<10240x128xf32, #tpu.memory_space<vmem_shared>> -> memref<10240x128xf32, #tpu.memory_space<vmem_shared>>
      tpu.wait_indirect_dma semaphore(%arg16 : memref<!tpu.dma_semaphore, #tpu.memory_space<semaphore_mem>>) src(%arg11 : memref<128x128xf32, #tpu.memory_space<vmem>>) dst(%dma_wait3A_467 : memref<10240x128xf32, #tpu.memory_space<vmem_shared>>)
    }
    %scan3A_9 = arith.constant 5 : i32
    %barrier3A_10 = arith.constant 0 : index
    tpu.barrier barrier_id(%barrier3A_10)
    %lt3A = arith.constant 15 : i32
    %lt3A_11 = arith.cmpi slt, %arg1, %lt3A : i32
    %convert_element_type3A = arith.extui %lt3A_11 : i1 to i32
    %cond3A = arith.constant 0 : i32
    %cond3A_12 = arith.cmpi ne, %convert_element_type3A, %cond3A : i32
    scf.if %cond3A_12 {
      %eq3A_17 = arith.constant 0 : i32
      %eq3A_18 = arith.cmpi eq, %arg0, %eq3A_17 : i32
      %convert_element_type3A_19 = arith.extui %eq3A_18 : i1 to i32
      %cond3A_20 = arith.constant 0 : i32
      %cond3A_21 = arith.cmpi ne, %convert_element_type3A_19, %cond3A_20 : i32
      scf.if %cond3A_21 {
        "tpu.region"() ({
          %run_scoped3A = tpu.sem_alloc : memref<!tpu.dma_semaphore, #tpu.memory_space<semaphore_mem>>
          %dma_start3A = arith.constant 0 : i32
          %dma_start3A_26 = tpu.memref_slice %arg6[%multiple_of3A, %dma_start3A] : memref<10000x128xf32, #tpu.memory_space<hbm>> -> memref<640x128xf32, #tpu.memory_space<hbm>>
          %dma_start3A_27 = arith.constant 0 : i32
          %dma_start3A_28 = tpu.memref_slice %arg12[%multiple_of3A, %dma_start3A_27] : memref<10240x128xf32, #tpu.memory_space<vmem_shared>> -> memref<640x128xf32, #tpu.memory_space<vmem_shared>>
          tpu.enqueue_dma source(%dma_start3A_28 : memref<640x128xf32, #tpu.memory_space<vmem_shared>>) target(%dma_start3A_26 : memref<640x128xf32, #tpu.memory_space<hbm>>) target_semaphore(%run_scoped3A : memref<!tpu.dma_semaphore, #tpu.memory_space<semaphore_mem>>)
          %dma_wait3A = arith.constant 0 : i32
          %dma_wait3A_29 = tpu.memref_slice %arg6[%multiple_of3A, %dma_wait3A] : memref<10000x128xf32, #tpu.memory_space<hbm>> -> memref<640x128xf32, #tpu.memory_space<hbm>>
          %dma_wait3A_30 = arith.constant 0 : i32
          %dma_wait3A_31 = tpu.memref_slice %arg12[%multiple_of3A, %dma_wait3A_30] : memref<10240x128xf32, #tpu.memory_space<vmem_shared>> -> memref<640x128xf32, #tpu.memory_space<vmem_shared>>
          tpu.wait_dma2 semaphore(%run_scoped3A : memref<!tpu.dma_semaphore, #tpu.memory_space<semaphore_mem>>) src(%dma_wait3A_31 : memref<640x128xf32, #tpu.memory_space<vmem_shared>>) dst(%dma_wait3A_29 : memref<640x128xf32, #tpu.memory_space<hbm>>)
          tpu.yield
        }) : () -> ()
      } else {
      }
      %ne3A = arith.constant 0 : i32
      %ne3A_22 = arith.cmpi ne, %arg0, %ne3A : i32
      %convert_element_type3A_23 = arith.extui %ne3A_22 : i1 to i32
      %cond3A_24 = arith.constant 0 : i32
      %cond3A_25 = arith.cmpi ne, %convert_element_type3A_23, %cond3A_24 : i32
      scf.if %cond3A_25 {
        "tpu.region"() ({
          %run_scoped3A = tpu.sem_alloc : memref<!tpu.dma_semaphore, #tpu.memory_space<semaphore_mem>>
          %dma_start3A = arith.constant 0 : i32
          %dma_start3A_26 = tpu.memref_slice %arg7[%multiple_of3A, %dma_start3A] : memref<10000x128xf32, #tpu.memory_space<hbm>> -> memref<640x128xf32, #tpu.memory_space<hbm>>
          %dma_start3A_27 = arith.constant 0 : i32
          %dma_start3A_28 = tpu.memref_slice %arg12[%multiple_of3A, %dma_start3A_27] : memref<10240x128xf32, #tpu.memory_space<vmem_shared>> -> memref<640x128xf32, #tpu.memory_space<vmem_shared>>
          tpu.enqueue_dma source(%dma_start3A_28 : memref<640x128xf32, #tpu.memory_space<vmem_shared>>) target(%dma_start3A_26 : memref<640x128xf32, #tpu.memory_space<hbm>>) target_semaphore(%run_scoped3A : memref<!tpu.dma_semaphore, #tpu.memory_space<semaphore_mem>>)
          %dma_wait3A = arith.constant 0 : i32
          %dma_wait3A_29 = tpu.memref_slice %arg7[%multiple_of3A, %dma_wait3A] : memref<10000x128xf32, #tpu.memory_space<hbm>> -> memref<640x128xf32, #tpu.memory_space<hbm>>
          %dma_wait3A_30 = arith.constant 0 : i32
          %dma_wait3A_31 = tpu.memref_slice %arg12[%multiple_of3A, %dma_wait3A_30] : memref<10240x128xf32, #tpu.memory_space<vmem_shared>> -> memref<640x128xf32, #tpu.memory_space<vmem_shared>>
          tpu.wait_dma2 semaphore(%run_scoped3A : memref<!tpu.dma_semaphore, #tpu.memory_space<semaphore_mem>>) src(%dma_wait3A_31 : memref<640x128xf32, #tpu.memory_space<vmem_shared>>) dst(%dma_wait3A_29 : memref<640x128xf32, #tpu.memory_space<hbm>>)
          tpu.yield
        }) : () -> ()
      } else {
      }
    } else {
    }
    %eq3A = arith.constant 15 : i32
    %eq3A_13 = arith.cmpi eq, %arg1, %eq3A : i32
    %convert_element_type3A_14 = arith.extui %eq3A_13 : i1 to i32
    %cond3A_15 = arith.constant 0 : i32
    %cond3A_16 = arith.cmpi ne, %convert_element_type3A_14, %cond3A_15 : i32
    scf.if %cond3A_16 {
      %multiple_of3A_17 = arith.constant 9600 : i32
      %multiple_of3A_18 = tpu.assume_multiple %multiple_of3A_17, 8 : i32
      %eq3A_19 = arith.constant 0 : i32
      %eq3A_20 = arith.cmpi eq, %arg0, %eq3A_19 : i32
      %convert_element_type3A_21 = arith.extui %eq3A_20 : i1 to i32
      %cond3A_22 = arith.constant 0 : i32
      %cond3A_23 = arith.cmpi ne, %convert_element_type3A_21, %cond3A_22 : i32
      scf.if %cond3A_23 {
        "tpu.region"() ({
          %run_scoped3A = tpu.sem_alloc : memref<!tpu.dma_semaphore, #tpu.memory_space<semaphore_mem>>
          %dma_start3A = arith.constant 0 : i32
          %dma_start3A_28 = tpu.memref_slice %arg6[%multiple_of3A_18, %dma_start3A] : memref<10000x128xf32, #tpu.memory_space<hbm>> -> memref<400x128xf32, #tpu.memory_space<hbm>>
          %dma_start3A_29 = arith.constant 0 : i32
          %dma_start3A_30 = tpu.memref_slice %arg12[%multiple_of3A_18, %dma_start3A_29] : memref<10240x128xf32, #tpu.memory_space<vmem_shared>> -> memref<400x128xf32, #tpu.memory_space<vmem_shared>>
          tpu.enqueue_dma source(%dma_start3A_30 : memref<400x128xf32, #tpu.memory_space<vmem_shared>>) target(%dma_start3A_28 : memref<400x128xf32, #tpu.memory_space<hbm>>) target_semaphore(%run_scoped3A : memref<!tpu.dma_semaphore, #tpu.memory_space<semaphore_mem>>)
          %dma_wait3A = arith.constant 0 : i32
          %dma_wait3A_31 = tpu.memref_slice %arg6[%multiple_of3A_18, %dma_wait3A] : memref<10000x128xf32, #tpu.memory_space<hbm>> -> memref<400x128xf32, #tpu.memory_space<hbm>>
          %dma_wait3A_32 = arith.constant 0 : i32
          %dma_wait3A_33 = tpu.memref_slice %arg12[%multiple_of3A_18, %dma_wait3A_32] : memref<10240x128xf32, #tpu.memory_space<vmem_shared>> -> memref<400x128xf32, #tpu.memory_space<vmem_shared>>
          tpu.wait_dma2 semaphore(%run_scoped3A : memref<!tpu.dma_semaphore, #tpu.memory_space<semaphore_mem>>) src(%dma_wait3A_33 : memref<400x128xf32, #tpu.memory_space<vmem_shared>>) dst(%dma_wait3A_31 : memref<400x128xf32, #tpu.memory_space<hbm>>)
          tpu.yield
        }) : () -> ()
      } else {
      }
      %ne3A = arith.constant 0 : i32
      %ne3A_24 = arith.cmpi ne, %arg0, %ne3A : i32
      %convert_element_type3A_25 = arith.extui %ne3A_24 : i1 to i32
      %cond3A_26 = arith.constant 0 : i32
      %cond3A_27 = arith.cmpi ne, %convert_element_type3A_25, %cond3A_26 : i32
      scf.if %cond3A_27 {
        "tpu.region"() ({
          %run_scoped3A = tpu.sem_alloc : memref<!tpu.dma_semaphore, #tpu.memory_space<semaphore_mem>>
          %dma_start3A = arith.constant 0 : i32
          %dma_start3A_28 = tpu.memref_slice %arg7[%multiple_of3A_18, %dma_start3A] : memref<10000x128xf32, #tpu.memory_space<hbm>> -> memref<400x128xf32, #tpu.memory_space<hbm>>
          %dma_start3A_29 = arith.constant 0 : i32
          %dma_start3A_30 = tpu.memref_slice %arg12[%multiple_of3A_18, %dma_start3A_29] : memref<10240x128xf32, #tpu.memory_space<vmem_shared>> -> memref<400x128xf32, #tpu.memory_space<vmem_shared>>
          tpu.enqueue_dma source(%dma_start3A_30 : memref<400x128xf32, #tpu.memory_space<vmem_shared>>) target(%dma_start3A_28 : memref<400x128xf32, #tpu.memory_space<hbm>>) target_semaphore(%run_scoped3A : memref<!tpu.dma_semaphore, #tpu.memory_space<semaphore_mem>>)
          %dma_wait3A = arith.constant 0 : i32
          %dma_wait3A_31 = tpu.memref_slice %arg7[%multiple_of3A_18, %dma_wait3A] : memref<10000x128xf32, #tpu.memory_space<hbm>> -> memref<400x128xf32, #tpu.memory_space<hbm>>
          %dma_wait3A_32 = arith.constant 0 : i32
          %dma_wait3A_33 = tpu.memref_slice %arg12[%multiple_of3A_18, %dma_wait3A_32] : memref<10240x128xf32, #tpu.memory_space<vmem_shared>> -> memref<400x128xf32, #tpu.memory_space<vmem_shared>>
          tpu.wait_dma2 semaphore(%run_scoped3A : memref<!tpu.dma_semaphore, #tpu.memory_space<semaphore_mem>>) src(%dma_wait3A_33 : memref<400x128xf32, #tpu.memory_space<vmem_shared>>) dst(%dma_wait3A_31 : memref<400x128xf32, #tpu.memory_space<hbm>>)
          tpu.yield
        }) : () -> ()
      } else {
      }
    } else {
    }
    return
  }
}

module attributes {stable_mosaic.version = 14 : i64} {
  func.func @_mm1_body(%arg0: i32, %arg1: memref<1000x128xf32, #tpu.memory_space<vmem>>, %arg2: memref<128x256xf32, #tpu.memory_space<vmem>>, %arg3: memref<1000x128xf32, #tpu.memory_space<vmem>>, %arg4: memref<1000x128xf32, #tpu.memory_space<vmem>>) attributes {dimension_semantics = [#tpu.dimension_semantics<arbitrary>], iteration_bounds = array<i64: 10>, scalar_prefetch = 0 : i64, scratch_operands = 0 : i64, tpu.core_type = #tpu.core_type<tc>, window_params = [{transform_indices = @transform_0, window_bounds = array<i64: 1000, 128>}, {pipeline_mode = #tpu.pipeline_mode<synchronous>, transform_indices = @transform_1, window_bounds = array<i64: 128, 256>}, {transform_indices = @transform_2, window_bounds = array<i64: 1000, 128>}, {transform_indices = @transform_3, window_bounds = array<i64: 1000, 128>}]} {
    %get3A = arith.constant 0 : index
    %get3A_0 = arith.constant 0 : index
    %get3A_1 = vector.load %arg1[%get3A, %get3A_0] : memref<1000x128xf32, #tpu.memory_space<vmem>>, vector<1000x128xf32>
    %get3A_2 = arith.constant 0 : index
    %get3A_3 = arith.constant 0 : index
    %get3A_4 = vector.load %arg2[%get3A_2, %get3A_3] : memref<128x256xf32, #tpu.memory_space<vmem>>, vector<128x256xf32>
    %dot_general3A = arith.constant dense<0.000000e+00> : vector<1000x256xf32>
    %dot_general3A_5 = tpu.matmul %get3A_1, %get3A_4, %dot_general3A {dimension_numbers = #tpu.dot_dimension_numbers<[1], [0], [0], [1], [0, 0, 1, 1], [], []>, transpose_lhs_hint = false} : vector<1000x128xf32>, vector<128x256xf32>, vector<1000x256xf32> -> vector<1000x256xf32>
    %slice3A = vector.extract_strided_slice %dot_general3A_5 {offsets = [0, 0], sizes = [1000, 128], strides = [1, 1]} : vector<1000x256xf32> to vector<1000x128xf32>
    %swap3A = arith.constant 0 : index
    %swap3A_6 = arith.constant 0 : index
    %swap3A_7 = vector.load %arg3[%swap3A, %swap3A_6] : memref<1000x128xf32, #tpu.memory_space<vmem>>, vector<1000x128xf32>
    tpu.vector_store %arg3[%swap3A, %swap3A_6], %slice3A {strides = array<i32>} : memref<1000x128xf32, #tpu.memory_space<vmem>>, vector<1000x128xf32>,
    %slice3A_8 = vector.extract_strided_slice %dot_general3A_5 {offsets = [0, 128], sizes = [1000, 128], strides = [1, 1]} : vector<1000x256xf32> to vector<1000x128xf32>
    %swap3A_9 = arith.constant 0 : index
    %swap3A_10 = arith.constant 0 : index
    %swap3A_11 = vector.load %arg4[%swap3A_9, %swap3A_10] : memref<1000x128xf32, #tpu.memory_space<vmem>>, vector<1000x128xf32>
    tpu.vector_store %arg4[%swap3A_9, %swap3A_10], %slice3A_8 {strides = array<i32>} : memref<1000x128xf32, #tpu.memory_space<vmem>>, vector<1000x128xf32>,
    return
  }
  func.func @transform_0(%arg0: i32) -> (i32, i32) {
    %c0_i32 = arith.constant 0 : i32
    %c0_i32_0 = arith.constant 0 : i32
    return %arg0, %c0_i32 : i32, i32
  }
  func.func @transform_1(%arg0: i32) -> (i32, i32) {
    %c0_i32 = arith.constant 0 : i32
    %c0_i32_0 = arith.constant 0 : i32
    %c0_i32_1 = arith.constant 0 : i32
    return %c0_i32, %c0_i32_0 : i32, i32
  }
  func.func @transform_2(%arg0: i32) -> (i32, i32) {
    %c0_i32 = arith.constant 0 : i32
    %c0_i32_0 = arith.constant 0 : i32
    return %arg0, %c0_i32 : i32, i32
  }
  func.func @transform_3(%arg0: i32) -> (i32, i32) {
    %c0_i32 = arith.constant 0 : i32
    %c0_i32_0 = arith.constant 0 : i32
    return %arg0, %c0_i32 : i32, i32
  }
}

module attributes {stable_mosaic.version = 14 : i64} {
  func.func @_mm2_body(%arg0: i32, %arg1: memref<1000x128xf32, #tpu.memory_space<vmem>>, %arg2: memref<1000x128xf32, #tpu.memory_space<vmem>>, %arg3: memref<256x128xf32, #tpu.memory_space<vmem>>, %arg4: memref<1x256xf32, #tpu.memory_space<vmem>>, %arg5: memref<1000x128xf32, #tpu.memory_space<vmem>>) attributes {dimension_semantics = [#tpu.dimension_semantics<arbitrary>], iteration_bounds = array<i64: 10>, scalar_prefetch = 0 : i64, scratch_operands = 0 : i64, tpu.core_type = #tpu.core_type<tc>, window_params = [{transform_indices = @transform_0, window_bounds = array<i64: 1000, 128>}, {transform_indices = @transform_1, window_bounds = array<i64: 1000, 128>}, {pipeline_mode = #tpu.pipeline_mode<synchronous>, transform_indices = @transform_2, window_bounds = array<i64: 256, 128>}, {pipeline_mode = #tpu.pipeline_mode<synchronous>, transform_indices = @transform_3, window_bounds = array<i64: 1, 256>}, {transform_indices = @transform_4, window_bounds = array<i64: 1000, 128>}]} {
    %get3A = arith.constant 0 : index
    %get3A_0 = arith.constant 0 : index
    %get3A_1 = vector.load %arg1[%get3A, %get3A_0] : memref<1000x128xf32, #tpu.memory_space<vmem>>, vector<1000x128xf32>
    %get3A_2 = arith.constant 0 : index
    %get3A_3 = arith.constant 0 : index
    %get3A_4 = vector.load %arg4[%get3A_2, %get3A_3] : memref<1x256xf32, #tpu.memory_space<vmem>>, vector<1x128xf32>
    %add3A = vector.broadcast %get3A_4 : vector<1x128xf32> to vector<1000x128xf32>
    %add3A_5 = arith.addf %get3A_1, %add3A : vector<1000x128xf32>
    %get3A_6 = arith.constant 0 : index
    %get3A_7 = arith.constant 0 : index
    %get3A_8 = vector.load %arg2[%get3A_6, %get3A_7] : memref<1000x128xf32, #tpu.memory_space<vmem>>, vector<1000x128xf32>
    %get3A_9 = arith.constant 0 : index
    %get3A_10 = arith.constant 128 : index
    %get3A_11 = vector.load %arg4[%get3A_9, %get3A_10] : memref<1x256xf32, #tpu.memory_space<vmem>>, vector<1x128xf32>
    %add3A_12 = vector.broadcast %get3A_11 : vector<1x128xf32> to vector<1000x128xf32>
    %add3A_13 = arith.addf %get3A_8, %add3A_12 : vector<1000x128xf32>
    %get3A_14 = arith.constant 0 : index
    %get3A_15 = arith.constant 0 : index
    %get3A_16 = vector.load %arg3[%get3A_14, %get3A_15] : memref<256x128xf32, #tpu.memory_space<vmem>>, vector<128x128xf32>
    %dot_general3A = arith.constant dense<0.000000e+00> : vector<1000x128xf32>
    %dot_general3A_17 = tpu.matmul %add3A_5, %get3A_16, %dot_general3A {dimension_numbers = #tpu.dot_dimension_numbers<[1], [0], [0], [1], [0, 0, 1, 1], [], []>, transpose_lhs_hint = false} : vector<1000x128xf32>, vector<128x128xf32>, vector<1000x128xf32> -> vector<1000x128xf32>
    %get3A_18 = arith.constant 128 : index
    %get3A_19 = arith.constant 0 : index
    %get3A_20 = vector.load %arg3[%get3A_18, %get3A_19] : memref<256x128xf32, #tpu.memory_space<vmem>>, vector<128x128xf32>
    %dot_general3A_21 = arith.constant dense<0.000000e+00> : vector<1000x128xf32>
    %dot_general3A_22 = tpu.matmul %add3A_13, %get3A_20, %dot_general3A_21 {dimension_numbers = #tpu.dot_dimension_numbers<[1], [0], [0], [1], [0, 0, 1, 1], [], []>, transpose_lhs_hint = false} : vector<1000x128xf32>, vector<128x128xf32>, vector<1000x128xf32> -> vector<1000x128xf32>
    %add3A_23 = arith.addf %dot_general3A_17, %dot_general3A_22 : vector<1000x128xf32>
    %swap3A = arith.constant 0 : index
    %swap3A_24 = arith.constant 0 : index
    %swap3A_25 = vector.load %arg5[%swap3A, %swap3A_24] : memref<1000x128xf32, #tpu.memory_space<vmem>>, vector<1000x128xf32>
    tpu.vector_store %arg5[%swap3A, %swap3A_24], %add3A_23 {strides = array<i32>} : memref<1000x128xf32, #tpu.memory_space<vmem>>, vector<1000x128xf32>,
    return
  }
  func.func @transform_0(%arg0: i32) -> (i32, i32) {
    %c0_i32 = arith.constant 0 : i32
    %c0_i32_0 = arith.constant 0 : i32
    return %arg0, %c0_i32 : i32, i32
  }
  func.func @transform_1(%arg0: i32) -> (i32, i32) {
    %c0_i32 = arith.constant 0 : i32
    %c0_i32_0 = arith.constant 0 : i32
    return %arg0, %c0_i32 : i32, i32
  }
  func.func @transform_2(%arg0: i32) -> (i32, i32) {
    %c0_i32 = arith.constant 0 : i32
    %c0_i32_0 = arith.constant 0 : i32
    %c0_i32_1 = arith.constant 0 : i32
    return %c0_i32, %c0_i32_0 : i32, i32
  }
  func.func @transform_3(%arg0: i32) -> (i32, i32) {
    %c0_i32 = arith.constant 0 : i32
    %c0_i32_0 = arith.constant 0 : i32
    %c0_i32_1 = arith.constant 0 : i32
    return %c0_i32, %c0_i32_0 : i32, i32
  }
  func.func @transform_4(%arg0: i32) -> (i32, i32) {
    %c0_i32 = arith.constant 0 : i32
    %c0_i32_0 = arith.constant 0 : i32
    return %arg0, %c0_i32 : i32, i32
  }
}

module attributes {stable_mosaic.version = 14 : i64} {
  func.func @_softmax_body(%arg0: i32, %arg1: memref<1000x128xf32, #tpu.memory_space<vmem>>, %arg2: memref<1000x128xf32, #tpu.memory_space<vmem>>, %arg3: memref<1x128xf32, #tpu.memory_space<vmem>>, %arg4: memref<1000x128xf32, #tpu.memory_space<vmem>>) attributes {dimension_semantics = [#tpu.dimension_semantics<arbitrary>], iteration_bounds = array<i64: 10>, scalar_prefetch = 0 : i64, scratch_operands = 0 : i64, tpu.core_type = #tpu.core_type<tc>, window_params = [{transform_indices = @transform_0, window_bounds = array<i64: 1000, 128>}, {transform_indices = @transform_1, window_bounds = array<i64: 1000, 128>}, {pipeline_mode = #tpu.pipeline_mode<synchronous>, transform_indices = @transform_2, window_bounds = array<i64: 1, 128>}, {transform_indices = @transform_3, window_bounds = array<i64: 1000, 128>}]} {
    %get3A = arith.constant 0 : index
    %get3A_0 = arith.constant 0 : index
    %get3A_1 = vector.load %arg1[%get3A, %get3A_0] : memref<1000x128xf32, #tpu.memory_space<vmem>>, vector<1000x128xf32>
    %get3A_2 = arith.constant 0 : index
    %get3A_3 = arith.constant 0 : index
    %get3A_4 = vector.load %arg2[%get3A_2, %get3A_3] : memref<1000x128xf32, #tpu.memory_space<vmem>>, vector<1000x128xf32>
    %add3A = arith.addf %get3A_1, %get3A_4 : vector<1000x128xf32>
    %get3A_5 = arith.constant 0 : index
    %get3A_6 = arith.constant 0 : index
    %get3A_7 = vector.load %arg3[%get3A_5, %get3A_6] : memref<1x128xf32, #tpu.memory_space<vmem>>, vector<1x128xf32>
    %add3A_8 = vector.broadcast %get3A_7 : vector<1x128xf32> to vector<1000x128xf32>
    %add3A_9 = arith.addf %add3A, %add3A_8 : vector<1000x128xf32>
    %reduce_max3A = arith.constant dense<0xFF800000> : vector<1000xf32>
    %reduce_max3A_10 = vector.multi_reduction <maximumf>, %add3A_9, %reduce_max3A [1] : vector<1000x128xf32> to vector<1000xf32>
    %broadcast_in_dim3A = vector.shape_cast %reduce_max3A_10 : vector<1000xf32> to vector<1000x1xf32>
    %sub3A = vector.broadcast %broadcast_in_dim3A : vector<1000x1xf32> to vector<1000x128xf32>
    %sub3A_11 = arith.subf %add3A_9, %sub3A : vector<1000x128xf32>
    %exp3A = math.exp %sub3A_11 : vector<1000x128xf32>
    %reduce_sum3A = arith.constant dense<0.000000e+00> : vector<1000xf32>
    %reduce_sum3A_12 = vector.multi_reduction <add>, %exp3A, %reduce_sum3A [1] : vector<1000x128xf32> to vector<1000xf32>
    %broadcast_in_dim3A_13 = vector.shape_cast %reduce_sum3A_12 : vector<1000xf32> to vector<1000x1xf32>
    %div3A = vector.broadcast %broadcast_in_dim3A_13 : vector<1000x1xf32> to vector<1000x128xf32>
    %div3A_14 = arith.divf %exp3A, %div3A : vector<1000x128xf32>
    %swap3A = arith.constant 0 : index
    %swap3A_15 = arith.constant 0 : index
    %swap3A_16 = vector.load %arg4[%swap3A, %swap3A_15] : memref<1000x128xf32, #tpu.memory_space<vmem>>, vector<1000x128xf32>
    tpu.vector_store %arg4[%swap3A, %swap3A_15], %div3A_14 {strides = array<i32>} : memref<1000x128xf32, #tpu.memory_space<vmem>>, vector<1000x128xf32>,
    return
  }
  func.func @transform_0(%arg0: i32) -> (i32, i32) {
    %c0_i32 = arith.constant 0 : i32
    %c0_i32_0 = arith.constant 0 : i32
    return %arg0, %c0_i32 : i32, i32
  }
  func.func @transform_1(%arg0: i32) -> (i32, i32) {
    %c0_i32 = arith.constant 0 : i32
    %c0_i32_0 = arith.constant 0 : i32
    return %arg0, %c0_i32 : i32, i32
  }
  func.func @transform_2(%arg0: i32) -> (i32, i32) {
    %c0_i32 = arith.constant 0 : i32
    %c0_i32_0 = arith.constant 0 : i32
    %c0_i32_1 = arith.constant 0 : i32
    return %c0_i32, %c0_i32_0 : i32, i32
  }
  func.func @transform_3(%arg0: i32) -> (i32, i32) {
    %c0_i32 = arith.constant 0 : i32
    %c0_i32_0 = arith.constant 0 : i32
    return %arg0, %c0_i32 : i32, i32
  }
}

</mosaic_0001>

<sc_bundles>
// kernel: kernel.10.cloned.1.call-start
scs
__scs_entry_jumppad:
0x0: {  	(pc) =	sbr.rel $0x88, $3  }
0x1: {  	(tag) =	ssettag $0x0;
	lr =	simm.s32 $0x1  }
0x2: {  	[smem:$0x3F9B] =	sst lr;
	_ =	strace $0xD0000000  }
0x3: {  	_ = 	snop  }
0x4: {  	_ = 	snop  }
0x5: {  	_ = 	snop  }
0x6: {  	_ = 	snop  }
0x7: {  	_ = 	snop  }
__scs_overlays_trampoline_lowered:
0x8: {  	[smem:$0x3FAA] =	sst s0  }
0x9: {  	[smem:$0x3FAB] =	sst s1  }
0xa: {  	[smem:$0x3FAC] =	sst s2  }
0xb: {  	[smem:$0x3FAD] =	sst s3  }
0xc: {  	[smem:$0x3FAE] =	sst s4  }
0xd: {  	[smem:$0x3FAF] =	sst s5  }
0xe: {  	[smem:$0x3FB0] =	sst s6  }
0xf: {  	[smem:$0x3FB1] =	sst s7  }
0x10: {  	[smem:$0x3FB2] =	sst s8  }
0x11: {  	[smem:$0x3FB3] =	sst s9;
	s0 =	simm.s32 @!p0 $0x0  }
0x12: {  	s1 =	sld [smem:$0x3F99];
	s0 =	simm.s32 @p0 $0x1  }
0x13: {  	[smem:$0x3FB4] =	sst s0;
	s0 =	simm.s32 @!p1 $0x0  }
0x14: {  	s2 =	sld [smem:$0x3F98];
	s0 =	simm.s32 @p1 $0x1  }
0x15: {  	[smem:$0x3FB5] =	sst s0;
	s0 =	simm.s32 @!p2 $0x0  }
0x16: {  	s3 =	sld [smem:$0x3FDB];
	s0 =	simm.s32 @p2 $0x1  }
0x17: {  	s4 =	simm.s32 $0x1BF5;
	[smem:$0x3FB7] =	sst s0  }
0x18: {  	s0 =	sld [smem:$0x3F9A];
	_ =	swait.ge [sflag:s4], $0x0  }
0x19: {  	s7 =	sld [smem:$0x3F9B]  }
0x1a: {  	s8 =	sadd.s32 $0xFFFFE003, lr  }
0x1b: {  	s9 =	sadd.s32 $0xFFFFFEF7, lr;
	s5 =	simm.s32 $0xFFFFFFFF;
	p2 =	slt.u32 s8, $0xFFFFF086  }
0x1c: {  	p1 =	slt.u32 s9, $0xF7A;
	s5 =	simm.s32 @!p2 $0x0  }
0x1d: {  	s5 =	simm.s32 @p1 $0x1;
	p0 =	seq.s32 s7, s2  }
0x1e: {  	s7 =	smul.u32 @!p0 $0xF7A, s2;
	p2 =	seq.s32 @!p0 s5, $0x0  }
0x1f: {  	s9 =	smul.u32 $0xF7A, s1;
	s8 =	simm.s32 @!p0 $0x1BF5;
	p2 =	por !p2, p0  }
0x20: {  	[sflag:s8] =	ssyncset.s32 @!p0 $0xFFFFF086;
	s6 =	sadd.s32 @!p0 s3, s7;
	s7 =	simm.s32 @!p0 $0x108  }
0x21: {  	s3 =	sadd.s32 s3, s9;
	s6 =	sadd.s32 @!p0 $0x88, s6;
	s7 =	simm.s32 @p2 $0x1082  }
0x22: {  	[simem:s7], [sflag:s8] =	dma.local @!p0 [hbm:s6], $0xF7A  }
0x23: {  	s9 =	sor.u32 $0xD0000000, s2;
	s6 =	simm.s32 $0x108;
	_ =	swait.ge @!p0 [sflag:s8], $0x0  }
0x24: {  	s3 =	sadd.s32 $0x88, s3;
	s6 =	simm.s32 @!p1 $0x1082;
	[sflag:s4] =	ssyncset.s32 $0xFFFFF086  }
0x25: {  	[simem:s6], [sflag:s4] =	dma.local [hbm:s3], $0xF7A  }
0x26: {  	[smem:$0x3F9B] =	sst s1;
	(tag) =	ssettag s2;
	_ =	strace s9  }
0x27: {  	s1 =	sld [smem:$0x3FAB]  }
0x28: {  	s2 =	sld [smem:$0x3FAC]  }
0x29: {  	s4 =	sld [smem:$0x3FAE]  }
0x2a: {  	p0 =	seq.s32 s5, $0x0;
	s5 =	sld [smem:$0x3FAF]  }
0x2b: {  	s6 =	sld [smem:$0x3FB0]  }
0x2c: {  	s7 =	sld [smem:$0x3FB1]  }
0x2d: {  	s3 =	simm.s32 $0x108;
	s8 =	sld [smem:$0x3FB2]  }
0x2e: {  	s3 =	simm.s32 @!p0 $0x1082;
	s9 =	sld [smem:$0x3FB3]  }
0x2f: {  	lr =	sadd.s32 s0, s3;
	s0 =	sld [smem:$0x3FAA]  }
0x30: {  	s3 =	sld [smem:$0x3FAD]  }
0x31: {  	[smem:$0x3FB6] =	sst s10  }
0x32: {  	s10 =	sld [smem:$0x3FB4];
	_ =	sdelay $0x3  }
0x33: {  	p0 =	seq.s32 s10, $0x1;
	s10 =	sld [smem:$0x3FB6];
	_ =	sdelay $0x3  }
0x34: {  	[smem:$0x3FB6] =	sst s10  }
0x35: {  	s10 =	sld [smem:$0x3FB5];
	_ =	sdelay $0x3  }
0x36: {  	p1 =	seq.s32 s10, $0x1;
	s10 =	sld [smem:$0x3FB6];
	_ =	sdelay $0x3  }
0x37: {  	[smem:$0x3FB6] =	sst s10  }
0x38: {  	s10 =	sld [smem:$0x3FB7]  }
0x39: {  	_ = 	snop;
	(pc) =	sbr.ind lr, $3  }
0x3a: {  	_ = 	snop  }
0x3b: {  	_ = 	snop  }
0x3c: {  	p2 =	seq.s32 s10, $0x1;
	s10 =	sld [smem:$0x3FB6]  }
0x3d: {  	_ =	shalt  }
0x3e: {  	_ =	shalt  }
0x3f: {  	_ =	shalt  }
0x40: {  	_ =	shalt  }
0x41: {  	_ =	shalt  }
0x42: {  	_ =	shalt  }
0x43: {  	_ =	shalt  }
0x44: {  	_ =	shalt  }
0x45: {  	_ =	shalt  }
0x46: {  	_ =	shalt  }
0x47: {  	_ =	shalt  }
0x48: {  	_ =	shalt  }
0x49: {  	_ =	shalt  }
0x4a: {  	_ =	shalt  }
0x4b: {  	_ =	shalt  }
0x4c: {  	_ =	shalt  }
0x4d: {  	_ =	shalt  }
0x4e: {  	_ =	shalt  }
0x4f: {  	_ =	shalt  }
0x50: {  	_ =	shalt  }
0x51: {  	_ =	shalt  }
0x52: {  	_ =	shalt  }
0x53: {  	_ =	shalt  }
0x54: {  	_ =	shalt  }
0x55: {  	_ =	shalt  }
0x56: {  	_ =	shalt  }
0x57: {  	_ =	shalt  }
0x58: {  	_ =	shalt  }
0x59: {  	_ =	shalt  }
0x5a: {  	_ =	shalt  }
0x5b: {  	_ =	shalt  }
0x5c: {  	_ =	shalt  }
0x5d: {  	_ =	shalt  }
0x5e: {  	_ =	shalt  }
0x5f: {  	_ =	shalt  }
0x60: {  	_ =	shalt  }
0x61: {  	_ =	shalt  }
0x62: {  	_ =	shalt  }
0x63: {  	_ =	shalt  }
0x64: {  	_ =	shalt  }
0x65: {  	_ =	shalt  }
0x66: {  	_ =	shalt  }
0x67: {  	_ =	shalt  }
0x68: {  	_ =	shalt  }
0x69: {  	_ =	shalt  }
0x6a: {  	_ =	shalt  }
0x6b: {  	_ =	shalt  }
0x6c: {  	_ =	shalt  }
0x6d: {  	_ =	shalt  }
0x6e: {  	_ =	shalt  }
0x6f: {  	_ =	shalt  }
0x70: {  	_ =	shalt  }
0x71: {  	_ =	shalt  }
0x72: {  	_ =	shalt  }
0x73: {  	_ =	shalt  }
0x74: {  	_ =	shalt  }
0x75: {  	_ =	shalt  }
0x76: {  	_ =	shalt  }
0x77: {  	_ =	shalt  }
0x78: {  	_ =	shalt  }
0x79: {  	_ =	shalt  }
0x7a: {  	_ =	shalt  }
0x7b: {  	_ =	shalt  }
0x7c: {  	_ =	shalt  }
0x7d: {  	_ =	shalt  }
0x7e: {  	_ =	shalt  }
0x7f: {  	_ =	shalt  }
0x80: {  	_ =	shalt  }
0x81: {  	_ =	shalt  }
0x82: {  	_ =	shalt  }
0x83: {  	_ =	shalt  }
0x84: {  	_ =	shalt  }
0x85: {  	_ =	shalt  }
0x86: {  	_ =	shalt  }
0x87: {  	_ =	shalt  }
.Lfunc_end0:
.L_simem_size_0:
called_computation.1_lowered:
.L_overlay_start_0:
0x88: {  	s2 =	sld [smem:$0x3FD9]  }
0x89: {  	s3 =	sld [smem:$0x3FFE];
	_ =	sdelay $0x1  }
0x8a: {  	s1 =	srdreg.scid  }
0x8b: {  	s0 =	sand.u32 $0x1, s1  }
0x8c: {  	s17 =	sshll.u32 s0, $0xA;
	s2 =	sadd.s32 s3, s2  }
0x8d: {  	s2 =	sadd.s32 s2, s17  }
0x8e: {  	[smem:$0x3FC2] =	sst s2  }
0x8f: {  	_ = 	snop  }
0x90: {  	s2 =	sld [smem:$0x3FD0];
	(tm) =	ssettm $0x1  }
0x91: {  	s18 =	sld [smem:$0x3FFB];
	_ =	sdelay $0x3  }
0x92: {  	_ =	strace s18  }
0x93: {  	s3 =	sld [smem:$0x3FFC];
	_ =	sdelay $0x3  }
0x94: {  	_ =	strace s3  }
0x95: {  	s3 =	sld [smem:$0x3FFD];
	_ =	sdelay $0x3  }
0x96: {  	_ =	strace s3  }
0x97: {  	_ =	strace $0x8FFFFFFF  }
0x98: {  	s19 =	sld [smem:$0x3FDB];
	_ =	sdelay $0x1  }
0x99: {  	s4 =	simm.s32 $_scs_section_size  }
0x9a: {  	s5 =	simm.s32 $_size__tile_overlayer_lowered;
	s6 =	simm.s32 $_tile_overlayer_lowered  }
0x9b: {  	s22 =	simm.s32 $0x1BFF;
	s21 =	sshll.u32 s6, $0x1;
	s3 =	sadd.s32 s4, s19  }
0x9c: {  	s7 =	simm.s32 $0x0;
	s20 =	sshll.u32 s5, $0x1;
	s5 =	sadd.s32 s21, s3  }
0x9d: {  	[timem:s7], [sflag:s22] =	dma.local [hbm:s5], s20  }
0x9e: {  	_ =	swait.ge [sflag:s22], s20  }
0x9f: {  	s4 =	ssub.s32 $0x0, s20;
	[sflag:s22] =	ssyncset.done $0x0  }
0xa0: {  	[sflag:s22] =	ssyncadd.s32 s4;
	_ =	sdelay $0x1  }
0xa1: {  	s23 =	simm.s32 $0x1B8B  }
0xa2: {  	_ =	swait.ge [sflag:s23], $0x1  }
0xa3: {  	[sflag:s23] =	ssyncset.done $0x0  }
0xa4: {  	s25 =	simm.s32 $0x1B8E;
	s24 =	sld [smem:$0x3FFE];
	[sflag:s23] =	ssyncadd.s32 $0xFFFFFFFF  }
0xa5: {  	s26 =	simm.s32 $execute0_lowered;
	[smem:$0x3FD2] =	sst s25  }
0xa6: {  	s5 =	sshll.u32 s26, $0x1;
	_ =	strace $0x80000049;
	[dreg:$0x1] =	wrdreg $0xFFFFFFFF  }
0xa7: {  	s28 =	simm.s32 $_size_execute0_lowered;
	s3 =	sadd.s32 s3, s5;
	[dreg:$0x0] =	wrdreg $0x0  }
0xa8: {  	s5 =	sshll.u32 s28, $0x1;
	[dreg:$0x2] =	wrdreg s3  }
0xa9: {  	[dreg:$0x3] =	wrdreg s5  }
0xaa: {  	[dreg:$0x4] =	wrdreg $0xC0  }
0xab: {  	_ =	task [dreg:s7], $0x5FFFF  }
0xac: {  	[dreg:$0x1] =	wrdreg $0xFFFFFFFF  }
0xad: {  	[dreg:$0x0] =	wrdreg $0x60  }
0xae: {  	[dreg:$0x2] =	wrdreg s2  }
0xaf: {  	[dreg:$0x3] =	wrdreg s24  }
0xb0: {  	[dreg:$0x4] =	wrdreg $0x90000  }
0xb1: {  	[dreg:$0x5] =	wrdreg $0x9  }
0xb2: {  	_ =	task.clear_ibuf [dreg:s7], $0x6FFFF;
	_ =	strace $0x90000049  }
0xb3: {  	s29 =	simm.s32 $0x9;
	_ =	strace $0x8000004B  }
0xb4: {  	_ =	swait.ge [sflag:s29], $0x1  }
0xb5: {  	[sflag:s29] =	ssyncadd.s32 $0xFFFFFFFF  }
0xb6: {  	_ =	strace $0x9000004B  }
0xb7: {  	_ =	sfence  }
0xb8: {  	s30 =	sld [smem:$0x0];
	_ =	sdelay $0x2  }
0xb9: {  	s31 =	sshll.u32 s1, $0xD;
	s1 =	sshrl.u32 s1, $0x2  }
0xba: {  	s3 =	sand.u32 $0x4000, s31;
	s1 =	sadd.s32 s1, s30  }
0xbb: {  	s0 =	sor.u32 s3, s0;
	s1 =	sshll.u32 s1, $0x11  }
0xbc: {  	s0 =	sor.u32 s1, s0  }
0xbd: {  	s0 =	sadd.s32 $0x8F2B, s0  }
0xbe: {  	[sflag:s0] =	ssyncadd.remote.s32 $0x1  }
0xbf: {  	_ =	sfence.sel $0xFFFF  }
0xc0: {  	[dreg:$0x0] =	wrdreg $0xFFFFFFFF;
	(pc) =	sbr.abs _section_cstart, $3  }
0xc1: {  	[dreg:$0x1] =	wrdreg $0xFFFFFFFF  }
0xc2: {  	_ =	task.clear_ibuf [dreg:s7], $0x2FFFF;
	_ =	strace $0x9FFFFFFF  }
0xc3: {  	(tm) =	ssettm $0x7FFFFFFF  }
tec
execute0_lowered:
.L_overlay_start_1:
0x0: {  	(tag) =	ssettag $0x1  }
0x1: {  	s1 =	rddreg [dreg:$0x0]  }
0x2: {  	s0 =	srdreg.scid;
	s2 =	rddreg [dreg:$0x1]  }
0x3: {  	s10 =	stileid.u32;
	s3 =	rddreg [dreg:$0x2];
	s4 =	simm.s32 $0x0  }
0x4: {  	s26 =	simm.s32 $0x100;
	s11 =	simm.s32 $0x880;
	s12 =	simm.s32 $0x180  }
0x5: {  	s15 =	simm.s32 $0x900;
	s17 =	simm.s32 $0x200;
	s18 =	simm.s32 $0x980  }
0x6: {  	s28 =	simm.s32 $0xC80;
	[smem:$0x7FF] =	sst s4;
	s25 =	sadd.s32 $0x12C000, s3  }
0x7: {  	s29 =	simm.s32 $0x580;
	_ =	strace $0x8000004A;
	[dreg:$0x19] =	wrdreg s25  }
0x8: {  	s30 =	simm.s32 $0xD00;
	s31 =	simm.s32 $0x600;
	[dreg:$0x6] =	wrdreg s26  }
0x9: {  	s0 =	sand.u32 $0x1, s0;
	s5 =	smul.u32 $0x2800, s10;
	[dreg:$0x7] =	wrdreg s11  }
0xa: {  	s8 =	smul.u32 $0x50000, s10;
	s21 =	sshll.u32 s10, $0x6;
	[dreg:$0x8] =	wrdreg s12  }
0xb: {  	p3 =	seq.s32 s10, $0xF;
	s10 =	simm.s32 $0x0;
	[dreg:$0x9] =	wrdreg s15  }
0xc: {  	s6 =	smul.u32 $0x28000, s0;
	s7 =	ssub.s32 $0x2, s0;
	[dreg:$0xa] =	wrdreg s17  }
0xd: {  	s14 =	sor.u32 $0x1C05, s21;
	s15 =	simm.s32 $0x5;
	[dreg:$0xb] =	wrdreg s18  }
0xe: {  	s17 =	simm.s32 $0x80;
	s18 =	simm.s32 $0x1000;
	s21 =	simm.s32 $0x300  }
0xf: {  	s25 =	simm.s32 $0x400;
	s26 =	simm.s32 $0xB80;
	p1 =	sne.s32 @p3 s0, $0x0  }
0x10: {  	p4 =	sne.s32 @!p3 s0, $0x0;
	s0 =	simm.s32 $0x680;
	s11 =	simm.s32 $0x780  }
0x11: {  	s12 =	simm.s32 $0xF00;
	s9 =	sshrl.u32 s7, $0x1;
	[dreg:$0xe] =	wrdreg s21  }
0x12: {  	s8 =	sshrl.u32 s8, $0x2;
	s21 =	simm.s32 $0x2;
	[dreg:$0x12] =	wrdreg s25  }
0x13: {  	[dreg:$0x13] =	wrdreg s26;
	s25 =	simm.s32 $0xC00;
	p0 =	por !p1, !p3  }
0x14: {  	p1 =	por p1, !p3;
	p2 =	por !p4, p3;
	p3 =	por p4, p3  }
0x15: {  	[dreg:$0x16] =	wrdreg s14;
	s19 =	sadd.s32 s8, s3;
	s8 =	sadd.s32 $0x8AE00, s2  }
0x16: {  	s6 =	sadd.s32 s5, s6;
	s5 =	sadd.s32 s5, s2;
	[dreg:$0x1a] =	wrdreg s8  }
0x17: {  	s26 =	simm.s32 $0x500;
	s20 =	sadd.s32 $0x3D600, s5;
	[dreg:$0x14] =	wrdreg s19  }
0x18: {  	s7 =	ssub.s32 s7, s9;
	s22 =	sadd.s32 $0x65600, s5;
	[dreg:$0x15] =	wrdreg s20  }
0x19: {  	s9 =	simm.s32 $0xE80;
	s5 =	sadd.s32 $0x2400, s5;
	[dreg:$0x17] =	wrdreg s22  }
0x1a: {  	s6 =	sshrl.u32 s6, $0x3;
	s13 =	smax.u32 s7, $0x1;
	[dreg:$0x18] =	wrdreg s5  }
0x1b: {  	s16 =	sshrl.u32 s19, $0x3;
	s19 =	simm.s32 $0x280;
	[dreg:$0x1c] =	wrdreg s13  }
0x1c: {  	s8 =	simm.s32 $0x700;
	s6 =	sadd.s32 s6, s2;
	[dreg:$0x1d] =	wrdreg s16  }
0x1d: {  	s2 =	sadd.s32 $0x27C00, s2;
	s16 =	simm.s32 $0x800;
	[dreg:$0xc] =	wrdreg s19  }
0x1e: {  	s20 =	simm.s32 $0xA00;
	s19 =	simm.s32 $0x1;
	[dreg:$0x1b] =	wrdreg s2  }
0x1f: {  	s22 =	simm.s32 $0xA80;
	s13 =	simm.s32 $0xF80;
	[dreg:$0xd] =	wrdreg s20  }
0x20: {  	s23 =	sadd.s32 $0x33600, s6;
	s24 =	sadd.s32 $0x29600, s6;
	[dreg:$0xf] =	wrdreg s22  }
0x21: {  	s20 =	simm.s32 $0x5000;
	s22 =	simm.s32 $0x3;
	[dreg:$0x4] =	wrdreg s23  }
0x22: {  	s2 =	simm.s32 $0xD80;
	[dreg:$0x5] =	wrdreg s24;
	s23 =	simm.s32 $0x380  }
0x23: {  	s6 =	simm.s32 $0xE00;
	s24 =	simm.s32 $0xB00;
	[dreg:$0x10] =	wrdreg s23  }
0x24: {  	[dreg:$0x11] =	wrdreg s24;
	s23 =	simm.s32 $0x4;
	s24 =	simm.s32 $0x480  }
.LBB2_1:
0x25: {  	[dreg:$0x1e] =	wrdreg s10  }
0x26: {  	s5 =	rddreg [dreg:$0x15]  }
0x27: {  	s7 =	rddreg [dreg:$0x1d]  }
0x28: {  	[spmem:s7], [sflag:s14] =	dma.local [hbm:s5], $0x2800  }
0x29: {  	_ =	swait.ge [sflag:s15], $0x2800  }
0x2a: {  	[sflag:s15] =	ssyncset.done $0x0  }
0x2b: {  	[sflag:s15] =	ssyncadd.s32 $0xFFFFD800  }
0x2c: {  	[bflag:$0x0] =	sbarrier.arrive $0xFFFF  }
0x2d: {  	s14 =	rddreg [dreg:$0x5]  }
0x2e: {  	s5 =	sadd.s32 $0x0, s14  }
0x2f: {  	[tilespmem:s4], [sflag:$0x5] =	stream.linear.gather [hbm4b:s5+s4], $0x800, $0x38;
	[tilespmem:$0x1D000] =	vst v63  }
0x30: {  	_ =	swait.ge [sflag:s15], $0x800  }
0x31: {  	s7 =	rddreg [dreg:$0x4];
	[sflag:s15] =	ssyncset.done $0x0  }
0x32: {  	[sflag:s15] =	ssyncadd.s32 $0xFFFFF800;
	s5 =	sadd.s32 $0x0, s7  }
0x33: {  	[tilespmem:s16], [sflag:$0x5] =	stream.linear.gather [hbm4b:s5+s4], $0x800, $0x38;
	[tilespmem:$0x1D000] =	vst v63  }
0x34: {  	_ =	swait.ge [sflag:s15], $0x800  }
0x35: {  	[sflag:s15] =	ssyncset.done $0x0  }
0x36: {  	[sflag:s15] =	ssyncadd.s32 $0xFFFFF800  }
0x37: {  	[tilespmem:s18], [sflag:$0x1] =	stream.indirect.gather [hbm4b:s1+s17], $0x80, s4, s17, $0xb8;
	[tilespmem:$0x1D000] =	vst v63  }
0x38: {  	_ =	swait.ge [sflag:s19], $0x4000  }
0x39: {  	[sflag:s19] =	ssyncset.done $0x0  }
0x3a: {  	[sflag:s19] =	ssyncadd.s32 $0xFFFFC000  }
0x3b: {  	[tilespmem:s20], [sflag:$0x2] =	stream.indirect.gather [hbm4b:s1+s17], $0x80, s17, s17, $0xb8;
	[tilespmem:$0x1D000] =	vst v63  }
0x3c: {  	_ = 	snop  }
0x3d: {  	[spmem:s3] =	stream.indirect.scatter.add.f32 [tilespmem:s18], [sflag:$0x3], $0x80, s16, s17, $0xb8;
	[tilespmem:$0x1D000] =	vst v63  }
0x3e: {  	_ =	swait.ge [sflag:s21], $0x4000  }
0x3f: {  	[sflag:s21] =	ssyncset.done $0x0  }
0x40: {  	[sflag:s21] =	ssyncadd.s32 $0xFFFFC000  }
0x41: {  	_ =	swait.ge [sflag:s22], $0x4000  }
0x42: {  	[sflag:s22] =	ssyncset.done $0x0  }
0x43: {  	s10 =	rddreg [dreg:$0x6];
	[sflag:s22] =	ssyncadd.s32 $0xFFFFC000  }
0x44: {  	[tilespmem:s18], [sflag:$0x1] =	stream.indirect.gather [hbm4b:s1+s17], $0x80, s10, s17, $0xb8;
	[tilespmem:$0x1D000] =	vst v63  }
0x45: {  	s14 =	rddreg [dreg:$0x7]  }
0x46: {  	[spmem:s3] =	stream.indirect.scatter.add.f32 [tilespmem:s20], [sflag:$0x4], $0x80, s14, s17, $0xb8;
	[tilespmem:$0x1D000] =	vst v63  }
0x47: {  	_ =	swait.ge [sflag:s19], $0x4000  }
0x48: {  	[sflag:s19] =	ssyncset.done $0x0  }
0x49: {  	[sflag:s19] =	ssyncadd.s32 $0xFFFFC000  }
0x4a: {  	_ =	swait.ge [sflag:s23], $0x4000  }
0x4b: {  	[sflag:s23] =	ssyncset.done $0x0  }
0x4c: {  	s10 =	rddreg [dreg:$0x8];
	[sflag:s23] =	ssyncadd.s32 $0xFFFFC000  }
0x4d: {  	[tilespmem:s20], [sflag:$0x2] =	stream.indirect.gather [hbm4b:s1+s17], $0x80, s10, s17, $0xb8;
	[tilespmem:$0x1D000] =	vst v63  }
0x4e: {  	s14 =	rddreg [dreg:$0x9]  }
0x4f: {  	[spmem:s3] =	stream.indirect.scatter.add.f32 [tilespmem:s18], [sflag:$0x3], $0x80, s14, s17, $0xb8;
	[tilespmem:$0x1D000] =	vst v63  }
0x50: {  	_ =	swait.ge [sflag:s21], $0x4000  }
0x51: {  	[sflag:s21] =	ssyncset.done $0x0  }
0x52: {  	[sflag:s21] =	ssyncadd.s32 $0xFFFFC000  }
0x53: {  	_ =	swait.ge [sflag:s22], $0x4000  }
0x54: {  	[sflag:s22] =	ssyncset.done $0x0  }
0x55: {  	s10 =	rddreg [dreg:$0xa];
	[sflag:s22] =	ssyncadd.s32 $0xFFFFC000  }
0x56: {  	[tilespmem:s18], [sflag:$0x1] =	stream.indirect.gather [hbm4b:s1+s17], $0x80, s10, s17, $0xb8;
	[tilespmem:$0x1D000] =	vst v63  }
0x57: {  	s14 =	rddreg [dreg:$0xb]  }
0x58: {  	[spmem:s3] =	stream.indirect.scatter.add.f32 [tilespmem:s20], [sflag:$0x4], $0x80, s14, s17, $0xb8;
	[tilespmem:$0x1D000] =	vst v63  }
0x59: {  	_ =	swait.ge [sflag:s19], $0x4000  }
0x5a: {  	[sflag:s19] =	ssyncset.done $0x0  }
0x5b: {  	[sflag:s19] =	ssyncadd.s32 $0xFFFFC000  }
0x5c: {  	_ =	swait.ge [sflag:s23], $0x4000  }
0x5d: {  	[sflag:s23] =	ssyncset.done $0x0  }
0x5e: {  	s10 =	rddreg [dreg:$0xc];
	[sflag:s23] =	ssyncadd.s32 $0xFFFFC000  }
0x5f: {  	[tilespmem:s20], [sflag:$0x2] =	stream.indirect.gather [hbm4b:s1+s17], $0x80, s10, s17, $0xb8;
	[tilespmem:$0x1D000] =	vst v63  }
0x60: {  	s14 =	rddreg [dreg:$0xd]  }
0x61: {  	[spmem:s3] =	stream.indirect.scatter.add.f32 [tilespmem:s18], [sflag:$0x3], $0x80, s14, s17, $0xb8;
	[tilespmem:$0x1D000] =	vst v63  }
0x62: {  	_ =	swait.ge [sflag:s21], $0x4000  }
0x63: {  	[sflag:s21] =	ssyncset.done $0x0  }
0x64: {  	[sflag:s21] =	ssyncadd.s32 $0xFFFFC000  }
0x65: {  	_ =	swait.ge [sflag:s22], $0x4000  }
0x66: {  	[sflag:s22] =	ssyncset.done $0x0  }
0x67: {  	s10 =	rddreg [dreg:$0xe];
	[sflag:s22] =	ssyncadd.s32 $0xFFFFC000  }
0x68: {  	[tilespmem:s18], [sflag:$0x1] =	stream.indirect.gather [hbm4b:s1+s17], $0x80, s10, s17, $0xb8;
	[tilespmem:$0x1D000] =	vst v63  }
0x69: {  	s14 =	rddreg [dreg:$0xf]  }
0x6a: {  	[spmem:s3] =	stream.indirect.scatter.add.f32 [tilespmem:s20], [sflag:$0x4], $0x80, s14, s17, $0xb8;
	[tilespmem:$0x1D000] =	vst v63  }
0x6b: {  	_ =	swait.ge [sflag:s19], $0x4000  }
0x6c: {  	[sflag:s19] =	ssyncset.done $0x0  }
0x6d: {  	[sflag:s19] =	ssyncadd.s32 $0xFFFFC000  }
0x6e: {  	_ =	swait.ge [sflag:s23], $0x4000  }
0x6f: {  	[sflag:s23] =	ssyncset.done $0x0  }
0x70: {  	s10 =	rddreg [dreg:$0x10];
	[sflag:s23] =	ssyncadd.s32 $0xFFFFC000  }
0x71: {  	[tilespmem:s20], [sflag:$0x2] =	stream.indirect.gather [hbm4b:s1+s17], $0x80, s10, s17, $0xb8;
	[tilespmem:$0x1D000] =	vst v63  }
0x72: {  	s14 =	rddreg [dreg:$0x11]  }
0x73: {  	[spmem:s3] =	stream.indirect.scatter.add.f32 [tilespmem:s18], [sflag:$0x3], $0x80, s14, s17, $0xb8;
	[tilespmem:$0x1D000] =	vst v63  }
0x74: {  	_ =	swait.ge [sflag:s21], $0x4000  }
0x75: {  	[sflag:s21] =	ssyncset.done $0x0  }
0x76: {  	[sflag:s21] =	ssyncadd.s32 $0xFFFFC000  }
0x77: {  	_ =	swait.ge [sflag:s22], $0x4000  }
0x78: {  	[sflag:s22] =	ssyncset.done $0x0  }
0x79: {  	s10 =	rddreg [dreg:$0x12];
	[sflag:s22] =	ssyncadd.s32 $0xFFFFC000  }
0x7a: {  	[tilespmem:s18], [sflag:$0x1] =	stream.indirect.gather [hbm4b:s1+s17], $0x80, s10, s17, $0xb8;
	[tilespmem:$0x1D000] =	vst v63  }
0x7b: {  	s14 =	rddreg [dreg:$0x13]  }
0x7c: {  	[spmem:s3] =	stream.indirect.scatter.add.f32 [tilespmem:s20], [sflag:$0x4], $0x80, s14, s17, $0xb8;
	[tilespmem:$0x1D000] =	vst v63  }
0x7d: {  	_ =	swait.ge [sflag:s19], $0x4000  }
0x7e: {  	[sflag:s19] =	ssyncset.done $0x0  }
0x7f: {  	[sflag:s19] =	ssyncadd.s32 $0xFFFFC000  }
0x80: {  	_ =	swait.ge [sflag:s23], $0x4000  }
0x81: {  	[sflag:s23] =	ssyncset.done $0x0  }
0x82: {  	[sflag:s23] =	ssyncadd.s32 $0xFFFFC000  }
0x83: {  	[tilespmem:s20], [sflag:$0x2] =	stream.indirect.gather [hbm4b:s1+s17], $0x80, s24, s17, $0xb8;
	[tilespmem:$0x1D000] =	vst v63  }
0x84: {  	_ = 	snop  }
0x85: {  	[spmem:s3] =	stream.indirect.scatter.add.f32 [tilespmem:s18], [sflag:$0x3], $0x80, s25, s17, $0xb8;
	[tilespmem:$0x1D000] =	vst v63  }
0x86: {  	_ =	swait.ge [sflag:s21], $0x4000  }
0x87: {  	[sflag:s21] =	ssyncset.done $0x0  }
0x88: {  	[sflag:s21] =	ssyncadd.s32 $0xFFFFC000  }
0x89: {  	_ =	swait.ge [sflag:s22], $0x4000  }
0x8a: {  	[sflag:s22] =	ssyncset.done $0x0  }
0x8b: {  	[sflag:s22] =	ssyncadd.s32 $0xFFFFC000  }
0x8c: {  	[tilespmem:s18], [sflag:$0x1] =	stream.indirect.gather [hbm4b:s1+s17], $0x80, s26, s17, $0xb8;
	[tilespmem:$0x1D000] =	vst v63  }
0x8d: {  	_ = 	snop  }
0x8e: {  	[spmem:s3] =	stream.indirect.scatter.add.f32 [tilespmem:s20], [sflag:$0x4], $0x80, s28, s17, $0xb8;
	[tilespmem:$0x1D000] =	vst v63  }
0x8f: {  	_ =	swait.ge [sflag:s19], $0x4000  }
0x90: {  	[sflag:s19] =	ssyncset.done $0x0  }
0x91: {  	[sflag:s19] =	ssyncadd.s32 $0xFFFFC000  }
0x92: {  	_ =	swait.ge [sflag:s23], $0x4000  }
0x93: {  	[sflag:s23] =	ssyncset.done $0x0  }
0x94: {  	[sflag:s23] =	ssyncadd.s32 $0xFFFFC000  }
0x95: {  	[tilespmem:s20], [sflag:$0x2] =	stream.indirect.gather [hbm4b:s1+s17], $0x80, s29, s17, $0xb8;
	[tilespmem:$0x1D000] =	vst v63  }
0x96: {  	_ = 	snop  }
0x97: {  	[spmem:s3] =	stream.indirect.scatter.add.f32 [tilespmem:s18], [sflag:$0x3], $0x80, s30, s17, $0xb8;
	[tilespmem:$0x1D000] =	vst v63  }
0x98: {  	_ =	swait.ge [sflag:s21], $0x4000  }
0x99: {  	[sflag:s21] =	ssyncset.done $0x0  }
0x9a: {  	[sflag:s21] =	ssyncadd.s32 $0xFFFFC000  }
0x9b: {  	_ =	swait.ge [sflag:s22], $0x4000  }
0x9c: {  	[sflag:s22] =	ssyncset.done $0x0  }
0x9d: {  	[sflag:s22] =	ssyncadd.s32 $0xFFFFC000  }
0x9e: {  	[tilespmem:s18], [sflag:$0x1] =	stream.indirect.gather [hbm4b:s1+s17], $0x80, s31, s17, $0xb8;
	[tilespmem:$0x1D000] =	vst v63  }
0x9f: {  	_ = 	snop  }
0xa0: {  	[spmem:s3] =	stream.indirect.scatter.add.f32 [tilespmem:s20], [sflag:$0x4], $0x80, s2, s17, $0xb8;
	[tilespmem:$0x1D000] =	vst v63  }
0xa1: {  	_ =	swait.ge [sflag:s19], $0x4000  }
0xa2: {  	[sflag:s19] =	ssyncset.done $0x0  }
0xa3: {  	[sflag:s19] =	ssyncadd.s32 $0xFFFFC000  }
0xa4: {  	_ =	swait.ge [sflag:s23], $0x4000  }
0xa5: {  	[sflag:s23] =	ssyncset.done $0x0  }
0xa6: {  	[sflag:s23] =	ssyncadd.s32 $0xFFFFC000  }
0xa7: {  	[tilespmem:s20], [sflag:$0x2] =	stream.indirect.gather [hbm4b:s1+s17], $0x80, s0, s17, $0xb8;
	[tilespmem:$0x1D000] =	vst v63  }
0xa8: {  	_ = 	snop  }
0xa9: {  	[spmem:s3] =	stream.indirect.scatter.add.f32 [tilespmem:s18], [sflag:$0x3], $0x80, s6, s17, $0xb8;
	[tilespmem:$0x1D000] =	vst v63  }
0xaa: {  	_ =	swait.ge [sflag:s21], $0x4000  }
0xab: {  	[sflag:s21] =	ssyncset.done $0x0  }
0xac: {  	[sflag:s21] =	ssyncadd.s32 $0xFFFFC000  }
0xad: {  	_ =	swait.ge [sflag:s22], $0x4000  }
0xae: {  	[sflag:s22] =	ssyncset.done $0x0  }
0xaf: {  	[sflag:s22] =	ssyncadd.s32 $0xFFFFC000  }
0xb0: {  	[tilespmem:s18], [sflag:$0x1] =	stream.indirect.gather [hbm4b:s1+s17], $0x80, s8, s17, $0xb8;
	[tilespmem:$0x1D000] =	vst v63  }
0xb1: {  	_ = 	snop  }
0xb2: {  	[spmem:s3] =	stream.indirect.scatter.add.f32 [tilespmem:s20], [sflag:$0x4], $0x80, s9, s17, $0xb8;
	[tilespmem:$0x1D000] =	vst v63  }
0xb3: {  	_ =	swait.ge [sflag:s19], $0x4000  }
0xb4: {  	[sflag:s19] =	ssyncset.done $0x0  }
0xb5: {  	[sflag:s19] =	ssyncadd.s32 $0xFFFFC000  }
0xb6: {  	_ =	swait.ge [sflag:s23], $0x4000  }
0xb7: {  	[sflag:s23] =	ssyncset.done $0x0  }
0xb8: {  	[sflag:s23] =	ssyncadd.s32 $0xFFFFC000  }
0xb9: {  	[tilespmem:s20], [sflag:$0x2] =	stream.indirect.gather [hbm4b:s1+s17], $0x80, s11, s17, $0xb8;
	[tilespmem:$0x1D000] =	vst v63  }
0xba: {  	_ = 	snop  }
0xbb: {  	[spmem:s3] =	stream.indirect.scatter.add.f32 [tilespmem:s18], [sflag:$0x3], $0x80, s12, s17, $0xb8;
	[tilespmem:$0x1D000] =	vst v63  }
0xbc: {  	_ =	swait.ge [sflag:s21], $0x4000  }
0xbd: {  	[sflag:s21] =	ssyncset.done $0x0  }
0xbe: {  	[sflag:s21] =	ssyncadd.s32 $0xFFFFC000  }
0xbf: {  	_ =	swait.ge [sflag:s22], $0x4000  }
0xc0: {  	[sflag:s22] =	ssyncset.done $0x0  }
0xc1: {  	[sflag:s22] =	ssyncadd.s32 $0xFFFFC000  }
0xc2: {  	[spmem:s3] =	stream.indirect.scatter.add.f32 [tilespmem:s20], [sflag:$0x4], $0x80, s13, s17, $0xb8;
	[tilespmem:$0x1D000] =	vst v63  }
0xc3: {  	s5 =	simm.s32 $0x200;
	_ =	swait.ge [sflag:s23], $0x4000  }
0xc4: {  	s10 =	simm.s32 $0x100;
	s7 =	rddreg [dreg:$0x5];
	[sflag:s23] =	ssyncset.done $0x0  }
.LBB2_2:
0xc5: {  	[sflag:s23] =	ssyncadd.s32 $0xFFFFC000;
	s7 =	sadd.s32 s10, s7  }
0xc6: {  	[tilespmem:s4], [sflag:$0x5] =	stream.linear.gather [hbm4b:s7+s4], $0x800, $0x38;
	[tilespmem:$0x1D000] =	vst v63  }
0xc7: {  	_ =	swait.ge [sflag:s15], $0x800  }
0xc8: {  	s7 =	rddreg [dreg:$0x4];
	[sflag:s15] =	ssyncset.done $0x0  }
0xc9: {  	[sflag:s15] =	ssyncadd.s32 $0xFFFFF800;
	s7 =	sadd.s32 s10, s7  }
0xca: {  	[tilespmem:s16], [sflag:$0x5] =	stream.linear.gather [hbm4b:s7+s4], $0x800, $0x38;
	[tilespmem:$0x1D000] =	vst v63  }
0xcb: {  	_ =	swait.ge [sflag:s15], $0x800  }
0xcc: {  	[sflag:s15] =	ssyncset.done $0x0  }
0xcd: {  	[sflag:s15] =	ssyncadd.s32 $0xFFFFF800  }
0xce: {  	[tilespmem:s18], [sflag:$0x1] =	stream.indirect.gather [hbm4b:s1+s17], $0x80, s4, s17, $0xb8;
	[tilespmem:$0x1D000] =	vst v63  }
0xcf: {  	_ =	swait.ge [sflag:s19], $0x4000  }
0xd0: {  	[sflag:s19] =	ssyncset.done $0x0  }
0xd1: {  	[sflag:s19] =	ssyncadd.s32 $0xFFFFC000  }
0xd2: {  	[tilespmem:s20], [sflag:$0x2] =	stream.indirect.gather [hbm4b:s1+s17], $0x80, s17, s17, $0xb8;
	[tilespmem:$0x1D000] =	vst v63  }
0xd3: {  	_ = 	snop  }
0xd4: {  	[spmem:s3] =	stream.indirect.scatter.add.f32 [tilespmem:s18], [sflag:$0x3], $0x80, s16, s17, $0xb8;
	[tilespmem:$0x1D000] =	vst v63  }
0xd5: {  	_ =	swait.ge [sflag:s21], $0x4000  }
0xd6: {  	[sflag:s21] =	ssyncset.done $0x0  }
0xd7: {  	[sflag:s21] =	ssyncadd.s32 $0xFFFFC000  }
0xd8: {  	_ =	swait.ge [sflag:s22], $0x4000  }
0xd9: {  	[sflag:s22] =	ssyncset.done $0x0  }
0xda: {  	s14 =	smov.u32 s5;
	s7 =	rddreg [dreg:$0x6];
	[sflag:s22] =	ssyncadd.s32 $0xFFFFC000  }
0xdb: {  	[tilespmem:s18], [sflag:$0x1] =	stream.indirect.gather [hbm4b:s1+s17], $0x80, s7, s17, $0xb8;
	[tilespmem:$0x1D000] =	vst v63  }
0xdc: {  	s10 =	smov.u32 s14;
	s14 =	rddreg [dreg:$0x7]  }
0xdd: {  	[spmem:s3] =	stream.indirect.scatter.add.f32 [tilespmem:s20], [sflag:$0x4], $0x80, s14, s17, $0xb8;
	[tilespmem:$0x1D000] =	vst v63  }
0xde: {  	_ =	swait.ge [sflag:s19], $0x4000  }
0xdf: {  	[sflag:s19] =	ssyncset.done $0x0  }
0xe0: {  	[sflag:s19] =	ssyncadd.s32 $0xFFFFC000  }
0xe1: {  	_ =	swait.ge [sflag:s23], $0x4000  }
0xe2: {  	[sflag:s23] =	ssyncset.done $0x0  }
0xe3: {  	s7 =	rddreg [dreg:$0x8];
	[sflag:s23] =	ssyncadd.s32 $0xFFFFC000  }
0xe4: {  	[tilespmem:s20], [sflag:$0x2] =	stream.indirect.gather [hbm4b:s1+s17], $0x80, s7, s17, $0xb8;
	[tilespmem:$0x1D000] =	vst v63  }
0xe5: {  	s14 =	rddreg [dreg:$0x9]  }
0xe6: {  	[spmem:s3] =	stream.indirect.scatter.add.f32 [tilespmem:s18], [sflag:$0x3], $0x80, s14, s17, $0xb8;
	[tilespmem:$0x1D000] =	vst v63  }
0xe7: {  	_ =	swait.ge [sflag:s21], $0x4000  }
0xe8: {  	[sflag:s21] =	ssyncset.done $0x0  }
0xe9: {  	[sflag:s21] =	ssyncadd.s32 $0xFFFFC000  }
0xea: {  	_ =	swait.ge [sflag:s22], $0x4000  }
0xeb: {  	[sflag:s22] =	ssyncset.done $0x0  }
0xec: {  	s7 =	rddreg [dreg:$0xa];
	[sflag:s22] =	ssyncadd.s32 $0xFFFFC000  }
0xed: {  	[tilespmem:s18], [sflag:$0x1] =	stream.indirect.gather [hbm4b:s1+s17], $0x80, s7, s17, $0xb8;
	[tilespmem:$0x1D000] =	vst v63  }
0xee: {  	s14 =	rddreg [dreg:$0xb]  }
0xef: {  	[spmem:s3] =	stream.indirect.scatter.add.f32 [tilespmem:s20], [sflag:$0x4], $0x80, s14, s17, $0xb8;
	[tilespmem:$0x1D000] =	vst v63  }
0xf0: {  	_ =	swait.ge [sflag:s19], $0x4000  }
0xf1: {  	[sflag:s19] =	ssyncset.done $0x0  }
0xf2: {  	[sflag:s19] =	ssyncadd.s32 $0xFFFFC000  }
0xf3: {  	_ =	swait.ge [sflag:s23], $0x4000  }
0xf4: {  	[sflag:s23] =	ssyncset.done $0x0  }
0xf5: {  	s7 =	rddreg [dreg:$0xc];
	[sflag:s23] =	ssyncadd.s32 $0xFFFFC000  }
0xf6: {  	[tilespmem:s20], [sflag:$0x2] =	stream.indirect.gather [hbm4b:s1+s17], $0x80, s7, s17, $0xb8;
	[tilespmem:$0x1D000] =	vst v63  }
0xf7: {  	s14 =	rddreg [dreg:$0xd]  }
0xf8: {  	[spmem:s3] =	stream.indirect.scatter.add.f32 [tilespmem:s18], [sflag:$0x3], $0x80, s14, s17, $0xb8;
	[tilespmem:$0x1D000] =	vst v63  }
0xf9: {  	_ =	swait.ge [sflag:s21], $0x4000  }
0xfa: {  	[sflag:s21] =	ssyncset.done $0x0  }
0xfb: {  	[sflag:s21] =	ssyncadd.s32 $0xFFFFC000  }
0xfc: {  	_ =	swait.ge [sflag:s22], $0x4000  }
0xfd: {  	[sflag:s22] =	ssyncset.done $0x0  }
0xfe: {  	s7 =	rddreg [dreg:$0xe];
	[sflag:s22] =	ssyncadd.s32 $0xFFFFC000  }
0xff: {  	[tilespmem:s18], [sflag:$0x1] =	stream.indirect.gather [hbm4b:s1+s17], $0x80, s7, s17, $0xb8;
	[tilespmem:$0x1D000] =	vst v63  }
0x100: {  	s14 =	rddreg [dreg:$0xf]  }
0x101: {  	[spmem:s3] =	stream.indirect.scatter.add.f32 [tilespmem:s20], [sflag:$0x4], $0x80, s14, s17, $0xb8;
	[tilespmem:$0x1D000] =	vst v63  }
0x102: {  	_ =	swait.ge [sflag:s19], $0x4000  }
0x103: {  	[sflag:s19] =	ssyncset.done $0x0  }
0x104: {  	[sflag:s19] =	ssyncadd.s32 $0xFFFFC000  }
0x105: {  	_ =	swait.ge [sflag:s23], $0x4000  }
0x106: {  	[sflag:s23] =	ssyncset.done $0x0  }
0x107: {  	s7 =	rddreg [dreg:$0x10];
	[sflag:s23] =	ssyncadd.s32 $0xFFFFC000  }
0x108: {  	[tilespmem:s20], [sflag:$0x2] =	stream.indirect.gather [hbm4b:s1+s17], $0x80, s7, s17, $0xb8;
	[tilespmem:$0x1D000] =	vst v63  }
0x109: {  	s14 =	rddreg [dreg:$0x11]  }
0x10a: {  	[spmem:s3] =	stream.indirect.scatter.add.f32 [tilespmem:s18], [sflag:$0x3], $0x80, s14, s17, $0xb8;
	[tilespmem:$0x1D000] =	vst v63  }
0x10b: {  	_ =	swait.ge [sflag:s21], $0x4000  }
0x10c: {  	[sflag:s21] =	ssyncset.done $0x0  }
0x10d: {  	[sflag:s21] =	ssyncadd.s32 $0xFFFFC000  }
0x10e: {  	_ =	swait.ge [sflag:s22], $0x4000  }
0x10f: {  	[sflag:s22] =	ssyncset.done $0x0  }
0x110: {  	s7 =	rddreg [dreg:$0x12];
	[sflag:s22] =	ssyncadd.s32 $0xFFFFC000  }
0x111: {  	[tilespmem:s18], [sflag:$0x1] =	stream.indirect.gather [hbm4b:s1+s17], $0x80, s7, s17, $0xb8;
	[tilespmem:$0x1D000] =	vst v63  }
0x112: {  	s14 =	rddreg [dreg:$0x13]  }
0x113: {  	[spmem:s3] =	stream.indirect.scatter.add.f32 [tilespmem:s20], [sflag:$0x4], $0x80, s14, s17, $0xb8;
	[tilespmem:$0x1D000] =	vst v63  }
0x114: {  	_ =	swait.ge [sflag:s19], $0x4000  }
0x115: {  	[sflag:s19] =	ssyncset.done $0x0  }
0x116: {  	[sflag:s19] =	ssyncadd.s32 $0xFFFFC000  }
0x117: {  	_ =	swait.ge [sflag:s23], $0x4000  }
0x118: {  	[sflag:s23] =	ssyncset.done $0x0  }
0x119: {  	[sflag:s23] =	ssyncadd.s32 $0xFFFFC000  }
0x11a: {  	[tilespmem:s20], [sflag:$0x2] =	stream.indirect.gather [hbm4b:s1+s17], $0x80, s24, s17, $0xb8;
	[tilespmem:$0x1D000] =	vst v63  }
0x11b: {  	_ = 	snop  }
0x11c: {  	[spmem:s3] =	stream.indirect.scatter.add.f32 [tilespmem:s18], [sflag:$0x3], $0x80, s25, s17, $0xb8;
	[tilespmem:$0x1D000] =	vst v63  }
0x11d: {  	_ =	swait.ge [sflag:s21], $0x4000  }
0x11e: {  	[sflag:s21] =	ssyncset.done $0x0  }
0x11f: {  	[sflag:s21] =	ssyncadd.s32 $0xFFFFC000  }
0x120: {  	_ =	swait.ge [sflag:s22], $0x4000  }
0x121: {  	[sflag:s22] =	ssyncset.done $0x0  }
0x122: {  	[sflag:s22] =	ssyncadd.s32 $0xFFFFC000  }
0x123: {  	[tilespmem:s18], [sflag:$0x1] =	stream.indirect.gather [hbm4b:s1+s17], $0x80, s26, s17, $0xb8;
	[tilespmem:$0x1D000] =	vst v63  }
0x124: {  	_ = 	snop  }
0x125: {  	[spmem:s3] =	stream.indirect.scatter.add.f32 [tilespmem:s20], [sflag:$0x4], $0x80, s28, s17, $0xb8;
	[tilespmem:$0x1D000] =	vst v63  }
0x126: {  	_ =	swait.ge [sflag:s19], $0x4000  }
0x127: {  	[sflag:s19] =	ssyncset.done $0x0  }
0x128: {  	[sflag:s19] =	ssyncadd.s32 $0xFFFFC000  }
0x129: {  	_ =	swait.ge [sflag:s23], $0x4000  }
0x12a: {  	[sflag:s23] =	ssyncset.done $0x0  }
0x12b: {  	[sflag:s23] =	ssyncadd.s32 $0xFFFFC000  }
0x12c: {  	[tilespmem:s20], [sflag:$0x2] =	stream.indirect.gather [hbm4b:s1+s17], $0x80, s29, s17, $0xb8;
	[tilespmem:$0x1D000] =	vst v63  }
0x12d: {  	_ = 	snop  }
0x12e: {  	[spmem:s3] =	stream.indirect.scatter.add.f32 [tilespmem:s18], [sflag:$0x3], $0x80, s30, s17, $0xb8;
	[tilespmem:$0x1D000] =	vst v63  }
0x12f: {  	_ =	swait.ge [sflag:s21], $0x4000  }
0x130: {  	[sflag:s21] =	ssyncset.done $0x0  }
0x131: {  	[sflag:s21] =	ssyncadd.s32 $0xFFFFC000  }
0x132: {  	_ =	swait.ge [sflag:s22], $0x4000  }
0x133: {  	[sflag:s22] =	ssyncset.done $0x0  }
0x134: {  	[sflag:s22] =	ssyncadd.s32 $0xFFFFC000  }
0x135: {  	[tilespmem:s18], [sflag:$0x1] =	stream.indirect.gather [hbm4b:s1+s17], $0x80, s31, s17, $0xb8;
	[tilespmem:$0x1D000] =	vst v63  }
0x136: {  	_ = 	snop  }
0x137: {  	[spmem:s3] =	stream.indirect.scatter.add.f32 [tilespmem:s20], [sflag:$0x4], $0x80, s2, s17, $0xb8;
	[tilespmem:$0x1D000] =	vst v63  }
0x138: {  	_ =	swait.ge [sflag:s19], $0x4000  }
0x139: {  	[sflag:s19] =	ssyncset.done $0x0  }
0x13a: {  	[sflag:s19] =	ssyncadd.s32 $0xFFFFC000  }
0x13b: {  	_ =	swait.ge [sflag:s23], $0x4000  }
0x13c: {  	[sflag:s23] =	ssyncset.done $0x0  }
0x13d: {  	[sflag:s23] =	ssyncadd.s32 $0xFFFFC000  }
0x13e: {  	[tilespmem:s20], [sflag:$0x2] =	stream.indirect.gather [hbm4b:s1+s17], $0x80, s0, s17, $0xb8;
	[tilespmem:$0x1D000] =	vst v63  }
0x13f: {  	_ = 	snop  }
0x140: {  	[spmem:s3] =	stream.indirect.scatter.add.f32 [tilespmem:s18], [sflag:$0x3], $0x80, s6, s17, $0xb8;
	[tilespmem:$0x1D000] =	vst v63  }
0x141: {  	_ =	swait.ge [sflag:s21], $0x4000  }
0x142: {  	[sflag:s21] =	ssyncset.done $0x0  }
0x143: {  	[sflag:s21] =	ssyncadd.s32 $0xFFFFC000  }
0x144: {  	_ =	swait.ge [sflag:s22], $0x4000  }
0x145: {  	[sflag:s22] =	ssyncset.done $0x0  }
0x146: {  	[sflag:s22] =	ssyncadd.s32 $0xFFFFC000  }
0x147: {  	[tilespmem:s18], [sflag:$0x1] =	stream.indirect.gather [hbm4b:s1+s17], $0x80, s8, s17, $0xb8;
	[tilespmem:$0x1D000] =	vst v63  }
0x148: {  	_ = 	snop  }
0x149: {  	[spmem:s3] =	stream.indirect.scatter.add.f32 [tilespmem:s20], [sflag:$0x4], $0x80, s9, s17, $0xb8;
	[tilespmem:$0x1D000] =	vst v63  }
0x14a: {  	_ =	swait.ge [sflag:s19], $0x4000  }
0x14b: {  	[sflag:s19] =	ssyncset.done $0x0  }
0x14c: {  	[sflag:s19] =	ssyncadd.s32 $0xFFFFC000  }
0x14d: {  	_ =	swait.ge [sflag:s23], $0x4000  }
0x14e: {  	[sflag:s23] =	ssyncset.done $0x0  }
0x14f: {  	[sflag:s23] =	ssyncadd.s32 $0xFFFFC000  }
0x150: {  	[tilespmem:s20], [sflag:$0x2] =	stream.indirect.gather [hbm4b:s1+s17], $0x80, s11, s17, $0xb8;
	[tilespmem:$0x1D000] =	vst v63  }
0x151: {  	_ = 	snop  }
0x152: {  	[spmem:s3] =	stream.indirect.scatter.add.f32 [tilespmem:s18], [sflag:$0x3], $0x80, s12, s17, $0xb8;
	[tilespmem:$0x1D000] =	vst v63  }
0x153: {  	_ =	swait.ge [sflag:s21], $0x4000  }
0x154: {  	[sflag:s21] =	ssyncset.done $0x0  }
0x155: {  	[sflag:s21] =	ssyncadd.s32 $0xFFFFC000  }
0x156: {  	p4 =	sne.s32 s5, $0x400;
	_ =	swait.ge [sflag:s22], $0x4000  }
.Ltmp0:
0x157: {  	[sflag:s22] =	ssyncset.done $0x0;
	(pc) =	sbr.rel @p4 .LBB2_2-.Ltmp0, $4  }
0x158: {  	[sflag:s22] =	ssyncadd.s32 $0xFFFFC000  }
0x159: {  	[spmem:s3] =	stream.indirect.scatter.add.f32 [tilespmem:s20], [sflag:$0x4], $0x80, s13, s17, $0xb8;
	[tilespmem:$0x1D000] =	vst v63  }
0x15a: {  	_ =	swait.ge [sflag:s23], $0x4000  }
0x15b: {  	s5 =	sadd.s32 $0x100, s5;
	s7 =	rddreg [dreg:$0x5];
	[sflag:s23] =	ssyncset.done $0x0  }
0x15c: {  	[sflag:s23] =	ssyncadd.s32 $0xFFFFC000;
	s5 =	sadd.s32 s10, s7  }
0x15d: {  	[tilespmem:s4], [sflag:$0x5] =	stream.linear.gather [hbm4b:s5+s4], $0x800, $0x38;
	[tilespmem:$0x1D000] =	vst v63  }
0x15e: {  	_ =	swait.ge [sflag:s15], $0x800  }
0x15f: {  	s7 =	rddreg [dreg:$0x4];
	[sflag:s15] =	ssyncset.done $0x0  }
0x160: {  	[sflag:s15] =	ssyncadd.s32 $0xFFFFF800;
	s5 =	sadd.s32 s10, s7  }
0x161: {  	[tilespmem:s16], [sflag:$0x5] =	stream.linear.gather [hbm4b:s5+s4], $0x800, $0x38;
	[tilespmem:$0x1D000] =	vst v63  }
0x162: {  	_ =	swait.ge [sflag:s15], $0x800  }
0x163: {  	[sflag:s15] =	ssyncset.done $0x0  }
0x164: {  	[sflag:s15] =	ssyncadd.s32 $0xFFFFF800  }
0x165: {  	[tilespmem:s18], [sflag:$0x1] =	stream.indirect.gather [hbm4b:s1+s17], $0x80, s4, s17, $0xb8;
	[tilespmem:$0x1D000] =	vst v63  }
0x166: {  	_ =	swait.ge [sflag:s19], $0x4000  }
0x167: {  	[sflag:s19] =	ssyncset.done $0x0  }
0x168: {  	[sflag:s19] =	ssyncadd.s32 $0xFFFFC000  }
0x169: {  	[tilespmem:s20], [sflag:$0x2] =	stream.indirect.gather [hbm4b:s1+s17], $0x80, s17, s17, $0xb8;
	[tilespmem:$0x1D000] =	vst v63  }
0x16a: {  	_ = 	snop  }
0x16b: {  	[spmem:s3] =	stream.indirect.scatter.add.f32 [tilespmem:s18], [sflag:$0x3], $0x80, s16, s17, $0xb8;
	[tilespmem:$0x1D000] =	vst v63  }
0x16c: {  	_ =	swait.ge [sflag:s21], $0x4000  }
0x16d: {  	[sflag:s21] =	ssyncset.done $0x0  }
0x16e: {  	[sflag:s21] =	ssyncadd.s32 $0xFFFFC000  }
0x16f: {  	_ =	swait.ge [sflag:s22], $0x4000  }
0x170: {  	[sflag:s22] =	ssyncset.done $0x0  }
0x171: {  	s10 =	rddreg [dreg:$0x6];
	[sflag:s22] =	ssyncadd.s32 $0xFFFFC000  }
0x172: {  	[tilespmem:s18], [sflag:$0x1] =	stream.indirect.gather [hbm4b:s1+s17], $0x80, s10, s17, $0xb8;
	[tilespmem:$0x1D000] =	vst v63  }
0x173: {  	s14 =	rddreg [dreg:$0x7]  }
0x174: {  	[spmem:s3] =	stream.indirect.scatter.add.f32 [tilespmem:s20], [sflag:$0x4], $0x80, s14, s17, $0xb8;
	[tilespmem:$0x1D000] =	vst v63  }
0x175: {  	_ =	swait.ge [sflag:s19], $0x4000  }
0x176: {  	[sflag:s19] =	ssyncset.done $0x0  }
0x177: {  	[sflag:s19] =	ssyncadd.s32 $0xFFFFC000  }
0x178: {  	_ =	swait.ge [sflag:s23], $0x4000  }
0x179: {  	[sflag:s23] =	ssyncset.done $0x0  }
0x17a: {  	s10 =	rddreg [dreg:$0x8];
	[sflag:s23] =	ssyncadd.s32 $0xFFFFC000  }
0x17b: {  	[tilespmem:s20], [sflag:$0x2] =	stream.indirect.gather [hbm4b:s1+s17], $0x80, s10, s17, $0xb8;
	[tilespmem:$0x1D000] =	vst v63  }
0x17c: {  	s14 =	rddreg [dreg:$0x9]  }
0x17d: {  	[spmem:s3] =	stream.indirect.scatter.add.f32 [tilespmem:s18], [sflag:$0x3], $0x80, s14, s17, $0xb8;
	[tilespmem:$0x1D000] =	vst v63  }
0x17e: {  	_ =	swait.ge [sflag:s21], $0x4000  }
0x17f: {  	[sflag:s21] =	ssyncset.done $0x0  }
0x180: {  	[sflag:s21] =	ssyncadd.s32 $0xFFFFC000  }
0x181: {  	_ =	swait.ge [sflag:s22], $0x4000  }
0x182: {  	[sflag:s22] =	ssyncset.done $0x0  }
0x183: {  	s10 =	rddreg [dreg:$0xa];
	[sflag:s22] =	ssyncadd.s32 $0xFFFFC000  }
0x184: {  	[tilespmem:s18], [sflag:$0x1] =	stream.indirect.gather [hbm4b:s1+s17], $0x80, s10, s17, $0xb8;
	[tilespmem:$0x1D000] =	vst v63  }
0x185: {  	s14 =	rddreg [dreg:$0xb]  }
0x186: {  	[spmem:s3] =	stream.indirect.scatter.add.f32 [tilespmem:s20], [sflag:$0x4], $0x80, s14, s17, $0xb8;
	[tilespmem:$0x1D000] =	vst v63  }
0x187: {  	_ =	swait.ge [sflag:s19], $0x4000  }
0x188: {  	[sflag:s19] =	ssyncset.done $0x0  }
0x189: {  	[sflag:s19] =	ssyncadd.s32 $0xFFFFC000  }
0x18a: {  	_ =	swait.ge [sflag:s23], $0x4000  }
0x18b: {  	[sflag:s23] =	ssyncset.done $0x0  }
0x18c: {  	s10 =	rddreg [dreg:$0xc];
	[sflag:s23] =	ssyncadd.s32 $0xFFFFC000  }
0x18d: {  	[tilespmem:s20], [sflag:$0x2] =	stream.indirect.gather [hbm4b:s1+s17], $0x80, s10, s17, $0xb8;
	[tilespmem:$0x1D000] =	vst v63  }
0x18e: {  	s14 =	rddreg [dreg:$0xd]  }
0x18f: {  	[spmem:s3] =	stream.indirect.scatter.add.f32 [tilespmem:s18], [sflag:$0x3], $0x80, s14, s17, $0xb8;
	[tilespmem:$0x1D000] =	vst v63  }
0x190: {  	_ =	swait.ge [sflag:s21], $0x4000  }
0x191: {  	[sflag:s21] =	ssyncset.done $0x0  }
0x192: {  	[sflag:s21] =	ssyncadd.s32 $0xFFFFC000  }
0x193: {  	_ =	swait.ge [sflag:s22], $0x4000  }
0x194: {  	[sflag:s22] =	ssyncset.done $0x0  }
0x195: {  	s10 =	rddreg [dreg:$0xe];
	[sflag:s22] =	ssyncadd.s32 $0xFFFFC000  }
0x196: {  	[tilespmem:s18], [sflag:$0x1] =	stream.indirect.gather [hbm4b:s1+s17], $0x80, s10, s17, $0xb8;
	[tilespmem:$0x1D000] =	vst v63  }
0x197: {  	s14 =	rddreg [dreg:$0xf]  }
0x198: {  	[spmem:s3] =	stream.indirect.scatter.add.f32 [tilespmem:s20], [sflag:$0x4], $0x80, s14, s17, $0xb8;
	[tilespmem:$0x1D000] =	vst v63  }
0x199: {  	_ =	swait.ge [sflag:s19], $0x4000  }
0x19a: {  	[sflag:s19] =	ssyncset.done $0x0  }
0x19b: {  	[sflag:s19] =	ssyncadd.s32 $0xFFFFC000  }
0x19c: {  	_ =	swait.ge [sflag:s23], $0x4000  }
0x19d: {  	[sflag:s23] =	ssyncset.done $0x0  }
0x19e: {  	s10 =	rddreg [dreg:$0x10];
	[sflag:s23] =	ssyncadd.s32 $0xFFFFC000  }
0x19f: {  	[tilespmem:s20], [sflag:$0x2] =	stream.indirect.gather [hbm4b:s1+s17], $0x80, s10, s17, $0xb8;
	[tilespmem:$0x1D000] =	vst v63  }
0x1a0: {  	s14 =	rddreg [dreg:$0x11]  }
0x1a1: {  	[spmem:s3] =	stream.indirect.scatter.add.f32 [tilespmem:s18], [sflag:$0x3], $0x80, s14, s17, $0xb8;
	[tilespmem:$0x1D000] =	vst v63  }
0x1a2: {  	_ =	swait.ge [sflag:s21], $0x4000  }
0x1a3: {  	[sflag:s21] =	ssyncset.done $0x0  }
0x1a4: {  	[sflag:s21] =	ssyncadd.s32 $0xFFFFC000  }
0x1a5: {  	_ =	swait.ge [sflag:s22], $0x4000  }
0x1a6: {  	[sflag:s22] =	ssyncset.done $0x0  }
0x1a7: {  	s10 =	rddreg [dreg:$0x12];
	[sflag:s22] =	ssyncadd.s32 $0xFFFFC000  }
0x1a8: {  	[tilespmem:s18], [sflag:$0x1] =	stream.indirect.gather [hbm4b:s1+s17], $0x80, s10, s17, $0xb8;
	[tilespmem:$0x1D000] =	vst v63  }
0x1a9: {  	s14 =	rddreg [dreg:$0x13]  }
0x1aa: {  	[spmem:s3] =	stream.indirect.scatter.add.f32 [tilespmem:s20], [sflag:$0x4], $0x80, s14, s17, $0xb8;
	[tilespmem:$0x1D000] =	vst v63  }
0x1ab: {  	_ =	swait.ge [sflag:s19], $0x4000  }
0x1ac: {  	[sflag:s19] =	ssyncset.done $0x0  }
0x1ad: {  	[sflag:s19] =	ssyncadd.s32 $0xFFFFC000  }
0x1ae: {  	_ =	swait.ge [sflag:s23], $0x4000  }
0x1af: {  	[sflag:s23] =	ssyncset.done $0x0  }
0x1b0: {  	[sflag:s23] =	ssyncadd.s32 $0xFFFFC000  }
0x1b1: {  	[tilespmem:s20], [sflag:$0x2] =	stream.indirect.gather [hbm4b:s1+s17], $0x80, s24, s17, $0xb8;
	[tilespmem:$0x1D000] =	vst v63  }
0x1b2: {  	_ = 	snop  }
0x1b3: {  	[spmem:s3] =	stream.indirect.scatter.add.f32 [tilespmem:s18], [sflag:$0x3], $0x80, s25, s17, $0xb8;
	[tilespmem:$0x1D000] =	vst v63  }
0x1b4: {  	_ =	swait.ge [sflag:s21], $0x4000  }
0x1b5: {  	[sflag:s21] =	ssyncset.done $0x0  }
0x1b6: {  	[sflag:s21] =	ssyncadd.s32 $0xFFFFC000  }
0x1b7: {  	_ =	swait.ge [sflag:s22], $0x4000  }
0x1b8: {  	[sflag:s22] =	ssyncset.done $0x0  }
0x1b9: {  	[sflag:s22] =	ssyncadd.s32 $0xFFFFC000  }
0x1ba: {  	[tilespmem:s18], [sflag:$0x1] =	stream.indirect.gather [hbm4b:s1+s17], $0x80, s26, s17, $0xb8;
	[tilespmem:$0x1D000] =	vst v63  }
0x1bb: {  	_ = 	snop  }
0x1bc: {  	[spmem:s3] =	stream.indirect.scatter.add.f32 [tilespmem:s20], [sflag:$0x4], $0x80, s28, s17, $0xb8;
	[tilespmem:$0x1D000] =	vst v63  }
0x1bd: {  	_ =	swait.ge [sflag:s19], $0x4000  }
0x1be: {  	[sflag:s19] =	ssyncset.done $0x0  }
0x1bf: {  	[sflag:s19] =	ssyncadd.s32 $0xFFFFC000  }
0x1c0: {  	_ =	swait.ge [sflag:s23], $0x4000  }
0x1c1: {  	[sflag:s23] =	ssyncset.done $0x0  }
0x1c2: {  	[sflag:s23] =	ssyncadd.s32 $0xFFFFC000  }
0x1c3: {  	[tilespmem:s20], [sflag:$0x2] =	stream.indirect.gather [hbm4b:s1+s17], $0x80, s29, s17, $0xb8;
	[tilespmem:$0x1D000] =	vst v63  }
0x1c4: {  	_ = 	snop  }
0x1c5: {  	[spmem:s3] =	stream.indirect.scatter.add.f32 [tilespmem:s18], [sflag:$0x3], $0x80, s30, s17, $0xb8;
	[tilespmem:$0x1D000] =	vst v63  }
0x1c6: {  	_ =	swait.ge [sflag:s21], $0x4000  }
0x1c7: {  	[sflag:s21] =	ssyncset.done $0x0  }
0x1c8: {  	[sflag:s21] =	ssyncadd.s32 $0xFFFFC000  }
0x1c9: {  	_ =	swait.ge [sflag:s22], $0x4000  }
0x1ca: {  	[sflag:s22] =	ssyncset.done $0x0  }
0x1cb: {  	[sflag:s22] =	ssyncadd.s32 $0xFFFFC000  }
0x1cc: {  	[tilespmem:s18], [sflag:$0x1] =	stream.indirect.gather [hbm4b:s1+s17], $0x80, s31, s17, $0xb8;
	[tilespmem:$0x1D000] =	vst v63  }
0x1cd: {  	_ = 	snop  }
0x1ce: {  	[spmem:s3] =	stream.indirect.scatter.add.f32 [tilespmem:s20], [sflag:$0x4], $0x80, s2, s17, $0xb8;
	[tilespmem:$0x1D000] =	vst v63  }
0x1cf: {  	_ =	swait.ge [sflag:s19], $0x4000  }
0x1d0: {  	[sflag:s19] =	ssyncset.done $0x0  }
0x1d1: {  	[sflag:s19] =	ssyncadd.s32 $0xFFFFC000  }
0x1d2: {  	_ =	swait.ge [sflag:s23], $0x4000  }
0x1d3: {  	[sflag:s23] =	ssyncset.done $0x0  }
0x1d4: {  	[sflag:s23] =	ssyncadd.s32 $0xFFFFC000  }
0x1d5: {  	[tilespmem:s20], [sflag:$0x2] =	stream.indirect.gather [hbm4b:s1+s17], $0x80, s0, s17, $0xb8;
	[tilespmem:$0x1D000] =	vst v63  }
0x1d6: {  	_ = 	snop  }
0x1d7: {  	[spmem:s3] =	stream.indirect.scatter.add.f32 [tilespmem:s18], [sflag:$0x3], $0x80, s6, s17, $0xb8;
	[tilespmem:$0x1D000] =	vst v63  }
0x1d8: {  	_ =	swait.ge [sflag:s21], $0x4000  }
0x1d9: {  	[sflag:s21] =	ssyncset.done $0x0  }
0x1da: {  	[sflag:s21] =	ssyncadd.s32 $0xFFFFC000  }
0x1db: {  	_ =	swait.ge [sflag:s22], $0x4000  }
0x1dc: {  	[sflag:s22] =	ssyncset.done $0x0  }
0x1dd: {  	[sflag:s22] =	ssyncadd.s32 $0xFFFFC000  }
0x1de: {  	[tilespmem:s18], [sflag:$0x1] =	stream.indirect.gather [hbm4b:s1+s17], $0x80, s8, s17, $0xb8;
	[tilespmem:$0x1D000] =	vst v63  }
0x1df: {  	_ = 	snop  }
0x1e0: {  	[spmem:s3] =	stream.indirect.scatter.add.f32 [tilespmem:s20], [sflag:$0x4], $0x80, s9, s17, $0xb8;
	[tilespmem:$0x1D000] =	vst v63  }
0x1e1: {  	_ =	swait.ge [sflag:s19], $0x4000  }
0x1e2: {  	[sflag:s19] =	ssyncset.done $0x0  }
0x1e3: {  	[sflag:s19] =	ssyncadd.s32 $0xFFFFC000  }
0x1e4: {  	_ =	swait.ge [sflag:s23], $0x4000  }
0x1e5: {  	[sflag:s23] =	ssyncset.done $0x0  }
0x1e6: {  	[sflag:s23] =	ssyncadd.s32 $0xFFFFC000  }
0x1e7: {  	[tilespmem:s20], [sflag:$0x2] =	stream.indirect.gather [hbm4b:s1+s17], $0x80, s11, s17, $0xb8;
	[tilespmem:$0x1D000] =	vst v63  }
0x1e8: {  	_ = 	snop  }
0x1e9: {  	[spmem:s3] =	stream.indirect.scatter.add.f32 [tilespmem:s18], [sflag:$0x3], $0x80, s12, s17, $0xb8;
	[tilespmem:$0x1D000] =	vst v63  }
0x1ea: {  	_ =	swait.ge [sflag:s21], $0x4000  }
0x1eb: {  	[sflag:s21] =	ssyncset.done $0x0  }
0x1ec: {  	[sflag:s21] =	ssyncadd.s32 $0xFFFFC000  }
0x1ed: {  	_ =	swait.ge [sflag:s22], $0x4000  }
0x1ee: {  	[sflag:s22] =	ssyncset.done $0x0  }
0x1ef: {  	[sflag:s22] =	ssyncadd.s32 $0xFFFFC000  }
0x1f0: {  	[spmem:s3] =	stream.indirect.scatter.add.f32 [tilespmem:s20], [sflag:$0x4], $0x80, s13, s17, $0xb8;
	[tilespmem:$0x1D000] =	vst v63  }
0x1f1: {  	_ =	swait.ge [sflag:s23], $0x4000  }
0x1f2: {  	[sflag:s23] =	ssyncset.done $0x0  }
0x1f3: {  	[sflag:s23] =	ssyncadd.s32 $0xFFFFC000  }
0x1f4: {  	[bflag:$0x0] =	sbarrier.arrive $0xFFFF  }
0x1f5: {  	s7 =	rddreg [dreg:$0x19]  }
0x1f6: {  	s14 =	rddreg [dreg:$0x16]  }
0x1f7: {  	s10 =	rddreg [dreg:$0x1a];
	s5 =	sshrl.u32 @!p0 s7, $0x3  }
0x1f8: {  	[hbm:s10], [sflag:s14] =	dma.local @!p0 [spmem:s5], $0x1900  }
0x1f9: {  	s5 =	simm.s32 @!p0 $0x5  }
0x1fa: {  	_ =	swait.ge @!p0 [sflag:s5], $0x1900  }
0x1fb: {  	[sflag:s5] =	ssyncset.done @!p0 $0x0  }
0x1fc: {  	[sflag:s5] =	ssyncadd.s32 @!p0 $0xFFFFE700;
	s5 =	sshrl.u32 @!p1 s7, $0x3;
	s7 =	rddreg [dreg:$0x1b]  }
0x1fd: {  	[hbm:s7], [sflag:s14] =	dma.local @!p1 [spmem:s5], $0x1900  }
0x1fe: {  	s5 =	simm.s32 @!p1 $0x5  }
0x1ff: {  	_ =	swait.ge @!p1 [sflag:s5], $0x1900  }
0x200: {  	[sflag:s5] =	ssyncset.done @!p1 $0x0;
	s7 =	rddreg [dreg:$0x14]  }
0x201: {  	s10 =	rddreg [dreg:$0x17];
	[sflag:s5] =	ssyncadd.s32 @!p1 $0xFFFFE700;
	s5 =	sshrl.u32 @!p2 s7, $0x3  }
0x202: {  	[hbm:s10], [sflag:s14] =	dma.local @!p2 [spmem:s5], $0x2800  }
0x203: {  	s5 =	simm.s32 @!p2 $0x5  }
0x204: {  	_ =	swait.ge @!p2 [sflag:s5], $0x2800  }
0x205: {  	[sflag:s5] =	ssyncset.done @!p2 $0x0  }
0x206: {  	[sflag:s5] =	ssyncadd.s32 @!p2 $0xFFFFD800;
	s5 =	sshrl.u32 @!p3 s7, $0x3;
	s7 =	rddreg [dreg:$0x18]  }
0x207: {  	[hbm:s7], [sflag:s14] =	dma.local @!p3 [spmem:s5], $0x2800  }
0x208: {  	s5 =	simm.s32 @!p3 $0x5  }
0x209: {  	_ =	swait.ge @!p3 [sflag:s5], $0x2800  }
0x20a: {  	s7 =	rddreg [dreg:$0x1e]  }
0x20b: {  	s10 =	sadd.s32 $0x1, s7;
	s7 =	rddreg [dreg:$0x1c]  }
0x20c: {  	p4 =	sne.s32 s10, s7  }
.Ltmp1:
0x20d: {  	_ = 	snop;
	(pc) =	sbr.rel @p4 .LBB2_1-.Ltmp1, $3  }
0x20e: {  	_ =	sdelay $0x1  }
0x20f: {  	[sflag:s5] =	ssyncset.done @!p3 $0x0  }
0x210: {  	[sflag:s5] =	ssyncadd.s32 @!p3 $0xFFFFD800  }
0x211: {  	_ =	sfence.sel $0x180000  }
0x212: {  	[bflag:$0x0] =	sbarrier.arrive $0xFFFF  }
0x213: {  	_ =	strace $0x9000004A  }
0x214: {  	s0 =	stileid.u32;
	[bflag:$0x2] =	sbarrier.arrive $0xFFFF  }
0x215: {  	p0 =	sne.s32 s0, $0x0;
	s0 =	rddreg [dreg:$0x3]  }
0x216: {  	s0 =	sadd.s32 @!p0 $0x100000, s0  }
0x217: {  	[sflag:s0] =	ssyncadd.tile.s32 @!p0 $0x1;
	_ =	shalt  }
.Lfunc_end2:
_tile_overlayer_lowered:
.L_overlay_start_2:
0x218: {  	(tag) =	ssettag $0x2  }
0x219: {  	s0 =	rddreg [dreg:$0x0];
	s2 =	stileid.u32  }
0x21a: {  	s1 =	rddreg [dreg:$0x1];
	p0 =	sne.s32 s2, $0x0  }
0x21b: {  	s3 =	rddreg [dreg:$0x2];
	[bflag:$0x3] =	sbarrier.arrive $0xFFFF;
	s2 =	simm.s32 @!p0 $0x1C05  }
0x21c: {  	[timem:s3], [sflag:s2] =	dma.local @!p0 [hbm:s0], s1  }
0x21d: {  	s0 =	simm.s32 @!p0 $0x5  }
0x21e: {  	_ =	swait.ge @!p0 [sflag:s0], s1  }
0x21f: {  	s1 =	ssub.s32 @!p0 $0x0, s1;
	[sflag:s0] =	ssyncset.done @!p0 $0x0  }
0x220: {  	[sflag:s0] =	ssyncadd.s32 @!p0 s1  }
0x221: {  	[bflag:$0x3] =	sbarrier.arrive $0xFFFF  }
0x222: {  	_ =	shalt  }

// kernel: kernel.7.cloned.1.call-start
scs
__scs_entry_jumppad:
0x0: {  	(pc) =	sbr.rel $0x88, $3  }
0x1: {  	(tag) =	ssettag $0x0;
	lr =	simm.s32 $0x1  }
0x2: {  	[smem:$0x3F9B] =	sst lr;
	_ =	strace $0xD0000000  }
0x3: {  	_ = 	snop  }
0x4: {  	_ = 	snop  }
0x5: {  	_ = 	snop  }
0x6: {  	_ = 	snop  }
0x7: {  	_ = 	snop  }
__scs_overlays_trampoline_lowered:
0x8: {  	[smem:$0x3FAA] =	sst s0  }
0x9: {  	[smem:$0x3FAB] =	sst s1  }
0xa: {  	[smem:$0x3FAC] =	sst s2  }
0xb: {  	[smem:$0x3FAD] =	sst s3  }
0xc: {  	[smem:$0x3FAE] =	sst s4  }
0xd: {  	[smem:$0x3FAF] =	sst s5  }
0xe: {  	[smem:$0x3FB0] =	sst s6  }
0xf: {  	[smem:$0x3FB1] =	sst s7  }
0x10: {  	[smem:$0x3FB2] =	sst s8  }
0x11: {  	[smem:$0x3FB3] =	sst s9;
	s0 =	simm.s32 @!p0 $0x0  }
0x12: {  	s1 =	sld [smem:$0x3F99];
	s0 =	simm.s32 @p0 $0x1  }
0x13: {  	[smem:$0x3FB4] =	sst s0;
	s0 =	simm.s32 @!p1 $0x0  }
0x14: {  	s2 =	sld [smem:$0x3F98];
	s0 =	simm.s32 @p1 $0x1  }
0x15: {  	[smem:$0x3FB5] =	sst s0;
	s0 =	simm.s32 @!p2 $0x0  }
0x16: {  	s3 =	sld [smem:$0x3FDB];
	s0 =	simm.s32 @p2 $0x1  }
0x17: {  	s4 =	simm.s32 $0x1BF5;
	[smem:$0x3FB7] =	sst s0  }
0x18: {  	s0 =	sld [smem:$0x3F9A];
	_ =	swait.ge [sflag:s4], $0x0  }
0x19: {  	s7 =	sld [smem:$0x3F9B]  }
0x1a: {  	s8 =	sadd.s32 $0xFFFFE003, lr  }
0x1b: {  	s9 =	sadd.s32 $0xFFFFFEF7, lr;
	s5 =	simm.s32 $0xFFFFFFFF;
	p2 =	slt.u32 s8, $0xFFFFF086  }
0x1c: {  	p1 =	slt.u32 s9, $0xF7A;
	s5 =	simm.s32 @!p2 $0x0  }
0x1d: {  	s5 =	simm.s32 @p1 $0x1;
	p0 =	seq.s32 s7, s2  }
0x1e: {  	s7 =	smul.u32 @!p0 $0xF7A, s2;
	p2 =	seq.s32 @!p0 s5, $0x0  }
0x1f: {  	s9 =	smul.u32 $0xF7A, s1;
	s8 =	simm.s32 @!p0 $0x1BF5;
	p2 =	por !p2, p0  }
0x20: {  	[sflag:s8] =	ssyncset.s32 @!p0 $0xFFFFF086;
	s6 =	sadd.s32 @!p0 s3, s7;
	s7 =	simm.s32 @!p0 $0x108  }
0x21: {  	s3 =	sadd.s32 s3, s9;
	s6 =	sadd.s32 @!p0 $0x88, s6;
	s7 =	simm.s32 @p2 $0x1082  }
0x22: {  	[simem:s7], [sflag:s8] =	dma.local @!p0 [hbm:s6], $0xF7A  }
0x23: {  	s9 =	sor.u32 $0xD0000000, s2;
	s6 =	simm.s32 $0x108;
	_ =	swait.ge @!p0 [sflag:s8], $0x0  }
0x24: {  	s3 =	sadd.s32 $0x88, s3;
	s6 =	simm.s32 @!p1 $0x1082;
	[sflag:s4] =	ssyncset.s32 $0xFFFFF086  }
0x25: {  	[simem:s6], [sflag:s4] =	dma.local [hbm:s3], $0xF7A  }
0x26: {  	[smem:$0x3F9B] =	sst s1;
	(tag) =	ssettag s2;
	_ =	strace s9  }
0x27: {  	s1 =	sld [smem:$0x3FAB]  }
0x28: {  	s2 =	sld [smem:$0x3FAC]  }
0x29: {  	s4 =	sld [smem:$0x3FAE]  }
0x2a: {  	p0 =	seq.s32 s5, $0x0;
	s5 =	sld [smem:$0x3FAF]  }
0x2b: {  	s6 =	sld [smem:$0x3FB0]  }
0x2c: {  	s7 =	sld [smem:$0x3FB1]  }
0x2d: {  	s3 =	simm.s32 $0x108;
	s8 =	sld [smem:$0x3FB2]  }
0x2e: {  	s3 =	simm.s32 @!p0 $0x1082;
	s9 =	sld [smem:$0x3FB3]  }
0x2f: {  	lr =	sadd.s32 s0, s3;
	s0 =	sld [smem:$0x3FAA]  }
0x30: {  	s3 =	sld [smem:$0x3FAD]  }
0x31: {  	[smem:$0x3FB6] =	sst s10  }
0x32: {  	s10 =	sld [smem:$0x3FB4];
	_ =	sdelay $0x3  }
0x33: {  	p0 =	seq.s32 s10, $0x1;
	s10 =	sld [smem:$0x3FB6];
	_ =	sdelay $0x3  }
0x34: {  	[smem:$0x3FB6] =	sst s10  }
0x35: {  	s10 =	sld [smem:$0x3FB5];
	_ =	sdelay $0x3  }
0x36: {  	p1 =	seq.s32 s10, $0x1;
	s10 =	sld [smem:$0x3FB6];
	_ =	sdelay $0x3  }
0x37: {  	[smem:$0x3FB6] =	sst s10  }
0x38: {  	s10 =	sld [smem:$0x3FB7]  }
0x39: {  	_ = 	snop;
	(pc) =	sbr.ind lr, $3  }
0x3a: {  	_ = 	snop  }
0x3b: {  	_ = 	snop  }
0x3c: {  	p2 =	seq.s32 s10, $0x1;
	s10 =	sld [smem:$0x3FB6]  }
0x3d: {  	_ =	shalt  }
0x3e: {  	_ =	shalt  }
0x3f: {  	_ =	shalt  }
0x40: {  	_ =	shalt  }
0x41: {  	_ =	shalt  }
0x42: {  	_ =	shalt  }
0x43: {  	_ =	shalt  }
0x44: {  	_ =	shalt  }
0x45: {  	_ =	shalt  }
0x46: {  	_ =	shalt  }
0x47: {  	_ =	shalt  }
0x48: {  	_ =	shalt  }
0x49: {  	_ =	shalt  }
0x4a: {  	_ =	shalt  }
0x4b: {  	_ =	shalt  }
0x4c: {  	_ =	shalt  }
0x4d: {  	_ =	shalt  }
0x4e: {  	_ =	shalt  }
0x4f: {  	_ =	shalt  }
0x50: {  	_ =	shalt  }
0x51: {  	_ =	shalt  }
0x52: {  	_ =	shalt  }
0x53: {  	_ =	shalt  }
0x54: {  	_ =	shalt  }
0x55: {  	_ =	shalt  }
0x56: {  	_ =	shalt  }
0x57: {  	_ =	shalt  }
0x58: {  	_ =	shalt  }
0x59: {  	_ =	shalt  }
0x5a: {  	_ =	shalt  }
0x5b: {  	_ =	shalt  }
0x5c: {  	_ =	shalt  }
0x5d: {  	_ =	shalt  }
0x5e: {  	_ =	shalt  }
0x5f: {  	_ =	shalt  }
0x60: {  	_ =	shalt  }
0x61: {  	_ =	shalt  }
0x62: {  	_ =	shalt  }
0x63: {  	_ =	shalt  }
0x64: {  	_ =	shalt  }
0x65: {  	_ =	shalt  }
0x66: {  	_ =	shalt  }
0x67: {  	_ =	shalt  }
0x68: {  	_ =	shalt  }
0x69: {  	_ =	shalt  }
0x6a: {  	_ =	shalt  }
0x6b: {  	_ =	shalt  }
0x6c: {  	_ =	shalt  }
0x6d: {  	_ =	shalt  }
0x6e: {  	_ =	shalt  }
0x6f: {  	_ =	shalt  }
0x70: {  	_ =	shalt  }
0x71: {  	_ =	shalt  }
0x72: {  	_ =	shalt  }
0x73: {  	_ =	shalt  }
0x74: {  	_ =	shalt  }
0x75: {  	_ =	shalt  }
0x76: {  	_ =	shalt  }
0x77: {  	_ =	shalt  }
0x78: {  	_ =	shalt  }
0x79: {  	_ =	shalt  }
0x7a: {  	_ =	shalt  }
0x7b: {  	_ =	shalt  }
0x7c: {  	_ =	shalt  }
0x7d: {  	_ =	shalt  }
0x7e: {  	_ =	shalt  }
0x7f: {  	_ =	shalt  }
0x80: {  	_ =	shalt  }
0x81: {  	_ =	shalt  }
0x82: {  	_ =	shalt  }
0x83: {  	_ =	shalt  }
0x84: {  	_ =	shalt  }
0x85: {  	_ =	shalt  }
0x86: {  	_ =	shalt  }
0x87: {  	_ =	shalt  }
.Lfunc_end0:
.L_simem_size_0:
called_computation_lowered:
.L_overlay_start_0:
0x88: {  	s2 =	sld [smem:$0x3FD9]  }
0x89: {  	s3 =	sld [smem:$0x3FFE];
	_ =	sdelay $0x1  }
0x8a: {  	s1 =	srdreg.scid  }
0x8b: {  	s0 =	sand.u32 $0x1, s1  }
0x8c: {  	s17 =	sshll.u32 s0, $0xA;
	s2 =	sadd.s32 s3, s2  }
0x8d: {  	s2 =	sadd.s32 s2, s17  }
0x8e: {  	[smem:$0x3FC2] =	sst s2  }
0x8f: {  	_ = 	snop  }
0x90: {  	s2 =	sld [smem:$0x3FD0];
	(tm) =	ssettm $0x1  }
0x91: {  	s18 =	sld [smem:$0x3FFB];
	_ =	sdelay $0x3  }
0x92: {  	_ =	strace s18  }
0x93: {  	s3 =	sld [smem:$0x3FFC];
	_ =	sdelay $0x3  }
0x94: {  	_ =	strace s3  }
0x95: {  	s3 =	sld [smem:$0x3FFD];
	_ =	sdelay $0x3  }
0x96: {  	_ =	strace s3  }
0x97: {  	_ =	strace $0x8FFFFFFF  }
0x98: {  	s19 =	sld [smem:$0x3FDB];
	_ =	sdelay $0x1  }
0x99: {  	s4 =	simm.s32 $_scs_section_size  }
0x9a: {  	s5 =	simm.s32 $_size__tile_overlayer_lowered;
	s6 =	simm.s32 $_tile_overlayer_lowered  }
0x9b: {  	s22 =	simm.s32 $0x1BFF;
	s21 =	sshll.u32 s6, $0x1;
	s3 =	sadd.s32 s4, s19  }
0x9c: {  	s7 =	simm.s32 $0x0;
	s20 =	sshll.u32 s5, $0x1;
	s5 =	sadd.s32 s21, s3  }
0x9d: {  	[timem:s7], [sflag:s22] =	dma.local [hbm:s5], s20  }
0x9e: {  	_ =	swait.ge [sflag:s22], s20  }
0x9f: {  	s4 =	ssub.s32 $0x0, s20;
	[sflag:s22] =	ssyncset.done $0x0  }
0xa0: {  	[sflag:s22] =	ssyncadd.s32 s4;
	_ =	sdelay $0x1  }
0xa1: {  	s23 =	simm.s32 $0x1B8B  }
0xa2: {  	_ =	swait.ge [sflag:s23], $0x1  }
0xa3: {  	[sflag:s23] =	ssyncset.done $0x0  }
0xa4: {  	s25 =	simm.s32 $0x1B8E;
	s24 =	sld [smem:$0x3FFE];
	[sflag:s23] =	ssyncadd.s32 $0xFFFFFFFF  }
0xa5: {  	s26 =	simm.s32 $execute0_lowered;
	[smem:$0x3FD2] =	sst s25  }
0xa6: {  	s5 =	sshll.u32 s26, $0x1;
	_ =	strace $0x80000046;
	[dreg:$0x1] =	wrdreg $0xFFFFFFFF  }
0xa7: {  	s28 =	simm.s32 $_size_execute0_lowered;
	s3 =	sadd.s32 s3, s5;
	[dreg:$0x0] =	wrdreg $0x0  }
0xa8: {  	s5 =	sshll.u32 s28, $0x1;
	[dreg:$0x2] =	wrdreg s3  }
0xa9: {  	[dreg:$0x3] =	wrdreg s5  }
0xaa: {  	[dreg:$0x4] =	wrdreg $0xC0  }
0xab: {  	_ =	task [dreg:s7], $0x5FFFF  }
0xac: {  	[dreg:$0x1] =	wrdreg $0xFFFFFFFF  }
0xad: {  	[dreg:$0x0] =	wrdreg $0x60  }
0xae: {  	[dreg:$0x2] =	wrdreg s2  }
0xaf: {  	[dreg:$0x3] =	wrdreg s24  }
0xb0: {  	[dreg:$0x4] =	wrdreg $0x90000  }
0xb1: {  	[dreg:$0x5] =	wrdreg $0x9  }
0xb2: {  	_ =	task.clear_ibuf [dreg:s7], $0x6FFFF;
	_ =	strace $0x90000046  }
0xb3: {  	s29 =	simm.s32 $0x9;
	_ =	strace $0x80000048  }
0xb4: {  	_ =	swait.ge [sflag:s29], $0x1  }
0xb5: {  	[sflag:s29] =	ssyncadd.s32 $0xFFFFFFFF  }
0xb6: {  	_ =	strace $0x90000048  }
0xb7: {  	_ =	sfence  }
0xb8: {  	s30 =	sld [smem:$0x0];
	_ =	sdelay $0x2  }
0xb9: {  	s31 =	sshll.u32 s1, $0xD;
	s1 =	sshrl.u32 s1, $0x2  }
0xba: {  	s3 =	sand.u32 $0x4000, s31;
	s1 =	sadd.s32 s1, s30  }
0xbb: {  	s0 =	sor.u32 s3, s0;
	s1 =	sshll.u32 s1, $0x11  }
0xbc: {  	s0 =	sor.u32 s1, s0  }
0xbd: {  	s0 =	sadd.s32 $0x8F2B, s0  }
0xbe: {  	[sflag:s0] =	ssyncadd.remote.s32 $0x1  }
0xbf: {  	_ =	sfence.sel $0xFFFF  }
0xc0: {  	[dreg:$0x0] =	wrdreg $0xFFFFFFFF;
	(pc) =	sbr.abs _section_cstart, $3  }
0xc1: {  	[dreg:$0x1] =	wrdreg $0xFFFFFFFF  }
0xc2: {  	_ =	task.clear_ibuf [dreg:s7], $0x2FFFF;
	_ =	strace $0x9FFFFFFF  }
0xc3: {  	(tm) =	ssettm $0x7FFFFFFF  }
tec
execute0_lowered:
.L_overlay_start_1:
0x0: {  	(tag) =	ssettag $0x1  }
0x1: {  	s2 =	rddreg [dreg:$0x0]  }
0x2: {  	s0 =	rddreg [dreg:$0x1]  }
0x3: {  	s3 =	rddreg [dreg:$0x2]  }
0x4: {  	s11 =	stileid.u32;
	s4 =	simm.s32 $0x0;
	s5 =	srdreg.scid  }
0x5: {  	s18 =	simm.s32 $0x5;
	s19 =	simm.s32 $0x800;
	s20 =	simm.s32 $0x80  }
0x6: {  	s28 =	simm.s32 $0x880;
	s29 =	simm.s32 $0x4;
	s1 =	smul.u32 $0xA00, s11  }
0x7: {  	[smem:$0x7FF] =	sst s4;
	s6 =	smul.u32 $0x2800, s11;
	s7 =	sand.u32 $0x1, s5  }
0x8: {  	s9 =	smul.u32 $0x50000, s11;
	s5 =	sadd.s32 $0x2400, s0;
	s23 =	sshll.u32 s11, $0x6  }
0x9: {  	s25 =	sadd.s32 $0x12C000, s3;
	s26 =	sadd.s32 $0xB2000, s0;
	p1 =	seq.s32 s11, $0xF  }
0xa: {  	_ =	strace $0x80000047;
	s8 =	ssub.s32 $0x2, s7;
	[dreg:$0x8] =	wrdreg s25  }
0xb: {  	s17 =	sor.u32 $0x1C05, s23;
	[dreg:$0x9] =	wrdreg s26;
	p0 =	sne.s32 s7, $0x0  }
0xc: {  	s23 =	simm.s32 $0x5000;
	s25 =	simm.s32 $0x3;
	s26 =	simm.s32 $0x100  }
0xd: {  	s1 =	sadd.s32 s1, s0;
	s10 =	sshrl.u32 s8, $0x1;
	s6 =	sadd.s32 s6, s0  }
0xe: {  	s9 =	sshrl.u32 s9, $0x2;
	s0 =	sadd.s32 $0x8AE00, s0;
	[dreg:$0x6] =	wrdreg s17  }
0xf: {  	s8 =	ssub.s32 s8, s10;
	s22 =	sadd.s32 $0x3D600, s6;
	[dreg:$0xb] =	wrdreg s0  }
0x10: {  	s21 =	sadd.s32 s9, s3;
	s24 =	sadd.s32 $0x8C800, s6;
	[dreg:$0x5] =	wrdreg s22  }
.Ltmp0:
0x11: {  	s6 =	sadd.s32 $0x65600, s6;
	[dreg:$0x7] =	wrdreg s24;
	(pc) =	sbr.rel .LBB2_1-.Ltmp0, $4  }
0x12: {  	s15 =	sadd.s32 $0x33600, s1;
	s16 =	sadd.s32 $0x29600, s1;
	[dreg:$0xa] =	wrdreg s6  }
0x13: {  	s0 =	simm.s32 $0x0;
	s30 =	smax.u32 s8, $0x1;
	[dreg:$0x4] =	wrdreg s21  }
0x14: {  	s31 =	sshrl.u32 s21, $0x3;
	s21 =	simm.s32 $0x1000;
	[dreg:$0xc] =	wrdreg s30  }
0x15: {  	s22 =	simm.s32 $0x1;
	s24 =	simm.s32 $0x2;
	[dreg:$0xd] =	wrdreg s31  }
.LBB2_7:
0x16: {  	s6 =	sadd.s32 s17, s16;
	[sflag:s29] =	ssyncadd.s32 $0xFFFFC000  }
0x17: {  	[tilespmem:s4], [sflag:$0x5] =	stream.linear.gather [hbm4b:s6+s4], $0x800, $0x38;
	[tilespmem:$0x1D000] =	vst v63  }
0x18: {  	_ =	swait.ge [sflag:s18], $0x800  }
0x19: {  	[sflag:s18] =	ssyncset.done $0x0  }
0x1a: {  	s8 =	sadd.s32 s17, s15;
	[sflag:s18] =	ssyncadd.s32 $0xFFFFF800  }
0x1b: {  	[tilespmem:s19], [sflag:$0x5] =	stream.linear.gather [hbm4b:s8+s4], $0x800, $0x38;
	[tilespmem:$0x1D000] =	vst v63  }
0x1c: {  	_ =	swait.ge [sflag:s18], $0x800  }
0x1d: {  	[sflag:s18] =	ssyncset.done $0x0  }
0x1e: {  	[sflag:s18] =	ssyncadd.s32 $0xFFFFF800  }
0x1f: {  	[tilespmem:s21], [sflag:$0x1] =	stream.indirect.gather [hbm4b:s5+s20], $0x80, s4, s20, $0xb8;
	[tilespmem:$0x1D000] =	vst v63  }
0x20: {  	_ =	swait.ge [sflag:s22], $0x4000  }
0x21: {  	[sflag:s22] =	ssyncset.done $0x0  }
0x22: {  	[sflag:s22] =	ssyncadd.s32 $0xFFFFC000  }
0x23: {  	[tilespmem:s23], [sflag:$0x2] =	stream.indirect.gather [hbm4b:s5+s20], $0x80, s20, s20, $0xb8;
	[tilespmem:$0x1D000] =	vst v63  }
0x24: {  	_ = 	snop  }
0x25: {  	[spmem:s3] =	stream.indirect.scatter.add.f32 [tilespmem:s21], [sflag:$0x3], $0x80, s19, s20, $0xb8;
	[tilespmem:$0x1D000] =	vst v63  }
0x26: {  	_ =	swait.ge [sflag:s24], $0x4000  }
0x27: {  	[sflag:s24] =	ssyncset.done $0x0  }
0x28: {  	[sflag:s24] =	ssyncadd.s32 $0xFFFFC000  }
0x29: {  	_ =	swait.ge [sflag:s25], $0x4000  }
0x2a: {  	[sflag:s25] =	ssyncset.done $0x0  }
0x2b: {  	[sflag:s25] =	ssyncadd.s32 $0xFFFFC000  }
0x2c: {  	[tilespmem:s21], [sflag:$0x1] =	stream.indirect.gather [hbm4b:s5+s20], $0x80, s26, s20, $0xb8;
	[tilespmem:$0x1D000] =	vst v63  }
0x2d: {  	_ = 	snop  }
0x2e: {  	[spmem:s3] =	stream.indirect.scatter.add.f32 [tilespmem:s23], [sflag:$0x4], $0x80, s28, s20, $0xb8;
	[tilespmem:$0x1D000] =	vst v63  }
0x2f: {  	_ =	swait.ge [sflag:s22], $0x4000  }
0x30: {  	[sflag:s22] =	ssyncset.done $0x0  }
0x31: {  	[sflag:s22] =	ssyncadd.s32 $0xFFFFC000  }
0x32: {  	_ =	swait.ge [sflag:s29], $0x4000  }
0x33: {  	[sflag:s29] =	ssyncset.done $0x0  }
0x34: {  	[sflag:s29] =	ssyncadd.s32 $0xFFFFC000  }
0x35: {  	[tilespmem:s23], [sflag:$0x2] =	stream.indirect.gather [hbm4b:s5+s20], $0x80, s30, s20, $0xb8;
	[tilespmem:$0x1D000] =	vst v63  }
0x36: {  	_ = 	snop  }
0x37: {  	[spmem:s3] =	stream.indirect.scatter.add.f32 [tilespmem:s21], [sflag:$0x3], $0x80, s31, s20, $0xb8;
	[tilespmem:$0x1D000] =	vst v63  }
0x38: {  	_ =	swait.ge [sflag:s24], $0x4000  }
0x39: {  	[sflag:s24] =	ssyncset.done $0x0  }
0x3a: {  	[sflag:s24] =	ssyncadd.s32 $0xFFFFC000  }
0x3b: {  	_ =	swait.ge [sflag:s25], $0x4000  }
0x3c: {  	[sflag:s25] =	ssyncset.done $0x0  }
0x3d: {  	[sflag:s25] =	ssyncadd.s32 $0xFFFFC000  }
0x3e: {  	[tilespmem:s21], [sflag:$0x1] =	stream.indirect.gather [hbm4b:s5+s20], $0x80, s0, s20, $0xb8;
	[tilespmem:$0x1D000] =	vst v63  }
0x3f: {  	_ = 	snop  }
0x40: {  	[spmem:s3] =	stream.indirect.scatter.add.f32 [tilespmem:s23], [sflag:$0x4], $0x80, s1, s20, $0xb8;
	[tilespmem:$0x1D000] =	vst v63  }
0x41: {  	_ =	swait.ge [sflag:s22], $0x4000  }
0x42: {  	[sflag:s22] =	ssyncset.done $0x0  }
0x43: {  	[sflag:s22] =	ssyncadd.s32 $0xFFFFC000  }
0x44: {  	_ =	swait.ge [sflag:s29], $0x4000  }
0x45: {  	[sflag:s29] =	ssyncset.done $0x0  }
0x46: {  	[sflag:s29] =	ssyncadd.s32 $0xFFFFC000  }
0x47: {  	[tilespmem:s23], [sflag:$0x2] =	stream.indirect.gather [hbm4b:s5+s20], $0x80, s9, s20, $0xb8;
	[tilespmem:$0x1D000] =	vst v63  }
0x48: {  	_ = 	snop  }
0x49: {  	[spmem:s3] =	stream.indirect.scatter.add.f32 [tilespmem:s21], [sflag:$0x3], $0x80, s11, s20, $0xb8;
	[tilespmem:$0x1D000] =	vst v63  }
0x4a: {  	_ =	swait.ge [sflag:s24], $0x4000  }
0x4b: {  	[sflag:s24] =	ssyncset.done $0x0  }
0x4c: {  	[sflag:s24] =	ssyncadd.s32 $0xFFFFC000  }
0x4d: {  	_ =	swait.ge [sflag:s25], $0x4000  }
0x4e: {  	[sflag:s25] =	ssyncset.done $0x0  }
0x4f: {  	[sflag:s25] =	ssyncadd.s32 $0xFFFFC000  }
0x50: {  	[tilespmem:s21], [sflag:$0x1] =	stream.indirect.gather [hbm4b:s5+s20], $0x80, s12, s20, $0xb8;
	[tilespmem:$0x1D000] =	vst v63  }
0x51: {  	_ = 	snop  }
0x52: {  	[spmem:s3] =	stream.indirect.scatter.add.f32 [tilespmem:s23], [sflag:$0x4], $0x80, s13, s20, $0xb8;
	[tilespmem:$0x1D000] =	vst v63  }
0x53: {  	_ =	swait.ge [sflag:s22], $0x4000  }
0x54: {  	[sflag:s22] =	ssyncset.done $0x0  }
0x55: {  	[sflag:s22] =	ssyncadd.s32 $0xFFFFC000  }
0x56: {  	_ =	swait.ge [sflag:s29], $0x4000  }
0x57: {  	[sflag:s29] =	ssyncset.done $0x0  }
0x58: {  	[sflag:s29] =	ssyncadd.s32 $0xFFFFC000  }
0x59: {  	[tilespmem:s23], [sflag:$0x2] =	stream.indirect.gather [hbm4b:s5+s20], $0x80, s7, s20, $0xb8;
	[tilespmem:$0x1D000] =	vst v63  }
0x5a: {  	_ = 	snop  }
0x5b: {  	[spmem:s3] =	stream.indirect.scatter.add.f32 [tilespmem:s21], [sflag:$0x3], $0x80, s10, s20, $0xb8;
	[tilespmem:$0x1D000] =	vst v63  }
0x5c: {  	_ =	swait.ge [sflag:s24], $0x4000  }
0x5d: {  	[sflag:s24] =	ssyncset.done $0x0  }
0x5e: {  	[sflag:s24] =	ssyncadd.s32 $0xFFFFC000  }
0x5f: {  	_ =	swait.ge [sflag:s25], $0x4000  }
0x60: {  	[sflag:s25] =	ssyncset.done $0x0  }
0x61: {  	[sflag:s25] =	ssyncadd.s32 $0xFFFFC000  }
0x62: {  	[tilespmem:s21], [sflag:$0x1] =	stream.indirect.gather [hbm4b:s5+s20], $0x80, s14, s20, $0xb8;
	[tilespmem:$0x1D000] =	vst v63  }
0x63: {  	s17 =	simm.s32 $0xB80  }
0x64: {  	[spmem:s3] =	stream.indirect.scatter.add.f32 [tilespmem:s23], [sflag:$0x4], $0x80, s17, s20, $0xb8;
	[tilespmem:$0x1D000] =	vst v63  }
0x65: {  	_ =	swait.ge [sflag:s22], $0x4000  }
0x66: {  	[sflag:s22] =	ssyncset.done $0x0  }
0x67: {  	[sflag:s22] =	ssyncadd.s32 $0xFFFFC000  }
0x68: {  	_ =	swait.ge [sflag:s29], $0x4000  }
0x69: {  	[sflag:s29] =	ssyncset.done $0x0  }
0x6a: {  	s30 =	simm.s32 $0x480;
	[sflag:s29] =	ssyncadd.s32 $0xFFFFC000  }
0x6b: {  	[tilespmem:s23], [sflag:$0x2] =	stream.indirect.gather [hbm4b:s5+s20], $0x80, s30, s20, $0xb8;
	[tilespmem:$0x1D000] =	vst v63  }
0x6c: {  	s31 =	simm.s32 $0xC00  }
0x6d: {  	[spmem:s3] =	stream.indirect.scatter.add.f32 [tilespmem:s21], [sflag:$0x3], $0x80, s31, s20, $0xb8;
	[tilespmem:$0x1D000] =	vst v63  }
0x6e: {  	_ =	swait.ge [sflag:s24], $0x4000  }
0x6f: {  	[sflag:s24] =	ssyncset.done $0x0  }
0x70: {  	[sflag:s24] =	ssyncadd.s32 $0xFFFFC000  }
0x71: {  	_ =	swait.ge [sflag:s25], $0x4000  }
0x72: {  	[sflag:s25] =	ssyncset.done $0x0  }
0x73: {  	s1 =	simm.s32 $0x500;
	[sflag:s25] =	ssyncadd.s32 $0xFFFFC000  }
0x74: {  	[tilespmem:s21], [sflag:$0x1] =	stream.indirect.gather [hbm4b:s5+s20], $0x80, s1, s20, $0xb8;
	[tilespmem:$0x1D000] =	vst v63  }
0x75: {  	s6 =	simm.s32 $0xC80  }
0x76: {  	[spmem:s3] =	stream.indirect.scatter.add.f32 [tilespmem:s23], [sflag:$0x4], $0x80, s6, s20, $0xb8;
	[tilespmem:$0x1D000] =	vst v63  }
0x77: {  	_ =	swait.ge [sflag:s22], $0x4000  }
0x78: {  	[sflag:s22] =	ssyncset.done $0x0  }
0x79: {  	[sflag:s22] =	ssyncadd.s32 $0xFFFFC000  }
0x7a: {  	_ =	swait.ge [sflag:s29], $0x4000  }
0x7b: {  	[sflag:s29] =	ssyncset.done $0x0  }
0x7c: {  	s7 =	simm.s32 $0x580;
	[sflag:s29] =	ssyncadd.s32 $0xFFFFC000  }
0x7d: {  	[tilespmem:s23], [sflag:$0x2] =	stream.indirect.gather [hbm4b:s5+s20], $0x80, s7, s20, $0xb8;
	[tilespmem:$0x1D000] =	vst v63  }
0x7e: {  	s8 =	simm.s32 $0xD00  }
0x7f: {  	[spmem:s3] =	stream.indirect.scatter.add.f32 [tilespmem:s21], [sflag:$0x3], $0x80, s8, s20, $0xb8;
	[tilespmem:$0x1D000] =	vst v63  }
0x80: {  	_ =	swait.ge [sflag:s24], $0x4000  }
0x81: {  	[sflag:s24] =	ssyncset.done $0x0  }
0x82: {  	[sflag:s24] =	ssyncadd.s32 $0xFFFFC000  }
0x83: {  	_ =	swait.ge [sflag:s25], $0x4000  }
0x84: {  	[sflag:s25] =	ssyncset.done $0x0  }
0x85: {  	s9 =	simm.s32 $0x600;
	[sflag:s25] =	ssyncadd.s32 $0xFFFFC000  }
0x86: {  	[tilespmem:s21], [sflag:$0x1] =	stream.indirect.gather [hbm4b:s5+s20], $0x80, s9, s20, $0xb8;
	[tilespmem:$0x1D000] =	vst v63  }
0x87: {  	s10 =	simm.s32 $0xD80  }
0x88: {  	[spmem:s3] =	stream.indirect.scatter.add.f32 [tilespmem:s23], [sflag:$0x4], $0x80, s10, s20, $0xb8;
	[tilespmem:$0x1D000] =	vst v63  }
0x89: {  	_ =	swait.ge [sflag:s22], $0x4000  }
0x8a: {  	[sflag:s22] =	ssyncset.done $0x0  }
0x8b: {  	[sflag:s22] =	ssyncadd.s32 $0xFFFFC000  }
0x8c: {  	_ =	swait.ge [sflag:s29], $0x4000  }
0x8d: {  	[sflag:s29] =	ssyncset.done $0x0  }
0x8e: {  	s11 =	simm.s32 $0x680;
	[sflag:s29] =	ssyncadd.s32 $0xFFFFC000  }
0x8f: {  	[tilespmem:s23], [sflag:$0x2] =	stream.indirect.gather [hbm4b:s5+s20], $0x80, s11, s20, $0xb8;
	[tilespmem:$0x1D000] =	vst v63  }
0x90: {  	s12 =	simm.s32 $0xE00  }
0x91: {  	[spmem:s3] =	stream.indirect.scatter.add.f32 [tilespmem:s21], [sflag:$0x3], $0x80, s12, s20, $0xb8;
	[tilespmem:$0x1D000] =	vst v63  }
0x92: {  	_ =	swait.ge [sflag:s24], $0x4000  }
0x93: {  	[sflag:s24] =	ssyncset.done $0x0  }
0x94: {  	[sflag:s24] =	ssyncadd.s32 $0xFFFFC000  }
0x95: {  	_ =	swait.ge [sflag:s25], $0x4000  }
0x96: {  	[sflag:s25] =	ssyncset.done $0x0  }
0x97: {  	s13 =	simm.s32 $0x700;
	[sflag:s25] =	ssyncadd.s32 $0xFFFFC000  }
0x98: {  	[tilespmem:s21], [sflag:$0x1] =	stream.indirect.gather [hbm4b:s5+s20], $0x80, s13, s20, $0xb8;
	[tilespmem:$0x1D000] =	vst v63  }
0x99: {  	s14 =	simm.s32 $0xE80  }
0x9a: {  	[spmem:s3] =	stream.indirect.scatter.add.f32 [tilespmem:s23], [sflag:$0x4], $0x80, s14, s20, $0xb8;
	[tilespmem:$0x1D000] =	vst v63  }
0x9b: {  	_ =	swait.ge [sflag:s22], $0x4000  }
0x9c: {  	[sflag:s22] =	ssyncset.done $0x0  }
0x9d: {  	[sflag:s22] =	ssyncadd.s32 $0xFFFFC000  }
0x9e: {  	_ =	swait.ge [sflag:s29], $0x4000  }
0x9f: {  	[sflag:s29] =	ssyncset.done $0x0  }
0xa0: {  	s17 =	simm.s32 $0x780;
	[sflag:s29] =	ssyncadd.s32 $0xFFFFC000  }
0xa1: {  	[tilespmem:s23], [sflag:$0x2] =	stream.indirect.gather [hbm4b:s5+s20], $0x80, s17, s20, $0xb8;
	[tilespmem:$0x1D000] =	vst v63  }
0xa2: {  	s30 =	simm.s32 $0xF00  }
0xa3: {  	[spmem:s3] =	stream.indirect.scatter.add.f32 [tilespmem:s21], [sflag:$0x3], $0x80, s30, s20, $0xb8;
	[tilespmem:$0x1D000] =	vst v63  }
0xa4: {  	_ =	swait.ge [sflag:s24], $0x4000  }
0xa5: {  	[sflag:s24] =	ssyncset.done $0x0  }
0xa6: {  	[sflag:s24] =	ssyncadd.s32 $0xFFFFC000  }
0xa7: {  	_ =	swait.ge [sflag:s25], $0x4000  }
0xa8: {  	[sflag:s25] =	ssyncset.done $0x0  }
0xa9: {  	s31 =	simm.s32 $0xF80;
	[sflag:s25] =	ssyncadd.s32 $0xFFFFC000  }
0xaa: {  	[spmem:s3] =	stream.indirect.scatter.add.f32 [tilespmem:s23], [sflag:$0x4], $0x80, s31, s20, $0xb8;
	[tilespmem:$0x1D000] =	vst v63  }
0xab: {  	_ =	swait.ge [sflag:s29], $0x4000  }
0xac: {  	[sflag:s29] =	ssyncset.done $0x0  }
0xad: {  	[sflag:s29] =	ssyncadd.s32 $0xFFFFC000  }
0xae: {  	[bflag:$0x0] =	sbarrier.arrive $0xFFFF  }
0xaf: {  	s17 =	rddreg [dreg:$0x6]  }
0xb0: {  	s6 =	rddreg [dreg:$0x9]  }
0xb1: {  	s0 =	rddreg [dreg:$0x10]  }
0xb2: {  	[hbm:s6], [sflag:s17] =	dma.local @p1 [spmem:s0], $0x1900  }
0xb3: {  	s6 =	simm.s32 @p1 $0x5  }
0xb4: {  	_ =	swait.ge @p1 [sflag:s6], $0x1900  }
0xb5: {  	[sflag:s6] =	ssyncset.done @p1 $0x0;
	s0 =	rddreg [dreg:$0xf]  }
0xb6: {  	[sflag:s6] =	ssyncadd.s32 @p1 $0xFFFFE700;
	s6 =	rddreg [dreg:$0x7]  }
0xb7: {  	[hbm:s6], [sflag:s17] =	dma.local @!p1 [spmem:s0], $0x2800  }
0xb8: {  	s6 =	simm.s32 @!p1 $0x5  }
0xb9: {  	_ =	swait.ge @!p1 [sflag:s6], $0x2800  }
0xba: {  	[sflag:s6] =	ssyncset.done @!p1 $0x0  }
0xbb: {  	s0 =	rddreg [dreg:$0xe];
	[sflag:s6] =	ssyncadd.s32 @!p1 $0xFFFFD800  }
.LBB2_8:
0xbc: {  	s0 =	sadd.s32 $0x1, s0;
	s6 =	rddreg [dreg:$0xc]  }
0xbd: {  	p2 =	sne.s32 s0, s6  }
.Ltmp1:
0xbe: {  	_ = 	snop;
	(pc) =	sbr.rel @!p2 .LBB2_9-.Ltmp1, $1  }
0xbf: {  	_ =	sdelay $0x3  }
.LBB2_1:
0xc0: {  	[dreg:$0xe] =	wrdreg s0  }
0xc1: {  	s6 =	rddreg [dreg:$0x5]  }
0xc2: {  	s8 =	rddreg [dreg:$0xd]  }
0xc3: {  	[spmem:s8], [sflag:s17] =	dma.local [hbm:s6], $0x2800  }
0xc4: {  	_ =	swait.ge [sflag:s18], $0x2800  }
0xc5: {  	[sflag:s18] =	ssyncset.done $0x0  }
0xc6: {  	[sflag:s18] =	ssyncadd.s32 $0xFFFFD800  }
.Ltmp2:
0xc7: {  	[bflag:$0x0] =	sbarrier.arrive $0xFFFF;
	(pc) =	sbr.rel @p0 .LBB2_5-.Ltmp2, $4  }
0xc8: {  	s6 =	rddreg [dreg:$0x8]  }
0xc9: {  	s0 =	sshrl.u32 @p1 s6, $0x3;
	s6 =	rddreg [dreg:$0x4]  }
0xca: {  	[dreg:$0x10] =	wrdreg s0;
	s0 =	sshrl.u32 @!p1 s6, $0x3  }
0xcb: {  	s6 =	sadd.s32 $0x0, s16;
	[dreg:$0xf] =	wrdreg s0  }
0xcc: {  	[tilespmem:s4], [sflag:$0x5] =	stream.linear.gather [hbm4b:s6+s4], $0x800, $0x38;
	[tilespmem:$0x1D000] =	vst v63  }
0xcd: {  	_ =	swait.ge [sflag:s18], $0x800  }
0xce: {  	[sflag:s18] =	ssyncset.done $0x0  }
0xcf: {  	s7 =	sadd.s32 $0x0, s15;
	[sflag:s18] =	ssyncadd.s32 $0xFFFFF800  }
0xd0: {  	[tilespmem:s19], [sflag:$0x5] =	stream.linear.gather [hbm4b:s7+s4], $0x800, $0x38;
	[tilespmem:$0x1D000] =	vst v63  }
0xd1: {  	_ =	swait.ge [sflag:s18], $0x800  }
0xd2: {  	[sflag:s18] =	ssyncset.done $0x0  }
0xd3: {  	[sflag:s18] =	ssyncadd.s32 $0xFFFFF800  }
0xd4: {  	[tilespmem:s21], [sflag:$0x1] =	stream.indirect.gather [hbm4b:s2+s20], $0x80, s4, s20, $0xb8;
	[tilespmem:$0x1D000] =	vst v63  }
0xd5: {  	_ =	swait.ge [sflag:s22], $0x4000  }
0xd6: {  	[sflag:s22] =	ssyncset.done $0x0  }
0xd7: {  	[sflag:s22] =	ssyncadd.s32 $0xFFFFC000  }
0xd8: {  	[tilespmem:s23], [sflag:$0x2] =	stream.indirect.gather [hbm4b:s2+s20], $0x80, s20, s20, $0xb8;
	[tilespmem:$0x1D000] =	vst v63  }
0xd9: {  	_ = 	snop  }
0xda: {  	[spmem:s3] =	stream.indirect.scatter.add.f32 [tilespmem:s21], [sflag:$0x3], $0x80, s19, s20, $0xb8;
	[tilespmem:$0x1D000] =	vst v63  }
0xdb: {  	_ =	swait.ge [sflag:s24], $0x4000  }
0xdc: {  	[sflag:s24] =	ssyncset.done $0x0  }
0xdd: {  	[sflag:s24] =	ssyncadd.s32 $0xFFFFC000  }
0xde: {  	_ =	swait.ge [sflag:s25], $0x4000  }
0xdf: {  	[sflag:s25] =	ssyncset.done $0x0  }
0xe0: {  	[sflag:s25] =	ssyncadd.s32 $0xFFFFC000  }
0xe1: {  	[tilespmem:s21], [sflag:$0x1] =	stream.indirect.gather [hbm4b:s2+s20], $0x80, s26, s20, $0xb8;
	[tilespmem:$0x1D000] =	vst v63  }
0xe2: {  	_ = 	snop  }
0xe3: {  	[spmem:s3] =	stream.indirect.scatter.add.f32 [tilespmem:s23], [sflag:$0x4], $0x80, s28, s20, $0xb8;
	[tilespmem:$0x1D000] =	vst v63  }
0xe4: {  	_ =	swait.ge [sflag:s22], $0x4000  }
0xe5: {  	[sflag:s22] =	ssyncset.done $0x0  }
0xe6: {  	[sflag:s22] =	ssyncadd.s32 $0xFFFFC000  }
0xe7: {  	_ =	swait.ge [sflag:s29], $0x4000  }
0xe8: {  	[sflag:s29] =	ssyncset.done $0x0  }
0xe9: {  	s30 =	simm.s32 $0x180;
	[sflag:s29] =	ssyncadd.s32 $0xFFFFC000  }
0xea: {  	[tilespmem:s23], [sflag:$0x2] =	stream.indirect.gather [hbm4b:s2+s20], $0x80, s30, s20, $0xb8;
	[tilespmem:$0x1D000] =	vst v63  }
0xeb: {  	s31 =	simm.s32 $0x900  }
0xec: {  	[spmem:s3] =	stream.indirect.scatter.add.f32 [tilespmem:s21], [sflag:$0x3], $0x80, s31, s20, $0xb8;
	[tilespmem:$0x1D000] =	vst v63  }
0xed: {  	_ =	swait.ge [sflag:s24], $0x4000  }
0xee: {  	[sflag:s24] =	ssyncset.done $0x0  }
0xef: {  	[sflag:s24] =	ssyncadd.s32 $0xFFFFC000  }
0xf0: {  	_ =	swait.ge [sflag:s25], $0x4000  }
0xf1: {  	[sflag:s25] =	ssyncset.done $0x0  }
0xf2: {  	s0 =	simm.s32 $0x200;
	[sflag:s25] =	ssyncadd.s32 $0xFFFFC000  }
0xf3: {  	[tilespmem:s21], [sflag:$0x1] =	stream.indirect.gather [hbm4b:s2+s20], $0x80, s0, s20, $0xb8;
	[tilespmem:$0x1D000] =	vst v63  }
0xf4: {  	s1 =	simm.s32 $0x980  }
0xf5: {  	[spmem:s3] =	stream.indirect.scatter.add.f32 [tilespmem:s23], [sflag:$0x4], $0x80, s1, s20, $0xb8;
	[tilespmem:$0x1D000] =	vst v63  }
0xf6: {  	_ =	swait.ge [sflag:s22], $0x4000  }
0xf7: {  	[sflag:s22] =	ssyncset.done $0x0  }
0xf8: {  	[sflag:s22] =	ssyncadd.s32 $0xFFFFC000  }
0xf9: {  	_ =	swait.ge [sflag:s29], $0x4000  }
0xfa: {  	[sflag:s29] =	ssyncset.done $0x0  }
0xfb: {  	s9 =	simm.s32 $0x280;
	[sflag:s29] =	ssyncadd.s32 $0xFFFFC000  }
0xfc: {  	[tilespmem:s23], [sflag:$0x2] =	stream.indirect.gather [hbm4b:s2+s20], $0x80, s9, s20, $0xb8;
	[tilespmem:$0x1D000] =	vst v63  }
0xfd: {  	s11 =	simm.s32 $0xA00  }
0xfe: {  	[spmem:s3] =	stream.indirect.scatter.add.f32 [tilespmem:s21], [sflag:$0x3], $0x80, s11, s20, $0xb8;
	[tilespmem:$0x1D000] =	vst v63  }
0xff: {  	_ =	swait.ge [sflag:s24], $0x4000  }
0x100: {  	[sflag:s24] =	ssyncset.done $0x0  }
0x101: {  	[sflag:s24] =	ssyncadd.s32 $0xFFFFC000  }
0x102: {  	_ =	swait.ge [sflag:s25], $0x4000  }
0x103: {  	[sflag:s25] =	ssyncset.done $0x0  }
0x104: {  	s12 =	simm.s32 $0x300;
	[sflag:s25] =	ssyncadd.s32 $0xFFFFC000  }
0x105: {  	[tilespmem:s21], [sflag:$0x1] =	stream.indirect.gather [hbm4b:s2+s20], $0x80, s12, s20, $0xb8;
	[tilespmem:$0x1D000] =	vst v63  }
0x106: {  	s13 =	simm.s32 $0xA80  }
0x107: {  	[spmem:s3] =	stream.indirect.scatter.add.f32 [tilespmem:s23], [sflag:$0x4], $0x80, s13, s20, $0xb8;
	[tilespmem:$0x1D000] =	vst v63  }
0x108: {  	_ =	swait.ge [sflag:s22], $0x4000  }
0x109: {  	[sflag:s22] =	ssyncset.done $0x0  }
0x10a: {  	[sflag:s22] =	ssyncadd.s32 $0xFFFFC000  }
0x10b: {  	_ =	swait.ge [sflag:s29], $0x4000  }
0x10c: {  	[sflag:s29] =	ssyncset.done $0x0  }
0x10d: {  	s7 =	simm.s32 $0x380;
	[sflag:s29] =	ssyncadd.s32 $0xFFFFC000  }
0x10e: {  	[tilespmem:s23], [sflag:$0x2] =	stream.indirect.gather [hbm4b:s2+s20], $0x80, s7, s20, $0xb8;
	[tilespmem:$0x1D000] =	vst v63  }
0x10f: {  	s10 =	simm.s32 $0xB00  }
0x110: {  	[spmem:s3] =	stream.indirect.scatter.add.f32 [tilespmem:s21], [sflag:$0x3], $0x80, s10, s20, $0xb8;
	[tilespmem:$0x1D000] =	vst v63  }
0x111: {  	_ =	swait.ge [sflag:s24], $0x4000  }
0x112: {  	[sflag:s24] =	ssyncset.done $0x0  }
0x113: {  	[sflag:s24] =	ssyncadd.s32 $0xFFFFC000  }
0x114: {  	_ =	swait.ge [sflag:s25], $0x4000  }
0x115: {  	[sflag:s25] =	ssyncset.done $0x0  }
0x116: {  	s14 =	simm.s32 $0x400;
	[sflag:s25] =	ssyncadd.s32 $0xFFFFC000  }
0x117: {  	[tilespmem:s21], [sflag:$0x1] =	stream.indirect.gather [hbm4b:s2+s20], $0x80, s14, s20, $0xb8;
	[tilespmem:$0x1D000] =	vst v63  }
0x118: {  	s8 =	simm.s32 $0xB80  }
0x119: {  	[spmem:s3] =	stream.indirect.scatter.add.f32 [tilespmem:s23], [sflag:$0x4], $0x80, s8, s20, $0xb8;
	[tilespmem:$0x1D000] =	vst v63  }
0x11a: {  	_ =	swait.ge [sflag:s22], $0x4000  }
0x11b: {  	[sflag:s22] =	ssyncset.done $0x0  }
0x11c: {  	[sflag:s22] =	ssyncadd.s32 $0xFFFFC000  }
0x11d: {  	_ =	swait.ge [sflag:s29], $0x4000  }
0x11e: {  	[sflag:s29] =	ssyncset.done $0x0  }
0x11f: {  	s17 =	simm.s32 $0x480;
	[sflag:s29] =	ssyncadd.s32 $0xFFFFC000  }
0x120: {  	[tilespmem:s23], [sflag:$0x2] =	stream.indirect.gather [hbm4b:s2+s20], $0x80, s17, s20, $0xb8;
	[tilespmem:$0x1D000] =	vst v63  }
0x121: {  	s26 =	simm.s32 $0xC00  }
0x122: {  	[spmem:s3] =	stream.indirect.scatter.add.f32 [tilespmem:s21], [sflag:$0x3], $0x80, s26, s20, $0xb8;
	[tilespmem:$0x1D000] =	vst v63  }
0x123: {  	_ =	swait.ge [sflag:s24], $0x4000  }
0x124: {  	[sflag:s24] =	ssyncset.done $0x0  }
0x125: {  	[sflag:s24] =	ssyncadd.s32 $0xFFFFC000  }
0x126: {  	_ =	swait.ge [sflag:s25], $0x4000  }
0x127: {  	[sflag:s25] =	ssyncset.done $0x0  }
0x128: {  	s28 =	simm.s32 $0x500;
	[sflag:s25] =	ssyncadd.s32 $0xFFFFC000  }
0x129: {  	[tilespmem:s21], [sflag:$0x1] =	stream.indirect.gather [hbm4b:s2+s20], $0x80, s28, s20, $0xb8;
	[tilespmem:$0x1D000] =	vst v63  }
0x12a: {  	s8 =	simm.s32 $0xC80  }
0x12b: {  	[spmem:s3] =	stream.indirect.scatter.add.f32 [tilespmem:s23], [sflag:$0x4], $0x80, s8, s20, $0xb8;
	[tilespmem:$0x1D000] =	vst v63  }
0x12c: {  	_ =	swait.ge [sflag:s22], $0x4000  }
0x12d: {  	[sflag:s22] =	ssyncset.done $0x0  }
0x12e: {  	[sflag:s22] =	ssyncadd.s32 $0xFFFFC000  }
0x12f: {  	_ =	swait.ge [sflag:s29], $0x4000  }
0x130: {  	[sflag:s29] =	ssyncset.done $0x0  }
0x131: {  	s17 =	simm.s32 $0x580;
	[sflag:s29] =	ssyncadd.s32 $0xFFFFC000  }
0x132: {  	[tilespmem:s23], [sflag:$0x2] =	stream.indirect.gather [hbm4b:s2+s20], $0x80, s17, s20, $0xb8;
	[tilespmem:$0x1D000] =	vst v63  }
0x133: {  	s26 =	simm.s32 $0xD00  }
0x134: {  	[spmem:s3] =	stream.indirect.scatter.add.f32 [tilespmem:s21], [sflag:$0x3], $0x80, s26, s20, $0xb8;
	[tilespmem:$0x1D000] =	vst v63  }
0x135: {  	_ =	swait.ge [sflag:s24], $0x4000  }
0x136: {  	[sflag:s24] =	ssyncset.done $0x0  }
0x137: {  	[sflag:s24] =	ssyncadd.s32 $0xFFFFC000  }
0x138: {  	_ =	swait.ge [sflag:s25], $0x4000  }
0x139: {  	[sflag:s25] =	ssyncset.done $0x0  }
0x13a: {  	s28 =	simm.s32 $0x600;
	[sflag:s25] =	ssyncadd.s32 $0xFFFFC000  }
0x13b: {  	[tilespmem:s21], [sflag:$0x1] =	stream.indirect.gather [hbm4b:s2+s20], $0x80, s28, s20, $0xb8;
	[tilespmem:$0x1D000] =	vst v63  }
0x13c: {  	s8 =	simm.s32 $0xD80  }
0x13d: {  	[spmem:s3] =	stream.indirect.scatter.add.f32 [tilespmem:s23], [sflag:$0x4], $0x80, s8, s20, $0xb8;
	[tilespmem:$0x1D000] =	vst v63  }
0x13e: {  	_ =	swait.ge [sflag:s22], $0x4000  }
0x13f: {  	[sflag:s22] =	ssyncset.done $0x0  }
0x140: {  	[sflag:s22] =	ssyncadd.s32 $0xFFFFC000  }
0x141: {  	_ =	swait.ge [sflag:s29], $0x4000  }
0x142: {  	[sflag:s29] =	ssyncset.done $0x0  }
0x143: {  	s17 =	simm.s32 $0x680;
	[sflag:s29] =	ssyncadd.s32 $0xFFFFC000  }
0x144: {  	[tilespmem:s23], [sflag:$0x2] =	stream.indirect.gather [hbm4b:s2+s20], $0x80, s17, s20, $0xb8;
	[tilespmem:$0x1D000] =	vst v63  }
0x145: {  	s26 =	simm.s32 $0xE00  }
0x146: {  	[spmem:s3] =	stream.indirect.scatter.add.f32 [tilespmem:s21], [sflag:$0x3], $0x80, s26, s20, $0xb8;
	[tilespmem:$0x1D000] =	vst v63  }
0x147: {  	_ =	swait.ge [sflag:s24], $0x4000  }
0x148: {  	[sflag:s24] =	ssyncset.done $0x0  }
0x149: {  	[sflag:s24] =	ssyncadd.s32 $0xFFFFC000  }
0x14a: {  	_ =	swait.ge [sflag:s25], $0x4000  }
0x14b: {  	[sflag:s25] =	ssyncset.done $0x0  }
0x14c: {  	s28 =	simm.s32 $0x700;
	[sflag:s25] =	ssyncadd.s32 $0xFFFFC000  }
0x14d: {  	[tilespmem:s21], [sflag:$0x1] =	stream.indirect.gather [hbm4b:s2+s20], $0x80, s28, s20, $0xb8;
	[tilespmem:$0x1D000] =	vst v63  }
0x14e: {  	s8 =	simm.s32 $0xE80  }
0x14f: {  	[spmem:s3] =	stream.indirect.scatter.add.f32 [tilespmem:s23], [sflag:$0x4], $0x80, s8, s20, $0xb8;
	[tilespmem:$0x1D000] =	vst v63  }
0x150: {  	_ =	swait.ge [sflag:s22], $0x4000  }
0x151: {  	[sflag:s22] =	ssyncset.done $0x0  }
0x152: {  	[sflag:s22] =	ssyncadd.s32 $0xFFFFC000  }
0x153: {  	_ =	swait.ge [sflag:s29], $0x4000  }
0x154: {  	[sflag:s29] =	ssyncset.done $0x0  }
0x155: {  	s17 =	simm.s32 $0x780;
	[sflag:s29] =	ssyncadd.s32 $0xFFFFC000  }
0x156: {  	[tilespmem:s23], [sflag:$0x2] =	stream.indirect.gather [hbm4b:s2+s20], $0x80, s17, s20, $0xb8;
	[tilespmem:$0x1D000] =	vst v63  }
0x157: {  	s26 =	simm.s32 $0xF00  }
0x158: {  	[spmem:s3] =	stream.indirect.scatter.add.f32 [tilespmem:s21], [sflag:$0x3], $0x80, s26, s20, $0xb8;
	[tilespmem:$0x1D000] =	vst v63  }
0x159: {  	_ =	swait.ge [sflag:s24], $0x4000  }
0x15a: {  	[sflag:s24] =	ssyncset.done $0x0  }
0x15b: {  	[sflag:s24] =	ssyncadd.s32 $0xFFFFC000  }
0x15c: {  	_ =	swait.ge [sflag:s25], $0x4000  }
0x15d: {  	[sflag:s25] =	ssyncset.done $0x0  }
0x15e: {  	s28 =	simm.s32 $0xF80;
	[sflag:s25] =	ssyncadd.s32 $0xFFFFC000  }
0x15f: {  	[spmem:s3] =	stream.indirect.scatter.add.f32 [tilespmem:s23], [sflag:$0x4], $0x80, s28, s20, $0xb8;
	[tilespmem:$0x1D000] =	vst v63  }
0x160: {  	_ =	swait.ge [sflag:s29], $0x4000  }
0x161: {  	s6 =	simm.s32 $0x200;
	s17 =	simm.s32 $0x100;
	[sflag:s29] =	ssyncset.done $0x0  }
.LBB2_3:
0x162: {  	s26 =	sadd.s32 s17, s16  }
0x163: {  	[sflag:s29] =	ssyncadd.s32 $0xFFFFC000;
	s28 =	smov.u32 s6;
	s8 =	sadd.s32 $0x100, s6  }
0x164: {  	[tilespmem:s4], [sflag:$0x5] =	stream.linear.gather [hbm4b:s26+s4], $0x800, $0x38;
	[tilespmem:$0x1D000] =	vst v63  }
0x165: {  	s26 =	simm.s32 $0x100  }
0x166: {  	p2 =	sne.s32 s6, $0x900;
	_ =	swait.ge [sflag:s18], $0x800  }
0x167: {  	s6 =	sadd.s32 s17, s15;
	[sflag:s18] =	ssyncset.done $0x0  }
0x168: {  	s17 =	smov.u32 s28;
	s28 =	simm.s32 $0x880;
	[sflag:s18] =	ssyncadd.s32 $0xFFFFF800  }
0x169: {  	[tilespmem:s19], [sflag:$0x5] =	stream.linear.gather [hbm4b:s6+s4], $0x800, $0x38;
	[tilespmem:$0x1D000] =	vst v63  }
0x16a: {  	_ =	swait.ge [sflag:s18], $0x800  }
0x16b: {  	[sflag:s18] =	ssyncset.done $0x0  }
0x16c: {  	[sflag:s18] =	ssyncadd.s32 $0xFFFFF800  }
0x16d: {  	[tilespmem:s21], [sflag:$0x1] =	stream.indirect.gather [hbm4b:s2+s20], $0x80, s4, s20, $0xb8;
	[tilespmem:$0x1D000] =	vst v63  }
0x16e: {  	_ =	swait.ge [sflag:s22], $0x4000  }
0x16f: {  	[sflag:s22] =	ssyncset.done $0x0  }
0x170: {  	[sflag:s22] =	ssyncadd.s32 $0xFFFFC000  }
0x171: {  	[tilespmem:s23], [sflag:$0x2] =	stream.indirect.gather [hbm4b:s2+s20], $0x80, s20, s20, $0xb8;
	[tilespmem:$0x1D000] =	vst v63  }
0x172: {  	_ = 	snop  }
0x173: {  	[spmem:s3] =	stream.indirect.scatter.add.f32 [tilespmem:s21], [sflag:$0x3], $0x80, s19, s20, $0xb8;
	[tilespmem:$0x1D000] =	vst v63  }
0x174: {  	_ =	swait.ge [sflag:s24], $0x4000  }
0x175: {  	[sflag:s24] =	ssyncset.done $0x0  }
0x176: {  	[sflag:s24] =	ssyncadd.s32 $0xFFFFC000  }
0x177: {  	_ =	swait.ge [sflag:s25], $0x4000  }
0x178: {  	[sflag:s25] =	ssyncset.done $0x0  }
0x179: {  	[sflag:s25] =	ssyncadd.s32 $0xFFFFC000  }
0x17a: {  	[tilespmem:s21], [sflag:$0x1] =	stream.indirect.gather [hbm4b:s2+s20], $0x80, s26, s20, $0xb8;
	[tilespmem:$0x1D000] =	vst v63  }
0x17b: {  	_ = 	snop  }
0x17c: {  	[spmem:s3] =	stream.indirect.scatter.add.f32 [tilespmem:s23], [sflag:$0x4], $0x80, s28, s20, $0xb8;
	[tilespmem:$0x1D000] =	vst v63  }
0x17d: {  	_ =	swait.ge [sflag:s22], $0x4000  }
0x17e: {  	[sflag:s22] =	ssyncset.done $0x0  }
0x17f: {  	[sflag:s22] =	ssyncadd.s32 $0xFFFFC000  }
0x180: {  	_ =	swait.ge [sflag:s29], $0x4000  }
0x181: {  	[sflag:s29] =	ssyncset.done $0x0  }
0x182: {  	[sflag:s29] =	ssyncadd.s32 $0xFFFFC000  }
0x183: {  	[tilespmem:s23], [sflag:$0x2] =	stream.indirect.gather [hbm4b:s2+s20], $0x80, s30, s20, $0xb8;
	[tilespmem:$0x1D000] =	vst v63  }
0x184: {  	_ = 	snop  }
0x185: {  	[spmem:s3] =	stream.indirect.scatter.add.f32 [tilespmem:s21], [sflag:$0x3], $0x80, s31, s20, $0xb8;
	[tilespmem:$0x1D000] =	vst v63  }
0x186: {  	_ =	swait.ge [sflag:s24], $0x4000  }
0x187: {  	[sflag:s24] =	ssyncset.done $0x0  }
0x188: {  	[sflag:s24] =	ssyncadd.s32 $0xFFFFC000  }
0x189: {  	_ =	swait.ge [sflag:s25], $0x4000  }
0x18a: {  	[sflag:s25] =	ssyncset.done $0x0  }
0x18b: {  	[sflag:s25] =	ssyncadd.s32 $0xFFFFC000  }
0x18c: {  	[tilespmem:s21], [sflag:$0x1] =	stream.indirect.gather [hbm4b:s2+s20], $0x80, s0, s20, $0xb8;
	[tilespmem:$0x1D000] =	vst v63  }
0x18d: {  	_ = 	snop  }
0x18e: {  	[spmem:s3] =	stream.indirect.scatter.add.f32 [tilespmem:s23], [sflag:$0x4], $0x80, s1, s20, $0xb8;
	[tilespmem:$0x1D000] =	vst v63  }
0x18f: {  	_ =	swait.ge [sflag:s22], $0x4000  }
0x190: {  	[sflag:s22] =	ssyncset.done $0x0  }
0x191: {  	[sflag:s22] =	ssyncadd.s32 $0xFFFFC000  }
0x192: {  	_ =	swait.ge [sflag:s29], $0x4000  }
0x193: {  	[sflag:s29] =	ssyncset.done $0x0  }
0x194: {  	[sflag:s29] =	ssyncadd.s32 $0xFFFFC000  }
0x195: {  	[tilespmem:s23], [sflag:$0x2] =	stream.indirect.gather [hbm4b:s2+s20], $0x80, s9, s20, $0xb8;
	[tilespmem:$0x1D000] =	vst v63  }
0x196: {  	_ = 	snop  }
0x197: {  	[spmem:s3] =	stream.indirect.scatter.add.f32 [tilespmem:s21], [sflag:$0x3], $0x80, s11, s20, $0xb8;
	[tilespmem:$0x1D000] =	vst v63  }
0x198: {  	_ =	swait.ge [sflag:s24], $0x4000  }
0x199: {  	[sflag:s24] =	ssyncset.done $0x0  }
0x19a: {  	[sflag:s24] =	ssyncadd.s32 $0xFFFFC000  }
0x19b: {  	_ =	swait.ge [sflag:s25], $0x4000  }
0x19c: {  	[sflag:s25] =	ssyncset.done $0x0  }
0x19d: {  	[sflag:s25] =	ssyncadd.s32 $0xFFFFC000  }
0x19e: {  	[tilespmem:s21], [sflag:$0x1] =	stream.indirect.gather [hbm4b:s2+s20], $0x80, s12, s20, $0xb8;
	[tilespmem:$0x1D000] =	vst v63  }
0x19f: {  	_ = 	snop  }
0x1a0: {  	[spmem:s3] =	stream.indirect.scatter.add.f32 [tilespmem:s23], [sflag:$0x4], $0x80, s13, s20, $0xb8;
	[tilespmem:$0x1D000] =	vst v63  }
0x1a1: {  	_ =	swait.ge [sflag:s22], $0x4000  }
0x1a2: {  	[sflag:s22] =	ssyncset.done $0x0  }
0x1a3: {  	[sflag:s22] =	ssyncadd.s32 $0xFFFFC000  }
0x1a4: {  	_ =	swait.ge [sflag:s29], $0x4000  }
0x1a5: {  	[sflag:s29] =	ssyncset.done $0x0  }
0x1a6: {  	[sflag:s29] =	ssyncadd.s32 $0xFFFFC000  }
0x1a7: {  	[tilespmem:s23], [sflag:$0x2] =	stream.indirect.gather [hbm4b:s2+s20], $0x80, s7, s20, $0xb8;
	[tilespmem:$0x1D000] =	vst v63  }
0x1a8: {  	_ = 	snop  }
0x1a9: {  	[spmem:s3] =	stream.indirect.scatter.add.f32 [tilespmem:s21], [sflag:$0x3], $0x80, s10, s20, $0xb8;
	[tilespmem:$0x1D000] =	vst v63  }
0x1aa: {  	_ =	swait.ge [sflag:s24], $0x4000  }
0x1ab: {  	[sflag:s24] =	ssyncset.done $0x0  }
0x1ac: {  	[sflag:s24] =	ssyncadd.s32 $0xFFFFC000  }
0x1ad: {  	_ =	swait.ge [sflag:s25], $0x4000  }
0x1ae: {  	[sflag:s25] =	ssyncset.done $0x0  }
0x1af: {  	[sflag:s25] =	ssyncadd.s32 $0xFFFFC000  }
0x1b0: {  	[tilespmem:s21], [sflag:$0x1] =	stream.indirect.gather [hbm4b:s2+s20], $0x80, s14, s20, $0xb8;
	[tilespmem:$0x1D000] =	vst v63  }
0x1b1: {  	s6 =	simm.s32 $0xB80  }
0x1b2: {  	[spmem:s3] =	stream.indirect.scatter.add.f32 [tilespmem:s23], [sflag:$0x4], $0x80, s6, s20, $0xb8;
	[tilespmem:$0x1D000] =	vst v63  }
0x1b3: {  	_ =	swait.ge [sflag:s22], $0x4000  }
0x1b4: {  	[sflag:s22] =	ssyncset.done $0x0  }
0x1b5: {  	[sflag:s22] =	ssyncadd.s32 $0xFFFFC000  }
0x1b6: {  	_ =	swait.ge [sflag:s29], $0x4000  }
0x1b7: {  	[sflag:s29] =	ssyncset.done $0x0  }
0x1b8: {  	s6 =	simm.s32 $0x480;
	[sflag:s29] =	ssyncadd.s32 $0xFFFFC000  }
0x1b9: {  	[tilespmem:s23], [sflag:$0x2] =	stream.indirect.gather [hbm4b:s2+s20], $0x80, s6, s20, $0xb8;
	[tilespmem:$0x1D000] =	vst v63  }
0x1ba: {  	s6 =	simm.s32 $0xC00  }
0x1bb: {  	[spmem:s3] =	stream.indirect.scatter.add.f32 [tilespmem:s21], [sflag:$0x3], $0x80, s6, s20, $0xb8;
	[tilespmem:$0x1D000] =	vst v63  }
0x1bc: {  	_ =	swait.ge [sflag:s24], $0x4000  }
0x1bd: {  	[sflag:s24] =	ssyncset.done $0x0  }
0x1be: {  	[sflag:s24] =	ssyncadd.s32 $0xFFFFC000  }
0x1bf: {  	_ =	swait.ge [sflag:s25], $0x4000  }
0x1c0: {  	[sflag:s25] =	ssyncset.done $0x0  }
0x1c1: {  	s6 =	simm.s32 $0x500;
	[sflag:s25] =	ssyncadd.s32 $0xFFFFC000  }
0x1c2: {  	[tilespmem:s21], [sflag:$0x1] =	stream.indirect.gather [hbm4b:s2+s20], $0x80, s6, s20, $0xb8;
	[tilespmem:$0x1D000] =	vst v63  }
0x1c3: {  	s6 =	simm.s32 $0xC80  }
0x1c4: {  	[spmem:s3] =	stream.indirect.scatter.add.f32 [tilespmem:s23], [sflag:$0x4], $0x80, s6, s20, $0xb8;
	[tilespmem:$0x1D000] =	vst v63  }
0x1c5: {  	_ =	swait.ge [sflag:s22], $0x4000  }
0x1c6: {  	[sflag:s22] =	ssyncset.done $0x0  }
0x1c7: {  	[sflag:s22] =	ssyncadd.s32 $0xFFFFC000  }
0x1c8: {  	_ =	swait.ge [sflag:s29], $0x4000  }
0x1c9: {  	[sflag:s29] =	ssyncset.done $0x0  }
0x1ca: {  	s6 =	simm.s32 $0x580;
	[sflag:s29] =	ssyncadd.s32 $0xFFFFC000  }
0x1cb: {  	[tilespmem:s23], [sflag:$0x2] =	stream.indirect.gather [hbm4b:s2+s20], $0x80, s6, s20, $0xb8;
	[tilespmem:$0x1D000] =	vst v63  }
0x1cc: {  	s6 =	simm.s32 $0xD00  }
0x1cd: {  	[spmem:s3] =	stream.indirect.scatter.add.f32 [tilespmem:s21], [sflag:$0x3], $0x80, s6, s20, $0xb8;
	[tilespmem:$0x1D000] =	vst v63  }
0x1ce: {  	_ =	swait.ge [sflag:s24], $0x4000  }
0x1cf: {  	[sflag:s24] =	ssyncset.done $0x0  }
0x1d0: {  	[sflag:s24] =	ssyncadd.s32 $0xFFFFC000  }
0x1d1: {  	_ =	swait.ge [sflag:s25], $0x4000  }
0x1d2: {  	[sflag:s25] =	ssyncset.done $0x0  }
0x1d3: {  	s6 =	simm.s32 $0x600;
	[sflag:s25] =	ssyncadd.s32 $0xFFFFC000  }
0x1d4: {  	[tilespmem:s21], [sflag:$0x1] =	stream.indirect.gather [hbm4b:s2+s20], $0x80, s6, s20, $0xb8;
	[tilespmem:$0x1D000] =	vst v63  }
0x1d5: {  	s6 =	simm.s32 $0xD80  }
0x1d6: {  	[spmem:s3] =	stream.indirect.scatter.add.f32 [tilespmem:s23], [sflag:$0x4], $0x80, s6, s20, $0xb8;
	[tilespmem:$0x1D000] =	vst v63  }
0x1d7: {  	_ =	swait.ge [sflag:s22], $0x4000  }
0x1d8: {  	[sflag:s22] =	ssyncset.done $0x0  }
0x1d9: {  	[sflag:s22] =	ssyncadd.s32 $0xFFFFC000  }
0x1da: {  	_ =	swait.ge [sflag:s29], $0x4000  }
0x1db: {  	[sflag:s29] =	ssyncset.done $0x0  }
0x1dc: {  	s6 =	simm.s32 $0x680;
	[sflag:s29] =	ssyncadd.s32 $0xFFFFC000  }
0x1dd: {  	[tilespmem:s23], [sflag:$0x2] =	stream.indirect.gather [hbm4b:s2+s20], $0x80, s6, s20, $0xb8;
	[tilespmem:$0x1D000] =	vst v63  }
0x1de: {  	s6 =	simm.s32 $0xE00  }
0x1df: {  	[spmem:s3] =	stream.indirect.scatter.add.f32 [tilespmem:s21], [sflag:$0x3], $0x80, s6, s20, $0xb8;
	[tilespmem:$0x1D000] =	vst v63  }
0x1e0: {  	_ =	swait.ge [sflag:s24], $0x4000  }
0x1e1: {  	[sflag:s24] =	ssyncset.done $0x0  }
0x1e2: {  	[sflag:s24] =	ssyncadd.s32 $0xFFFFC000  }
0x1e3: {  	_ =	swait.ge [sflag:s25], $0x4000  }
0x1e4: {  	[sflag:s25] =	ssyncset.done $0x0  }
0x1e5: {  	s6 =	simm.s32 $0x700;
	[sflag:s25] =	ssyncadd.s32 $0xFFFFC000  }
0x1e6: {  	[tilespmem:s21], [sflag:$0x1] =	stream.indirect.gather [hbm4b:s2+s20], $0x80, s6, s20, $0xb8;
	[tilespmem:$0x1D000] =	vst v63  }
0x1e7: {  	s6 =	simm.s32 $0xE80  }
0x1e8: {  	[spmem:s3] =	stream.indirect.scatter.add.f32 [tilespmem:s23], [sflag:$0x4], $0x80, s6, s20, $0xb8;
	[tilespmem:$0x1D000] =	vst v63  }
0x1e9: {  	_ =	swait.ge [sflag:s22], $0x4000  }
0x1ea: {  	[sflag:s22] =	ssyncset.done $0x0  }
0x1eb: {  	[sflag:s22] =	ssyncadd.s32 $0xFFFFC000  }
0x1ec: {  	_ =	swait.ge [sflag:s29], $0x4000  }
0x1ed: {  	[sflag:s29] =	ssyncset.done $0x0  }
0x1ee: {  	s6 =	simm.s32 $0x780;
	[sflag:s29] =	ssyncadd.s32 $0xFFFFC000  }
0x1ef: {  	[tilespmem:s23], [sflag:$0x2] =	stream.indirect.gather [hbm4b:s2+s20], $0x80, s6, s20, $0xb8;
	[tilespmem:$0x1D000] =	vst v63  }
0x1f0: {  	s6 =	simm.s32 $0xF00  }
0x1f1: {  	[spmem:s3] =	stream.indirect.scatter.add.f32 [tilespmem:s21], [sflag:$0x3], $0x80, s6, s20, $0xb8;
	[tilespmem:$0x1D000] =	vst v63  }
0x1f2: {  	_ =	swait.ge [sflag:s24], $0x4000  }
0x1f3: {  	[sflag:s24] =	ssyncset.done $0x0  }
0x1f4: {  	[sflag:s24] =	ssyncadd.s32 $0xFFFFC000  }
0x1f5: {  	_ =	swait.ge [sflag:s25], $0x4000  }
.Ltmp3:
0x1f6: {  	[sflag:s25] =	ssyncset.done $0x0;
	(pc) =	sbr.rel @p2 .LBB2_3-.Ltmp3, $4  }
0x1f7: {  	s6 =	simm.s32 $0xF80;
	[sflag:s25] =	ssyncadd.s32 $0xFFFFC000  }
0x1f8: {  	[spmem:s3] =	stream.indirect.scatter.add.f32 [tilespmem:s23], [sflag:$0x4], $0x80, s6, s20, $0xb8;
	[tilespmem:$0x1D000] =	vst v63  }
0x1f9: {  	_ =	swait.ge [sflag:s29], $0x4000  }
0x1fa: {  	s6 =	smov.u32 s8;
	[sflag:s29] =	ssyncset.done $0x0  }
0x1fb: {  	s6 =	sadd.s32 s17, s16;
	[sflag:s29] =	ssyncadd.s32 $0xFFFFC000  }
0x1fc: {  	[tilespmem:s4], [sflag:$0x5] =	stream.linear.gather [hbm4b:s6+s4], $0x800, $0x38;
	[tilespmem:$0x1D000] =	vst v63  }
0x1fd: {  	_ =	swait.ge [sflag:s18], $0x800  }
0x1fe: {  	[sflag:s18] =	ssyncset.done $0x0  }
0x1ff: {  	s8 =	sadd.s32 s17, s15;
	[sflag:s18] =	ssyncadd.s32 $0xFFFFF800  }
0x200: {  	[tilespmem:s19], [sflag:$0x5] =	stream.linear.gather [hbm4b:s8+s4], $0x800, $0x38;
	[tilespmem:$0x1D000] =	vst v63  }
0x201: {  	_ =	swait.ge [sflag:s18], $0x800  }
0x202: {  	[sflag:s18] =	ssyncset.done $0x0  }
0x203: {  	[sflag:s18] =	ssyncadd.s32 $0xFFFFF800  }
0x204: {  	[tilespmem:s21], [sflag:$0x1] =	stream.indirect.gather [hbm4b:s2+s20], $0x80, s4, s20, $0xb8;
	[tilespmem:$0x1D000] =	vst v63  }
0x205: {  	_ =	swait.ge [sflag:s22], $0x4000  }
0x206: {  	[sflag:s22] =	ssyncset.done $0x0  }
0x207: {  	[sflag:s22] =	ssyncadd.s32 $0xFFFFC000  }
0x208: {  	[tilespmem:s23], [sflag:$0x2] =	stream.indirect.gather [hbm4b:s2+s20], $0x80, s20, s20, $0xb8;
	[tilespmem:$0x1D000] =	vst v63  }
0x209: {  	_ = 	snop  }
0x20a: {  	[spmem:s3] =	stream.indirect.scatter.add.f32 [tilespmem:s21], [sflag:$0x3], $0x80, s19, s20, $0xb8;
	[tilespmem:$0x1D000] =	vst v63  }
0x20b: {  	_ =	swait.ge [sflag:s24], $0x4000  }
0x20c: {  	[sflag:s24] =	ssyncset.done $0x0  }
0x20d: {  	[sflag:s24] =	ssyncadd.s32 $0xFFFFC000  }
0x20e: {  	_ =	swait.ge [sflag:s25], $0x4000  }
0x20f: {  	[sflag:s25] =	ssyncset.done $0x0  }
0x210: {  	[sflag:s25] =	ssyncadd.s32 $0xFFFFC000  }
0x211: {  	[tilespmem:s21], [sflag:$0x1] =	stream.indirect.gather [hbm4b:s2+s20], $0x80, s26, s20, $0xb8;
	[tilespmem:$0x1D000] =	vst v63  }
0x212: {  	_ = 	snop  }
0x213: {  	[spmem:s3] =	stream.indirect.scatter.add.f32 [tilespmem:s23], [sflag:$0x4], $0x80, s28, s20, $0xb8;
	[tilespmem:$0x1D000] =	vst v63  }
0x214: {  	_ =	swait.ge [sflag:s22], $0x4000  }
0x215: {  	[sflag:s22] =	ssyncset.done $0x0  }
0x216: {  	[sflag:s22] =	ssyncadd.s32 $0xFFFFC000  }
0x217: {  	_ =	swait.ge [sflag:s29], $0x4000  }
0x218: {  	[sflag:s29] =	ssyncset.done $0x0  }
0x219: {  	[sflag:s29] =	ssyncadd.s32 $0xFFFFC000  }
0x21a: {  	[tilespmem:s23], [sflag:$0x2] =	stream.indirect.gather [hbm4b:s2+s20], $0x80, s30, s20, $0xb8;
	[tilespmem:$0x1D000] =	vst v63  }
0x21b: {  	_ = 	snop  }
0x21c: {  	[spmem:s3] =	stream.indirect.scatter.add.f32 [tilespmem:s21], [sflag:$0x3], $0x80, s31, s20, $0xb8;
	[tilespmem:$0x1D000] =	vst v63  }
0x21d: {  	_ =	swait.ge [sflag:s24], $0x4000  }
0x21e: {  	[sflag:s24] =	ssyncset.done $0x0  }
0x21f: {  	[sflag:s24] =	ssyncadd.s32 $0xFFFFC000  }
0x220: {  	_ =	swait.ge [sflag:s25], $0x4000  }
0x221: {  	[sflag:s25] =	ssyncset.done $0x0  }
0x222: {  	[sflag:s25] =	ssyncadd.s32 $0xFFFFC000  }
0x223: {  	[tilespmem:s21], [sflag:$0x1] =	stream.indirect.gather [hbm4b:s2+s20], $0x80, s0, s20, $0xb8;
	[tilespmem:$0x1D000] =	vst v63  }
0x224: {  	_ = 	snop  }
0x225: {  	[spmem:s3] =	stream.indirect.scatter.add.f32 [tilespmem:s23], [sflag:$0x4], $0x80, s1, s20, $0xb8;
	[tilespmem:$0x1D000] =	vst v63  }
0x226: {  	_ =	swait.ge [sflag:s22], $0x4000  }
0x227: {  	[sflag:s22] =	ssyncset.done $0x0  }
0x228: {  	[sflag:s22] =	ssyncadd.s32 $0xFFFFC000  }
0x229: {  	_ =	swait.ge [sflag:s29], $0x4000  }
0x22a: {  	[sflag:s29] =	ssyncset.done $0x0  }
0x22b: {  	[sflag:s29] =	ssyncadd.s32 $0xFFFFC000  }
0x22c: {  	[tilespmem:s23], [sflag:$0x2] =	stream.indirect.gather [hbm4b:s2+s20], $0x80, s9, s20, $0xb8;
	[tilespmem:$0x1D000] =	vst v63  }
0x22d: {  	_ = 	snop  }
0x22e: {  	[spmem:s3] =	stream.indirect.scatter.add.f32 [tilespmem:s21], [sflag:$0x3], $0x80, s11, s20, $0xb8;
	[tilespmem:$0x1D000] =	vst v63  }
0x22f: {  	_ =	swait.ge [sflag:s24], $0x4000  }
0x230: {  	[sflag:s24] =	ssyncset.done $0x0  }
0x231: {  	[sflag:s24] =	ssyncadd.s32 $0xFFFFC000  }
0x232: {  	_ =	swait.ge [sflag:s25], $0x4000  }
0x233: {  	[sflag:s25] =	ssyncset.done $0x0  }
0x234: {  	[sflag:s25] =	ssyncadd.s32 $0xFFFFC000  }
0x235: {  	[tilespmem:s21], [sflag:$0x1] =	stream.indirect.gather [hbm4b:s2+s20], $0x80, s12, s20, $0xb8;
	[tilespmem:$0x1D000] =	vst v63  }
0x236: {  	_ = 	snop  }
0x237: {  	[spmem:s3] =	stream.indirect.scatter.add.f32 [tilespmem:s23], [sflag:$0x4], $0x80, s13, s20, $0xb8;
	[tilespmem:$0x1D000] =	vst v63  }
0x238: {  	_ =	swait.ge [sflag:s22], $0x4000  }
0x239: {  	[sflag:s22] =	ssyncset.done $0x0  }
0x23a: {  	[sflag:s22] =	ssyncadd.s32 $0xFFFFC000  }
0x23b: {  	_ =	swait.ge [sflag:s29], $0x4000  }
0x23c: {  	[sflag:s29] =	ssyncset.done $0x0  }
0x23d: {  	[sflag:s29] =	ssyncadd.s32 $0xFFFFC000  }
0x23e: {  	[tilespmem:s23], [sflag:$0x2] =	stream.indirect.gather [hbm4b:s2+s20], $0x80, s7, s20, $0xb8;
	[tilespmem:$0x1D000] =	vst v63  }
0x23f: {  	_ = 	snop  }
0x240: {  	[spmem:s3] =	stream.indirect.scatter.add.f32 [tilespmem:s21], [sflag:$0x3], $0x80, s10, s20, $0xb8;
	[tilespmem:$0x1D000] =	vst v63  }
0x241: {  	_ =	swait.ge [sflag:s24], $0x4000  }
0x242: {  	[sflag:s24] =	ssyncset.done $0x0  }
0x243: {  	[sflag:s24] =	ssyncadd.s32 $0xFFFFC000  }
0x244: {  	_ =	swait.ge [sflag:s25], $0x4000  }
0x245: {  	[sflag:s25] =	ssyncset.done $0x0  }
0x246: {  	[sflag:s25] =	ssyncadd.s32 $0xFFFFC000  }
0x247: {  	[tilespmem:s21], [sflag:$0x1] =	stream.indirect.gather [hbm4b:s2+s20], $0x80, s14, s20, $0xb8;
	[tilespmem:$0x1D000] =	vst v63  }
0x248: {  	s17 =	simm.s32 $0xB80  }
0x249: {  	[spmem:s3] =	stream.indirect.scatter.add.f32 [tilespmem:s23], [sflag:$0x4], $0x80, s17, s20, $0xb8;
	[tilespmem:$0x1D000] =	vst v63  }
0x24a: {  	_ =	swait.ge [sflag:s22], $0x4000  }
0x24b: {  	[sflag:s22] =	ssyncset.done $0x0  }
0x24c: {  	[sflag:s22] =	ssyncadd.s32 $0xFFFFC000  }
0x24d: {  	_ =	swait.ge [sflag:s29], $0x4000  }
0x24e: {  	[sflag:s29] =	ssyncset.done $0x0  }
0x24f: {  	s30 =	simm.s32 $0x480;
	[sflag:s29] =	ssyncadd.s32 $0xFFFFC000  }
0x250: {  	[tilespmem:s23], [sflag:$0x2] =	stream.indirect.gather [hbm4b:s2+s20], $0x80, s30, s20, $0xb8;
	[tilespmem:$0x1D000] =	vst v63  }
0x251: {  	s31 =	simm.s32 $0xC00  }
0x252: {  	[spmem:s3] =	stream.indirect.scatter.add.f32 [tilespmem:s21], [sflag:$0x3], $0x80, s31, s20, $0xb8;
	[tilespmem:$0x1D000] =	vst v63  }
0x253: {  	_ =	swait.ge [sflag:s24], $0x4000  }
0x254: {  	[sflag:s24] =	ssyncset.done $0x0  }
0x255: {  	[sflag:s24] =	ssyncadd.s32 $0xFFFFC000  }
0x256: {  	_ =	swait.ge [sflag:s25], $0x4000  }
0x257: {  	[sflag:s25] =	ssyncset.done $0x0  }
0x258: {  	s1 =	simm.s32 $0x500;
	[sflag:s25] =	ssyncadd.s32 $0xFFFFC000  }
0x259: {  	[tilespmem:s21], [sflag:$0x1] =	stream.indirect.gather [hbm4b:s2+s20], $0x80, s1, s20, $0xb8;
	[tilespmem:$0x1D000] =	vst v63  }
0x25a: {  	s6 =	simm.s32 $0xC80  }
0x25b: {  	[spmem:s3] =	stream.indirect.scatter.add.f32 [tilespmem:s23], [sflag:$0x4], $0x80, s6, s20, $0xb8;
	[tilespmem:$0x1D000] =	vst v63  }
0x25c: {  	_ =	swait.ge [sflag:s22], $0x4000  }
0x25d: {  	[sflag:s22] =	ssyncset.done $0x0  }
0x25e: {  	[sflag:s22] =	ssyncadd.s32 $0xFFFFC000  }
0x25f: {  	_ =	swait.ge [sflag:s29], $0x4000  }
0x260: {  	[sflag:s29] =	ssyncset.done $0x0  }
0x261: {  	s7 =	simm.s32 $0x580;
	[sflag:s29] =	ssyncadd.s32 $0xFFFFC000  }
0x262: {  	[tilespmem:s23], [sflag:$0x2] =	stream.indirect.gather [hbm4b:s2+s20], $0x80, s7, s20, $0xb8;
	[tilespmem:$0x1D000] =	vst v63  }
0x263: {  	s8 =	simm.s32 $0xD00  }
0x264: {  	[spmem:s3] =	stream.indirect.scatter.add.f32 [tilespmem:s21], [sflag:$0x3], $0x80, s8, s20, $0xb8;
	[tilespmem:$0x1D000] =	vst v63  }
0x265: {  	_ =	swait.ge [sflag:s24], $0x4000  }
0x266: {  	[sflag:s24] =	ssyncset.done $0x0  }
0x267: {  	[sflag:s24] =	ssyncadd.s32 $0xFFFFC000  }
0x268: {  	_ =	swait.ge [sflag:s25], $0x4000  }
0x269: {  	[sflag:s25] =	ssyncset.done $0x0  }
0x26a: {  	s9 =	simm.s32 $0x600;
	[sflag:s25] =	ssyncadd.s32 $0xFFFFC000  }
0x26b: {  	[tilespmem:s21], [sflag:$0x1] =	stream.indirect.gather [hbm4b:s2+s20], $0x80, s9, s20, $0xb8;
	[tilespmem:$0x1D000] =	vst v63  }
0x26c: {  	s10 =	simm.s32 $0xD80  }
0x26d: {  	[spmem:s3] =	stream.indirect.scatter.add.f32 [tilespmem:s23], [sflag:$0x4], $0x80, s10, s20, $0xb8;
	[tilespmem:$0x1D000] =	vst v63  }
0x26e: {  	_ =	swait.ge [sflag:s22], $0x4000  }
0x26f: {  	[sflag:s22] =	ssyncset.done $0x0  }
0x270: {  	[sflag:s22] =	ssyncadd.s32 $0xFFFFC000  }
0x271: {  	_ =	swait.ge [sflag:s29], $0x4000  }
0x272: {  	[sflag:s29] =	ssyncset.done $0x0  }
0x273: {  	s11 =	simm.s32 $0x680;
	[sflag:s29] =	ssyncadd.s32 $0xFFFFC000  }
0x274: {  	[tilespmem:s23], [sflag:$0x2] =	stream.indirect.gather [hbm4b:s2+s20], $0x80, s11, s20, $0xb8;
	[tilespmem:$0x1D000] =	vst v63  }
0x275: {  	s12 =	simm.s32 $0xE00  }
0x276: {  	[spmem:s3] =	stream.indirect.scatter.add.f32 [tilespmem:s21], [sflag:$0x3], $0x80, s12, s20, $0xb8;
	[tilespmem:$0x1D000] =	vst v63  }
0x277: {  	_ =	swait.ge [sflag:s24], $0x4000  }
0x278: {  	[sflag:s24] =	ssyncset.done $0x0  }
0x279: {  	[sflag:s24] =	ssyncadd.s32 $0xFFFFC000  }
0x27a: {  	_ =	swait.ge [sflag:s25], $0x4000  }
0x27b: {  	[sflag:s25] =	ssyncset.done $0x0  }
0x27c: {  	s13 =	simm.s32 $0x700;
	[sflag:s25] =	ssyncadd.s32 $0xFFFFC000  }
0x27d: {  	[tilespmem:s21], [sflag:$0x1] =	stream.indirect.gather [hbm4b:s2+s20], $0x80, s13, s20, $0xb8;
	[tilespmem:$0x1D000] =	vst v63  }
0x27e: {  	s14 =	simm.s32 $0xE80  }
0x27f: {  	[spmem:s3] =	stream.indirect.scatter.add.f32 [tilespmem:s23], [sflag:$0x4], $0x80, s14, s20, $0xb8;
	[tilespmem:$0x1D000] =	vst v63  }
0x280: {  	_ =	swait.ge [sflag:s22], $0x4000  }
0x281: {  	[sflag:s22] =	ssyncset.done $0x0  }
0x282: {  	[sflag:s22] =	ssyncadd.s32 $0xFFFFC000  }
0x283: {  	_ =	swait.ge [sflag:s29], $0x4000  }
0x284: {  	[sflag:s29] =	ssyncset.done $0x0  }
0x285: {  	s17 =	simm.s32 $0x780;
	[sflag:s29] =	ssyncadd.s32 $0xFFFFC000  }
0x286: {  	[tilespmem:s23], [sflag:$0x2] =	stream.indirect.gather [hbm4b:s2+s20], $0x80, s17, s20, $0xb8;
	[tilespmem:$0x1D000] =	vst v63  }
0x287: {  	s30 =	simm.s32 $0xF00  }
0x288: {  	[spmem:s3] =	stream.indirect.scatter.add.f32 [tilespmem:s21], [sflag:$0x3], $0x80, s30, s20, $0xb8;
	[tilespmem:$0x1D000] =	vst v63  }
0x289: {  	_ =	swait.ge [sflag:s24], $0x4000  }
0x28a: {  	[sflag:s24] =	ssyncset.done $0x0  }
0x28b: {  	[sflag:s24] =	ssyncadd.s32 $0xFFFFC000  }
0x28c: {  	_ =	swait.ge [sflag:s25], $0x4000  }
0x28d: {  	[sflag:s25] =	ssyncset.done $0x0  }
0x28e: {  	s31 =	simm.s32 $0xF80;
	[sflag:s25] =	ssyncadd.s32 $0xFFFFC000  }
0x28f: {  	[spmem:s3] =	stream.indirect.scatter.add.f32 [tilespmem:s23], [sflag:$0x4], $0x80, s31, s20, $0xb8;
	[tilespmem:$0x1D000] =	vst v63  }
0x290: {  	_ =	swait.ge [sflag:s29], $0x4000  }
0x291: {  	[sflag:s29] =	ssyncset.done $0x0  }
0x292: {  	[sflag:s29] =	ssyncadd.s32 $0xFFFFC000  }
0x293: {  	[bflag:$0x0] =	sbarrier.arrive $0xFFFF  }
0x294: {  	s17 =	rddreg [dreg:$0x6]  }
0x295: {  	s6 =	rddreg [dreg:$0xb]  }
0x296: {  	s0 =	rddreg [dreg:$0x10]  }
0x297: {  	[hbm:s6], [sflag:s17] =	dma.local @p1 [spmem:s0], $0x1900  }
0x298: {  	s6 =	simm.s32 @p1 $0x5  }
0x299: {  	_ =	swait.ge @p1 [sflag:s6], $0x1900  }
0x29a: {  	[sflag:s6] =	ssyncset.done @p1 $0x0;
	s0 =	rddreg [dreg:$0xf]  }
0x29b: {  	[sflag:s6] =	ssyncadd.s32 @p1 $0xFFFFE700;
	s6 =	rddreg [dreg:$0xa]  }
0x29c: {  	[hbm:s6], [sflag:s17] =	dma.local @!p1 [spmem:s0], $0x2800  }
.Ltmp4:
0x29d: {  	_ = 	snop;
	(pc) =	sbr.rel .LBB2_8-.Ltmp4, $4  }
0x29e: {  	s6 =	simm.s32 @!p1 $0x5  }
0x29f: {  	_ =	swait.ge @!p1 [sflag:s6], $0x2800  }
0x2a0: {  	[sflag:s6] =	ssyncset.done @!p1 $0x0  }
0x2a1: {  	s0 =	rddreg [dreg:$0xe];
	[sflag:s6] =	ssyncadd.s32 @!p1 $0xFFFFD800  }
.LBB2_5:
0x2a2: {  	[tilespmem:s4], [sflag:$0x5] =	stream.linear.gather [hbm4b:s6+s4], $0x800, $0x38;
	[tilespmem:$0x1D000] =	vst v63  }
0x2a3: {  	_ =	swait.ge [sflag:s18], $0x800  }
0x2a4: {  	[sflag:s18] =	ssyncset.done $0x0  }
0x2a5: {  	s7 =	sadd.s32 $0x0, s15;
	[sflag:s18] =	ssyncadd.s32 $0xFFFFF800  }
0x2a6: {  	[tilespmem:s19], [sflag:$0x5] =	stream.linear.gather [hbm4b:s7+s4], $0x800, $0x38;
	[tilespmem:$0x1D000] =	vst v63  }
0x2a7: {  	_ =	swait.ge [sflag:s18], $0x800  }
0x2a8: {  	[sflag:s18] =	ssyncset.done $0x0  }
0x2a9: {  	[sflag:s18] =	ssyncadd.s32 $0xFFFFF800  }
0x2aa: {  	[tilespmem:s21], [sflag:$0x1] =	stream.indirect.gather [hbm4b:s5+s20], $0x80, s4, s20, $0xb8;
	[tilespmem:$0x1D000] =	vst v63  }
0x2ab: {  	_ =	swait.ge [sflag:s22], $0x4000  }
0x2ac: {  	[sflag:s22] =	ssyncset.done $0x0  }
0x2ad: {  	[sflag:s22] =	ssyncadd.s32 $0xFFFFC000  }
0x2ae: {  	[tilespmem:s23], [sflag:$0x2] =	stream.indirect.gather [hbm4b:s5+s20], $0x80, s20, s20, $0xb8;
	[tilespmem:$0x1D000] =	vst v63  }
0x2af: {  	_ = 	snop  }
0x2b0: {  	[spmem:s3] =	stream.indirect.scatter.add.f32 [tilespmem:s21], [sflag:$0x3], $0x80, s19, s20, $0xb8;
	[tilespmem:$0x1D000] =	vst v63  }
0x2b1: {  	_ =	swait.ge [sflag:s24], $0x4000  }
0x2b2: {  	[sflag:s24] =	ssyncset.done $0x0  }
0x2b3: {  	[sflag:s24] =	ssyncadd.s32 $0xFFFFC000  }
0x2b4: {  	_ =	swait.ge [sflag:s25], $0x4000  }
0x2b5: {  	[sflag:s25] =	ssyncset.done $0x0  }
0x2b6: {  	[sflag:s25] =	ssyncadd.s32 $0xFFFFC000  }
0x2b7: {  	[tilespmem:s21], [sflag:$0x1] =	stream.indirect.gather [hbm4b:s5+s20], $0x80, s26, s20, $0xb8;
	[tilespmem:$0x1D000] =	vst v63  }
0x2b8: {  	_ = 	snop  }
0x2b9: {  	[spmem:s3] =	stream.indirect.scatter.add.f32 [tilespmem:s23], [sflag:$0x4], $0x80, s28, s20, $0xb8;
	[tilespmem:$0x1D000] =	vst v63  }
0x2ba: {  	_ =	swait.ge [sflag:s22], $0x4000  }
0x2bb: {  	[sflag:s22] =	ssyncset.done $0x0  }
0x2bc: {  	[sflag:s22] =	ssyncadd.s32 $0xFFFFC000  }
0x2bd: {  	_ =	swait.ge [sflag:s29], $0x4000  }
0x2be: {  	[sflag:s29] =	ssyncset.done $0x0  }
0x2bf: {  	s30 =	simm.s32 $0x180;
	[sflag:s29] =	ssyncadd.s32 $0xFFFFC000  }
0x2c0: {  	[tilespmem:s23], [sflag:$0x2] =	stream.indirect.gather [hbm4b:s5+s20], $0x80, s30, s20, $0xb8;
	[tilespmem:$0x1D000] =	vst v63  }
0x2c1: {  	s31 =	simm.s32 $0x900  }
0x2c2: {  	[spmem:s3] =	stream.indirect.scatter.add.f32 [tilespmem:s21], [sflag:$0x3], $0x80, s31, s20, $0xb8;
	[tilespmem:$0x1D000] =	vst v63  }
0x2c3: {  	_ =	swait.ge [sflag:s24], $0x4000  }
0x2c4: {  	[sflag:s24] =	ssyncset.done $0x0  }
0x2c5: {  	[sflag:s24] =	ssyncadd.s32 $0xFFFFC000  }
0x2c6: {  	_ =	swait.ge [sflag:s25], $0x4000  }
0x2c7: {  	[sflag:s25] =	ssyncset.done $0x0  }
0x2c8: {  	s0 =	simm.s32 $0x200;
	[sflag:s25] =	ssyncadd.s32 $0xFFFFC000  }
0x2c9: {  	[tilespmem:s21], [sflag:$0x1] =	stream.indirect.gather [hbm4b:s5+s20], $0x80, s0, s20, $0xb8;
	[tilespmem:$0x1D000] =	vst v63  }
0x2ca: {  	s1 =	simm.s32 $0x980  }
0x2cb: {  	[spmem:s3] =	stream.indirect.scatter.add.f32 [tilespmem:s23], [sflag:$0x4], $0x80, s1, s20, $0xb8;
	[tilespmem:$0x1D000] =	vst v63  }
0x2cc: {  	_ =	swait.ge [sflag:s22], $0x4000  }
0x2cd: {  	[sflag:s22] =	ssyncset.done $0x0  }
0x2ce: {  	[sflag:s22] =	ssyncadd.s32 $0xFFFFC000  }
0x2cf: {  	_ =	swait.ge [sflag:s29], $0x4000  }
0x2d0: {  	[sflag:s29] =	ssyncset.done $0x0  }
0x2d1: {  	s9 =	simm.s32 $0x280;
	[sflag:s29] =	ssyncadd.s32 $0xFFFFC000  }
0x2d2: {  	[tilespmem:s23], [sflag:$0x2] =	stream.indirect.gather [hbm4b:s5+s20], $0x80, s9, s20, $0xb8;
	[tilespmem:$0x1D000] =	vst v63  }
0x2d3: {  	s11 =	simm.s32 $0xA00  }
0x2d4: {  	[spmem:s3] =	stream.indirect.scatter.add.f32 [tilespmem:s21], [sflag:$0x3], $0x80, s11, s20, $0xb8;
	[tilespmem:$0x1D000] =	vst v63  }
0x2d5: {  	_ =	swait.ge [sflag:s24], $0x4000  }
0x2d6: {  	[sflag:s24] =	ssyncset.done $0x0  }
0x2d7: {  	[sflag:s24] =	ssyncadd.s32 $0xFFFFC000  }
0x2d8: {  	_ =	swait.ge [sflag:s25], $0x4000  }
0x2d9: {  	[sflag:s25] =	ssyncset.done $0x0  }
0x2da: {  	s12 =	simm.s32 $0x300;
	[sflag:s25] =	ssyncadd.s32 $0xFFFFC000  }
0x2db: {  	[tilespmem:s21], [sflag:$0x1] =	stream.indirect.gather [hbm4b:s5+s20], $0x80, s12, s20, $0xb8;
	[tilespmem:$0x1D000] =	vst v63  }
0x2dc: {  	s13 =	simm.s32 $0xA80  }
0x2dd: {  	[spmem:s3] =	stream.indirect.scatter.add.f32 [tilespmem:s23], [sflag:$0x4], $0x80, s13, s20, $0xb8;
	[tilespmem:$0x1D000] =	vst v63  }
0x2de: {  	_ =	swait.ge [sflag:s22], $0x4000  }
0x2df: {  	[sflag:s22] =	ssyncset.done $0x0  }
0x2e0: {  	[sflag:s22] =	ssyncadd.s32 $0xFFFFC000  }
0x2e1: {  	_ =	swait.ge [sflag:s29], $0x4000  }
0x2e2: {  	[sflag:s29] =	ssyncset.done $0x0  }
0x2e3: {  	s7 =	simm.s32 $0x380;
	[sflag:s29] =	ssyncadd.s32 $0xFFFFC000  }
0x2e4: {  	[tilespmem:s23], [sflag:$0x2] =	stream.indirect.gather [hbm4b:s5+s20], $0x80, s7, s20, $0xb8;
	[tilespmem:$0x1D000] =	vst v63  }
0x2e5: {  	s10 =	simm.s32 $0xB00  }
0x2e6: {  	[spmem:s3] =	stream.indirect.scatter.add.f32 [tilespmem:s21], [sflag:$0x3], $0x80, s10, s20, $0xb8;
	[tilespmem:$0x1D000] =	vst v63  }
0x2e7: {  	_ =	swait.ge [sflag:s24], $0x4000  }
0x2e8: {  	[sflag:s24] =	ssyncset.done $0x0  }
0x2e9: {  	[sflag:s24] =	ssyncadd.s32 $0xFFFFC000  }
0x2ea: {  	_ =	swait.ge [sflag:s25], $0x4000  }
0x2eb: {  	[sflag:s25] =	ssyncset.done $0x0  }
0x2ec: {  	s14 =	simm.s32 $0x400;
	[sflag:s25] =	ssyncadd.s32 $0xFFFFC000  }
0x2ed: {  	[tilespmem:s21], [sflag:$0x1] =	stream.indirect.gather [hbm4b:s5+s20], $0x80, s14, s20, $0xb8;
	[tilespmem:$0x1D000] =	vst v63  }
0x2ee: {  	s8 =	simm.s32 $0xB80  }
0x2ef: {  	[spmem:s3] =	stream.indirect.scatter.add.f32 [tilespmem:s23], [sflag:$0x4], $0x80, s8, s20, $0xb8;
	[tilespmem:$0x1D000] =	vst v63  }
0x2f0: {  	_ =	swait.ge [sflag:s22], $0x4000  }
0x2f1: {  	[sflag:s22] =	ssyncset.done $0x0  }
0x2f2: {  	[sflag:s22] =	ssyncadd.s32 $0xFFFFC000  }
0x2f3: {  	_ =	swait.ge [sflag:s29], $0x4000  }
0x2f4: {  	[sflag:s29] =	ssyncset.done $0x0  }
0x2f5: {  	s17 =	simm.s32 $0x480;
	[sflag:s29] =	ssyncadd.s32 $0xFFFFC000  }
0x2f6: {  	[tilespmem:s23], [sflag:$0x2] =	stream.indirect.gather [hbm4b:s5+s20], $0x80, s17, s20, $0xb8;
	[tilespmem:$0x1D000] =	vst v63  }
0x2f7: {  	s26 =	simm.s32 $0xC00  }
0x2f8: {  	[spmem:s3] =	stream.indirect.scatter.add.f32 [tilespmem:s21], [sflag:$0x3], $0x80, s26, s20, $0xb8;
	[tilespmem:$0x1D000] =	vst v63  }
0x2f9: {  	_ =	swait.ge [sflag:s24], $0x4000  }
0x2fa: {  	[sflag:s24] =	ssyncset.done $0x0  }
0x2fb: {  	[sflag:s24] =	ssyncadd.s32 $0xFFFFC000  }
0x2fc: {  	_ =	swait.ge [sflag:s25], $0x4000  }
0x2fd: {  	[sflag:s25] =	ssyncset.done $0x0  }
0x2fe: {  	s28 =	simm.s32 $0x500;
	[sflag:s25] =	ssyncadd.s32 $0xFFFFC000  }
0x2ff: {  	[tilespmem:s21], [sflag:$0x1] =	stream.indirect.gather [hbm4b:s5+s20], $0x80, s28, s20, $0xb8;
	[tilespmem:$0x1D000] =	vst v63  }
0x300: {  	s8 =	simm.s32 $0xC80  }
0x301: {  	[spmem:s3] =	stream.indirect.scatter.add.f32 [tilespmem:s23], [sflag:$0x4], $0x80, s8, s20, $0xb8;
	[tilespmem:$0x1D000] =	vst v63  }
0x302: {  	_ =	swait.ge [sflag:s22], $0x4000  }
0x303: {  	[sflag:s22] =	ssyncset.done $0x0  }
0x304: {  	[sflag:s22] =	ssyncadd.s32 $0xFFFFC000  }
0x305: {  	_ =	swait.ge [sflag:s29], $0x4000  }
0x306: {  	[sflag:s29] =	ssyncset.done $0x0  }
0x307: {  	s17 =	simm.s32 $0x580;
	[sflag:s29] =	ssyncadd.s32 $0xFFFFC000  }
0x308: {  	[tilespmem:s23], [sflag:$0x2] =	stream.indirect.gather [hbm4b:s5+s20], $0x80, s17, s20, $0xb8;
	[tilespmem:$0x1D000] =	vst v63  }
0x309: {  	s26 =	simm.s32 $0xD00  }
0x30a: {  	[spmem:s3] =	stream.indirect.scatter.add.f32 [tilespmem:s21], [sflag:$0x3], $0x80, s26, s20, $0xb8;
	[tilespmem:$0x1D000] =	vst v63  }
0x30b: {  	_ =	swait.ge [sflag:s24], $0x4000  }
0x30c: {  	[sflag:s24] =	ssyncset.done $0x0  }
0x30d: {  	[sflag:s24] =	ssyncadd.s32 $0xFFFFC000  }
0x30e: {  	_ =	swait.ge [sflag:s25], $0x4000  }
0x30f: {  	[sflag:s25] =	ssyncset.done $0x0  }
0x310: {  	s28 =	simm.s32 $0x600;
	[sflag:s25] =	ssyncadd.s32 $0xFFFFC000  }
0x311: {  	[tilespmem:s21], [sflag:$0x1] =	stream.indirect.gather [hbm4b:s5+s20], $0x80, s28, s20, $0xb8;
	[tilespmem:$0x1D000] =	vst v63  }
0x312: {  	s8 =	simm.s32 $0xD80  }
0x313: {  	[spmem:s3] =	stream.indirect.scatter.add.f32 [tilespmem:s23], [sflag:$0x4], $0x80, s8, s20, $0xb8;
	[tilespmem:$0x1D000] =	vst v63  }
0x314: {  	_ =	swait.ge [sflag:s22], $0x4000  }
0x315: {  	[sflag:s22] =	ssyncset.done $0x0  }
0x316: {  	[sflag:s22] =	ssyncadd.s32 $0xFFFFC000  }
0x317: {  	_ =	swait.ge [sflag:s29], $0x4000  }
0x318: {  	[sflag:s29] =	ssyncset.done $0x0  }
0x319: {  	s17 =	simm.s32 $0x680;
	[sflag:s29] =	ssyncadd.s32 $0xFFFFC000  }
0x31a: {  	[tilespmem:s23], [sflag:$0x2] =	stream.indirect.gather [hbm4b:s5+s20], $0x80, s17, s20, $0xb8;
	[tilespmem:$0x1D000] =	vst v63  }
0x31b: {  	s26 =	simm.s32 $0xE00  }
0x31c: {  	[spmem:s3] =	stream.indirect.scatter.add.f32 [tilespmem:s21], [sflag:$0x3], $0x80, s26, s20, $0xb8;
	[tilespmem:$0x1D000] =	vst v63  }
0x31d: {  	_ =	swait.ge [sflag:s24], $0x4000  }
0x31e: {  	[sflag:s24] =	ssyncset.done $0x0  }
0x31f: {  	[sflag:s24] =	ssyncadd.s32 $0xFFFFC000  }
0x320: {  	_ =	swait.ge [sflag:s25], $0x4000  }
0x321: {  	[sflag:s25] =	ssyncset.done $0x0  }
0x322: {  	s28 =	simm.s32 $0x700;
	[sflag:s25] =	ssyncadd.s32 $0xFFFFC000  }
0x323: {  	[tilespmem:s21], [sflag:$0x1] =	stream.indirect.gather [hbm4b:s5+s20], $0x80, s28, s20, $0xb8;
	[tilespmem:$0x1D000] =	vst v63  }
0x324: {  	s8 =	simm.s32 $0xE80  }
0x325: {  	[spmem:s3] =	stream.indirect.scatter.add.f32 [tilespmem:s23], [sflag:$0x4], $0x80, s8, s20, $0xb8;
	[tilespmem:$0x1D000] =	vst v63  }
0x326: {  	_ =	swait.ge [sflag:s22], $0x4000  }
0x327: {  	[sflag:s22] =	ssyncset.done $0x0  }
0x328: {  	[sflag:s22] =	ssyncadd.s32 $0xFFFFC000  }
0x329: {  	_ =	swait.ge [sflag:s29], $0x4000  }
0x32a: {  	[sflag:s29] =	ssyncset.done $0x0  }
0x32b: {  	s17 =	simm.s32 $0x780;
	[sflag:s29] =	ssyncadd.s32 $0xFFFFC000  }
0x32c: {  	[tilespmem:s23], [sflag:$0x2] =	stream.indirect.gather [hbm4b:s5+s20], $0x80, s17, s20, $0xb8;
	[tilespmem:$0x1D000] =	vst v63  }
0x32d: {  	s26 =	simm.s32 $0xF00  }
0x32e: {  	[spmem:s3] =	stream.indirect.scatter.add.f32 [tilespmem:s21], [sflag:$0x3], $0x80, s26, s20, $0xb8;
	[tilespmem:$0x1D000] =	vst v63  }
0x32f: {  	_ =	swait.ge [sflag:s24], $0x4000  }
0x330: {  	[sflag:s24] =	ssyncset.done $0x0  }
0x331: {  	[sflag:s24] =	ssyncadd.s32 $0xFFFFC000  }
0x332: {  	_ =	swait.ge [sflag:s25], $0x4000  }
0x333: {  	[sflag:s25] =	ssyncset.done $0x0  }
0x334: {  	s28 =	simm.s32 $0xF80;
	[sflag:s25] =	ssyncadd.s32 $0xFFFFC000  }
0x335: {  	[spmem:s3] =	stream.indirect.scatter.add.f32 [tilespmem:s23], [sflag:$0x4], $0x80, s28, s20, $0xb8;
	[tilespmem:$0x1D000] =	vst v63  }
0x336: {  	_ =	swait.ge [sflag:s29], $0x4000  }
0x337: {  	s8 =	simm.s32 $0x200;
	s17 =	simm.s32 $0x100;
	[sflag:s29] =	ssyncset.done $0x0  }
.LBB2_6:
0x338: {  	s26 =	sadd.s32 s17, s16  }
0x339: {  	[sflag:s29] =	ssyncadd.s32 $0xFFFFC000;
	s28 =	smov.u32 s8;
	s6 =	sadd.s32 $0x100, s8  }
0x33a: {  	[tilespmem:s4], [sflag:$0x5] =	stream.linear.gather [hbm4b:s26+s4], $0x800, $0x38;
	[tilespmem:$0x1D000] =	vst v63  }
0x33b: {  	s26 =	simm.s32 $0x100  }
0x33c: {  	p2 =	sne.s32 s8, $0x900;
	_ =	swait.ge [sflag:s18], $0x800  }
0x33d: {  	s8 =	sadd.s32 s17, s15;
	[sflag:s18] =	ssyncset.done $0x0  }
0x33e: {  	s17 =	smov.u32 s28;
	s28 =	simm.s32 $0x880;
	[sflag:s18] =	ssyncadd.s32 $0xFFFFF800  }
0x33f: {  	[tilespmem:s19], [sflag:$0x5] =	stream.linear.gather [hbm4b:s8+s4], $0x800, $0x38;
	[tilespmem:$0x1D000] =	vst v63  }
0x340: {  	_ =	swait.ge [sflag:s18], $0x800  }
0x341: {  	[sflag:s18] =	ssyncset.done $0x0  }
0x342: {  	[sflag:s18] =	ssyncadd.s32 $0xFFFFF800  }
0x343: {  	[tilespmem:s21], [sflag:$0x1] =	stream.indirect.gather [hbm4b:s5+s20], $0x80, s4, s20, $0xb8;
	[tilespmem:$0x1D000] =	vst v63  }
0x344: {  	_ =	swait.ge [sflag:s22], $0x4000  }
0x345: {  	[sflag:s22] =	ssyncset.done $0x0  }
0x346: {  	[sflag:s22] =	ssyncadd.s32 $0xFFFFC000  }
0x347: {  	[tilespmem:s23], [sflag:$0x2] =	stream.indirect.gather [hbm4b:s5+s20], $0x80, s20, s20, $0xb8;
	[tilespmem:$0x1D000] =	vst v63  }
0x348: {  	_ = 	snop  }
0x349: {  	[spmem:s3] =	stream.indirect.scatter.add.f32 [tilespmem:s21], [sflag:$0x3], $0x80, s19, s20, $0xb8;
	[tilespmem:$0x1D000] =	vst v63  }
0x34a: {  	_ =	swait.ge [sflag:s24], $0x4000  }
0x34b: {  	[sflag:s24] =	ssyncset.done $0x0  }
0x34c: {  	[sflag:s24] =	ssyncadd.s32 $0xFFFFC000  }
0x34d: {  	_ =	swait.ge [sflag:s25], $0x4000  }
0x34e: {  	[sflag:s25] =	ssyncset.done $0x0  }
0x34f: {  	[sflag:s25] =	ssyncadd.s32 $0xFFFFC000  }
0x350: {  	[tilespmem:s21], [sflag:$0x1] =	stream.indirect.gather [hbm4b:s5+s20], $0x80, s26, s20, $0xb8;
	[tilespmem:$0x1D000] =	vst v63  }
0x351: {  	_ = 	snop  }
0x352: {  	[spmem:s3] =	stream.indirect.scatter.add.f32 [tilespmem:s23], [sflag:$0x4], $0x80, s28, s20, $0xb8;
	[tilespmem:$0x1D000] =	vst v63  }
0x353: {  	_ =	swait.ge [sflag:s22], $0x4000  }
0x354: {  	[sflag:s22] =	ssyncset.done $0x0  }
0x355: {  	[sflag:s22] =	ssyncadd.s32 $0xFFFFC000  }
0x356: {  	_ =	swait.ge [sflag:s29], $0x4000  }
0x357: {  	[sflag:s29] =	ssyncset.done $0x0  }
0x358: {  	[sflag:s29] =	ssyncadd.s32 $0xFFFFC000  }
0x359: {  	[tilespmem:s23], [sflag:$0x2] =	stream.indirect.gather [hbm4b:s5+s20], $0x80, s30, s20, $0xb8;
	[tilespmem:$0x1D000] =	vst v63  }
0x35a: {  	_ = 	snop  }
0x35b: {  	[spmem:s3] =	stream.indirect.scatter.add.f32 [tilespmem:s21], [sflag:$0x3], $0x80, s31, s20, $0xb8;
	[tilespmem:$0x1D000] =	vst v63  }
0x35c: {  	_ =	swait.ge [sflag:s24], $0x4000  }
0x35d: {  	[sflag:s24] =	ssyncset.done $0x0  }
0x35e: {  	[sflag:s24] =	ssyncadd.s32 $0xFFFFC000  }
0x35f: {  	_ =	swait.ge [sflag:s25], $0x4000  }
0x360: {  	[sflag:s25] =	ssyncset.done $0x0  }
0x361: {  	[sflag:s25] =	ssyncadd.s32 $0xFFFFC000  }
0x362: {  	[tilespmem:s21], [sflag:$0x1] =	stream.indirect.gather [hbm4b:s5+s20], $0x80, s0, s20, $0xb8;
	[tilespmem:$0x1D000] =	vst v63  }
0x363: {  	_ = 	snop  }
0x364: {  	[spmem:s3] =	stream.indirect.scatter.add.f32 [tilespmem:s23], [sflag:$0x4], $0x80, s1, s20, $0xb8;
	[tilespmem:$0x1D000] =	vst v63  }
0x365: {  	_ =	swait.ge [sflag:s22], $0x4000  }
0x366: {  	[sflag:s22] =	ssyncset.done $0x0  }
0x367: {  	[sflag:s22] =	ssyncadd.s32 $0xFFFFC000  }
0x368: {  	_ =	swait.ge [sflag:s29], $0x4000  }
0x369: {  	[sflag:s29] =	ssyncset.done $0x0  }
0x36a: {  	[sflag:s29] =	ssyncadd.s32 $0xFFFFC000  }
0x36b: {  	[tilespmem:s23], [sflag:$0x2] =	stream.indirect.gather [hbm4b:s5+s20], $0x80, s9, s20, $0xb8;
	[tilespmem:$0x1D000] =	vst v63  }
0x36c: {  	_ = 	snop  }
0x36d: {  	[spmem:s3] =	stream.indirect.scatter.add.f32 [tilespmem:s21], [sflag:$0x3], $0x80, s11, s20, $0xb8;
	[tilespmem:$0x1D000] =	vst v63  }
0x36e: {  	_ =	swait.ge [sflag:s24], $0x4000  }
0x36f: {  	[sflag:s24] =	ssyncset.done $0x0  }
0x370: {  	[sflag:s24] =	ssyncadd.s32 $0xFFFFC000  }
0x371: {  	_ =	swait.ge [sflag:s25], $0x4000  }
0x372: {  	[sflag:s25] =	ssyncset.done $0x0  }
0x373: {  	[sflag:s25] =	ssyncadd.s32 $0xFFFFC000  }
0x374: {  	[tilespmem:s21], [sflag:$0x1] =	stream.indirect.gather [hbm4b:s5+s20], $0x80, s12, s20, $0xb8;
	[tilespmem:$0x1D000] =	vst v63  }
0x375: {  	_ = 	snop  }
0x376: {  	[spmem:s3] =	stream.indirect.scatter.add.f32 [tilespmem:s23], [sflag:$0x4], $0x80, s13, s20, $0xb8;
	[tilespmem:$0x1D000] =	vst v63  }
0x377: {  	_ =	swait.ge [sflag:s22], $0x4000  }
0x378: {  	[sflag:s22] =	ssyncset.done $0x0  }
0x379: {  	[sflag:s22] =	ssyncadd.s32 $0xFFFFC000  }
0x37a: {  	_ =	swait.ge [sflag:s29], $0x4000  }
0x37b: {  	[sflag:s29] =	ssyncset.done $0x0  }
0x37c: {  	[sflag:s29] =	ssyncadd.s32 $0xFFFFC000  }
0x37d: {  	[tilespmem:s23], [sflag:$0x2] =	stream.indirect.gather [hbm4b:s5+s20], $0x80, s7, s20, $0xb8;
	[tilespmem:$0x1D000] =	vst v63  }
0x37e: {  	_ = 	snop  }
0x37f: {  	[spmem:s3] =	stream.indirect.scatter.add.f32 [tilespmem:s21], [sflag:$0x3], $0x80, s10, s20, $0xb8;
	[tilespmem:$0x1D000] =	vst v63  }
0x380: {  	_ =	swait.ge [sflag:s24], $0x4000  }
0x381: {  	[sflag:s24] =	ssyncset.done $0x0  }
0x382: {  	[sflag:s24] =	ssyncadd.s32 $0xFFFFC000  }
0x383: {  	_ =	swait.ge [sflag:s25], $0x4000  }
0x384: {  	[sflag:s25] =	ssyncset.done $0x0  }
0x385: {  	[sflag:s25] =	ssyncadd.s32 $0xFFFFC000  }
0x386: {  	[tilespmem:s21], [sflag:$0x1] =	stream.indirect.gather [hbm4b:s5+s20], $0x80, s14, s20, $0xb8;
	[tilespmem:$0x1D000] =	vst v63  }
0x387: {  	s8 =	simm.s32 $0xB80  }
0x388: {  	[spmem:s3] =	stream.indirect.scatter.add.f32 [tilespmem:s23], [sflag:$0x4], $0x80, s8, s20, $0xb8;
	[tilespmem:$0x1D000] =	vst v63  }
0x389: {  	_ =	swait.ge [sflag:s22], $0x4000  }
0x38a: {  	[sflag:s22] =	ssyncset.done $0x0  }
0x38b: {  	[sflag:s22] =	ssyncadd.s32 $0xFFFFC000  }
0x38c: {  	_ =	swait.ge [sflag:s29], $0x4000  }
0x38d: {  	[sflag:s29] =	ssyncset.done $0x0  }
0x38e: {  	s8 =	simm.s32 $0x480;
	[sflag:s29] =	ssyncadd.s32 $0xFFFFC000  }
0x38f: {  	[tilespmem:s23], [sflag:$0x2] =	stream.indirect.gather [hbm4b:s5+s20], $0x80, s8, s20, $0xb8;
	[tilespmem:$0x1D000] =	vst v63  }
0x390: {  	s8 =	simm.s32 $0xC00  }
0x391: {  	[spmem:s3] =	stream.indirect.scatter.add.f32 [tilespmem:s21], [sflag:$0x3], $0x80, s8, s20, $0xb8;
	[tilespmem:$0x1D000] =	vst v63  }
0x392: {  	_ =	swait.ge [sflag:s24], $0x4000  }
0x393: {  	[sflag:s24] =	ssyncset.done $0x0  }
0x394: {  	[sflag:s24] =	ssyncadd.s32 $0xFFFFC000  }
0x395: {  	_ =	swait.ge [sflag:s25], $0x4000  }
0x396: {  	[sflag:s25] =	ssyncset.done $0x0  }
0x397: {  	s8 =	simm.s32 $0x500;
	[sflag:s25] =	ssyncadd.s32 $0xFFFFC000  }
0x398: {  	[tilespmem:s21], [sflag:$0x1] =	stream.indirect.gather [hbm4b:s5+s20], $0x80, s8, s20, $0xb8;
	[tilespmem:$0x1D000] =	vst v63  }
0x399: {  	s8 =	simm.s32 $0xC80  }
0x39a: {  	[spmem:s3] =	stream.indirect.scatter.add.f32 [tilespmem:s23], [sflag:$0x4], $0x80, s8, s20, $0xb8;
	[tilespmem:$0x1D000] =	vst v63  }
0x39b: {  	_ =	swait.ge [sflag:s22], $0x4000  }
0x39c: {  	[sflag:s22] =	ssyncset.done $0x0  }
0x39d: {  	[sflag:s22] =	ssyncadd.s32 $0xFFFFC000  }
0x39e: {  	_ =	swait.ge [sflag:s29], $0x4000  }
0x39f: {  	[sflag:s29] =	ssyncset.done $0x0  }
0x3a0: {  	s8 =	simm.s32 $0x580;
	[sflag:s29] =	ssyncadd.s32 $0xFFFFC000  }
0x3a1: {  	[tilespmem:s23], [sflag:$0x2] =	stream.indirect.gather [hbm4b:s5+s20], $0x80, s8, s20, $0xb8;
	[tilespmem:$0x1D000] =	vst v63  }
0x3a2: {  	s8 =	simm.s32 $0xD00  }
0x3a3: {  	[spmem:s3] =	stream.indirect.scatter.add.f32 [tilespmem:s21], [sflag:$0x3], $0x80, s8, s20, $0xb8;
	[tilespmem:$0x1D000] =	vst v63  }
0x3a4: {  	_ =	swait.ge [sflag:s24], $0x4000  }
0x3a5: {  	[sflag:s24] =	ssyncset.done $0x0  }
0x3a6: {  	[sflag:s24] =	ssyncadd.s32 $0xFFFFC000  }
0x3a7: {  	_ =	swait.ge [sflag:s25], $0x4000  }
0x3a8: {  	[sflag:s25] =	ssyncset.done $0x0  }
0x3a9: {  	s8 =	simm.s32 $0x600;
	[sflag:s25] =	ssyncadd.s32 $0xFFFFC000  }
0x3aa: {  	[tilespmem:s21], [sflag:$0x1] =	stream.indirect.gather [hbm4b:s5+s20], $0x80, s8, s20, $0xb8;
	[tilespmem:$0x1D000] =	vst v63  }
0x3ab: {  	s8 =	simm.s32 $0xD80  }
0x3ac: {  	[spmem:s3] =	stream.indirect.scatter.add.f32 [tilespmem:s23], [sflag:$0x4], $0x80, s8, s20, $0xb8;
	[tilespmem:$0x1D000] =	vst v63  }
0x3ad: {  	_ =	swait.ge [sflag:s22], $0x4000  }
0x3ae: {  	[sflag:s22] =	ssyncset.done $0x0  }
0x3af: {  	[sflag:s22] =	ssyncadd.s32 $0xFFFFC000  }
0x3b0: {  	_ =	swait.ge [sflag:s29], $0x4000  }
0x3b1: {  	[sflag:s29] =	ssyncset.done $0x0  }
0x3b2: {  	s8 =	simm.s32 $0x680;
	[sflag:s29] =	ssyncadd.s32 $0xFFFFC000  }
0x3b3: {  	[tilespmem:s23], [sflag:$0x2] =	stream.indirect.gather [hbm4b:s5+s20], $0x80, s8, s20, $0xb8;
	[tilespmem:$0x1D000] =	vst v63  }
0x3b4: {  	s8 =	simm.s32 $0xE00  }
0x3b5: {  	[spmem:s3] =	stream.indirect.scatter.add.f32 [tilespmem:s21], [sflag:$0x3], $0x80, s8, s20, $0xb8;
	[tilespmem:$0x1D000] =	vst v63  }
0x3b6: {  	_ =	swait.ge [sflag:s24], $0x4000  }
0x3b7: {  	[sflag:s24] =	ssyncset.done $0x0  }
0x3b8: {  	[sflag:s24] =	ssyncadd.s32 $0xFFFFC000  }
0x3b9: {  	_ =	swait.ge [sflag:s25], $0x4000  }
0x3ba: {  	[sflag:s25] =	ssyncset.done $0x0  }
0x3bb: {  	s8 =	simm.s32 $0x700;
	[sflag:s25] =	ssyncadd.s32 $0xFFFFC000  }
0x3bc: {  	[tilespmem:s21], [sflag:$0x1] =	stream.indirect.gather [hbm4b:s5+s20], $0x80, s8, s20, $0xb8;
	[tilespmem:$0x1D000] =	vst v63  }
0x3bd: {  	s8 =	simm.s32 $0xE80  }
0x3be: {  	[spmem:s3] =	stream.indirect.scatter.add.f32 [tilespmem:s23], [sflag:$0x4], $0x80, s8, s20, $0xb8;
	[tilespmem:$0x1D000] =	vst v63  }
0x3bf: {  	_ =	swait.ge [sflag:s22], $0x4000  }
0x3c0: {  	[sflag:s22] =	ssyncset.done $0x0  }
0x3c1: {  	[sflag:s22] =	ssyncadd.s32 $0xFFFFC000  }
0x3c2: {  	_ =	swait.ge [sflag:s29], $0x4000  }
0x3c3: {  	[sflag:s29] =	ssyncset.done $0x0  }
0x3c4: {  	s8 =	simm.s32 $0x780;
	[sflag:s29] =	ssyncadd.s32 $0xFFFFC000  }
0x3c5: {  	[tilespmem:s23], [sflag:$0x2] =	stream.indirect.gather [hbm4b:s5+s20], $0x80, s8, s20, $0xb8;
	[tilespmem:$0x1D000] =	vst v63  }
0x3c6: {  	s8 =	simm.s32 $0xF00  }
0x3c7: {  	[spmem:s3] =	stream.indirect.scatter.add.f32 [tilespmem:s21], [sflag:$0x3], $0x80, s8, s20, $0xb8;
	[tilespmem:$0x1D000] =	vst v63  }
0x3c8: {  	_ =	swait.ge [sflag:s24], $0x4000  }
0x3c9: {  	[sflag:s24] =	ssyncset.done $0x0  }
0x3ca: {  	[sflag:s24] =	ssyncadd.s32 $0xFFFFC000  }
0x3cb: {  	_ =	swait.ge [sflag:s25], $0x4000  }
.Ltmp5:
0x3cc: {  	[sflag:s25] =	ssyncset.done $0x0;
	(pc) =	sbr.rel @p2 .LBB2_6-.Ltmp5, $4  }
0x3cd: {  	s8 =	simm.s32 $0xF80;
	[sflag:s25] =	ssyncadd.s32 $0xFFFFC000  }
0x3ce: {  	[spmem:s3] =	stream.indirect.scatter.add.f32 [tilespmem:s23], [sflag:$0x4], $0x80, s8, s20, $0xb8;
	[tilespmem:$0x1D000] =	vst v63  }
0x3cf: {  	_ =	swait.ge [sflag:s29], $0x4000  }
0x3d0: {  	s8 =	smov.u32 s6;
	[sflag:s29] =	ssyncset.done $0x0  }
.Ltmp6:
0x3d1: {  	_ = 	snop;
	(pc) =	sbr.rel .LBB2_7-.Ltmp6, $1  }
0x3d2: {  	_ =	sdelay $0x3  }
.LBB2_9:
0x3d3: {  	_ =	sfence.sel $0x180000  }
0x3d4: {  	[bflag:$0x0] =	sbarrier.arrive $0xFFFF  }
0x3d5: {  	_ =	strace $0x90000047  }
0x3d6: {  	s0 =	stileid.u32;
	[bflag:$0x2] =	sbarrier.arrive $0xFFFF  }
0x3d7: {  	p0 =	sne.s32 s0, $0x0;
	s0 =	rddreg [dreg:$0x3]  }
0x3d8: {  	s0 =	sadd.s32 @!p0 $0x100000, s0  }
0x3d9: {  	[sflag:s0] =	ssyncadd.tile.s32 @!p0 $0x1;
	_ =	shalt  }
.Lfunc_end2:
_tile_overlayer_lowered:
.L_overlay_start_2:
0x3da: {  	(tag) =	ssettag $0x2  }
0x3db: {  	s0 =	rddreg [dreg:$0x0];
	s2 =	stileid.u32  }
0x3dc: {  	s1 =	rddreg [dreg:$0x1];
	p0 =	sne.s32 s2, $0x0  }
0x3dd: {  	s3 =	rddreg [dreg:$0x2];
	[bflag:$0x3] =	sbarrier.arrive $0xFFFF;
	s2 =	simm.s32 @!p0 $0x1C05  }
0x3de: {  	[timem:s3], [sflag:s2] =	dma.local @!p0 [hbm:s0], s1  }
0x3df: {  	s0 =	simm.s32 @!p0 $0x5  }
0x3e0: {  	_ =	swait.ge @!p0 [sflag:s0], s1  }
0x3e1: {  	s1 =	ssub.s32 @!p0 $0x0, s1;
	[sflag:s0] =	ssyncset.done @!p0 $0x0  }
0x3e2: {  	[sflag:s0] =	ssyncadd.s32 @!p0 s1  }
0x3e3: {  	[bflag:$0x3] =	sbarrier.arrive $0xFFFF  }
0x3e4: {  	_ =	shalt  }

</sc_bundles>
